<compile_context>
chip_gen: v7x
topology: tpu7x:2x2x1
jax: 0.10.2.dev20260603
libtpu: 0.0.44.dev20260713+nightly
codegen_flags: <defaults>
</compile_context>

<pallas_src>
import jax
import jax.numpy as jnp
from jax import lax
from jax.experimental import pallas as pl
from jax.experimental.pallas import tpu as pltpu
from jax.experimental.pallas import tpu_sc as plsc

N_NODES = 10000
N_EDGES = 320000
D_IN = 128
HEADS = 4
CH = 16
HID = HEADS * CH
N_CLASSES = 2

N_PAD = 10112
GW = 80
AW = 16
ACCW = 80

NC = 2
NS = 16
HALF = N_PAD // NC
ROWS_PER_TILE = HALF // NS
E_PER_SUB = N_EDGES // NS
CHUNK = 400
N_CHUNKS = E_PER_SUB // CHUNK

BLK = N_PAD // 16
N_BLKS = 16



def _tc_prep_kernel(x_ref, w_ref, p_ref, pd_ref, g_ref, ad_ref):
    h = jnp.dot(x_ref[...], w_ref[...], preferred_element_type=jnp.float32)
    g_ref[...] = jnp.dot(h, p_ref[...], preferred_element_type=jnp.float32)
    ad_ref[...] = jnp.dot(h, pd_ref[...], preferred_element_type=jnp.float32)


def _tc_prep(x_pad, w, p, pd, d_in):
    return pl.pallas_call(
        _tc_prep_kernel,
        grid=(N_BLKS,),
        in_specs=[
            pl.BlockSpec((BLK, d_in), lambda i: (i, 0)),
            pl.BlockSpec((d_in, HID), lambda i: (0, 0)),
            pl.BlockSpec((HID, GW), lambda i: (0, 0)),
            pl.BlockSpec((HID, AW), lambda i: (0, 0)),
        ],
        out_specs=[
            pl.BlockSpec((BLK, GW), lambda i: (i, 0)),
            pl.BlockSpec((BLK, AW), lambda i: (i, 0)),
        ],
        out_shape=[
            jax.ShapeDtypeStruct((N_PAD, GW), jnp.float32),
            jax.ShapeDtypeStruct((N_PAD, AW), jnp.float32),
        ],
    )(x_pad, w, p, pd)


def _tc_mid_kernel(acc_ref, e16_ref, b_ref, w_ref, p_ref, pd_ref,
                   g_ref, ad_ref):
    a = acc_ref[...]
    o = a[:, :HID]
    d = a[:, 76:80]
    r = 1.0 / (d + 1e-16)
    rex = jnp.dot(r, e16_ref[...], preferred_element_type=jnp.float32)
    h1 = jnp.maximum(o * rex + b_ref[...], 0.0)
    t = jnp.dot(h1, w_ref[...], preferred_element_type=jnp.float32)
    g_ref[...] = jnp.dot(t, p_ref[...], preferred_element_type=jnp.float32)
    ad_ref[...] = jnp.dot(t, pd_ref[...], preferred_element_type=jnp.float32)


def _tc_mid(acc, e16, b, w, p, pd):
    return pl.pallas_call(
        _tc_mid_kernel,
        grid=(N_BLKS,),
        in_specs=[
            pl.BlockSpec((BLK, ACCW), lambda i: (i, 0)),
            pl.BlockSpec((HEADS, HID), lambda i: (0, 0)),
            pl.BlockSpec((1, HID), lambda i: (0, 0)),
            pl.BlockSpec((HID, HID), lambda i: (0, 0)),
            pl.BlockSpec((HID, GW), lambda i: (0, 0)),
            pl.BlockSpec((HID, AW), lambda i: (0, 0)),
        ],
        out_specs=[
            pl.BlockSpec((BLK, GW), lambda i: (i, 0)),
            pl.BlockSpec((BLK, AW), lambda i: (i, 0)),
        ],
        out_shape=[
            jax.ShapeDtypeStruct((N_PAD, GW), jnp.float32),
            jax.ShapeDtypeStruct((N_PAD, AW), jnp.float32),
        ],
    )(acc, e16, b, w, p, pd)


def _tc_final_kernel(acc_ref, e16_ref, b_ref, wl_ref, bl_ref, out_ref):
    a = acc_ref[...]
    o = a[:, :HID]
    d = a[:, 76:80]
    r = 1.0 / (d + 1e-16)
    rex = jnp.dot(r, e16_ref[...], preferred_element_type=jnp.float32)
    z = o * rex + b_ref[...]
    h2 = jnp.maximum(z, 0.01 * z)
    out_ref[...] = (
        jnp.dot(h2, wl_ref[...], preferred_element_type=jnp.float32)
        + bl_ref[...]
    )


def _tc_final(acc, e16, b, wl_pad, bl_pad):
    return pl.pallas_call(
        _tc_final_kernel,
        grid=(N_BLKS,),
        in_specs=[
            pl.BlockSpec((BLK, ACCW), lambda i: (i, 0)),
            pl.BlockSpec((HEADS, HID), lambda i: (0, 0)),
            pl.BlockSpec((1, HID), lambda i: (0, 0)),
            pl.BlockSpec((HID, 128), lambda i: (0, 0)),
            pl.BlockSpec((1, 128), lambda i: (0, 0)),
        ],
        out_specs=pl.BlockSpec((BLK, 128), lambda i: (i, 0)),
        out_shape=jax.ShapeDtypeStruct((N_PAD, 128), jnp.float32),
    )(acc, e16, b, wl_pad, bl_pad)



def _sc_edge_body(g_hbm, ad_hbm, src_hbm, dst_hbm, acc_hbm,
                  g_v, ad_v, msg_v, si_v, di_v, sim_v, dil_v, mf_v, acc_sp,
                  sg, sa):
    cid = lax.axis_index("c")
    sid = lax.axis_index("s")

    zero16 = jnp.zeros((16,), jnp.float32)

    def zrow(rr, _):
        for k in range(ACCW // 16):
            msg_v[rr, pl.ds(k * 16, 16)] = zero16
            g_v[rr, pl.ds(k * 16, 16)] = zero16
        return 0
    lax.fori_loop(0, CHUNK, zrow, 0, unroll=4)

    pltpu.sync_copy(msg_v.at[pl.ds(0, ROWS_PER_TILE), :],
                    acc_sp.at[pl.ds(sid * ROWS_PER_TILE, ROWS_PER_TILE), :])
    plsc.subcore_barrier()

    wbase = sid * E_PER_SUB
    base = cid * HALF

    def chunk_body(ch, _):
        eb = wbase + ch * CHUNK
        pltpu.sync_copy(src_hbm.at[pl.ds(eb, CHUNK)], si_v)
        pltpu.sync_copy(dst_hbm.at[pl.ds(eb, CHUNK)], di_v)

        def mask_body(i, _):
            sl = pl.ds(i * 16, 16)
            di = di_v[sl]
            si = si_v[sl]
            loc = di - base
            ok = (loc >= 0) & (loc < HALF)
            neg1 = jnp.full((16,), -1, jnp.int32)
            dil_v[sl] = jnp.where(ok, loc, neg1)
            sim_v[sl] = jnp.where(ok, si, neg1)
            mf_v[sl] = jnp.where(ok, 1.0, 0.0)
            return 0
        lax.fori_loop(0, CHUNK // 16, mask_body, 0, unroll=5)

        cg = pltpu.async_copy(
            g_hbm.at[plsc.Indices(sim_v, ignored_value=-1)], g_v, sg)
        ca = pltpu.async_copy(ad_hbm.at[di_v], ad_v, sa)
        cg.wait()
        ca.wait()

        def group_body(i, _):
            m16 = mf_v[pl.ds(i * 16, 16)]
            for j in range(16):
                c = i * 16 + j
                a_s = g_v[c, pl.ds(HID, 16)]
                a_d = ad_v[c, :]
                s = a_s + a_d
                w = jnp.exp(jnp.maximum(s, 0.2 * s)) * m16[j]
                msg_v[c, pl.ds(64, 16)] = w
                for hd in range(HEADS):
                    seg = g_v[c, pl.ds(hd * 16, 16)]
                    msg_v[c, pl.ds(hd * 16, 16)] = seg * w[12 + hd]
            return 0
        lax.fori_loop(0, CHUNK // 16, group_body, 0)

        pltpu.sync_copy(msg_v,
                        acc_sp.at[plsc.Indices(dil_v, ignored_value=-1)],
                        add=True)
        return 0
    lax.fori_loop(0, N_CHUNKS, chunk_body, 0)

    plsc.subcore_barrier()

    rbase = sid * ROWS_PER_TILE
    pltpu.sync_copy(acc_sp.at[pl.ds(rbase, ROWS_PER_TILE), :],
                    msg_v.at[pl.ds(0, ROWS_PER_TILE), :])
    pltpu.sync_copy(msg_v.at[pl.ds(0, ROWS_PER_TILE), :],
                    acc_hbm.at[cid, pl.ds(rbase, ROWS_PER_TILE), :])


def _sc_edge(g, ad, src, dst):
    mesh = plsc.VectorSubcoreMesh(core_axis_name="c", subcore_axis_name="s")
    f = pl.kernel(
        _sc_edge_body,
        out_type=jax.ShapeDtypeStruct((NC, HALF, ACCW), jnp.float32),
        mesh=mesh,
        compiler_params=pltpu.CompilerParams(use_tc_tiling_on_sc=False),
        scratch_types=[
            pltpu.VMEM((CHUNK, GW), jnp.float32),
            pltpu.VMEM((CHUNK, AW), jnp.float32),
            pltpu.VMEM((CHUNK, ACCW), jnp.float32),
            pltpu.VMEM((CHUNK,), jnp.int32),
            pltpu.VMEM((CHUNK,), jnp.int32),
            pltpu.VMEM((CHUNK,), jnp.int32),
            pltpu.VMEM((CHUNK,), jnp.int32),
            pltpu.VMEM((CHUNK,), jnp.float32),
            pltpu.VMEM_SHARED((HALF, ACCW), jnp.float32),
            pltpu.SemaphoreType.DMA,
            pltpu.SemaphoreType.DMA,
        ],
    )
    return f(g, ad, src, dst).reshape(N_PAD, ACCW)



import numpy as np

_BD_MASK = np.zeros((HID, HEADS), np.float32)
_BD_MASK[np.arange(HID), np.arange(HID) // CH] = 1.0
_E16 = np.zeros((HEADS, HID), np.float32)
_E16[np.arange(HID) // CH, np.arange(HID)] = 1.0


def _blockdiag(att):
    return jnp.asarray(_BD_MASK) * att.reshape(HID)[:, None]


def kernel(x, edge_index, W1, att_src1, att_dst1, b1, W2, att_src2, att_dst2,
           b2, Wl, bl):
    x_pad = jnp.pad(x, ((0, N_PAD - N_NODES), (0, 0)))
    src = edge_index[0]
    dst = edge_index[1]

    eye = jnp.eye(HID, dtype=jnp.float32)
    zpad = jnp.zeros((HID, AW - HEADS), jnp.float32)
    p1 = jnp.concatenate([eye, zpad, _blockdiag(att_src1)], axis=1)
    pd1 = jnp.concatenate([zpad, _blockdiag(att_dst1)], axis=1)
    p2 = jnp.concatenate([eye, zpad, _blockdiag(att_src2)], axis=1)
    pd2 = jnp.concatenate([zpad, _blockdiag(att_dst2)], axis=1)
    e16 = jnp.asarray(_E16)

    wl_pad = jnp.pad(Wl, ((0, 0), (0, 128 - N_CLASSES)))
    bl_pad = jnp.pad(bl, (0, 128 - N_CLASSES)).reshape(1, 128)

    g1, ad1 = _tc_prep(x_pad, W1, p1, pd1, D_IN)
    acc1 = _sc_edge(g1, ad1, src, dst)
    g2, ad2 = _tc_mid(acc1, e16, b1.reshape(1, HID), W2, p2, pd2)
    acc2 = _sc_edge(g2, ad2, src, dst)
    logits = _tc_final(acc2, e16, b2.reshape(1, HID), wl_pad, bl_pad)
    return logits[:N_NODES, :N_CLASSES]

# --- scband reference (transcript-rebuilt; emitter-appended) ---
"""Pipeline reference for scband-gat-node-classification-54245436949039 (READ-ONLY COPY).

The authoritative reference and input builder live on the scoring server;
editing this copy changes nothing except your own understanding.
"""

import jax, jax.numpy as jnp
import numpy as np

N_NODES = 10000
N_EDGES = 320000
D_IN = 128
HEADS = 4
CH = 16
N_CLASSES = 2


def gat_conv(x, edge_index, W, att_src, att_dst, bias, heads, out_ch):
    N = x.shape[0]
    src = edge_index[0]
    dst = edge_index[1]
    h = (x @ W).reshape(N, heads, out_ch)
    alpha_src = (h * att_src[None, :, :]).sum(-1)  # [N, H]
    alpha_dst = (h * att_dst[None, :, :]).sum(-1)  # [N, H]
    e = alpha_src[src] + alpha_dst[dst]            # [E, H]
    e = jax.nn.leaky_relu(e, 0.2)
    e_max = jax.ops.segment_max(e, dst, num_segments=N)
    e_max = jnp.where(jnp.isfinite(e_max), e_max, 0.0)
    e = jnp.exp(e - e_max[dst])
    denom = jax.ops.segment_sum(e, dst, num_segments=N)
    alpha = e / (denom[dst] + 1e-16)               # [E, H]
    msg = h[src] * alpha[:, :, None]               # [E, H, C]
    out = jax.ops.segment_sum(msg, dst, num_segments=N)  # [N, H, C]
    return out.reshape(N, heads * out_ch) + bias


def setup_inputs(seed: int = 0) -> dict:
    key = jax.random.key(seed)
    ks = jax.random.split(key, 12)
    x = jax.random.normal(ks[0], (N_NODES, D_IN), dtype=jnp.float32)
    edge_index = jax.random.randint(ks[1], (2, N_EDGES), 0, N_NODES, dtype=jnp.int64 if jax.config.jax_enable_x64 else jnp.int32).astype(jnp.int32)
    s1 = 1.0 / np.sqrt(D_IN)
    W1 = jax.random.uniform(ks[2], (D_IN, HEADS * CH), dtype=jnp.float32, minval=-s1, maxval=s1)
    att_src1 = jax.random.uniform(ks[3], (HEADS, CH), dtype=jnp.float32, minval=-s1, maxval=s1)
    att_dst1 = jax.random.uniform(ks[4], (HEADS, CH), dtype=jnp.float32, minval=-s1, maxval=s1)
    b1 = jnp.zeros((HEADS * CH,), dtype=jnp.float32)
    d2 = HEADS * CH
    s2 = 1.0 / np.sqrt(d2)
    W2 = jax.random.uniform(ks[5], (d2, HEADS * CH), dtype=jnp.float32, minval=-s2, maxval=s2)
    att_src2 = jax.random.uniform(ks[6], (HEADS, CH), dtype=jnp.float32, minval=-s2, maxval=s2)
    att_dst2 = jax.random.uniform(ks[7], (HEADS, CH), dtype=jnp.float32, minval=-s2, maxval=s2)
    b2 = jnp.zeros((HEADS * CH,), dtype=jnp.float32)
    s3 = 1.0 / np.sqrt(HEADS * CH)
    Wl = jax.random.uniform(ks[8], (HEADS * CH, N_CLASSES), dtype=jnp.float32, minval=-s3, maxval=s3)
    bl = jax.random.uniform(ks[9], (N_CLASSES,), dtype=jnp.float32, minval=-s3, maxval=s3)
    return {"x": x, "edge_index": edge_index, "W1": W1, "att_src1": att_src1, "att_dst1": att_dst1, "b1": b1, "W2": W2, "att_src2": att_src2, "att_dst2": att_dst2, "b2": b2, "Wl": Wl, "bl": bl}


def reference(x, edge_index, W1, att_src1, att_dst1, b1, W2, att_src2, att_dst2, b2, Wl, bl):
    # conv1
    h = gat_conv(x, edge_index, W1, att_src1, att_dst1, b1, HEADS, CH)
    # dropout1 (p=0.0, eval) -> identity
    h = jax.nn.relu(h)
    # conv2
    h = gat_conv(h, edge_index, W2, att_src2, att_dst2, b2, HEADS, CH)
    # dropout2 (p=0.0, eval) -> identity
    h = jax.nn.leaky_relu(h, 0.01)  # self.leaky_relu2
    out = h @ Wl + bl
    return out

if __name__ == "__main__":
    import jax
    _d = setup_inputs()
    print(jax.jit(kernel)(*tuple(_d.values())))

</pallas_src>

<mosaic_0001>
#map = affine_map<(d0, d1) -> (0, 0)>
#map1 = affine_map<(d0, d1) -> (0)>
#map2 = affine_map<(d0, d1) -> (0, 0, 0)>
module attributes {stable_mosaic.version = 14 : i64} {
  func.func @_sc_edge_body(%arg0: i32, %arg1: i32, %arg2: memref<10112x80xf32, #tpu.memory_space<hbm>>, %arg3: memref<10112x16xf32, #tpu.memory_space<hbm>>, %arg4: memref<320000xi32, #tpu.memory_space<hbm>>, %arg5: memref<320000xi32, #tpu.memory_space<hbm>>, %arg6: memref<2x5056x80xf32, #tpu.memory_space<hbm>>, %arg7: memref<400x80xf32, #tpu.memory_space<vmem>>, %arg8: memref<400x16xf32, #tpu.memory_space<vmem>>, %arg9: memref<400x80xf32, #tpu.memory_space<vmem>>, %arg10: memref<400xi32, #tpu.memory_space<vmem>>, %arg11: memref<400xi32, #tpu.memory_space<vmem>>, %arg12: memref<400xi32, #tpu.memory_space<vmem>>, %arg13: memref<400xi32, #tpu.memory_space<vmem>>, %arg14: memref<400xf32, #tpu.memory_space<vmem>>, %arg15: memref<5056x80xf32, #tpu.memory_space<vmem_shared>>, %arg16: memref<!tpu.dma_semaphore, #tpu.memory_space<semaphore_mem>>, %arg17: memref<!tpu.dma_semaphore, #tpu.memory_space<semaphore_mem>>) attributes {dimension_semantics = [#tpu.dimension_semantics<core_parallel>, #tpu.dimension_semantics<subcore_parallel>], iteration_bounds = array<i64: 2, 16>, scalar_prefetch = 0 : i64, scratch_operands = 11 : i64, tpu.core_type = #tpu.core_type<sc_vector_subcore>, window_params = [{transform_indices = #map}, {transform_indices = #map}, {transform_indices = #map1}, {transform_indices = #map1}, {transform_indices = #map2}]} {
    %broadcast_in_dim3A = arith.constant 0.000000e+00 : f32
    %broadcast_in_dim3A_0 = vector.broadcast %broadcast_in_dim3A : f32 to vector<16xf32>
    %scan3A = arith.constant 0 : i32
    %scan3A_1 = arith.constant 0 : i32
    %scan3A_2 = arith.constant 400 : i32
    %scan3A_3 = arith.addi %scan3A_1, %scan3A_2 : i32
    %scan3A_4 = arith.constant 4 : i32
    %scan3A_5 = scf.for %scan3A_22 = %scan3A_1 to %scan3A_3 step %scan3A_4 iter_args(%scan3A_23 = %scan3A) -> (i32)  : i32 {
      %swap3A = arith.index_cast %scan3A_22 : i32 to index
      %swap3A_24 = arith.constant 0 : index
      %swap3A_25 = tpu.vector_load %arg9[%swap3A, %swap3A_24] {strides = array<i32>} : memref<400x80xf32, #tpu.memory_space<vmem>>, vector<1x16xf32>,
      %swap3A_26 = vector.shape_cast %swap3A_25 : vector<1x16xf32> to vector<16xf32>
      %swap3A_27 = vector.shape_cast %broadcast_in_dim3A_0 : vector<16xf32> to vector<1x16xf32>
      tpu.vector_store %arg9[%swap3A, %swap3A_24], %swap3A_27 {strides = array<i32>} : memref<400x80xf32, #tpu.memory_space<vmem>>, vector<1x16xf32>,
      %swap3A_28 = arith.index_cast %scan3A_22 : i32 to index
      %swap3A_29 = arith.constant 0 : index
      %swap3A_30 = tpu.vector_load %arg7[%swap3A_28, %swap3A_29] {strides = array<i32>} : memref<400x80xf32, #tpu.memory_space<vmem>>, vector<1x16xf32>,
      %swap3A_31 = vector.shape_cast %swap3A_30 : vector<1x16xf32> to vector<16xf32>
      %swap3A_32 = vector.shape_cast %broadcast_in_dim3A_0 : vector<16xf32> to vector<1x16xf32>
      tpu.vector_store %arg7[%swap3A_28, %swap3A_29], %swap3A_32 {strides = array<i32>} : memref<400x80xf32, #tpu.memory_space<vmem>>, vector<1x16xf32>,
      %swap3A_33 = arith.index_cast %scan3A_22 : i32 to index
      %swap3A_34 = arith.constant 16 : index
      %swap3A_35 = tpu.vector_load %arg9[%swap3A_33, %swap3A_34] {strides = array<i32>} : memref<400x80xf32, #tpu.memory_space<vmem>>, vector<1x16xf32>,
      %swap3A_36 = vector.shape_cast %swap3A_35 : vector<1x16xf32> to vector<16xf32>
      %swap3A_37 = vector.shape_cast %broadcast_in_dim3A_0 : vector<16xf32> to vector<1x16xf32>
      tpu.vector_store %arg9[%swap3A_33, %swap3A_34], %swap3A_37 {strides = array<i32>} : memref<400x80xf32, #tpu.memory_space<vmem>>, vector<1x16xf32>,
      %swap3A_38 = arith.index_cast %scan3A_22 : i32 to index
      %swap3A_39 = arith.constant 16 : index
      %swap3A_40 = tpu.vector_load %arg7[%swap3A_38, %swap3A_39] {strides = array<i32>} : memref<400x80xf32, #tpu.memory_space<vmem>>, vector<1x16xf32>,
      %swap3A_41 = vector.shape_cast %swap3A_40 : vector<1x16xf32> to vector<16xf32>
      %swap3A_42 = vector.shape_cast %broadcast_in_dim3A_0 : vector<16xf32> to vector<1x16xf32>
      tpu.vector_store %arg7[%swap3A_38, %swap3A_39], %swap3A_42 {strides = array<i32>} : memref<400x80xf32, #tpu.memory_space<vmem>>, vector<1x16xf32>,
      %swap3A_43 = arith.index_cast %scan3A_22 : i32 to index
      %swap3A_44 = arith.constant 32 : index
      %swap3A_45 = tpu.vector_load %arg9[%swap3A_43, %swap3A_44] {strides = array<i32>} : memref<400x80xf32, #tpu.memory_space<vmem>>, vector<1x16xf32>,
      %swap3A_46 = vector.shape_cast %swap3A_45 : vector<1x16xf32> to vector<16xf32>
      %swap3A_47 = vector.shape_cast %broadcast_in_dim3A_0 : vector<16xf32> to vector<1x16xf32>
      tpu.vector_store %arg9[%swap3A_43, %swap3A_44], %swap3A_47 {strides = array<i32>} : memref<400x80xf32, #tpu.memory_space<vmem>>, vector<1x16xf32>,
      %swap3A_48 = arith.index_cast %scan3A_22 : i32 to index
      %swap3A_49 = arith.constant 32 : index
      %swap3A_50 = tpu.vector_load %arg7[%swap3A_48, %swap3A_49] {strides = array<i32>} : memref<400x80xf32, #tpu.memory_space<vmem>>, vector<1x16xf32>,
      %swap3A_51 = vector.shape_cast %swap3A_50 : vector<1x16xf32> to vector<16xf32>
      %swap3A_52 = vector.shape_cast %broadcast_in_dim3A_0 : vector<16xf32> to vector<1x16xf32>
      tpu.vector_store %arg7[%swap3A_48, %swap3A_49], %swap3A_52 {strides = array<i32>} : memref<400x80xf32, #tpu.memory_space<vmem>>, vector<1x16xf32>,
      %swap3A_53 = arith.index_cast %scan3A_22 : i32 to index
      %swap3A_54 = arith.constant 48 : index
      %swap3A_55 = tpu.vector_load %arg9[%swap3A_53, %swap3A_54] {strides = array<i32>} : memref<400x80xf32, #tpu.memory_space<vmem>>, vector<1x16xf32>,
      %swap3A_56 = vector.shape_cast %swap3A_55 : vector<1x16xf32> to vector<16xf32>
      %swap3A_57 = vector.shape_cast %broadcast_in_dim3A_0 : vector<16xf32> to vector<1x16xf32>
      tpu.vector_store %arg9[%swap3A_53, %swap3A_54], %swap3A_57 {strides = array<i32>} : memref<400x80xf32, #tpu.memory_space<vmem>>, vector<1x16xf32>,
      %swap3A_58 = arith.index_cast %scan3A_22 : i32 to index
      %swap3A_59 = arith.constant 48 : index
      %swap3A_60 = tpu.vector_load %arg7[%swap3A_58, %swap3A_59] {strides = array<i32>} : memref<400x80xf32, #tpu.memory_space<vmem>>, vector<1x16xf32>,
      %swap3A_61 = vector.shape_cast %swap3A_60 : vector<1x16xf32> to vector<16xf32>
      %swap3A_62 = vector.shape_cast %broadcast_in_dim3A_0 : vector<16xf32> to vector<1x16xf32>
      tpu.vector_store %arg7[%swap3A_58, %swap3A_59], %swap3A_62 {strides = array<i32>} : memref<400x80xf32, #tpu.memory_space<vmem>>, vector<1x16xf32>,
      %swap3A_63 = arith.index_cast %scan3A_22 : i32 to index
      %swap3A_64 = arith.constant 64 : index
      %swap3A_65 = tpu.vector_load %arg9[%swap3A_63, %swap3A_64] {strides = array<i32>} : memref<400x80xf32, #tpu.memory_space<vmem>>, vector<1x16xf32>,
      %swap3A_66 = vector.shape_cast %swap3A_65 : vector<1x16xf32> to vector<16xf32>
      %swap3A_67 = vector.shape_cast %broadcast_in_dim3A_0 : vector<16xf32> to vector<1x16xf32>
      tpu.vector_store %arg9[%swap3A_63, %swap3A_64], %swap3A_67 {strides = array<i32>} : memref<400x80xf32, #tpu.memory_space<vmem>>, vector<1x16xf32>,
      %swap3A_68 = arith.index_cast %scan3A_22 : i32 to index
      %swap3A_69 = arith.constant 64 : index
      %swap3A_70 = tpu.vector_load %arg7[%swap3A_68, %swap3A_69] {strides = array<i32>} : memref<400x80xf32, #tpu.memory_space<vmem>>, vector<1x16xf32>,
      %swap3A_71 = vector.shape_cast %swap3A_70 : vector<1x16xf32> to vector<16xf32>
      %swap3A_72 = vector.shape_cast %broadcast_in_dim3A_0 : vector<16xf32> to vector<1x16xf32>
      tpu.vector_store %arg7[%swap3A_68, %swap3A_69], %swap3A_72 {strides = array<i32>} : memref<400x80xf32, #tpu.memory_space<vmem>>, vector<1x16xf32>,
      %scan3A_73 = arith.constant 0 : i32
      %scan3A_74 = arith.constant 1 : i32
      %scan3A_75 = arith.addi %scan3A_22, %scan3A_74 : i32
      %swap3A_76 = arith.index_cast %scan3A_75 : i32 to index
      %swap3A_77 = arith.constant 0 : index
      %swap3A_78 = tpu.vector_load %arg9[%swap3A_76, %swap3A_77] {strides = array<i32>} : memref<400x80xf32, #tpu.memory_space<vmem>>, vector<1x16xf32>,
      %swap3A_79 = vector.shape_cast %swap3A_78 : vector<1x16xf32> to vector<16xf32>
      %swap3A_80 = vector.shape_cast %broadcast_in_dim3A_0 : vector<16xf32> to vector<1x16xf32>
      tpu.vector_store %arg9[%swap3A_76, %swap3A_77], %swap3A_80 {strides = array<i32>} : memref<400x80xf32, #tpu.memory_space<vmem>>, vector<1x16xf32>,
      %swap3A_81 = arith.index_cast %scan3A_75 : i32 to index
      %swap3A_82 = arith.constant 0 : index
      %swap3A_83 = tpu.vector_load %arg7[%swap3A_81, %swap3A_82] {strides = array<i32>} : memref<400x80xf32, #tpu.memory_space<vmem>>, vector<1x16xf32>,
      %swap3A_84 = vector.shape_cast %swap3A_83 : vector<1x16xf32> to vector<16xf32>
      %swap3A_85 = vector.shape_cast %broadcast_in_dim3A_0 : vector<16xf32> to vector<1x16xf32>
      tpu.vector_store %arg7[%swap3A_81, %swap3A_82], %swap3A_85 {strides = array<i32>} : memref<400x80xf32, #tpu.memory_space<vmem>>, vector<1x16xf32>,
      %swap3A_86 = arith.index_cast %scan3A_75 : i32 to index
      %swap3A_87 = arith.constant 16 : index
      %swap3A_88 = tpu.vector_load %arg9[%swap3A_86, %swap3A_87] {strides = array<i32>} : memref<400x80xf32, #tpu.memory_space<vmem>>, vector<1x16xf32>,
      %swap3A_89 = vector.shape_cast %swap3A_88 : vector<1x16xf32> to vector<16xf32>
      %swap3A_90 = vector.shape_cast %broadcast_in_dim3A_0 : vector<16xf32> to vector<1x16xf32>
      tpu.vector_store %arg9[%swap3A_86, %swap3A_87], %swap3A_90 {strides = array<i32>} : memref<400x80xf32, #tpu.memory_space<vmem>>, vector<1x16xf32>,
      %swap3A_91 = arith.index_cast %scan3A_75 : i32 to index
      %swap3A_92 = arith.constant 16 : index
      %swap3A_93 = tpu.vector_load %arg7[%swap3A_91, %swap3A_92] {strides = array<i32>} : memref<400x80xf32, #tpu.memory_space<vmem>>, vector<1x16xf32>,
      %swap3A_94 = vector.shape_cast %swap3A_93 : vector<1x16xf32> to vector<16xf32>
      %swap3A_95 = vector.shape_cast %broadcast_in_dim3A_0 : vector<16xf32> to vector<1x16xf32>
      tpu.vector_store %arg7[%swap3A_91, %swap3A_92], %swap3A_95 {strides = array<i32>} : memref<400x80xf32, #tpu.memory_space<vmem>>, vector<1x16xf32>,
      %swap3A_96 = arith.index_cast %scan3A_75 : i32 to index
      %swap3A_97 = arith.constant 32 : index
      %swap3A_98 = tpu.vector_load %arg9[%swap3A_96, %swap3A_97] {strides = array<i32>} : memref<400x80xf32, #tpu.memory_space<vmem>>, vector<1x16xf32>,
      %swap3A_99 = vector.shape_cast %swap3A_98 : vector<1x16xf32> to vector<16xf32>
      %swap3A_100 = vector.shape_cast %broadcast_in_dim3A_0 : vector<16xf32> to vector<1x16xf32>
      tpu.vector_store %arg9[%swap3A_96, %swap3A_97], %swap3A_100 {strides = array<i32>} : memref<400x80xf32, #tpu.memory_space<vmem>>, vector<1x16xf32>,
      %swap3A_101 = arith.index_cast %scan3A_75 : i32 to index
      %swap3A_102 = arith.constant 32 : index
      %swap3A_103 = tpu.vector_load %arg7[%swap3A_101, %swap3A_102] {strides = array<i32>} : memref<400x80xf32, #tpu.memory_space<vmem>>, vector<1x16xf32>,
      %swap3A_104 = vector.shape_cast %swap3A_103 : vector<1x16xf32> to vector<16xf32>
      %swap3A_105 = vector.shape_cast %broadcast_in_dim3A_0 : vector<16xf32> to vector<1x16xf32>
      tpu.vector_store %arg7[%swap3A_101, %swap3A_102], %swap3A_105 {strides = array<i32>} : memref<400x80xf32, #tpu.memory_space<vmem>>, vector<1x16xf32>,
      %swap3A_106 = arith.index_cast %scan3A_75 : i32 to index
      %swap3A_107 = arith.constant 48 : index
      %swap3A_108 = tpu.vector_load %arg9[%swap3A_106, %swap3A_107] {strides = array<i32>} : memref<400x80xf32, #tpu.memory_space<vmem>>, vector<1x16xf32>,
      %swap3A_109 = vector.shape_cast %swap3A_108 : vector<1x16xf32> to vector<16xf32>
      %swap3A_110 = vector.shape_cast %broadcast_in_dim3A_0 : vector<16xf32> to vector<1x16xf32>
      tpu.vector_store %arg9[%swap3A_106, %swap3A_107], %swap3A_110 {strides = array<i32>} : memref<400x80xf32, #tpu.memory_space<vmem>>, vector<1x16xf32>,
      %swap3A_111 = arith.index_cast %scan3A_75 : i32 to index
      %swap3A_112 = arith.constant 48 : index
      %swap3A_113 = tpu.vector_load %arg7[%swap3A_111, %swap3A_112] {strides = array<i32>} : memref<400x80xf32, #tpu.memory_space<vmem>>, vector<1x16xf32>,
      %swap3A_114 = vector.shape_cast %swap3A_113 : vector<1x16xf32> to vector<16xf32>
      %swap3A_115 = vector.shape_cast %broadcast_in_dim3A_0 : vector<16xf32> to vector<1x16xf32>
      tpu.vector_store %arg7[%swap3A_111, %swap3A_112], %swap3A_115 {strides = array<i32>} : memref<400x80xf32, #tpu.memory_space<vmem>>, vector<1x16xf32>,
      %swap3A_116 = arith.index_cast %scan3A_75 : i32 to index
      %swap3A_117 = arith.constant 64 : index
      %swap3A_118 = tpu.vector_load %arg9[%swap3A_116, %swap3A_117] {strides = array<i32>} : memref<400x80xf32, #tpu.memory_space<vmem>>, vector<1x16xf32>,
      %swap3A_119 = vector.shape_cast %swap3A_118 : vector<1x16xf32> to vector<16xf32>
      %swap3A_120 = vector.shape_cast %broadcast_in_dim3A_0 : vector<16xf32> to vector<1x16xf32>
      tpu.vector_store %arg9[%swap3A_116, %swap3A_117], %swap3A_120 {strides = array<i32>} : memref<400x80xf32, #tpu.memory_space<vmem>>, vector<1x16xf32>,
      %swap3A_121 = arith.index_cast %scan3A_75 : i32 to index
      %swap3A_122 = arith.constant 64 : index
      %swap3A_123 = tpu.vector_load %arg7[%swap3A_121, %swap3A_122] {strides = array<i32>} : memref<400x80xf32, #tpu.memory_space<vmem>>, vector<1x16xf32>,
      %swap3A_124 = vector.shape_cast %swap3A_123 : vector<1x16xf32> to vector<16xf32>
      %swap3A_125 = vector.shape_cast %broadcast_in_dim3A_0 : vector<16xf32> to vector<1x16xf32>
      tpu.vector_store %arg7[%swap3A_121, %swap3A_122], %swap3A_125 {strides = array<i32>} : memref<400x80xf32, #tpu.memory_space<vmem>>, vector<1x16xf32>,
      %scan3A_126 = arith.constant 0 : i32
      %scan3A_127 = arith.constant 2 : i32
      %scan3A_128 = arith.addi %scan3A_22, %scan3A_127 : i32
      %swap3A_129 = arith.index_cast %scan3A_128 : i32 to index
      %swap3A_130 = arith.constant 0 : index
      %swap3A_131 = tpu.vector_load %arg9[%swap3A_129, %swap3A_130] {strides = array<i32>} : memref<400x80xf32, #tpu.memory_space<vmem>>, vector<1x16xf32>,
      %swap3A_132 = vector.shape_cast %swap3A_131 : vector<1x16xf32> to vector<16xf32>
      %swap3A_133 = vector.shape_cast %broadcast_in_dim3A_0 : vector<16xf32> to vector<1x16xf32>
      tpu.vector_store %arg9[%swap3A_129, %swap3A_130], %swap3A_133 {strides = array<i32>} : memref<400x80xf32, #tpu.memory_space<vmem>>, vector<1x16xf32>,
      %swap3A_134 = arith.index_cast %scan3A_128 : i32 to index
      %swap3A_135 = arith.constant 0 : index
      %swap3A_136 = tpu.vector_load %arg7[%swap3A_134, %swap3A_135] {strides = array<i32>} : memref<400x80xf32, #tpu.memory_space<vmem>>, vector<1x16xf32>,
      %swap3A_137 = vector.shape_cast %swap3A_136 : vector<1x16xf32> to vector<16xf32>
      %swap3A_138 = vector.shape_cast %broadcast_in_dim3A_0 : vector<16xf32> to vector<1x16xf32>
      tpu.vector_store %arg7[%swap3A_134, %swap3A_135], %swap3A_138 {strides = array<i32>} : memref<400x80xf32, #tpu.memory_space<vmem>>, vector<1x16xf32>,
      %swap3A_139 = arith.index_cast %scan3A_128 : i32 to index
      %swap3A_140 = arith.constant 16 : index
      %swap3A_141 = tpu.vector_load %arg9[%swap3A_139, %swap3A_140] {strides = array<i32>} : memref<400x80xf32, #tpu.memory_space<vmem>>, vector<1x16xf32>,
      %swap3A_142 = vector.shape_cast %swap3A_141 : vector<1x16xf32> to vector<16xf32>
      %swap3A_143 = vector.shape_cast %broadcast_in_dim3A_0 : vector<16xf32> to vector<1x16xf32>
      tpu.vector_store %arg9[%swap3A_139, %swap3A_140], %swap3A_143 {strides = array<i32>} : memref<400x80xf32, #tpu.memory_space<vmem>>, vector<1x16xf32>,
      %swap3A_144 = arith.index_cast %scan3A_128 : i32 to index
      %swap3A_145 = arith.constant 16 : index
      %swap3A_146 = tpu.vector_load %arg7[%swap3A_144, %swap3A_145] {strides = array<i32>} : memref<400x80xf32, #tpu.memory_space<vmem>>, vector<1x16xf32>,
      %swap3A_147 = vector.shape_cast %swap3A_146 : vector<1x16xf32> to vector<16xf32>
      %swap3A_148 = vector.shape_cast %broadcast_in_dim3A_0 : vector<16xf32> to vector<1x16xf32>
      tpu.vector_store %arg7[%swap3A_144, %swap3A_145], %swap3A_148 {strides = array<i32>} : memref<400x80xf32, #tpu.memory_space<vmem>>, vector<1x16xf32>,
      %swap3A_149 = arith.index_cast %scan3A_128 : i32 to index
      %swap3A_150 = arith.constant 32 : index
      %swap3A_151 = tpu.vector_load %arg9[%swap3A_149, %swap3A_150] {strides = array<i32>} : memref<400x80xf32, #tpu.memory_space<vmem>>, vector<1x16xf32>,
      %swap3A_152 = vector.shape_cast %swap3A_151 : vector<1x16xf32> to vector<16xf32>
      %swap3A_153 = vector.shape_cast %broadcast_in_dim3A_0 : vector<16xf32> to vector<1x16xf32>
      tpu.vector_store %arg9[%swap3A_149, %swap3A_150], %swap3A_153 {strides = array<i32>} : memref<400x80xf32, #tpu.memory_space<vmem>>, vector<1x16xf32>,
      %swap3A_154 = arith.index_cast %scan3A_128 : i32 to index
      %swap3A_155 = arith.constant 32 : index
      %swap3A_156 = tpu.vector_load %arg7[%swap3A_154, %swap3A_155] {strides = array<i32>} : memref<400x80xf32, #tpu.memory_space<vmem>>, vector<1x16xf32>,
      %swap3A_157 = vector.shape_cast %swap3A_156 : vector<1x16xf32> to vector<16xf32>
      %swap3A_158 = vector.shape_cast %broadcast_in_dim3A_0 : vector<16xf32> to vector<1x16xf32>
      tpu.vector_store %arg7[%swap3A_154, %swap3A_155], %swap3A_158 {strides = array<i32>} : memref<400x80xf32, #tpu.memory_space<vmem>>, vector<1x16xf32>,
      %swap3A_159 = arith.index_cast %scan3A_128 : i32 to index
      %swap3A_160 = arith.constant 48 : index
      %swap3A_161 = tpu.vector_load %arg9[%swap3A_159, %swap3A_160] {strides = array<i32>} : memref<400x80xf32, #tpu.memory_space<vmem>>, vector<1x16xf32>,
      %swap3A_162 = vector.shape_cast %swap3A_161 : vector<1x16xf32> to vector<16xf32>
      %swap3A_163 = vector.shape_cast %broadcast_in_dim3A_0 : vector<16xf32> to vector<1x16xf32>
      tpu.vector_store %arg9[%swap3A_159, %swap3A_160], %swap3A_163 {strides = array<i32>} : memref<400x80xf32, #tpu.memory_space<vmem>>, vector<1x16xf32>,
      %swap3A_164 = arith.index_cast %scan3A_128 : i32 to index
      %swap3A_165 = arith.constant 48 : index
      %swap3A_166 = tpu.vector_load %arg7[%swap3A_164, %swap3A_165] {strides = array<i32>} : memref<400x80xf32, #tpu.memory_space<vmem>>, vector<1x16xf32>,
      %swap3A_167 = vector.shape_cast %swap3A_166 : vector<1x16xf32> to vector<16xf32>
      %swap3A_168 = vector.shape_cast %broadcast_in_dim3A_0 : vector<16xf32> to vector<1x16xf32>
      tpu.vector_store %arg7[%swap3A_164, %swap3A_165], %swap3A_168 {strides = array<i32>} : memref<400x80xf32, #tpu.memory_space<vmem>>, vector<1x16xf32>,
      %swap3A_169 = arith.index_cast %scan3A_128 : i32 to index
      %swap3A_170 = arith.constant 64 : index
      %swap3A_171 = tpu.vector_load %arg9[%swap3A_169, %swap3A_170] {strides = array<i32>} : memref<400x80xf32, #tpu.memory_space<vmem>>, vector<1x16xf32>,
      %swap3A_172 = vector.shape_cast %swap3A_171 : vector<1x16xf32> to vector<16xf32>
      %swap3A_173 = vector.shape_cast %broadcast_in_dim3A_0 : vector<16xf32> to vector<1x16xf32>
      tpu.vector_store %arg9[%swap3A_169, %swap3A_170], %swap3A_173 {strides = array<i32>} : memref<400x80xf32, #tpu.memory_space<vmem>>, vector<1x16xf32>,
      %swap3A_174 = arith.index_cast %scan3A_128 : i32 to index
      %swap3A_175 = arith.constant 64 : index
      %swap3A_176 = tpu.vector_load %arg7[%swap3A_174, %swap3A_175] {strides = array<i32>} : memref<400x80xf32, #tpu.memory_space<vmem>>, vector<1x16xf32>,
      %swap3A_177 = vector.shape_cast %swap3A_176 : vector<1x16xf32> to vector<16xf32>
      %swap3A_178 = vector.shape_cast %broadcast_in_dim3A_0 : vector<16xf32> to vector<1x16xf32>
      tpu.vector_store %arg7[%swap3A_174, %swap3A_175], %swap3A_178 {strides = array<i32>} : memref<400x80xf32, #tpu.memory_space<vmem>>, vector<1x16xf32>,
      %scan3A_179 = arith.constant 0 : i32
      %scan3A_180 = arith.constant 3 : i32
      %scan3A_181 = arith.addi %scan3A_22, %scan3A_180 : i32
      %swap3A_182 = arith.index_cast %scan3A_181 : i32 to index
      %swap3A_183 = arith.constant 0 : index
      %swap3A_184 = tpu.vector_load %arg9[%swap3A_182, %swap3A_183] {strides = array<i32>} : memref<400x80xf32, #tpu.memory_space<vmem>>, vector<1x16xf32>,
      %swap3A_185 = vector.shape_cast %swap3A_184 : vector<1x16xf32> to vector<16xf32>
      %swap3A_186 = vector.shape_cast %broadcast_in_dim3A_0 : vector<16xf32> to vector<1x16xf32>
      tpu.vector_store %arg9[%swap3A_182, %swap3A_183], %swap3A_186 {strides = array<i32>} : memref<400x80xf32, #tpu.memory_space<vmem>>, vector<1x16xf32>,
      %swap3A_187 = arith.index_cast %scan3A_181 : i32 to index
      %swap3A_188 = arith.constant 0 : index
      %swap3A_189 = tpu.vector_load %arg7[%swap3A_187, %swap3A_188] {strides = array<i32>} : memref<400x80xf32, #tpu.memory_space<vmem>>, vector<1x16xf32>,
      %swap3A_190 = vector.shape_cast %swap3A_189 : vector<1x16xf32> to vector<16xf32>
      %swap3A_191 = vector.shape_cast %broadcast_in_dim3A_0 : vector<16xf32> to vector<1x16xf32>
      tpu.vector_store %arg7[%swap3A_187, %swap3A_188], %swap3A_191 {strides = array<i32>} : memref<400x80xf32, #tpu.memory_space<vmem>>, vector<1x16xf32>,
      %swap3A_192 = arith.index_cast %scan3A_181 : i32 to index
      %swap3A_193 = arith.constant 16 : index
      %swap3A_194 = tpu.vector_load %arg9[%swap3A_192, %swap3A_193] {strides = array<i32>} : memref<400x80xf32, #tpu.memory_space<vmem>>, vector<1x16xf32>,
      %swap3A_195 = vector.shape_cast %swap3A_194 : vector<1x16xf32> to vector<16xf32>
      %swap3A_196 = vector.shape_cast %broadcast_in_dim3A_0 : vector<16xf32> to vector<1x16xf32>
      tpu.vector_store %arg9[%swap3A_192, %swap3A_193], %swap3A_196 {strides = array<i32>} : memref<400x80xf32, #tpu.memory_space<vmem>>, vector<1x16xf32>,
      %swap3A_197 = arith.index_cast %scan3A_181 : i32 to index
      %swap3A_198 = arith.constant 16 : index
      %swap3A_199 = tpu.vector_load %arg7[%swap3A_197, %swap3A_198] {strides = array<i32>} : memref<400x80xf32, #tpu.memory_space<vmem>>, vector<1x16xf32>,
      %swap3A_200 = vector.shape_cast %swap3A_199 : vector<1x16xf32> to vector<16xf32>
      %swap3A_201 = vector.shape_cast %broadcast_in_dim3A_0 : vector<16xf32> to vector<1x16xf32>
      tpu.vector_store %arg7[%swap3A_197, %swap3A_198], %swap3A_201 {strides = array<i32>} : memref<400x80xf32, #tpu.memory_space<vmem>>, vector<1x16xf32>,
      %swap3A_202 = arith.index_cast %scan3A_181 : i32 to index
      %swap3A_203 = arith.constant 32 : index
      %swap3A_204 = tpu.vector_load %arg9[%swap3A_202, %swap3A_203] {strides = array<i32>} : memref<400x80xf32, #tpu.memory_space<vmem>>, vector<1x16xf32>,
      %swap3A_205 = vector.shape_cast %swap3A_204 : vector<1x16xf32> to vector<16xf32>
      %swap3A_206 = vector.shape_cast %broadcast_in_dim3A_0 : vector<16xf32> to vector<1x16xf32>
      tpu.vector_store %arg9[%swap3A_202, %swap3A_203], %swap3A_206 {strides = array<i32>} : memref<400x80xf32, #tpu.memory_space<vmem>>, vector<1x16xf32>,
      %swap3A_207 = arith.index_cast %scan3A_181 : i32 to index
      %swap3A_208 = arith.constant 32 : index
      %swap3A_209 = tpu.vector_load %arg7[%swap3A_207, %swap3A_208] {strides = array<i32>} : memref<400x80xf32, #tpu.memory_space<vmem>>, vector<1x16xf32>,
      %swap3A_210 = vector.shape_cast %swap3A_209 : vector<1x16xf32> to vector<16xf32>
      %swap3A_211 = vector.shape_cast %broadcast_in_dim3A_0 : vector<16xf32> to vector<1x16xf32>
      tpu.vector_store %arg7[%swap3A_207, %swap3A_208], %swap3A_211 {strides = array<i32>} : memref<400x80xf32, #tpu.memory_space<vmem>>, vector<1x16xf32>,
      %swap3A_212 = arith.index_cast %scan3A_181 : i32 to index
      %swap3A_213 = arith.constant 48 : index
      %swap3A_214 = tpu.vector_load %arg9[%swap3A_212, %swap3A_213] {strides = array<i32>} : memref<400x80xf32, #tpu.memory_space<vmem>>, vector<1x16xf32>,
      %swap3A_215 = vector.shape_cast %swap3A_214 : vector<1x16xf32> to vector<16xf32>
      %swap3A_216 = vector.shape_cast %broadcast_in_dim3A_0 : vector<16xf32> to vector<1x16xf32>
      tpu.vector_store %arg9[%swap3A_212, %swap3A_213], %swap3A_216 {strides = array<i32>} : memref<400x80xf32, #tpu.memory_space<vmem>>, vector<1x16xf32>,
      %swap3A_217 = arith.index_cast %scan3A_181 : i32 to index
      %swap3A_218 = arith.constant 48 : index
      %swap3A_219 = tpu.vector_load %arg7[%swap3A_217, %swap3A_218] {strides = array<i32>} : memref<400x80xf32, #tpu.memory_space<vmem>>, vector<1x16xf32>,
      %swap3A_220 = vector.shape_cast %swap3A_219 : vector<1x16xf32> to vector<16xf32>
      %swap3A_221 = vector.shape_cast %broadcast_in_dim3A_0 : vector<16xf32> to vector<1x16xf32>
      tpu.vector_store %arg7[%swap3A_217, %swap3A_218], %swap3A_221 {strides = array<i32>} : memref<400x80xf32, #tpu.memory_space<vmem>>, vector<1x16xf32>,
      %swap3A_222 = arith.index_cast %scan3A_181 : i32 to index
      %swap3A_223 = arith.constant 64 : index
      %swap3A_224 = tpu.vector_load %arg9[%swap3A_222, %swap3A_223] {strides = array<i32>} : memref<400x80xf32, #tpu.memory_space<vmem>>, vector<1x16xf32>,
      %swap3A_225 = vector.shape_cast %swap3A_224 : vector<1x16xf32> to vector<16xf32>
      %swap3A_226 = vector.shape_cast %broadcast_in_dim3A_0 : vector<16xf32> to vector<1x16xf32>
      tpu.vector_store %arg9[%swap3A_222, %swap3A_223], %swap3A_226 {strides = array<i32>} : memref<400x80xf32, #tpu.memory_space<vmem>>, vector<1x16xf32>,
      %swap3A_227 = arith.index_cast %scan3A_181 : i32 to index
      %swap3A_228 = arith.constant 64 : index
      %swap3A_229 = tpu.vector_load %arg7[%swap3A_227, %swap3A_228] {strides = array<i32>} : memref<400x80xf32, #tpu.memory_space<vmem>>, vector<1x16xf32>,
      %swap3A_230 = vector.shape_cast %swap3A_229 : vector<1x16xf32> to vector<16xf32>
      %swap3A_231 = vector.shape_cast %broadcast_in_dim3A_0 : vector<16xf32> to vector<1x16xf32>
      tpu.vector_store %arg7[%swap3A_227, %swap3A_228], %swap3A_231 {strides = array<i32>} : memref<400x80xf32, #tpu.memory_space<vmem>>, vector<1x16xf32>,
      %scan3A_232 = arith.constant 0 : i32
      scf.yield %scan3A_232 : i32
    }
    %scan3A_6 = arith.constant 400 : i32
    %mul3A = arith.constant 316 : i32
    %mul3A_7 = arith.muli %arg1, %mul3A : i32
    "tpu.region"() ({
      %run_scoped3A = tpu.sem_alloc : memref<!tpu.dma_semaphore, #tpu.memory_space<semaphore_mem>>
      %dma_start3A = arith.constant 0 : i32
      %dma_start3A_22 = arith.constant 0 : i32
      %dma_start3A_23 = tpu.memref_slice %arg9[%dma_start3A, %dma_start3A_22] : memref<400x80xf32, #tpu.memory_space<vmem>> -> memref<316x80xf32, #tpu.memory_space<vmem>>
      %dma_start3A_24 = arith.constant 0 : i32
      %dma_start3A_25 = tpu.memref_slice %arg15[%mul3A_7, %dma_start3A_24] : memref<5056x80xf32, #tpu.memory_space<vmem_shared>> -> memref<316x80xf32, #tpu.memory_space<vmem_shared>>
      %dma_start3A_26 = arith.constant 0 : i32
      %dma_start3A_27 = tpu.memref_slice %arg15[%mul3A_7, %dma_start3A_26] : memref<5056x80xf32, #tpu.memory_space<vmem_shared>> -> memref<316x80xf32, #tpu.memory_space<vmem_shared>>
      %dma_start3A_28 = arith.constant 0 : i32
      %dma_start3A_29 = arith.constant 0 : i32
      %dma_start3A_30 = tpu.memref_slice %arg9[%dma_start3A_28, %dma_start3A_29] : memref<400x80xf32, #tpu.memory_space<vmem>> -> memref<316x80xf32, #tpu.memory_space<vmem>>
      tpu.enqueue_dma source(%dma_start3A_30 : memref<316x80xf32, #tpu.memory_space<vmem>>) target(%dma_start3A_27 : memref<316x80xf32, #tpu.memory_space<vmem_shared>>) target_semaphore(%run_scoped3A : memref<!tpu.dma_semaphore, #tpu.memory_space<semaphore_mem>>)
      %dma_wait3A = arith.constant 0 : i32
      %dma_wait3A_31 = arith.constant 0 : i32
      %dma_wait3A_32 = tpu.memref_slice %arg9[%dma_wait3A, %dma_wait3A_31] : memref<400x80xf32, #tpu.memory_space<vmem>> -> memref<316x80xf32, #tpu.memory_space<vmem>>
      %dma_wait3A_33 = arith.constant 0 : i32
      %dma_wait3A_34 = tpu.memref_slice %arg15[%mul3A_7, %dma_wait3A_33] : memref<5056x80xf32, #tpu.memory_space<vmem_shared>> -> memref<316x80xf32, #tpu.memory_space<vmem_shared>>
      %dma_wait3A_35 = arith.constant 0 : i32
      %dma_wait3A_36 = tpu.memref_slice %arg15[%mul3A_7, %dma_wait3A_35] : memref<5056x80xf32, #tpu.memory_space<vmem_shared>> -> memref<316x80xf32, #tpu.memory_space<vmem_shared>>
      %dma_wait3A_37 = arith.constant 0 : i32
      %dma_wait3A_38 = arith.constant 0 : i32
      %dma_wait3A_39 = tpu.memref_slice %arg9[%dma_wait3A_37, %dma_wait3A_38] : memref<400x80xf32, #tpu.memory_space<vmem>> -> memref<316x80xf32, #tpu.memory_space<vmem>>
      tpu.wait_dma2 semaphore(%run_scoped3A : memref<!tpu.dma_semaphore, #tpu.memory_space<semaphore_mem>>) src(%dma_wait3A_39 : memref<316x80xf32, #tpu.memory_space<vmem>>) dst(%dma_wait3A_36 : memref<316x80xf32, #tpu.memory_space<vmem_shared>>)
      tpu.yield
    }) : () -> ()
    %barrier3A = arith.constant 0 : index
    tpu.barrier barrier_id(%barrier3A)
    %mul3A_8 = arith.constant 20000 : i32
    %mul3A_9 = arith.muli %arg1, %mul3A_8 : i32
    %mul3A_10 = arith.constant 5056 : i32
    %mul3A_11 = arith.muli %arg0, %mul3A_10 : i32
    %scan3A_12 = arith.constant 0 : i32
    %scan3A_13 = arith.constant 0 : i32
    %scan3A_14 = arith.constant 50 : i32
    %scan3A_15 = arith.addi %scan3A_13, %scan3A_14 : i32
    %scan3A_16 = arith.constant 1 : i32
    %scan3A_17 = scf.for %scan3A_22 = %scan3A_13 to %scan3A_15 step %scan3A_16 iter_args(%scan3A_23 = %scan3A_12) -> (i32)  : i32 {
      %mul3A_24 = arith.constant 400 : i32
      %mul3A_25 = arith.muli %scan3A_22, %mul3A_24 : i32
      %add3A = arith.addi %mul3A_9, %mul3A_25 : i32
      "tpu.region"() ({
        %run_scoped3A = tpu.sem_alloc : memref<!tpu.dma_semaphore, #tpu.memory_space<semaphore_mem>>
        %dma_start3A_52 = tpu.memref_slice %arg4[%add3A] : memref<320000xi32, #tpu.memory_space<hbm>> -> memref<400xi32, #tpu.memory_space<hbm>>
        %dma_start3A_53 = tpu.memref_slice %arg4[%add3A] : memref<320000xi32, #tpu.memory_space<hbm>> -> memref<400xi32, #tpu.memory_space<hbm>>
        tpu.enqueue_dma source(%dma_start3A_53 : memref<400xi32, #tpu.memory_space<hbm>>) target(%arg10 : memref<400xi32, #tpu.memory_space<vmem>>) target_semaphore(%run_scoped3A : memref<!tpu.dma_semaphore, #tpu.memory_space<semaphore_mem>>)
        %dma_wait3A_54 = tpu.memref_slice %arg4[%add3A] : memref<320000xi32, #tpu.memory_space<hbm>> -> memref<400xi32, #tpu.memory_space<hbm>>
        %dma_wait3A_55 = tpu.memref_slice %arg4[%add3A] : memref<320000xi32, #tpu.memory_space<hbm>> -> memref<400xi32, #tpu.memory_space<hbm>>
        tpu.wait_dma2 semaphore(%run_scoped3A : memref<!tpu.dma_semaphore, #tpu.memory_space<semaphore_mem>>) src(%dma_wait3A_55 : memref<400xi32, #tpu.memory_space<hbm>>) dst(%arg10 : memref<400xi32, #tpu.memory_space<vmem>>)
        tpu.yield
      }) : () -> ()
      "tpu.region"() ({
        %run_scoped3A = tpu.sem_alloc : memref<!tpu.dma_semaphore, #tpu.memory_space<semaphore_mem>>
        %dma_start3A_52 = tpu.memref_slice %arg5[%add3A] : memref<320000xi32, #tpu.memory_space<hbm>> -> memref<400xi32, #tpu.memory_space<hbm>>
        %dma_start3A_53 = tpu.memref_slice %arg5[%add3A] : memref<320000xi32, #tpu.memory_space<hbm>> -> memref<400xi32, #tpu.memory_space<hbm>>
        tpu.enqueue_dma source(%dma_start3A_53 : memref<400xi32, #tpu.memory_space<hbm>>) target(%arg11 : memref<400xi32, #tpu.memory_space<vmem>>) target_semaphore(%run_scoped3A : memref<!tpu.dma_semaphore, #tpu.memory_space<semaphore_mem>>)
        %dma_wait3A_54 = tpu.memref_slice %arg5[%add3A] : memref<320000xi32, #tpu.memory_space<hbm>> -> memref<400xi32, #tpu.memory_space<hbm>>
        %dma_wait3A_55 = tpu.memref_slice %arg5[%add3A] : memref<320000xi32, #tpu.memory_space<hbm>> -> memref<400xi32, #tpu.memory_space<hbm>>
        tpu.wait_dma2 semaphore(%run_scoped3A : memref<!tpu.dma_semaphore, #tpu.memory_space<semaphore_mem>>) src(%dma_wait3A_55 : memref<400xi32, #tpu.memory_space<hbm>>) dst(%arg11 : memref<400xi32, #tpu.memory_space<vmem>>)
        tpu.yield
      }) : () -> ()
      %scan3A_26 = arith.constant 0 : i32
      %scan3A_27 = arith.constant 0 : i32
      %scan3A_28 = arith.constant 25 : i32
      %scan3A_29 = arith.addi %scan3A_27, %scan3A_28 : i32
      %scan3A_30 = arith.constant 5 : i32
      %scan3A_31 = scf.for %scan3A_52 = %scan3A_27 to %scan3A_29 step %scan3A_30 iter_args(%scan3A_53 = %scan3A_26) -> (i32)  : i32 {
        %mul3A_54 = arith.constant 16 : i32
        %mul3A_55 = arith.muli %scan3A_52, %mul3A_54 : i32
        %get3A = arith.index_cast %mul3A_55 : i32 to index
        %get3A_56 = tpu.vector_load %arg11[%get3A] {strides = array<i32>} : memref<400xi32, #tpu.memory_space<vmem>>, vector<16xi32>,
        %get3A_57 = vector.shape_cast %get3A_56 : vector<16xi32> to vector<16xi32>
        %get3A_58 = arith.index_cast %mul3A_55 : i32 to index
        %get3A_59 = tpu.vector_load %arg10[%get3A_58] {strides = array<i32>} : memref<400xi32, #tpu.memory_space<vmem>>, vector<16xi32>,
        %get3A_60 = vector.shape_cast %get3A_59 : vector<16xi32> to vector<16xi32>
        %sub3A = vector.broadcast %mul3A_11 : i32 to vector<16xi32>
        %sub3A_61 = arith.subi %get3A_57, %sub3A : vector<16xi32>
        %ge3A = arith.constant 0 : i32
        %ge3A_62 = vector.broadcast %ge3A : i32 to vector<16xi32>
        %ge3A_63 = arith.cmpi sge, %sub3A_61, %ge3A_62 : vector<16xi32>
        %lt3A = arith.constant 5056 : i32
        %lt3A_64 = vector.broadcast %lt3A : i32 to vector<16xi32>
        %lt3A_65 = arith.cmpi slt, %sub3A_61, %lt3A_64 : vector<16xi32>
        %and3A = arith.andi %ge3A_63, %lt3A_65 : vector<16xi1>
        %broadcast_in_dim3A_66 = arith.constant -1 : i32
        %broadcast_in_dim3A_67 = vector.broadcast %broadcast_in_dim3A_66 : i32 to vector<16xi32>
        %select_n3A = arith.select %and3A, %sub3A_61, %broadcast_in_dim3A_67 : vector<16xi1>, vector<16xi32>
        %swap3A = arith.index_cast %mul3A_55 : i32 to index
        %swap3A_68 = tpu.vector_load %arg13[%swap3A] {strides = array<i32>} : memref<400xi32, #tpu.memory_space<vmem>>, vector<16xi32>,
        %swap3A_69 = vector.shape_cast %swap3A_68 : vector<16xi32> to vector<16xi32>
        %swap3A_70 = vector.shape_cast %select_n3A : vector<16xi32> to vector<16xi32>
        tpu.vector_store %arg13[%swap3A], %swap3A_70 {strides = array<i32>} : memref<400xi32, #tpu.memory_space<vmem>>, vector<16xi32>,
        %select_n3A_71 = arith.select %and3A, %get3A_60, %broadcast_in_dim3A_67 : vector<16xi1>, vector<16xi32>
        %swap3A_72 = arith.index_cast %mul3A_55 : i32 to index
        %swap3A_73 = tpu.vector_load %arg12[%swap3A_72] {strides = array<i32>} : memref<400xi32, #tpu.memory_space<vmem>>, vector<16xi32>,
        %swap3A_74 = vector.shape_cast %swap3A_73 : vector<16xi32> to vector<16xi32>
        %swap3A_75 = vector.shape_cast %select_n3A_71 : vector<16xi32> to vector<16xi32>
        tpu.vector_store %arg12[%swap3A_72], %swap3A_75 {strides = array<i32>} : memref<400xi32, #tpu.memory_space<vmem>>, vector<16xi32>,
        %jit3A = arith.constant 1.000000e+00 : f32
        %jit3A_76 = arith.constant 0.000000e+00 : f32
        %broadcast_in_dim3A_77 = vector.broadcast %jit3A : f32 to vector<16xf32>
        %broadcast_in_dim3A_78 = vector.broadcast %jit3A_76 : f32 to vector<16xf32>
        %select_n3A_79 = arith.select %and3A, %broadcast_in_dim3A_77, %broadcast_in_dim3A_78 : vector<16xi1>, vector<16xf32>
        %swap3A_80 = arith.index_cast %mul3A_55 : i32 to index
        %swap3A_81 = tpu.vector_load %arg14[%swap3A_80] {strides = array<i32>} : memref<400xf32, #tpu.memory_space<vmem>>, vector<16xf32>,
        %swap3A_82 = vector.shape_cast %swap3A_81 : vector<16xf32> to vector<16xf32>
        %swap3A_83 = vector.shape_cast %select_n3A_79 : vector<16xf32> to vector<16xf32>
        tpu.vector_store %arg14[%swap3A_80], %swap3A_83 {strides = array<i32>} : memref<400xf32, #tpu.memory_space<vmem>>, vector<16xf32>,
        %scan3A_84 = arith.constant 0 : i32
        %scan3A_85 = arith.constant 1 : i32
        %scan3A_86 = arith.addi %scan3A_52, %scan3A_85 : i32
        %mul3A_87 = arith.constant 16 : i32
        %mul3A_88 = arith.muli %scan3A_86, %mul3A_87 : i32
        %get3A_89 = arith.index_cast %mul3A_88 : i32 to index
        %get3A_90 = tpu.vector_load %arg11[%get3A_89] {strides = array<i32>} : memref<400xi32, #tpu.memory_space<vmem>>, vector<16xi32>,
        %get3A_91 = vector.shape_cast %get3A_90 : vector<16xi32> to vector<16xi32>
        %get3A_92 = arith.index_cast %mul3A_88 : i32 to index
        %get3A_93 = tpu.vector_load %arg10[%get3A_92] {strides = array<i32>} : memref<400xi32, #tpu.memory_space<vmem>>, vector<16xi32>,
        %get3A_94 = vector.shape_cast %get3A_93 : vector<16xi32> to vector<16xi32>
        %sub3A_95 = vector.broadcast %mul3A_11 : i32 to vector<16xi32>
        %sub3A_96 = arith.subi %get3A_91, %sub3A_95 : vector<16xi32>
        %ge3A_97 = arith.constant 0 : i32
        %ge3A_98 = vector.broadcast %ge3A_97 : i32 to vector<16xi32>
        %ge3A_99 = arith.cmpi sge, %sub3A_96, %ge3A_98 : vector<16xi32>
        %lt3A_100 = arith.constant 5056 : i32
        %lt3A_101 = vector.broadcast %lt3A_100 : i32 to vector<16xi32>
        %lt3A_102 = arith.cmpi slt, %sub3A_96, %lt3A_101 : vector<16xi32>
        %and3A_103 = arith.andi %ge3A_99, %lt3A_102 : vector<16xi1>
        %broadcast_in_dim3A_104 = arith.constant -1 : i32
        %broadcast_in_dim3A_105 = vector.broadcast %broadcast_in_dim3A_104 : i32 to vector<16xi32>
        %select_n3A_106 = arith.select %and3A_103, %sub3A_96, %broadcast_in_dim3A_105 : vector<16xi1>, vector<16xi32>
        %swap3A_107 = arith.index_cast %mul3A_88 : i32 to index
        %swap3A_108 = tpu.vector_load %arg13[%swap3A_107] {strides = array<i32>} : memref<400xi32, #tpu.memory_space<vmem>>, vector<16xi32>,
        %swap3A_109 = vector.shape_cast %swap3A_108 : vector<16xi32> to vector<16xi32>
        %swap3A_110 = vector.shape_cast %select_n3A_106 : vector<16xi32> to vector<16xi32>
        tpu.vector_store %arg13[%swap3A_107], %swap3A_110 {strides = array<i32>} : memref<400xi32, #tpu.memory_space<vmem>>, vector<16xi32>,
        %select_n3A_111 = arith.select %and3A_103, %get3A_94, %broadcast_in_dim3A_105 : vector<16xi1>, vector<16xi32>
        %swap3A_112 = arith.index_cast %mul3A_88 : i32 to index
        %swap3A_113 = tpu.vector_load %arg12[%swap3A_112] {strides = array<i32>} : memref<400xi32, #tpu.memory_space<vmem>>, vector<16xi32>,
        %swap3A_114 = vector.shape_cast %swap3A_113 : vector<16xi32> to vector<16xi32>
        %swap3A_115 = vector.shape_cast %select_n3A_111 : vector<16xi32> to vector<16xi32>
        tpu.vector_store %arg12[%swap3A_112], %swap3A_115 {strides = array<i32>} : memref<400xi32, #tpu.memory_space<vmem>>, vector<16xi32>,
        %jit3A_116 = arith.constant 1.000000e+00 : f32
        %jit3A_117 = arith.constant 0.000000e+00 : f32
        %broadcast_in_dim3A_118 = vector.broadcast %jit3A_116 : f32 to vector<16xf32>
        %broadcast_in_dim3A_119 = vector.broadcast %jit3A_117 : f32 to vector<16xf32>
        %select_n3A_120 = arith.select %and3A_103, %broadcast_in_dim3A_118, %broadcast_in_dim3A_119 : vector<16xi1>, vector<16xf32>
        %swap3A_121 = arith.index_cast %mul3A_88 : i32 to index
        %swap3A_122 = tpu.vector_load %arg14[%swap3A_121] {strides = array<i32>} : memref<400xf32, #tpu.memory_space<vmem>>, vector<16xf32>,
        %swap3A_123 = vector.shape_cast %swap3A_122 : vector<16xf32> to vector<16xf32>
        %swap3A_124 = vector.shape_cast %select_n3A_120 : vector<16xf32> to vector<16xf32>
        tpu.vector_store %arg14[%swap3A_121], %swap3A_124 {strides = array<i32>} : memref<400xf32, #tpu.memory_space<vmem>>, vector<16xf32>,
        %scan3A_125 = arith.constant 0 : i32
        %scan3A_126 = arith.constant 2 : i32
        %scan3A_127 = arith.addi %scan3A_52, %scan3A_126 : i32
        %mul3A_128 = arith.constant 16 : i32
        %mul3A_129 = arith.muli %scan3A_127, %mul3A_128 : i32
        %get3A_130 = arith.index_cast %mul3A_129 : i32 to index
        %get3A_131 = tpu.vector_load %arg11[%get3A_130] {strides = array<i32>} : memref<400xi32, #tpu.memory_space<vmem>>, vector<16xi32>,
        %get3A_132 = vector.shape_cast %get3A_131 : vector<16xi32> to vector<16xi32>
        %get3A_133 = arith.index_cast %mul3A_129 : i32 to index
        %get3A_134 = tpu.vector_load %arg10[%get3A_133] {strides = array<i32>} : memref<400xi32, #tpu.memory_space<vmem>>, vector<16xi32>,
        %get3A_135 = vector.shape_cast %get3A_134 : vector<16xi32> to vector<16xi32>
        %sub3A_136 = vector.broadcast %mul3A_11 : i32 to vector<16xi32>
        %sub3A_137 = arith.subi %get3A_132, %sub3A_136 : vector<16xi32>
        %ge3A_138 = arith.constant 0 : i32
        %ge3A_139 = vector.broadcast %ge3A_138 : i32 to vector<16xi32>
        %ge3A_140 = arith.cmpi sge, %sub3A_137, %ge3A_139 : vector<16xi32>
        %lt3A_141 = arith.constant 5056 : i32
        %lt3A_142 = vector.broadcast %lt3A_141 : i32 to vector<16xi32>
        %lt3A_143 = arith.cmpi slt, %sub3A_137, %lt3A_142 : vector<16xi32>
        %and3A_144 = arith.andi %ge3A_140, %lt3A_143 : vector<16xi1>
        %broadcast_in_dim3A_145 = arith.constant -1 : i32
        %broadcast_in_dim3A_146 = vector.broadcast %broadcast_in_dim3A_145 : i32 to vector<16xi32>
        %select_n3A_147 = arith.select %and3A_144, %sub3A_137, %broadcast_in_dim3A_146 : vector<16xi1>, vector<16xi32>
        %swap3A_148 = arith.index_cast %mul3A_129 : i32 to index
        %swap3A_149 = tpu.vector_load %arg13[%swap3A_148] {strides = array<i32>} : memref<400xi32, #tpu.memory_space<vmem>>, vector<16xi32>,
        %swap3A_150 = vector.shape_cast %swap3A_149 : vector<16xi32> to vector<16xi32>
        %swap3A_151 = vector.shape_cast %select_n3A_147 : vector<16xi32> to vector<16xi32>
        tpu.vector_store %arg13[%swap3A_148], %swap3A_151 {strides = array<i32>} : memref<400xi32, #tpu.memory_space<vmem>>, vector<16xi32>,
        %select_n3A_152 = arith.select %and3A_144, %get3A_135, %broadcast_in_dim3A_146 : vector<16xi1>, vector<16xi32>
        %swap3A_153 = arith.index_cast %mul3A_129 : i32 to index
        %swap3A_154 = tpu.vector_load %arg12[%swap3A_153] {strides = array<i32>} : memref<400xi32, #tpu.memory_space<vmem>>, vector<16xi32>,
        %swap3A_155 = vector.shape_cast %swap3A_154 : vector<16xi32> to vector<16xi32>
        %swap3A_156 = vector.shape_cast %select_n3A_152 : vector<16xi32> to vector<16xi32>
        tpu.vector_store %arg12[%swap3A_153], %swap3A_156 {strides = array<i32>} : memref<400xi32, #tpu.memory_space<vmem>>, vector<16xi32>,
        %jit3A_157 = arith.constant 1.000000e+00 : f32
        %jit3A_158 = arith.constant 0.000000e+00 : f32
        %broadcast_in_dim3A_159 = vector.broadcast %jit3A_157 : f32 to vector<16xf32>
        %broadcast_in_dim3A_160 = vector.broadcast %jit3A_158 : f32 to vector<16xf32>
        %select_n3A_161 = arith.select %and3A_144, %broadcast_in_dim3A_159, %broadcast_in_dim3A_160 : vector<16xi1>, vector<16xf32>
        %swap3A_162 = arith.index_cast %mul3A_129 : i32 to index
        %swap3A_163 = tpu.vector_load %arg14[%swap3A_162] {strides = array<i32>} : memref<400xf32, #tpu.memory_space<vmem>>, vector<16xf32>,
        %swap3A_164 = vector.shape_cast %swap3A_163 : vector<16xf32> to vector<16xf32>
        %swap3A_165 = vector.shape_cast %select_n3A_161 : vector<16xf32> to vector<16xf32>
        tpu.vector_store %arg14[%swap3A_162], %swap3A_165 {strides = array<i32>} : memref<400xf32, #tpu.memory_space<vmem>>, vector<16xf32>,
        %scan3A_166 = arith.constant 0 : i32
        %scan3A_167 = arith.constant 3 : i32
        %scan3A_168 = arith.addi %scan3A_52, %scan3A_167 : i32
        %mul3A_169 = arith.constant 16 : i32
        %mul3A_170 = arith.muli %scan3A_168, %mul3A_169 : i32
        %get3A_171 = arith.index_cast %mul3A_170 : i32 to index
        %get3A_172 = tpu.vector_load %arg11[%get3A_171] {strides = array<i32>} : memref<400xi32, #tpu.memory_space<vmem>>, vector<16xi32>,
        %get3A_173 = vector.shape_cast %get3A_172 : vector<16xi32> to vector<16xi32>
        %get3A_174 = arith.index_cast %mul3A_170 : i32 to index
        %get3A_175 = tpu.vector_load %arg10[%get3A_174] {strides = array<i32>} : memref<400xi32, #tpu.memory_space<vmem>>, vector<16xi32>,
        %get3A_176 = vector.shape_cast %get3A_175 : vector<16xi32> to vector<16xi32>
        %sub3A_177 = vector.broadcast %mul3A_11 : i32 to vector<16xi32>
        %sub3A_178 = arith.subi %get3A_173, %sub3A_177 : vector<16xi32>
        %ge3A_179 = arith.constant 0 : i32
        %ge3A_180 = vector.broadcast %ge3A_179 : i32 to vector<16xi32>
        %ge3A_181 = arith.cmpi sge, %sub3A_178, %ge3A_180 : vector<16xi32>
        %lt3A_182 = arith.constant 5056 : i32
        %lt3A_183 = vector.broadcast %lt3A_182 : i32 to vector<16xi32>
        %lt3A_184 = arith.cmpi slt, %sub3A_178, %lt3A_183 : vector<16xi32>
        %and3A_185 = arith.andi %ge3A_181, %lt3A_184 : vector<16xi1>
        %broadcast_in_dim3A_186 = arith.constant -1 : i32
        %broadcast_in_dim3A_187 = vector.broadcast %broadcast_in_dim3A_186 : i32 to vector<16xi32>
        %select_n3A_188 = arith.select %and3A_185, %sub3A_178, %broadcast_in_dim3A_187 : vector<16xi1>, vector<16xi32>
        %swap3A_189 = arith.index_cast %mul3A_170 : i32 to index
        %swap3A_190 = tpu.vector_load %arg13[%swap3A_189] {strides = array<i32>} : memref<400xi32, #tpu.memory_space<vmem>>, vector<16xi32>,
        %swap3A_191 = vector.shape_cast %swap3A_190 : vector<16xi32> to vector<16xi32>
        %swap3A_192 = vector.shape_cast %select_n3A_188 : vector<16xi32> to vector<16xi32>
        tpu.vector_store %arg13[%swap3A_189], %swap3A_192 {strides = array<i32>} : memref<400xi32, #tpu.memory_space<vmem>>, vector<16xi32>,
        %select_n3A_193 = arith.select %and3A_185, %get3A_176, %broadcast_in_dim3A_187 : vector<16xi1>, vector<16xi32>
        %swap3A_194 = arith.index_cast %mul3A_170 : i32 to index
        %swap3A_195 = tpu.vector_load %arg12[%swap3A_194] {strides = array<i32>} : memref<400xi32, #tpu.memory_space<vmem>>, vector<16xi32>,
        %swap3A_196 = vector.shape_cast %swap3A_195 : vector<16xi32> to vector<16xi32>
        %swap3A_197 = vector.shape_cast %select_n3A_193 : vector<16xi32> to vector<16xi32>
        tpu.vector_store %arg12[%swap3A_194], %swap3A_197 {strides = array<i32>} : memref<400xi32, #tpu.memory_space<vmem>>, vector<16xi32>,
        %jit3A_198 = arith.constant 1.000000e+00 : f32
        %jit3A_199 = arith.constant 0.000000e+00 : f32
        %broadcast_in_dim3A_200 = vector.broadcast %jit3A_198 : f32 to vector<16xf32>
        %broadcast_in_dim3A_201 = vector.broadcast %jit3A_199 : f32 to vector<16xf32>
        %select_n3A_202 = arith.select %and3A_185, %broadcast_in_dim3A_200, %broadcast_in_dim3A_201 : vector<16xi1>, vector<16xf32>
        %swap3A_203 = arith.index_cast %mul3A_170 : i32 to index
        %swap3A_204 = tpu.vector_load %arg14[%swap3A_203] {strides = array<i32>} : memref<400xf32, #tpu.memory_space<vmem>>, vector<16xf32>,
        %swap3A_205 = vector.shape_cast %swap3A_204 : vector<16xf32> to vector<16xf32>
        %swap3A_206 = vector.shape_cast %select_n3A_202 : vector<16xf32> to vector<16xf32>
        tpu.vector_store %arg14[%swap3A_203], %swap3A_206 {strides = array<i32>} : memref<400xf32, #tpu.memory_space<vmem>>, vector<16xf32>,
        %scan3A_207 = arith.constant 0 : i32
        %scan3A_208 = arith.constant 4 : i32
        %scan3A_209 = arith.addi %scan3A_52, %scan3A_208 : i32
        %mul3A_210 = arith.constant 16 : i32
        %mul3A_211 = arith.muli %scan3A_209, %mul3A_210 : i32
        %get3A_212 = arith.index_cast %mul3A_211 : i32 to index
        %get3A_213 = tpu.vector_load %arg11[%get3A_212] {strides = array<i32>} : memref<400xi32, #tpu.memory_space<vmem>>, vector<16xi32>,
        %get3A_214 = vector.shape_cast %get3A_213 : vector<16xi32> to vector<16xi32>
        %get3A_215 = arith.index_cast %mul3A_211 : i32 to index
        %get3A_216 = tpu.vector_load %arg10[%get3A_215] {strides = array<i32>} : memref<400xi32, #tpu.memory_space<vmem>>, vector<16xi32>,
        %get3A_217 = vector.shape_cast %get3A_216 : vector<16xi32> to vector<16xi32>
        %sub3A_218 = vector.broadcast %mul3A_11 : i32 to vector<16xi32>
        %sub3A_219 = arith.subi %get3A_214, %sub3A_218 : vector<16xi32>
        %ge3A_220 = arith.constant 0 : i32
        %ge3A_221 = vector.broadcast %ge3A_220 : i32 to vector<16xi32>
        %ge3A_222 = arith.cmpi sge, %sub3A_219, %ge3A_221 : vector<16xi32>
        %lt3A_223 = arith.constant 5056 : i32
        %lt3A_224 = vector.broadcast %lt3A_223 : i32 to vector<16xi32>
        %lt3A_225 = arith.cmpi slt, %sub3A_219, %lt3A_224 : vector<16xi32>
        %and3A_226 = arith.andi %ge3A_222, %lt3A_225 : vector<16xi1>
        %broadcast_in_dim3A_227 = arith.constant -1 : i32
        %broadcast_in_dim3A_228 = vector.broadcast %broadcast_in_dim3A_227 : i32 to vector<16xi32>
        %select_n3A_229 = arith.select %and3A_226, %sub3A_219, %broadcast_in_dim3A_228 : vector<16xi1>, vector<16xi32>
        %swap3A_230 = arith.index_cast %mul3A_211 : i32 to index
        %swap3A_231 = tpu.vector_load %arg13[%swap3A_230] {strides = array<i32>} : memref<400xi32, #tpu.memory_space<vmem>>, vector<16xi32>,
        %swap3A_232 = vector.shape_cast %swap3A_231 : vector<16xi32> to vector<16xi32>
        %swap3A_233 = vector.shape_cast %select_n3A_229 : vector<16xi32> to vector<16xi32>
        tpu.vector_store %arg13[%swap3A_230], %swap3A_233 {strides = array<i32>} : memref<400xi32, #tpu.memory_space<vmem>>, vector<16xi32>,
        %select_n3A_234 = arith.select %and3A_226, %get3A_217, %broadcast_in_dim3A_228 : vector<16xi1>, vector<16xi32>
        %swap3A_235 = arith.index_cast %mul3A_211 : i32 to index
        %swap3A_236 = tpu.vector_load %arg12[%swap3A_235] {strides = array<i32>} : memref<400xi32, #tpu.memory_space<vmem>>, vector<16xi32>,
        %swap3A_237 = vector.shape_cast %swap3A_236 : vector<16xi32> to vector<16xi32>
        %swap3A_238 = vector.shape_cast %select_n3A_234 : vector<16xi32> to vector<16xi32>
        tpu.vector_store %arg12[%swap3A_235], %swap3A_238 {strides = array<i32>} : memref<400xi32, #tpu.memory_space<vmem>>, vector<16xi32>,
        %jit3A_239 = arith.constant 1.000000e+00 : f32
        %jit3A_240 = arith.constant 0.000000e+00 : f32
        %broadcast_in_dim3A_241 = vector.broadcast %jit3A_239 : f32 to vector<16xf32>
        %broadcast_in_dim3A_242 = vector.broadcast %jit3A_240 : f32 to vector<16xf32>
        %select_n3A_243 = arith.select %and3A_226, %broadcast_in_dim3A_241, %broadcast_in_dim3A_242 : vector<16xi1>, vector<16xf32>
        %swap3A_244 = arith.index_cast %mul3A_211 : i32 to index
        %swap3A_245 = tpu.vector_load %arg14[%swap3A_244] {strides = array<i32>} : memref<400xf32, #tpu.memory_space<vmem>>, vector<16xf32>,
        %swap3A_246 = vector.shape_cast %swap3A_245 : vector<16xf32> to vector<16xf32>
        %swap3A_247 = vector.shape_cast %select_n3A_243 : vector<16xf32> to vector<16xf32>
        tpu.vector_store %arg14[%swap3A_244], %swap3A_247 {strides = array<i32>} : memref<400xf32, #tpu.memory_space<vmem>>, vector<16xf32>,
        %scan3A_248 = arith.constant 0 : i32
        scf.yield %scan3A_248 : i32
      }
      %scan3A_32 = arith.constant 25 : i32
      %dma_start3A = arith.constant 0 : i32
      %dma_start3A_33 = arith.constant 0 : i32
      %dma_start3A_34 = tpu.memref_slice %arg2[%dma_start3A, %dma_start3A_33] : memref<10112x80xf32, #tpu.memory_space<hbm>> -> memref<10112x80xf32, #tpu.memory_space<hbm>>
      %dma_start3A_35 = arith.constant -1 : i32
      tpu.enqueue_indirect_dma source(%dma_start3A_34 : memref<10112x80xf32, #tpu.memory_space<hbm>>) target(%arg7 : memref<400x80xf32, #tpu.memory_space<vmem>>) offsets(%arg12 : memref<400xi32, #tpu.memory_space<vmem>>) offset_filter(%dma_start3A_35) semaphore(%arg16 : memref<!tpu.dma_semaphore, #tpu.memory_space<semaphore_mem>>)
      %dma_start3A_36 = arith.constant 0 : i32
      %dma_start3A_37 = arith.constant 0 : i32
      %dma_start3A_38 = tpu.memref_slice %arg3[%dma_start3A_36, %dma_start3A_37] : memref<10112x16xf32, #tpu.memory_space<hbm>> -> memref<10112x16xf32, #tpu.memory_space<hbm>>
      tpu.enqueue_indirect_dma source(%dma_start3A_38 : memref<10112x16xf32, #tpu.memory_space<hbm>>) target(%arg8 : memref<400x16xf32, #tpu.memory_space<vmem>>) offsets(%arg11 : memref<400xi32, #tpu.memory_space<vmem>>) semaphore(%arg17 : memref<!tpu.dma_semaphore, #tpu.memory_space<semaphore_mem>>)
      %dma_wait3A = arith.constant 0 : i32
      %dma_wait3A_39 = arith.constant 0 : i32
      %dma_wait3A_40 = tpu.memref_slice %arg2[%dma_wait3A, %dma_wait3A_39] : memref<10112x80xf32, #tpu.memory_space<hbm>> -> memref<10112x80xf32, #tpu.memory_space<hbm>>
      tpu.wait_indirect_dma semaphore(%arg16 : memref<!tpu.dma_semaphore, #tpu.memory_space<semaphore_mem>>) src(%dma_wait3A_40 : memref<10112x80xf32, #tpu.memory_space<hbm>>) dst(%arg7 : memref<400x80xf32, #tpu.memory_space<vmem>>)
      %dma_wait3A_41 = arith.constant 0 : i32
      %dma_wait3A_42 = arith.constant 0 : i32
      %dma_wait3A_43 = tpu.memref_slice %arg3[%dma_wait3A_41, %dma_wait3A_42] : memref<10112x16xf32, #tpu.memory_space<hbm>> -> memref<10112x16xf32, #tpu.memory_space<hbm>>
      tpu.wait_indirect_dma semaphore(%arg17 : memref<!tpu.dma_semaphore, #tpu.memory_space<semaphore_mem>>) src(%dma_wait3A_43 : memref<10112x16xf32, #tpu.memory_space<hbm>>) dst(%arg8 : memref<400x16xf32, #tpu.memory_space<vmem>>)
      %scan3A_44 = arith.constant 0 : i32
      %scan3A_45 = arith.constant 0 : i32
      %scan3A_46 = arith.constant 25 : i32
      %scan3A_47 = arith.addi %scan3A_45, %scan3A_46 : i32
      %scan3A_48 = arith.constant 1 : i32
      %scan3A_49 = scf.for %scan3A_52 = %scan3A_45 to %scan3A_47 step %scan3A_48 iter_args(%scan3A_53 = %scan3A_44) -> (i32)  : i32 {
        %mul3A_54 = arith.constant 16 : i32
        %mul3A_55 = arith.muli %scan3A_52, %mul3A_54 : i32
        %get3A = arith.index_cast %mul3A_55 : i32 to index
        %get3A_56 = tpu.vector_load %arg14[%get3A] {strides = array<i32>} : memref<400xf32, #tpu.memory_space<vmem>>, vector<16xf32>,
        %get3A_57 = vector.shape_cast %get3A_56 : vector<16xf32> to vector<16xf32>
        %mul3A_58 = arith.constant 16 : i32
        %mul3A_59 = arith.muli %scan3A_52, %mul3A_58 : i32
        %add3A_60 = arith.constant 0 : i32
        %add3A_61 = arith.addi %mul3A_59, %add3A_60 : i32
        %get3A_62 = arith.index_cast %add3A_61 : i32 to index
        %get3A_63 = arith.constant 64 : index
        %get3A_64 = tpu.vector_load %arg7[%get3A_62, %get3A_63] {strides = array<i32>} : memref<400x80xf32, #tpu.memory_space<vmem>>, vector<1x16xf32>,
        %get3A_65 = vector.shape_cast %get3A_64 : vector<1x16xf32> to vector<16xf32>
        %get3A_66 = arith.index_cast %add3A_61 : i32 to index
        %get3A_67 = arith.constant 0 : index
        %get3A_68 = tpu.vector_load %arg8[%get3A_66, %get3A_67] {strides = array<i32>} : memref<400x16xf32, #tpu.memory_space<vmem>>, vector<1x16xf32>,
        %get3A_69 = vector.shape_cast %get3A_68 : vector<1x16xf32> to vector<16xf32>
        %add3A_70 = arith.addf %get3A_65, %get3A_69 : vector<16xf32>
        %mul3A_71 = arith.constant 2.000000e-01 : f32
        %mul3A_72 = vector.broadcast %mul3A_71 : f32 to vector<16xf32>
        %mul3A_73 = arith.mulf %mul3A_72, %add3A_70 : vector<16xf32>
        %max3A = arith.maximumf %add3A_70, %mul3A_73 : vector<16xf32>
        %exp3A = math.exp %max3A : vector<16xf32>
        %slice3A = vector.extract_strided_slice %get3A_57 {offsets = [0], sizes = [1], strides = [1]} : vector<16xf32> to vector<1xf32>
        %squeeze3A = vector.extract %slice3A[0] : f32 from vector<1xf32>
        %mul3A_74 = vector.broadcast %squeeze3A : f32 to vector<16xf32>
        %mul3A_75 = arith.mulf %exp3A, %mul3A_74 : vector<16xf32>
        %swap3A = arith.index_cast %add3A_61 : i32 to index
        %swap3A_76 = arith.constant 64 : index
        %swap3A_77 = tpu.vector_load %arg9[%swap3A, %swap3A_76] {strides = array<i32>} : memref<400x80xf32, #tpu.memory_space<vmem>>, vector<1x16xf32>,
        %swap3A_78 = vector.shape_cast %swap3A_77 : vector<1x16xf32> to vector<16xf32>
        %swap3A_79 = vector.shape_cast %mul3A_75 : vector<16xf32> to vector<1x16xf32>
        tpu.vector_store %arg9[%swap3A, %swap3A_76], %swap3A_79 {strides = array<i32>} : memref<400x80xf32, #tpu.memory_space<vmem>>, vector<1x16xf32>,
        %get3A_80 = arith.index_cast %add3A_61 : i32 to index
        %get3A_81 = arith.constant 0 : index
        %get3A_82 = tpu.vector_load %arg7[%get3A_80, %get3A_81] {strides = array<i32>} : memref<400x80xf32, #tpu.memory_space<vmem>>, vector<1x16xf32>,
        %get3A_83 = vector.shape_cast %get3A_82 : vector<1x16xf32> to vector<16xf32>
        %slice3A_84 = vector.extract_strided_slice %mul3A_75 {offsets = [12], sizes = [1], strides = [1]} : vector<16xf32> to vector<1xf32>
        %squeeze3A_85 = vector.extract %slice3A_84[0] : f32 from vector<1xf32>
        %mul3A_86 = vector.broadcast %squeeze3A_85 : f32 to vector<16xf32>
        %mul3A_87 = arith.mulf %get3A_83, %mul3A_86 : vector<16xf32>
        %swap3A_88 = arith.index_cast %add3A_61 : i32 to index
        %swap3A_89 = arith.constant 0 : index
        %swap3A_90 = tpu.vector_load %arg9[%swap3A_88, %swap3A_89] {strides = array<i32>} : memref<400x80xf32, #tpu.memory_space<vmem>>, vector<1x16xf32>,
        %swap3A_91 = vector.shape_cast %swap3A_90 : vector<1x16xf32> to vector<16xf32>
        %swap3A_92 = vector.shape_cast %mul3A_87 : vector<16xf32> to vector<1x16xf32>
        tpu.vector_store %arg9[%swap3A_88, %swap3A_89], %swap3A_92 {strides = array<i32>} : memref<400x80xf32, #tpu.memory_space<vmem>>, vector<1x16xf32>,
        %get3A_93 = arith.index_cast %add3A_61 : i32 to index
        %get3A_94 = arith.constant 16 : index
        %get3A_95 = tpu.vector_load %arg7[%get3A_93, %get3A_94] {strides = array<i32>} : memref<400x80xf32, #tpu.memory_space<vmem>>, vector<1x16xf32>,
        %get3A_96 = vector.shape_cast %get3A_95 : vector<1x16xf32> to vector<16xf32>
        %slice3A_97 = vector.extract_strided_slice %mul3A_75 {offsets = [13], sizes = [1], strides = [1]} : vector<16xf32> to vector<1xf32>
        %squeeze3A_98 = vector.extract %slice3A_97[0] : f32 from vector<1xf32>
        %mul3A_99 = vector.broadcast %squeeze3A_98 : f32 to vector<16xf32>
        %mul3A_100 = arith.mulf %get3A_96, %mul3A_99 : vector<16xf32>
        %swap3A_101 = arith.index_cast %add3A_61 : i32 to index
        %swap3A_102 = arith.constant 16 : index
        %swap3A_103 = tpu.vector_load %arg9[%swap3A_101, %swap3A_102] {strides = array<i32>} : memref<400x80xf32, #tpu.memory_space<vmem>>, vector<1x16xf32>,
        %swap3A_104 = vector.shape_cast %swap3A_103 : vector<1x16xf32> to vector<16xf32>
        %swap3A_105 = vector.shape_cast %mul3A_100 : vector<16xf32> to vector<1x16xf32>
        tpu.vector_store %arg9[%swap3A_101, %swap3A_102], %swap3A_105 {strides = array<i32>} : memref<400x80xf32, #tpu.memory_space<vmem>>, vector<1x16xf32>,
        %get3A_106 = arith.index_cast %add3A_61 : i32 to index
        %get3A_107 = arith.constant 32 : index
        %get3A_108 = tpu.vector_load %arg7[%get3A_106, %get3A_107] {strides = array<i32>} : memref<400x80xf32, #tpu.memory_space<vmem>>, vector<1x16xf32>,
        %get3A_109 = vector.shape_cast %get3A_108 : vector<1x16xf32> to vector<16xf32>
        %slice3A_110 = vector.extract_strided_slice %mul3A_75 {offsets = [14], sizes = [1], strides = [1]} : vector<16xf32> to vector<1xf32>
        %squeeze3A_111 = vector.extract %slice3A_110[0] : f32 from vector<1xf32>
        %mul3A_112 = vector.broadcast %squeeze3A_111 : f32 to vector<16xf32>
        %mul3A_113 = arith.mulf %get3A_109, %mul3A_112 : vector<16xf32>
        %swap3A_114 = arith.index_cast %add3A_61 : i32 to index
        %swap3A_115 = arith.constant 32 : index
        %swap3A_116 = tpu.vector_load %arg9[%swap3A_114, %swap3A_115] {strides = array<i32>} : memref<400x80xf32, #tpu.memory_space<vmem>>, vector<1x16xf32>,
        %swap3A_117 = vector.shape_cast %swap3A_116 : vector<1x16xf32> to vector<16xf32>
        %swap3A_118 = vector.shape_cast %mul3A_113 : vector<16xf32> to vector<1x16xf32>
        tpu.vector_store %arg9[%swap3A_114, %swap3A_115], %swap3A_118 {strides = array<i32>} : memref<400x80xf32, #tpu.memory_space<vmem>>, vector<1x16xf32>,
        %get3A_119 = arith.index_cast %add3A_61 : i32 to index
        %get3A_120 = arith.constant 48 : index
        %get3A_121 = tpu.vector_load %arg7[%get3A_119, %get3A_120] {strides = array<i32>} : memref<400x80xf32, #tpu.memory_space<vmem>>, vector<1x16xf32>,
        %get3A_122 = vector.shape_cast %get3A_121 : vector<1x16xf32> to vector<16xf32>
        %slice3A_123 = vector.extract_strided_slice %mul3A_75 {offsets = [15], sizes = [1], strides = [1]} : vector<16xf32> to vector<1xf32>
        %squeeze3A_124 = vector.extract %slice3A_123[0] : f32 from vector<1xf32>
        %mul3A_125 = vector.broadcast %squeeze3A_124 : f32 to vector<16xf32>
        %mul3A_126 = arith.mulf %get3A_122, %mul3A_125 : vector<16xf32>
        %swap3A_127 = arith.index_cast %add3A_61 : i32 to index
        %swap3A_128 = arith.constant 48 : index
        %swap3A_129 = tpu.vector_load %arg9[%swap3A_127, %swap3A_128] {strides = array<i32>} : memref<400x80xf32, #tpu.memory_space<vmem>>, vector<1x16xf32>,
        %swap3A_130 = vector.shape_cast %swap3A_129 : vector<1x16xf32> to vector<16xf32>
        %swap3A_131 = vector.shape_cast %mul3A_126 : vector<16xf32> to vector<1x16xf32>
        tpu.vector_store %arg9[%swap3A_127, %swap3A_128], %swap3A_131 {strides = array<i32>} : memref<400x80xf32, #tpu.memory_space<vmem>>, vector<1x16xf32>,
        %mul3A_132 = arith.constant 16 : i32
        %mul3A_133 = arith.muli %scan3A_52, %mul3A_132 : i32
        %add3A_134 = arith.constant 1 : i32
        %add3A_135 = arith.addi %mul3A_133, %add3A_134 : i32
        %get3A_136 = arith.index_cast %add3A_135 : i32 to index
        %get3A_137 = arith.constant 64 : index
        %get3A_138 = tpu.vector_load %arg7[%get3A_136, %get3A_137] {strides = array<i32>} : memref<400x80xf32, #tpu.memory_space<vmem>>, vector<1x16xf32>,
        %get3A_139 = vector.shape_cast %get3A_138 : vector<1x16xf32> to vector<16xf32>
        %get3A_140 = arith.index_cast %add3A_135 : i32 to index
        %get3A_141 = arith.constant 0 : index
        %get3A_142 = tpu.vector_load %arg8[%get3A_140, %get3A_141] {strides = array<i32>} : memref<400x16xf32, #tpu.memory_space<vmem>>, vector<1x16xf32>,
        %get3A_143 = vector.shape_cast %get3A_142 : vector<1x16xf32> to vector<16xf32>
        %add3A_144 = arith.addf %get3A_139, %get3A_143 : vector<16xf32>
        %mul3A_145 = arith.constant 2.000000e-01 : f32
        %mul3A_146 = vector.broadcast %mul3A_145 : f32 to vector<16xf32>
        %mul3A_147 = arith.mulf %mul3A_146, %add3A_144 : vector<16xf32>
        %max3A_148 = arith.maximumf %add3A_144, %mul3A_147 : vector<16xf32>
        %exp3A_149 = math.exp %max3A_148 : vector<16xf32>
        %slice3A_150 = vector.extract_strided_slice %get3A_57 {offsets = [1], sizes = [1], strides = [1]} : vector<16xf32> to vector<1xf32>
        %squeeze3A_151 = vector.extract %slice3A_150[0] : f32 from vector<1xf32>
        %mul3A_152 = vector.broadcast %squeeze3A_151 : f32 to vector<16xf32>
        %mul3A_153 = arith.mulf %exp3A_149, %mul3A_152 : vector<16xf32>
        %swap3A_154 = arith.index_cast %add3A_135 : i32 to index
        %swap3A_155 = arith.constant 64 : index
        %swap3A_156 = tpu.vector_load %arg9[%swap3A_154, %swap3A_155] {strides = array<i32>} : memref<400x80xf32, #tpu.memory_space<vmem>>, vector<1x16xf32>,
        %swap3A_157 = vector.shape_cast %swap3A_156 : vector<1x16xf32> to vector<16xf32>
        %swap3A_158 = vector.shape_cast %mul3A_153 : vector<16xf32> to vector<1x16xf32>
        tpu.vector_store %arg9[%swap3A_154, %swap3A_155], %swap3A_158 {strides = array<i32>} : memref<400x80xf32, #tpu.memory_space<vmem>>, vector<1x16xf32>,
        %get3A_159 = arith.index_cast %add3A_135 : i32 to index
        %get3A_160 = arith.constant 0 : index
        %get3A_161 = tpu.vector_load %arg7[%get3A_159, %get3A_160] {strides = array<i32>} : memref<400x80xf32, #tpu.memory_space<vmem>>, vector<1x16xf32>,
        %get3A_162 = vector.shape_cast %get3A_161 : vector<1x16xf32> to vector<16xf32>
        %slice3A_163 = vector.extract_strided_slice %mul3A_153 {offsets = [12], sizes = [1], strides = [1]} : vector<16xf32> to vector<1xf32>
        %squeeze3A_164 = vector.extract %slice3A_163[0] : f32 from vector<1xf32>
        %mul3A_165 = vector.broadcast %squeeze3A_164 : f32 to vector<16xf32>
        %mul3A_166 = arith.mulf %get3A_162, %mul3A_165 : vector<16xf32>
        %swap3A_167 = arith.index_cast %add3A_135 : i32 to index
        %swap3A_168 = arith.constant 0 : index
        %swap3A_169 = tpu.vector_load %arg9[%swap3A_167, %swap3A_168] {strides = array<i32>} : memref<400x80xf32, #tpu.memory_space<vmem>>, vector<1x16xf32>,
        %swap3A_170 = vector.shape_cast %swap3A_169 : vector<1x16xf32> to vector<16xf32>
        %swap3A_171 = vector.shape_cast %mul3A_166 : vector<16xf32> to vector<1x16xf32>
        tpu.vector_store %arg9[%swap3A_167, %swap3A_168], %swap3A_171 {strides = array<i32>} : memref<400x80xf32, #tpu.memory_space<vmem>>, vector<1x16xf32>,
        %get3A_172 = arith.index_cast %add3A_135 : i32 to index
        %get3A_173 = arith.constant 16 : index
        %get3A_174 = tpu.vector_load %arg7[%get3A_172, %get3A_173] {strides = array<i32>} : memref<400x80xf32, #tpu.memory_space<vmem>>, vector<1x16xf32>,
        %get3A_175 = vector.shape_cast %get3A_174 : vector<1x16xf32> to vector<16xf32>
        %slice3A_176 = vector.extract_strided_slice %mul3A_153 {offsets = [13], sizes = [1], strides = [1]} : vector<16xf32> to vector<1xf32>
        %squeeze3A_177 = vector.extract %slice3A_176[0] : f32 from vector<1xf32>
        %mul3A_178 = vector.broadcast %squeeze3A_177 : f32 to vector<16xf32>
        %mul3A_179 = arith.mulf %get3A_175, %mul3A_178 : vector<16xf32>
        %swap3A_180 = arith.index_cast %add3A_135 : i32 to index
        %swap3A_181 = arith.constant 16 : index
        %swap3A_182 = tpu.vector_load %arg9[%swap3A_180, %swap3A_181] {strides = array<i32>} : memref<400x80xf32, #tpu.memory_space<vmem>>, vector<1x16xf32>,
        %swap3A_183 = vector.shape_cast %swap3A_182 : vector<1x16xf32> to vector<16xf32>
        %swap3A_184 = vector.shape_cast %mul3A_179 : vector<16xf32> to vector<1x16xf32>
        tpu.vector_store %arg9[%swap3A_180, %swap3A_181], %swap3A_184 {strides = array<i32>} : memref<400x80xf32, #tpu.memory_space<vmem>>, vector<1x16xf32>,
        %get3A_185 = arith.index_cast %add3A_135 : i32 to index
        %get3A_186 = arith.constant 32 : index
        %get3A_187 = tpu.vector_load %arg7[%get3A_185, %get3A_186] {strides = array<i32>} : memref<400x80xf32, #tpu.memory_space<vmem>>, vector<1x16xf32>,
        %get3A_188 = vector.shape_cast %get3A_187 : vector<1x16xf32> to vector<16xf32>
        %slice3A_189 = vector.extract_strided_slice %mul3A_153 {offsets = [14], sizes = [1], strides = [1]} : vector<16xf32> to vector<1xf32>
        %squeeze3A_190 = vector.extract %slice3A_189[0] : f32 from vector<1xf32>
        %mul3A_191 = vector.broadcast %squeeze3A_190 : f32 to vector<16xf32>
        %mul3A_192 = arith.mulf %get3A_188, %mul3A_191 : vector<16xf32>
        %swap3A_193 = arith.index_cast %add3A_135 : i32 to index
        %swap3A_194 = arith.constant 32 : index
        %swap3A_195 = tpu.vector_load %arg9[%swap3A_193, %swap3A_194] {strides = array<i32>} : memref<400x80xf32, #tpu.memory_space<vmem>>, vector<1x16xf32>,
        %swap3A_196 = vector.shape_cast %swap3A_195 : vector<1x16xf32> to vector<16xf32>
        %swap3A_197 = vector.shape_cast %mul3A_192 : vector<16xf32> to vector<1x16xf32>
        tpu.vector_store %arg9[%swap3A_193, %swap3A_194], %swap3A_197 {strides = array<i32>} : memref<400x80xf32, #tpu.memory_space<vmem>>, vector<1x16xf32>,
        %get3A_198 = arith.index_cast %add3A_135 : i32 to index
        %get3A_199 = arith.constant 48 : index
        %get3A_200 = tpu.vector_load %arg7[%get3A_198, %get3A_199] {strides = array<i32>} : memref<400x80xf32, #tpu.memory_space<vmem>>, vector<1x16xf32>,
        %get3A_201 = vector.shape_cast %get3A_200 : vector<1x16xf32> to vector<16xf32>
        %slice3A_202 = vector.extract_strided_slice %mul3A_153 {offsets = [15], sizes = [1], strides = [1]} : vector<16xf32> to vector<1xf32>
        %squeeze3A_203 = vector.extract %slice3A_202[0] : f32 from vector<1xf32>
        %mul3A_204 = vector.broadcast %squeeze3A_203 : f32 to vector<16xf32>
        %mul3A_205 = arith.mulf %get3A_201, %mul3A_204 : vector<16xf32>
        %swap3A_206 = arith.index_cast %add3A_135 : i32 to index
        %swap3A_207 = arith.constant 48 : index
        %swap3A_208 = tpu.vector_load %arg9[%swap3A_206, %swap3A_207] {strides = array<i32>} : memref<400x80xf32, #tpu.memory_space<vmem>>, vector<1x16xf32>,
        %swap3A_209 = vector.shape_cast %swap3A_208 : vector<1x16xf32> to vector<16xf32>
        %swap3A_210 = vector.shape_cast %mul3A_205 : vector<16xf32> to vector<1x16xf32>
        tpu.vector_store %arg9[%swap3A_206, %swap3A_207], %swap3A_210 {strides = array<i32>} : memref<400x80xf32, #tpu.memory_space<vmem>>, vector<1x16xf32>,
        %mul3A_211 = arith.constant 16 : i32
        %mul3A_212 = arith.muli %scan3A_52, %mul3A_211 : i32
        %add3A_213 = arith.constant 2 : i32
        %add3A_214 = arith.addi %mul3A_212, %add3A_213 : i32
        %get3A_215 = arith.index_cast %add3A_214 : i32 to index
        %get3A_216 = arith.constant 64 : index
        %get3A_217 = tpu.vector_load %arg7[%get3A_215, %get3A_216] {strides = array<i32>} : memref<400x80xf32, #tpu.memory_space<vmem>>, vector<1x16xf32>,
        %get3A_218 = vector.shape_cast %get3A_217 : vector<1x16xf32> to vector<16xf32>
        %get3A_219 = arith.index_cast %add3A_214 : i32 to index
        %get3A_220 = arith.constant 0 : index
        %get3A_221 = tpu.vector_load %arg8[%get3A_219, %get3A_220] {strides = array<i32>} : memref<400x16xf32, #tpu.memory_space<vmem>>, vector<1x16xf32>,
        %get3A_222 = vector.shape_cast %get3A_221 : vector<1x16xf32> to vector<16xf32>
        %add3A_223 = arith.addf %get3A_218, %get3A_222 : vector<16xf32>
        %mul3A_224 = arith.constant 2.000000e-01 : f32
        %mul3A_225 = vector.broadcast %mul3A_224 : f32 to vector<16xf32>
        %mul3A_226 = arith.mulf %mul3A_225, %add3A_223 : vector<16xf32>
        %max3A_227 = arith.maximumf %add3A_223, %mul3A_226 : vector<16xf32>
        %exp3A_228 = math.exp %max3A_227 : vector<16xf32>
        %slice3A_229 = vector.extract_strided_slice %get3A_57 {offsets = [2], sizes = [1], strides = [1]} : vector<16xf32> to vector<1xf32>
        %squeeze3A_230 = vector.extract %slice3A_229[0] : f32 from vector<1xf32>
        %mul3A_231 = vector.broadcast %squeeze3A_230 : f32 to vector<16xf32>
        %mul3A_232 = arith.mulf %exp3A_228, %mul3A_231 : vector<16xf32>
        %swap3A_233 = arith.index_cast %add3A_214 : i32 to index
        %swap3A_234 = arith.constant 64 : index
        %swap3A_235 = tpu.vector_load %arg9[%swap3A_233, %swap3A_234] {strides = array<i32>} : memref<400x80xf32, #tpu.memory_space<vmem>>, vector<1x16xf32>,
        %swap3A_236 = vector.shape_cast %swap3A_235 : vector<1x16xf32> to vector<16xf32>
        %swap3A_237 = vector.shape_cast %mul3A_232 : vector<16xf32> to vector<1x16xf32>
        tpu.vector_store %arg9[%swap3A_233, %swap3A_234], %swap3A_237 {strides = array<i32>} : memref<400x80xf32, #tpu.memory_space<vmem>>, vector<1x16xf32>,
        %get3A_238 = arith.index_cast %add3A_214 : i32 to index
        %get3A_239 = arith.constant 0 : index
        %get3A_240 = tpu.vector_load %arg7[%get3A_238, %get3A_239] {strides = array<i32>} : memref<400x80xf32, #tpu.memory_space<vmem>>, vector<1x16xf32>,
        %get3A_241 = vector.shape_cast %get3A_240 : vector<1x16xf32> to vector<16xf32>
        %slice3A_242 = vector.extract_strided_slice %mul3A_232 {offsets = [12], sizes = [1], strides = [1]} : vector<16xf32> to vector<1xf32>
        %squeeze3A_243 = vector.extract %slice3A_242[0] : f32 from vector<1xf32>
        %mul3A_244 = vector.broadcast %squeeze3A_243 : f32 to vector<16xf32>
        %mul3A_245 = arith.mulf %get3A_241, %mul3A_244 : vector<16xf32>
        %swap3A_246 = arith.index_cast %add3A_214 : i32 to index
        %swap3A_247 = arith.constant 0 : index
        %swap3A_248 = tpu.vector_load %arg9[%swap3A_246, %swap3A_247] {strides = array<i32>} : memref<400x80xf32, #tpu.memory_space<vmem>>, vector<1x16xf32>,
        %swap3A_249 = vector.shape_cast %swap3A_248 : vector<1x16xf32> to vector<16xf32>
        %swap3A_250 = vector.shape_cast %mul3A_245 : vector<16xf32> to vector<1x16xf32>
        tpu.vector_store %arg9[%swap3A_246, %swap3A_247], %swap3A_250 {strides = array<i32>} : memref<400x80xf32, #tpu.memory_space<vmem>>, vector<1x16xf32>,
        %get3A_251 = arith.index_cast %add3A_214 : i32 to index
        %get3A_252 = arith.constant 16 : index
        %get3A_253 = tpu.vector_load %arg7[%get3A_251, %get3A_252] {strides = array<i32>} : memref<400x80xf32, #tpu.memory_space<vmem>>, vector<1x16xf32>,
        %get3A_254 = vector.shape_cast %get3A_253 : vector<1x16xf32> to vector<16xf32>
        %slice3A_255 = vector.extract_strided_slice %mul3A_232 {offsets = [13], sizes = [1], strides = [1]} : vector<16xf32> to vector<1xf32>
        %squeeze3A_256 = vector.extract %slice3A_255[0] : f32 from vector<1xf32>
        %mul3A_257 = vector.broadcast %squeeze3A_256 : f32 to vector<16xf32>
        %mul3A_258 = arith.mulf %get3A_254, %mul3A_257 : vector<16xf32>
        %swap3A_259 = arith.index_cast %add3A_214 : i32 to index
        %swap3A_260 = arith.constant 16 : index
        %swap3A_261 = tpu.vector_load %arg9[%swap3A_259, %swap3A_260] {strides = array<i32>} : memref<400x80xf32, #tpu.memory_space<vmem>>, vector<1x16xf32>,
        %swap3A_262 = vector.shape_cast %swap3A_261 : vector<1x16xf32> to vector<16xf32>
        %swap3A_263 = vector.shape_cast %mul3A_258 : vector<16xf32> to vector<1x16xf32>
        tpu.vector_store %arg9[%swap3A_259, %swap3A_260], %swap3A_263 {strides = array<i32>} : memref<400x80xf32, #tpu.memory_space<vmem>>, vector<1x16xf32>,
        %get3A_264 = arith.index_cast %add3A_214 : i32 to index
        %get3A_265 = arith.constant 32 : index
        %get3A_266 = tpu.vector_load %arg7[%get3A_264, %get3A_265] {strides = array<i32>} : memref<400x80xf32, #tpu.memory_space<vmem>>, vector<1x16xf32>,
        %get3A_267 = vector.shape_cast %get3A_266 : vector<1x16xf32> to vector<16xf32>
        %slice3A_268 = vector.extract_strided_slice %mul3A_232 {offsets = [14], sizes = [1], strides = [1]} : vector<16xf32> to vector<1xf32>
        %squeeze3A_269 = vector.extract %slice3A_268[0] : f32 from vector<1xf32>
        %mul3A_270 = vector.broadcast %squeeze3A_269 : f32 to vector<16xf32>
        %mul3A_271 = arith.mulf %get3A_267, %mul3A_270 : vector<16xf32>
        %swap3A_272 = arith.index_cast %add3A_214 : i32 to index
        %swap3A_273 = arith.constant 32 : index
        %swap3A_274 = tpu.vector_load %arg9[%swap3A_272, %swap3A_273] {strides = array<i32>} : memref<400x80xf32, #tpu.memory_space<vmem>>, vector<1x16xf32>,
        %swap3A_275 = vector.shape_cast %swap3A_274 : vector<1x16xf32> to vector<16xf32>
        %swap3A_276 = vector.shape_cast %mul3A_271 : vector<16xf32> to vector<1x16xf32>
        tpu.vector_store %arg9[%swap3A_272, %swap3A_273], %swap3A_276 {strides = array<i32>} : memref<400x80xf32, #tpu.memory_space<vmem>>, vector<1x16xf32>,
        %get3A_277 = arith.index_cast %add3A_214 : i32 to index
        %get3A_278 = arith.constant 48 : index
        %get3A_279 = tpu.vector_load %arg7[%get3A_277, %get3A_278] {strides = array<i32>} : memref<400x80xf32, #tpu.memory_space<vmem>>, vector<1x16xf32>,
        %get3A_280 = vector.shape_cast %get3A_279 : vector<1x16xf32> to vector<16xf32>
        %slice3A_281 = vector.extract_strided_slice %mul3A_232 {offsets = [15], sizes = [1], strides = [1]} : vector<16xf32> to vector<1xf32>
        %squeeze3A_282 = vector.extract %slice3A_281[0] : f32 from vector<1xf32>
        %mul3A_283 = vector.broadcast %squeeze3A_282 : f32 to vector<16xf32>
        %mul3A_284 = arith.mulf %get3A_280, %mul3A_283 : vector<16xf32>
        %swap3A_285 = arith.index_cast %add3A_214 : i32 to index
        %swap3A_286 = arith.constant 48 : index
        %swap3A_287 = tpu.vector_load %arg9[%swap3A_285, %swap3A_286] {strides = array<i32>} : memref<400x80xf32, #tpu.memory_space<vmem>>, vector<1x16xf32>,
        %swap3A_288 = vector.shape_cast %swap3A_287 : vector<1x16xf32> to vector<16xf32>
        %swap3A_289 = vector.shape_cast %mul3A_284 : vector<16xf32> to vector<1x16xf32>
        tpu.vector_store %arg9[%swap3A_285, %swap3A_286], %swap3A_289 {strides = array<i32>} : memref<400x80xf32, #tpu.memory_space<vmem>>, vector<1x16xf32>,
        %mul3A_290 = arith.constant 16 : i32
        %mul3A_291 = arith.muli %scan3A_52, %mul3A_290 : i32
        %add3A_292 = arith.constant 3 : i32
        %add3A_293 = arith.addi %mul3A_291, %add3A_292 : i32
        %get3A_294 = arith.index_cast %add3A_293 : i32 to index
        %get3A_295 = arith.constant 64 : index
        %get3A_296 = tpu.vector_load %arg7[%get3A_294, %get3A_295] {strides = array<i32>} : memref<400x80xf32, #tpu.memory_space<vmem>>, vector<1x16xf32>,
        %get3A_297 = vector.shape_cast %get3A_296 : vector<1x16xf32> to vector<16xf32>
        %get3A_298 = arith.index_cast %add3A_293 : i32 to index
        %get3A_299 = arith.constant 0 : index
        %get3A_300 = tpu.vector_load %arg8[%get3A_298, %get3A_299] {strides = array<i32>} : memref<400x16xf32, #tpu.memory_space<vmem>>, vector<1x16xf32>,
        %get3A_301 = vector.shape_cast %get3A_300 : vector<1x16xf32> to vector<16xf32>
        %add3A_302 = arith.addf %get3A_297, %get3A_301 : vector<16xf32>
        %mul3A_303 = arith.constant 2.000000e-01 : f32
        %mul3A_304 = vector.broadcast %mul3A_303 : f32 to vector<16xf32>
        %mul3A_305 = arith.mulf %mul3A_304, %add3A_302 : vector<16xf32>
        %max3A_306 = arith.maximumf %add3A_302, %mul3A_305 : vector<16xf32>
        %exp3A_307 = math.exp %max3A_306 : vector<16xf32>
        %slice3A_308 = vector.extract_strided_slice %get3A_57 {offsets = [3], sizes = [1], strides = [1]} : vector<16xf32> to vector<1xf32>
        %squeeze3A_309 = vector.extract %slice3A_308[0] : f32 from vector<1xf32>
        %mul3A_310 = vector.broadcast %squeeze3A_309 : f32 to vector<16xf32>
        %mul3A_311 = arith.mulf %exp3A_307, %mul3A_310 : vector<16xf32>
        %swap3A_312 = arith.index_cast %add3A_293 : i32 to index
        %swap3A_313 = arith.constant 64 : index
        %swap3A_314 = tpu.vector_load %arg9[%swap3A_312, %swap3A_313] {strides = array<i32>} : memref<400x80xf32, #tpu.memory_space<vmem>>, vector<1x16xf32>,
        %swap3A_315 = vector.shape_cast %swap3A_314 : vector<1x16xf32> to vector<16xf32>
        %swap3A_316 = vector.shape_cast %mul3A_311 : vector<16xf32> to vector<1x16xf32>
        tpu.vector_store %arg9[%swap3A_312, %swap3A_313], %swap3A_316 {strides = array<i32>} : memref<400x80xf32, #tpu.memory_space<vmem>>, vector<1x16xf32>,
        %get3A_317 = arith.index_cast %add3A_293 : i32 to index
        %get3A_318 = arith.constant 0 : index
        %get3A_319 = tpu.vector_load %arg7[%get3A_317, %get3A_318] {strides = array<i32>} : memref<400x80xf32, #tpu.memory_space<vmem>>, vector<1x16xf32>,
        %get3A_320 = vector.shape_cast %get3A_319 : vector<1x16xf32> to vector<16xf32>
        %slice3A_321 = vector.extract_strided_slice %mul3A_311 {offsets = [12], sizes = [1], strides = [1]} : vector<16xf32> to vector<1xf32>
        %squeeze3A_322 = vector.extract %slice3A_321[0] : f32 from vector<1xf32>
        %mul3A_323 = vector.broadcast %squeeze3A_322 : f32 to vector<16xf32>
        %mul3A_324 = arith.mulf %get3A_320, %mul3A_323 : vector<16xf32>
        %swap3A_325 = arith.index_cast %add3A_293 : i32 to index
        %swap3A_326 = arith.constant 0 : index
        %swap3A_327 = tpu.vector_load %arg9[%swap3A_325, %swap3A_326] {strides = array<i32>} : memref<400x80xf32, #tpu.memory_space<vmem>>, vector<1x16xf32>,
        %swap3A_328 = vector.shape_cast %swap3A_327 : vector<1x16xf32> to vector<16xf32>
        %swap3A_329 = vector.shape_cast %mul3A_324 : vector<16xf32> to vector<1x16xf32>
        tpu.vector_store %arg9[%swap3A_325, %swap3A_326], %swap3A_329 {strides = array<i32>} : memref<400x80xf32, #tpu.memory_space<vmem>>, vector<1x16xf32>,
        %get3A_330 = arith.index_cast %add3A_293 : i32 to index
        %get3A_331 = arith.constant 16 : index
        %get3A_332 = tpu.vector_load %arg7[%get3A_330, %get3A_331] {strides = array<i32>} : memref<400x80xf32, #tpu.memory_space<vmem>>, vector<1x16xf32>,
        %get3A_333 = vector.shape_cast %get3A_332 : vector<1x16xf32> to vector<16xf32>
        %slice3A_334 = vector.extract_strided_slice %mul3A_311 {offsets = [13], sizes = [1], strides = [1]} : vector<16xf32> to vector<1xf32>
        %squeeze3A_335 = vector.extract %slice3A_334[0] : f32 from vector<1xf32>
        %mul3A_336 = vector.broadcast %squeeze3A_335 : f32 to vector<16xf32>
        %mul3A_337 = arith.mulf %get3A_333, %mul3A_336 : vector<16xf32>
        %swap3A_338 = arith.index_cast %add3A_293 : i32 to index
        %swap3A_339 = arith.constant 16 : index
        %swap3A_340 = tpu.vector_load %arg9[%swap3A_338, %swap3A_339] {strides = array<i32>} : memref<400x80xf32, #tpu.memory_space<vmem>>, vector<1x16xf32>,
        %swap3A_341 = vector.shape_cast %swap3A_340 : vector<1x16xf32> to vector<16xf32>
        %swap3A_342 = vector.shape_cast %mul3A_337 : vector<16xf32> to vector<1x16xf32>
        tpu.vector_store %arg9[%swap3A_338, %swap3A_339], %swap3A_342 {strides = array<i32>} : memref<400x80xf32, #tpu.memory_space<vmem>>, vector<1x16xf32>,
        %get3A_343 = arith.index_cast %add3A_293 : i32 to index
        %get3A_344 = arith.constant 32 : index
        %get3A_345 = tpu.vector_load %arg7[%get3A_343, %get3A_344] {strides = array<i32>} : memref<400x80xf32, #tpu.memory_space<vmem>>, vector<1x16xf32>,
        %get3A_346 = vector.shape_cast %get3A_345 : vector<1x16xf32> to vector<16xf32>
        %slice3A_347 = vector.extract_strided_slice %mul3A_311 {offsets = [14], sizes = [1], strides = [1]} : vector<16xf32> to vector<1xf32>
        %squeeze3A_348 = vector.extract %slice3A_347[0] : f32 from vector<1xf32>
        %mul3A_349 = vector.broadcast %squeeze3A_348 : f32 to vector<16xf32>
        %mul3A_350 = arith.mulf %get3A_346, %mul3A_349 : vector<16xf32>
        %swap3A_351 = arith.index_cast %add3A_293 : i32 to index
        %swap3A_352 = arith.constant 32 : index
        %swap3A_353 = tpu.vector_load %arg9[%swap3A_351, %swap3A_352] {strides = array<i32>} : memref<400x80xf32, #tpu.memory_space<vmem>>, vector<1x16xf32>,
        %swap3A_354 = vector.shape_cast %swap3A_353 : vector<1x16xf32> to vector<16xf32>
        %swap3A_355 = vector.shape_cast %mul3A_350 : vector<16xf32> to vector<1x16xf32>
        tpu.vector_store %arg9[%swap3A_351, %swap3A_352], %swap3A_355 {strides = array<i32>} : memref<400x80xf32, #tpu.memory_space<vmem>>, vector<1x16xf32>,
        %get3A_356 = arith.index_cast %add3A_293 : i32 to index
        %get3A_357 = arith.constant 48 : index
        %get3A_358 = tpu.vector_load %arg7[%get3A_356, %get3A_357] {strides = array<i32>} : memref<400x80xf32, #tpu.memory_space<vmem>>, vector<1x16xf32>,
        %get3A_359 = vector.shape_cast %get3A_358 : vector<1x16xf32> to vector<16xf32>
        %slice3A_360 = vector.extract_strided_slice %mul3A_311 {offsets = [15], sizes = [1], strides = [1]} : vector<16xf32> to vector<1xf32>
        %squeeze3A_361 = vector.extract %slice3A_360[0] : f32 from vector<1xf32>
        %mul3A_362 = vector.broadcast %squeeze3A_361 : f32 to vector<16xf32>
        %mul3A_363 = arith.mulf %get3A_359, %mul3A_362 : vector<16xf32>
        %swap3A_364 = arith.index_cast %add3A_293 : i32 to index
        %swap3A_365 = arith.constant 48 : index
        %swap3A_366 = tpu.vector_load %arg9[%swap3A_364, %swap3A_365] {strides = array<i32>} : memref<400x80xf32, #tpu.memory_space<vmem>>, vector<1x16xf32>,
        %swap3A_367 = vector.shape_cast %swap3A_366 : vector<1x16xf32> to vector<16xf32>
        %swap3A_368 = vector.shape_cast %mul3A_363 : vector<16xf32> to vector<1x16xf32>
        tpu.vector_store %arg9[%swap3A_364, %swap3A_365], %swap3A_368 {strides = array<i32>} : memref<400x80xf32, #tpu.memory_space<vmem>>, vector<1x16xf32>,
        %mul3A_369 = arith.constant 16 : i32
        %mul3A_370 = arith.muli %scan3A_52, %mul3A_369 : i32
        %add3A_371 = arith.constant 4 : i32
        %add3A_372 = arith.addi %mul3A_370, %add3A_371 : i32
        %get3A_373 = arith.index_cast %add3A_372 : i32 to index
        %get3A_374 = arith.constant 64 : index
        %get3A_375 = tpu.vector_load %arg7[%get3A_373, %get3A_374] {strides = array<i32>} : memref<400x80xf32, #tpu.memory_space<vmem>>, vector<1x16xf32>,
        %get3A_376 = vector.shape_cast %get3A_375 : vector<1x16xf32> to vector<16xf32>
        %get3A_377 = arith.index_cast %add3A_372 : i32 to index
        %get3A_378 = arith.constant 0 : index
        %get3A_379 = tpu.vector_load %arg8[%get3A_377, %get3A_378] {strides = array<i32>} : memref<400x16xf32, #tpu.memory_space<vmem>>, vector<1x16xf32>,
        %get3A_380 = vector.shape_cast %get3A_379 : vector<1x16xf32> to vector<16xf32>
        %add3A_381 = arith.addf %get3A_376, %get3A_380 : vector<16xf32>
        %mul3A_382 = arith.constant 2.000000e-01 : f32
        %mul3A_383 = vector.broadcast %mul3A_382 : f32 to vector<16xf32>
        %mul3A_384 = arith.mulf %mul3A_383, %add3A_381 : vector<16xf32>
        %max3A_385 = arith.maximumf %add3A_381, %mul3A_384 : vector<16xf32>
        %exp3A_386 = math.exp %max3A_385 : vector<16xf32>
        %slice3A_387 = vector.extract_strided_slice %get3A_57 {offsets = [4], sizes = [1], strides = [1]} : vector<16xf32> to vector<1xf32>
        %squeeze3A_388 = vector.extract %slice3A_387[0] : f32 from vector<1xf32>
        %mul3A_389 = vector.broadcast %squeeze3A_388 : f32 to vector<16xf32>
        %mul3A_390 = arith.mulf %exp3A_386, %mul3A_389 : vector<16xf32>
        %swap3A_391 = arith.index_cast %add3A_372 : i32 to index
        %swap3A_392 = arith.constant 64 : index
        %swap3A_393 = tpu.vector_load %arg9[%swap3A_391, %swap3A_392] {strides = array<i32>} : memref<400x80xf32, #tpu.memory_space<vmem>>, vector<1x16xf32>,
        %swap3A_394 = vector.shape_cast %swap3A_393 : vector<1x16xf32> to vector<16xf32>
        %swap3A_395 = vector.shape_cast %mul3A_390 : vector<16xf32> to vector<1x16xf32>
        tpu.vector_store %arg9[%swap3A_391, %swap3A_392], %swap3A_395 {strides = array<i32>} : memref<400x80xf32, #tpu.memory_space<vmem>>, vector<1x16xf32>,
        %get3A_396 = arith.index_cast %add3A_372 : i32 to index
        %get3A_397 = arith.constant 0 : index
        %get3A_398 = tpu.vector_load %arg7[%get3A_396, %get3A_397] {strides = array<i32>} : memref<400x80xf32, #tpu.memory_space<vmem>>, vector<1x16xf32>,
        %get3A_399 = vector.shape_cast %get3A_398 : vector<1x16xf32> to vector<16xf32>
        %slice3A_400 = vector.extract_strided_slice %mul3A_390 {offsets = [12], sizes = [1], strides = [1]} : vector<16xf32> to vector<1xf32>
        %squeeze3A_401 = vector.extract %slice3A_400[0] : f32 from vector<1xf32>
        %mul3A_402 = vector.broadcast %squeeze3A_401 : f32 to vector<16xf32>
        %mul3A_403 = arith.mulf %get3A_399, %mul3A_402 : vector<16xf32>
        %swap3A_404 = arith.index_cast %add3A_372 : i32 to index
        %swap3A_405 = arith.constant 0 : index
        %swap3A_406 = tpu.vector_load %arg9[%swap3A_404, %swap3A_405] {strides = array<i32>} : memref<400x80xf32, #tpu.memory_space<vmem>>, vector<1x16xf32>,
        %swap3A_407 = vector.shape_cast %swap3A_406 : vector<1x16xf32> to vector<16xf32>
        %swap3A_408 = vector.shape_cast %mul3A_403 : vector<16xf32> to vector<1x16xf32>
        tpu.vector_store %arg9[%swap3A_404, %swap3A_405], %swap3A_408 {strides = array<i32>} : memref<400x80xf32, #tpu.memory_space<vmem>>, vector<1x16xf32>,
        %get3A_409 = arith.index_cast %add3A_372 : i32 to index
        %get3A_410 = arith.constant 16 : index
        %get3A_411 = tpu.vector_load %arg7[%get3A_409, %get3A_410] {strides = array<i32>} : memref<400x80xf32, #tpu.memory_space<vmem>>, vector<1x16xf32>,
        %get3A_412 = vector.shape_cast %get3A_411 : vector<1x16xf32> to vector<16xf32>
        %slice3A_413 = vector.extract_strided_slice %mul3A_390 {offsets = [13], sizes = [1], strides = [1]} : vector<16xf32> to vector<1xf32>
        %squeeze3A_414 = vector.extract %slice3A_413[0] : f32 from vector<1xf32>
        %mul3A_415 = vector.broadcast %squeeze3A_414 : f32 to vector<16xf32>
        %mul3A_416 = arith.mulf %get3A_412, %mul3A_415 : vector<16xf32>
        %swap3A_417 = arith.index_cast %add3A_372 : i32 to index
        %swap3A_418 = arith.constant 16 : index
        %swap3A_419 = tpu.vector_load %arg9[%swap3A_417, %swap3A_418] {strides = array<i32>} : memref<400x80xf32, #tpu.memory_space<vmem>>, vector<1x16xf32>,
        %swap3A_420 = vector.shape_cast %swap3A_419 : vector<1x16xf32> to vector<16xf32>
        %swap3A_421 = vector.shape_cast %mul3A_416 : vector<16xf32> to vector<1x16xf32>
        tpu.vector_store %arg9[%swap3A_417, %swap3A_418], %swap3A_421 {strides = array<i32>} : memref<400x80xf32, #tpu.memory_space<vmem>>, vector<1x16xf32>,
        %get3A_422 = arith.index_cast %add3A_372 : i32 to index
        %get3A_423 = arith.constant 32 : index
        %get3A_424 = tpu.vector_load %arg7[%get3A_422, %get3A_423] {strides = array<i32>} : memref<400x80xf32, #tpu.memory_space<vmem>>, vector<1x16xf32>,
        %get3A_425 = vector.shape_cast %get3A_424 : vector<1x16xf32> to vector<16xf32>
        %slice3A_426 = vector.extract_strided_slice %mul3A_390 {offsets = [14], sizes = [1], strides = [1]} : vector<16xf32> to vector<1xf32>
        %squeeze3A_427 = vector.extract %slice3A_426[0] : f32 from vector<1xf32>
        %mul3A_428 = vector.broadcast %squeeze3A_427 : f32 to vector<16xf32>
        %mul3A_429 = arith.mulf %get3A_425, %mul3A_428 : vector<16xf32>
        %swap3A_430 = arith.index_cast %add3A_372 : i32 to index
        %swap3A_431 = arith.constant 32 : index
        %swap3A_432 = tpu.vector_load %arg9[%swap3A_430, %swap3A_431] {strides = array<i32>} : memref<400x80xf32, #tpu.memory_space<vmem>>, vector<1x16xf32>,
        %swap3A_433 = vector.shape_cast %swap3A_432 : vector<1x16xf32> to vector<16xf32>
        %swap3A_434 = vector.shape_cast %mul3A_429 : vector<16xf32> to vector<1x16xf32>
        tpu.vector_store %arg9[%swap3A_430, %swap3A_431], %swap3A_434 {strides = array<i32>} : memref<400x80xf32, #tpu.memory_space<vmem>>, vector<1x16xf32>,
        %get3A_435 = arith.index_cast %add3A_372 : i32 to index
        %get3A_436 = arith.constant 48 : index
        %get3A_437 = tpu.vector_load %arg7[%get3A_435, %get3A_436] {strides = array<i32>} : memref<400x80xf32, #tpu.memory_space<vmem>>, vector<1x16xf32>,
        %get3A_438 = vector.shape_cast %get3A_437 : vector<1x16xf32> to vector<16xf32>
        %slice3A_439 = vector.extract_strided_slice %mul3A_390 {offsets = [15], sizes = [1], strides = [1]} : vector<16xf32> to vector<1xf32>
        %squeeze3A_440 = vector.extract %slice3A_439[0] : f32 from vector<1xf32>
        %mul3A_441 = vector.broadcast %squeeze3A_440 : f32 to vector<16xf32>
        %mul3A_442 = arith.mulf %get3A_438, %mul3A_441 : vector<16xf32>
        %swap3A_443 = arith.index_cast %add3A_372 : i32 to index
        %swap3A_444 = arith.constant 48 : index
        %swap3A_445 = tpu.vector_load %arg9[%swap3A_443, %swap3A_444] {strides = array<i32>} : memref<400x80xf32, #tpu.memory_space<vmem>>, vector<1x16xf32>,
        %swap3A_446 = vector.shape_cast %swap3A_445 : vector<1x16xf32> to vector<16xf32>
        %swap3A_447 = vector.shape_cast %mul3A_442 : vector<16xf32> to vector<1x16xf32>
        tpu.vector_store %arg9[%swap3A_443, %swap3A_444], %swap3A_447 {strides = array<i32>} : memref<400x80xf32, #tpu.memory_space<vmem>>, vector<1x16xf32>,
        %mul3A_448 = arith.constant 16 : i32
        %mul3A_449 = arith.muli %scan3A_52, %mul3A_448 : i32
        %add3A_450 = arith.constant 5 : i32
        %add3A_451 = arith.addi %mul3A_449, %add3A_450 : i32
        %get3A_452 = arith.index_cast %add3A_451 : i32 to index
        %get3A_453 = arith.constant 64 : index
        %get3A_454 = tpu.vector_load %arg7[%get3A_452, %get3A_453] {strides = array<i32>} : memref<400x80xf32, #tpu.memory_space<vmem>>, vector<1x16xf32>,
        %get3A_455 = vector.shape_cast %get3A_454 : vector<1x16xf32> to vector<16xf32>
        %get3A_456 = arith.index_cast %add3A_451 : i32 to index
        %get3A_457 = arith.constant 0 : index
        %get3A_458 = tpu.vector_load %arg8[%get3A_456, %get3A_457] {strides = array<i32>} : memref<400x16xf32, #tpu.memory_space<vmem>>, vector<1x16xf32>,
        %get3A_459 = vector.shape_cast %get3A_458 : vector<1x16xf32> to vector<16xf32>
        %add3A_460 = arith.addf %get3A_455, %get3A_459 : vector<16xf32>
        %mul3A_461 = arith.constant 2.000000e-01 : f32
        %mul3A_462 = vector.broadcast %mul3A_461 : f32 to vector<16xf32>
        %mul3A_463 = arith.mulf %mul3A_462, %add3A_460 : vector<16xf32>
        %max3A_464 = arith.maximumf %add3A_460, %mul3A_463 : vector<16xf32>
        %exp3A_465 = math.exp %max3A_464 : vector<16xf32>
        %slice3A_466 = vector.extract_strided_slice %get3A_57 {offsets = [5], sizes = [1], strides = [1]} : vector<16xf32> to vector<1xf32>
        %squeeze3A_467 = vector.extract %slice3A_466[0] : f32 from vector<1xf32>
        %mul3A_468 = vector.broadcast %squeeze3A_467 : f32 to vector<16xf32>
        %mul3A_469 = arith.mulf %exp3A_465, %mul3A_468 : vector<16xf32>
        %swap3A_470 = arith.index_cast %add3A_451 : i32 to index
        %swap3A_471 = arith.constant 64 : index
        %swap3A_472 = tpu.vector_load %arg9[%swap3A_470, %swap3A_471] {strides = array<i32>} : memref<400x80xf32, #tpu.memory_space<vmem>>, vector<1x16xf32>,
        %swap3A_473 = vector.shape_cast %swap3A_472 : vector<1x16xf32> to vector<16xf32>
        %swap3A_474 = vector.shape_cast %mul3A_469 : vector<16xf32> to vector<1x16xf32>
        tpu.vector_store %arg9[%swap3A_470, %swap3A_471], %swap3A_474 {strides = array<i32>} : memref<400x80xf32, #tpu.memory_space<vmem>>, vector<1x16xf32>,
        %get3A_475 = arith.index_cast %add3A_451 : i32 to index
        %get3A_476 = arith.constant 0 : index
        %get3A_477 = tpu.vector_load %arg7[%get3A_475, %get3A_476] {strides = array<i32>} : memref<400x80xf32, #tpu.memory_space<vmem>>, vector<1x16xf32>,
        %get3A_478 = vector.shape_cast %get3A_477 : vector<1x16xf32> to vector<16xf32>
        %slice3A_479 = vector.extract_strided_slice %mul3A_469 {offsets = [12], sizes = [1], strides = [1]} : vector<16xf32> to vector<1xf32>
        %squeeze3A_480 = vector.extract %slice3A_479[0] : f32 from vector<1xf32>
        %mul3A_481 = vector.broadcast %squeeze3A_480 : f32 to vector<16xf32>
        %mul3A_482 = arith.mulf %get3A_478, %mul3A_481 : vector<16xf32>
        %swap3A_483 = arith.index_cast %add3A_451 : i32 to index
        %swap3A_484 = arith.constant 0 : index
        %swap3A_485 = tpu.vector_load %arg9[%swap3A_483, %swap3A_484] {strides = array<i32>} : memref<400x80xf32, #tpu.memory_space<vmem>>, vector<1x16xf32>,
        %swap3A_486 = vector.shape_cast %swap3A_485 : vector<1x16xf32> to vector<16xf32>
        %swap3A_487 = vector.shape_cast %mul3A_482 : vector<16xf32> to vector<1x16xf32>
        tpu.vector_store %arg9[%swap3A_483, %swap3A_484], %swap3A_487 {strides = array<i32>} : memref<400x80xf32, #tpu.memory_space<vmem>>, vector<1x16xf32>,
        %get3A_488 = arith.index_cast %add3A_451 : i32 to index
        %get3A_489 = arith.constant 16 : index
        %get3A_490 = tpu.vector_load %arg7[%get3A_488, %get3A_489] {strides = array<i32>} : memref<400x80xf32, #tpu.memory_space<vmem>>, vector<1x16xf32>,
        %get3A_491 = vector.shape_cast %get3A_490 : vector<1x16xf32> to vector<16xf32>
        %slice3A_492 = vector.extract_strided_slice %mul3A_469 {offsets = [13], sizes = [1], strides = [1]} : vector<16xf32> to vector<1xf32>
        %squeeze3A_493 = vector.extract %slice3A_492[0] : f32 from vector<1xf32>
        %mul3A_494 = vector.broadcast %squeeze3A_493 : f32 to vector<16xf32>
        %mul3A_495 = arith.mulf %get3A_491, %mul3A_494 : vector<16xf32>
        %swap3A_496 = arith.index_cast %add3A_451 : i32 to index
        %swap3A_497 = arith.constant 16 : index
        %swap3A_498 = tpu.vector_load %arg9[%swap3A_496, %swap3A_497] {strides = array<i32>} : memref<400x80xf32, #tpu.memory_space<vmem>>, vector<1x16xf32>,
        %swap3A_499 = vector.shape_cast %swap3A_498 : vector<1x16xf32> to vector<16xf32>
        %swap3A_500 = vector.shape_cast %mul3A_495 : vector<16xf32> to vector<1x16xf32>
        tpu.vector_store %arg9[%swap3A_496, %swap3A_497], %swap3A_500 {strides = array<i32>} : memref<400x80xf32, #tpu.memory_space<vmem>>, vector<1x16xf32>,
        %get3A_501 = arith.index_cast %add3A_451 : i32 to index
        %get3A_502 = arith.constant 32 : index
        %get3A_503 = tpu.vector_load %arg7[%get3A_501, %get3A_502] {strides = array<i32>} : memref<400x80xf32, #tpu.memory_space<vmem>>, vector<1x16xf32>,
        %get3A_504 = vector.shape_cast %get3A_503 : vector<1x16xf32> to vector<16xf32>
        %slice3A_505 = vector.extract_strided_slice %mul3A_469 {offsets = [14], sizes = [1], strides = [1]} : vector<16xf32> to vector<1xf32>
        %squeeze3A_506 = vector.extract %slice3A_505[0] : f32 from vector<1xf32>
        %mul3A_507 = vector.broadcast %squeeze3A_506 : f32 to vector<16xf32>
        %mul3A_508 = arith.mulf %get3A_504, %mul3A_507 : vector<16xf32>
        %swap3A_509 = arith.index_cast %add3A_451 : i32 to index
        %swap3A_510 = arith.constant 32 : index
        %swap3A_511 = tpu.vector_load %arg9[%swap3A_509, %swap3A_510] {strides = array<i32>} : memref<400x80xf32, #tpu.memory_space<vmem>>, vector<1x16xf32>,
        %swap3A_512 = vector.shape_cast %swap3A_511 : vector<1x16xf32> to vector<16xf32>
        %swap3A_513 = vector.shape_cast %mul3A_508 : vector<16xf32> to vector<1x16xf32>
        tpu.vector_store %arg9[%swap3A_509, %swap3A_510], %swap3A_513 {strides = array<i32>} : memref<400x80xf32, #tpu.memory_space<vmem>>, vector<1x16xf32>,
        %get3A_514 = arith.index_cast %add3A_451 : i32 to index
        %get3A_515 = arith.constant 48 : index
        %get3A_516 = tpu.vector_load %arg7[%get3A_514, %get3A_515] {strides = array<i32>} : memref<400x80xf32, #tpu.memory_space<vmem>>, vector<1x16xf32>,
        %get3A_517 = vector.shape_cast %get3A_516 : vector<1x16xf32> to vector<16xf32>
        %slice3A_518 = vector.extract_strided_slice %mul3A_469 {offsets = [15], sizes = [1], strides = [1]} : vector<16xf32> to vector<1xf32>
        %squeeze3A_519 = vector.extract %slice3A_518[0] : f32 from vector<1xf32>
        %mul3A_520 = vector.broadcast %squeeze3A_519 : f32 to vector<16xf32>
        %mul3A_521 = arith.mulf %get3A_517, %mul3A_520 : vector<16xf32>
        %swap3A_522 = arith.index_cast %add3A_451 : i32 to index
        %swap3A_523 = arith.constant 48 : index
        %swap3A_524 = tpu.vector_load %arg9[%swap3A_522, %swap3A_523] {strides = array<i32>} : memref<400x80xf32, #tpu.memory_space<vmem>>, vector<1x16xf32>,
        %swap3A_525 = vector.shape_cast %swap3A_524 : vector<1x16xf32> to vector<16xf32>
        %swap3A_526 = vector.shape_cast %mul3A_521 : vector<16xf32> to vector<1x16xf32>
        tpu.vector_store %arg9[%swap3A_522, %swap3A_523], %swap3A_526 {strides = array<i32>} : memref<400x80xf32, #tpu.memory_space<vmem>>, vector<1x16xf32>,
        %mul3A_527 = arith.constant 16 : i32
        %mul3A_528 = arith.muli %scan3A_52, %mul3A_527 : i32
        %add3A_529 = arith.constant 6 : i32
        %add3A_530 = arith.addi %mul3A_528, %add3A_529 : i32
        %get3A_531 = arith.index_cast %add3A_530 : i32 to index
        %get3A_532 = arith.constant 64 : index
        %get3A_533 = tpu.vector_load %arg7[%get3A_531, %get3A_532] {strides = array<i32>} : memref<400x80xf32, #tpu.memory_space<vmem>>, vector<1x16xf32>,
        %get3A_534 = vector.shape_cast %get3A_533 : vector<1x16xf32> to vector<16xf32>
        %get3A_535 = arith.index_cast %add3A_530 : i32 to index
        %get3A_536 = arith.constant 0 : index
        %get3A_537 = tpu.vector_load %arg8[%get3A_535, %get3A_536] {strides = array<i32>} : memref<400x16xf32, #tpu.memory_space<vmem>>, vector<1x16xf32>,
        %get3A_538 = vector.shape_cast %get3A_537 : vector<1x16xf32> to vector<16xf32>
        %add3A_539 = arith.addf %get3A_534, %get3A_538 : vector<16xf32>
        %mul3A_540 = arith.constant 2.000000e-01 : f32
        %mul3A_541 = vector.broadcast %mul3A_540 : f32 to vector<16xf32>
        %mul3A_542 = arith.mulf %mul3A_541, %add3A_539 : vector<16xf32>
        %max3A_543 = arith.maximumf %add3A_539, %mul3A_542 : vector<16xf32>
        %exp3A_544 = math.exp %max3A_543 : vector<16xf32>
        %slice3A_545 = vector.extract_strided_slice %get3A_57 {offsets = [6], sizes = [1], strides = [1]} : vector<16xf32> to vector<1xf32>
        %squeeze3A_546 = vector.extract %slice3A_545[0] : f32 from vector<1xf32>
        %mul3A_547 = vector.broadcast %squeeze3A_546 : f32 to vector<16xf32>
        %mul3A_548 = arith.mulf %exp3A_544, %mul3A_547 : vector<16xf32>
        %swap3A_549 = arith.index_cast %add3A_530 : i32 to index
        %swap3A_550 = arith.constant 64 : index
        %swap3A_551 = tpu.vector_load %arg9[%swap3A_549, %swap3A_550] {strides = array<i32>} : memref<400x80xf32, #tpu.memory_space<vmem>>, vector<1x16xf32>,
        %swap3A_552 = vector.shape_cast %swap3A_551 : vector<1x16xf32> to vector<16xf32>
        %swap3A_553 = vector.shape_cast %mul3A_548 : vector<16xf32> to vector<1x16xf32>
        tpu.vector_store %arg9[%swap3A_549, %swap3A_550], %swap3A_553 {strides = array<i32>} : memref<400x80xf32, #tpu.memory_space<vmem>>, vector<1x16xf32>,
        %get3A_554 = arith.index_cast %add3A_530 : i32 to index
        %get3A_555 = arith.constant 0 : index
        %get3A_556 = tpu.vector_load %arg7[%get3A_554, %get3A_555] {strides = array<i32>} : memref<400x80xf32, #tpu.memory_space<vmem>>, vector<1x16xf32>,
        %get3A_557 = vector.shape_cast %get3A_556 : vector<1x16xf32> to vector<16xf32>
        %slice3A_558 = vector.extract_strided_slice %mul3A_548 {offsets = [12], sizes = [1], strides = [1]} : vector<16xf32> to vector<1xf32>
        %squeeze3A_559 = vector.extract %slice3A_558[0] : f32 from vector<1xf32>
        %mul3A_560 = vector.broadcast %squeeze3A_559 : f32 to vector<16xf32>
        %mul3A_561 = arith.mulf %get3A_557, %mul3A_560 : vector<16xf32>
        %swap3A_562 = arith.index_cast %add3A_530 : i32 to index
        %swap3A_563 = arith.constant 0 : index
        %swap3A_564 = tpu.vector_load %arg9[%swap3A_562, %swap3A_563] {strides = array<i32>} : memref<400x80xf32, #tpu.memory_space<vmem>>, vector<1x16xf32>,
        %swap3A_565 = vector.shape_cast %swap3A_564 : vector<1x16xf32> to vector<16xf32>
        %swap3A_566 = vector.shape_cast %mul3A_561 : vector<16xf32> to vector<1x16xf32>
        tpu.vector_store %arg9[%swap3A_562, %swap3A_563], %swap3A_566 {strides = array<i32>} : memref<400x80xf32, #tpu.memory_space<vmem>>, vector<1x16xf32>,
        %get3A_567 = arith.index_cast %add3A_530 : i32 to index
        %get3A_568 = arith.constant 16 : index
        %get3A_569 = tpu.vector_load %arg7[%get3A_567, %get3A_568] {strides = array<i32>} : memref<400x80xf32, #tpu.memory_space<vmem>>, vector<1x16xf32>,
        %get3A_570 = vector.shape_cast %get3A_569 : vector<1x16xf32> to vector<16xf32>
        %slice3A_571 = vector.extract_strided_slice %mul3A_548 {offsets = [13], sizes = [1], strides = [1]} : vector<16xf32> to vector<1xf32>
        %squeeze3A_572 = vector.extract %slice3A_571[0] : f32 from vector<1xf32>
        %mul3A_573 = vector.broadcast %squeeze3A_572 : f32 to vector<16xf32>
        %mul3A_574 = arith.mulf %get3A_570, %mul3A_573 : vector<16xf32>
        %swap3A_575 = arith.index_cast %add3A_530 : i32 to index
        %swap3A_576 = arith.constant 16 : index
        %swap3A_577 = tpu.vector_load %arg9[%swap3A_575, %swap3A_576] {strides = array<i32>} : memref<400x80xf32, #tpu.memory_space<vmem>>, vector<1x16xf32>,
        %swap3A_578 = vector.shape_cast %swap3A_577 : vector<1x16xf32> to vector<16xf32>
        %swap3A_579 = vector.shape_cast %mul3A_574 : vector<16xf32> to vector<1x16xf32>
        tpu.vector_store %arg9[%swap3A_575, %swap3A_576], %swap3A_579 {strides = array<i32>} : memref<400x80xf32, #tpu.memory_space<vmem>>, vector<1x16xf32>,
        %get3A_580 = arith.index_cast %add3A_530 : i32 to index
        %get3A_581 = arith.constant 32 : index
        %get3A_582 = tpu.vector_load %arg7[%get3A_580, %get3A_581] {strides = array<i32>} : memref<400x80xf32, #tpu.memory_space<vmem>>, vector<1x16xf32>,
        %get3A_583 = vector.shape_cast %get3A_582 : vector<1x16xf32> to vector<16xf32>
        %slice3A_584 = vector.extract_strided_slice %mul3A_548 {offsets = [14], sizes = [1], strides = [1]} : vector<16xf32> to vector<1xf32>
        %squeeze3A_585 = vector.extract %slice3A_584[0] : f32 from vector<1xf32>
        %mul3A_586 = vector.broadcast %squeeze3A_585 : f32 to vector<16xf32>
        %mul3A_587 = arith.mulf %get3A_583, %mul3A_586 : vector<16xf32>
        %swap3A_588 = arith.index_cast %add3A_530 : i32 to index
        %swap3A_589 = arith.constant 32 : index
        %swap3A_590 = tpu.vector_load %arg9[%swap3A_588, %swap3A_589] {strides = array<i32>} : memref<400x80xf32, #tpu.memory_space<vmem>>, vector<1x16xf32>,
        %swap3A_591 = vector.shape_cast %swap3A_590 : vector<1x16xf32> to vector<16xf32>
        %swap3A_592 = vector.shape_cast %mul3A_587 : vector<16xf32> to vector<1x16xf32>
        tpu.vector_store %arg9[%swap3A_588, %swap3A_589], %swap3A_592 {strides = array<i32>} : memref<400x80xf32, #tpu.memory_space<vmem>>, vector<1x16xf32>,
        %get3A_593 = arith.index_cast %add3A_530 : i32 to index
        %get3A_594 = arith.constant 48 : index
        %get3A_595 = tpu.vector_load %arg7[%get3A_593, %get3A_594] {strides = array<i32>} : memref<400x80xf32, #tpu.memory_space<vmem>>, vector<1x16xf32>,
        %get3A_596 = vector.shape_cast %get3A_595 : vector<1x16xf32> to vector<16xf32>
        %slice3A_597 = vector.extract_strided_slice %mul3A_548 {offsets = [15], sizes = [1], strides = [1]} : vector<16xf32> to vector<1xf32>
        %squeeze3A_598 = vector.extract %slice3A_597[0] : f32 from vector<1xf32>
        %mul3A_599 = vector.broadcast %squeeze3A_598 : f32 to vector<16xf32>
        %mul3A_600 = arith.mulf %get3A_596, %mul3A_599 : vector<16xf32>
        %swap3A_601 = arith.index_cast %add3A_530 : i32 to index
        %swap3A_602 = arith.constant 48 : index
        %swap3A_603 = tpu.vector_load %arg9[%swap3A_601, %swap3A_602] {strides = array<i32>} : memref<400x80xf32, #tpu.memory_space<vmem>>, vector<1x16xf32>,
        %swap3A_604 = vector.shape_cast %swap3A_603 : vector<1x16xf32> to vector<16xf32>
        %swap3A_605 = vector.shape_cast %mul3A_600 : vector<16xf32> to vector<1x16xf32>
        tpu.vector_store %arg9[%swap3A_601, %swap3A_602], %swap3A_605 {strides = array<i32>} : memref<400x80xf32, #tpu.memory_space<vmem>>, vector<1x16xf32>,
        %mul3A_606 = arith.constant 16 : i32
        %mul3A_607 = arith.muli %scan3A_52, %mul3A_606 : i32
        %add3A_608 = arith.constant 7 : i32
        %add3A_609 = arith.addi %mul3A_607, %add3A_608 : i32
        %get3A_610 = arith.index_cast %add3A_609 : i32 to index
        %get3A_611 = arith.constant 64 : index
        %get3A_612 = tpu.vector_load %arg7[%get3A_610, %get3A_611] {strides = array<i32>} : memref<400x80xf32, #tpu.memory_space<vmem>>, vector<1x16xf32>,
        %get3A_613 = vector.shape_cast %get3A_612 : vector<1x16xf32> to vector<16xf32>
        %get3A_614 = arith.index_cast %add3A_609 : i32 to index
        %get3A_615 = arith.constant 0 : index
        %get3A_616 = tpu.vector_load %arg8[%get3A_614, %get3A_615] {strides = array<i32>} : memref<400x16xf32, #tpu.memory_space<vmem>>, vector<1x16xf32>,
        %get3A_617 = vector.shape_cast %get3A_616 : vector<1x16xf32> to vector<16xf32>
        %add3A_618 = arith.addf %get3A_613, %get3A_617 : vector<16xf32>
        %mul3A_619 = arith.constant 2.000000e-01 : f32
        %mul3A_620 = vector.broadcast %mul3A_619 : f32 to vector<16xf32>
        %mul3A_621 = arith.mulf %mul3A_620, %add3A_618 : vector<16xf32>
        %max3A_622 = arith.maximumf %add3A_618, %mul3A_621 : vector<16xf32>
        %exp3A_623 = math.exp %max3A_622 : vector<16xf32>
        %slice3A_624 = vector.extract_strided_slice %get3A_57 {offsets = [7], sizes = [1], strides = [1]} : vector<16xf32> to vector<1xf32>
        %squeeze3A_625 = vector.extract %slice3A_624[0] : f32 from vector<1xf32>
        %mul3A_626 = vector.broadcast %squeeze3A_625 : f32 to vector<16xf32>
        %mul3A_627 = arith.mulf %exp3A_623, %mul3A_626 : vector<16xf32>
        %swap3A_628 = arith.index_cast %add3A_609 : i32 to index
        %swap3A_629 = arith.constant 64 : index
        %swap3A_630 = tpu.vector_load %arg9[%swap3A_628, %swap3A_629] {strides = array<i32>} : memref<400x80xf32, #tpu.memory_space<vmem>>, vector<1x16xf32>,
        %swap3A_631 = vector.shape_cast %swap3A_630 : vector<1x16xf32> to vector<16xf32>
        %swap3A_632 = vector.shape_cast %mul3A_627 : vector<16xf32> to vector<1x16xf32>
        tpu.vector_store %arg9[%swap3A_628, %swap3A_629], %swap3A_632 {strides = array<i32>} : memref<400x80xf32, #tpu.memory_space<vmem>>, vector<1x16xf32>,
        %get3A_633 = arith.index_cast %add3A_609 : i32 to index
        %get3A_634 = arith.constant 0 : index
        %get3A_635 = tpu.vector_load %arg7[%get3A_633, %get3A_634] {strides = array<i32>} : memref<400x80xf32, #tpu.memory_space<vmem>>, vector<1x16xf32>,
        %get3A_636 = vector.shape_cast %get3A_635 : vector<1x16xf32> to vector<16xf32>
        %slice3A_637 = vector.extract_strided_slice %mul3A_627 {offsets = [12], sizes = [1], strides = [1]} : vector<16xf32> to vector<1xf32>
        %squeeze3A_638 = vector.extract %slice3A_637[0] : f32 from vector<1xf32>
        %mul3A_639 = vector.broadcast %squeeze3A_638 : f32 to vector<16xf32>
        %mul3A_640 = arith.mulf %get3A_636, %mul3A_639 : vector<16xf32>
        %swap3A_641 = arith.index_cast %add3A_609 : i32 to index
        %swap3A_642 = arith.constant 0 : index
        %swap3A_643 = tpu.vector_load %arg9[%swap3A_641, %swap3A_642] {strides = array<i32>} : memref<400x80xf32, #tpu.memory_space<vmem>>, vector<1x16xf32>,
        %swap3A_644 = vector.shape_cast %swap3A_643 : vector<1x16xf32> to vector<16xf32>
        %swap3A_645 = vector.shape_cast %mul3A_640 : vector<16xf32> to vector<1x16xf32>
        tpu.vector_store %arg9[%swap3A_641, %swap3A_642], %swap3A_645 {strides = array<i32>} : memref<400x80xf32, #tpu.memory_space<vmem>>, vector<1x16xf32>,
        %get3A_646 = arith.index_cast %add3A_609 : i32 to index
        %get3A_647 = arith.constant 16 : index
        %get3A_648 = tpu.vector_load %arg7[%get3A_646, %get3A_647] {strides = array<i32>} : memref<400x80xf32, #tpu.memory_space<vmem>>, vector<1x16xf32>,
        %get3A_649 = vector.shape_cast %get3A_648 : vector<1x16xf32> to vector<16xf32>
        %slice3A_650 = vector.extract_strided_slice %mul3A_627 {offsets = [13], sizes = [1], strides = [1]} : vector<16xf32> to vector<1xf32>
        %squeeze3A_651 = vector.extract %slice3A_650[0] : f32 from vector<1xf32>
        %mul3A_652 = vector.broadcast %squeeze3A_651 : f32 to vector<16xf32>
        %mul3A_653 = arith.mulf %get3A_649, %mul3A_652 : vector<16xf32>
        %swap3A_654 = arith.index_cast %add3A_609 : i32 to index
        %swap3A_655 = arith.constant 16 : index
        %swap3A_656 = tpu.vector_load %arg9[%swap3A_654, %swap3A_655] {strides = array<i32>} : memref<400x80xf32, #tpu.memory_space<vmem>>, vector<1x16xf32>,
        %swap3A_657 = vector.shape_cast %swap3A_656 : vector<1x16xf32> to vector<16xf32>
        %swap3A_658 = vector.shape_cast %mul3A_653 : vector<16xf32> to vector<1x16xf32>
        tpu.vector_store %arg9[%swap3A_654, %swap3A_655], %swap3A_658 {strides = array<i32>} : memref<400x80xf32, #tpu.memory_space<vmem>>, vector<1x16xf32>,
        %get3A_659 = arith.index_cast %add3A_609 : i32 to index
        %get3A_660 = arith.constant 32 : index
        %get3A_661 = tpu.vector_load %arg7[%get3A_659, %get3A_660] {strides = array<i32>} : memref<400x80xf32, #tpu.memory_space<vmem>>, vector<1x16xf32>,
        %get3A_662 = vector.shape_cast %get3A_661 : vector<1x16xf32> to vector<16xf32>
        %slice3A_663 = vector.extract_strided_slice %mul3A_627 {offsets = [14], sizes = [1], strides = [1]} : vector<16xf32> to vector<1xf32>
        %squeeze3A_664 = vector.extract %slice3A_663[0] : f32 from vector<1xf32>
        %mul3A_665 = vector.broadcast %squeeze3A_664 : f32 to vector<16xf32>
        %mul3A_666 = arith.mulf %get3A_662, %mul3A_665 : vector<16xf32>
        %swap3A_667 = arith.index_cast %add3A_609 : i32 to index
        %swap3A_668 = arith.constant 32 : index
        %swap3A_669 = tpu.vector_load %arg9[%swap3A_667, %swap3A_668] {strides = array<i32>} : memref<400x80xf32, #tpu.memory_space<vmem>>, vector<1x16xf32>,
        %swap3A_670 = vector.shape_cast %swap3A_669 : vector<1x16xf32> to vector<16xf32>
        %swap3A_671 = vector.shape_cast %mul3A_666 : vector<16xf32> to vector<1x16xf32>
        tpu.vector_store %arg9[%swap3A_667, %swap3A_668], %swap3A_671 {strides = array<i32>} : memref<400x80xf32, #tpu.memory_space<vmem>>, vector<1x16xf32>,
        %get3A_672 = arith.index_cast %add3A_609 : i32 to index
        %get3A_673 = arith.constant 48 : index
        %get3A_674 = tpu.vector_load %arg7[%get3A_672, %get3A_673] {strides = array<i32>} : memref<400x80xf32, #tpu.memory_space<vmem>>, vector<1x16xf32>,
        %get3A_675 = vector.shape_cast %get3A_674 : vector<1x16xf32> to vector<16xf32>
        %slice3A_676 = vector.extract_strided_slice %mul3A_627 {offsets = [15], sizes = [1], strides = [1]} : vector<16xf32> to vector<1xf32>
        %squeeze3A_677 = vector.extract %slice3A_676[0] : f32 from vector<1xf32>
        %mul3A_678 = vector.broadcast %squeeze3A_677 : f32 to vector<16xf32>
        %mul3A_679 = arith.mulf %get3A_675, %mul3A_678 : vector<16xf32>
        %swap3A_680 = arith.index_cast %add3A_609 : i32 to index
        %swap3A_681 = arith.constant 48 : index
        %swap3A_682 = tpu.vector_load %arg9[%swap3A_680, %swap3A_681] {strides = array<i32>} : memref<400x80xf32, #tpu.memory_space<vmem>>, vector<1x16xf32>,
        %swap3A_683 = vector.shape_cast %swap3A_682 : vector<1x16xf32> to vector<16xf32>
        %swap3A_684 = vector.shape_cast %mul3A_679 : vector<16xf32> to vector<1x16xf32>
        tpu.vector_store %arg9[%swap3A_680, %swap3A_681], %swap3A_684 {strides = array<i32>} : memref<400x80xf32, #tpu.memory_space<vmem>>, vector<1x16xf32>,
        %mul3A_685 = arith.constant 16 : i32
        %mul3A_686 = arith.muli %scan3A_52, %mul3A_685 : i32
        %add3A_687 = arith.constant 8 : i32
        %add3A_688 = arith.addi %mul3A_686, %add3A_687 : i32
        %get3A_689 = arith.index_cast %add3A_688 : i32 to index
        %get3A_690 = arith.constant 64 : index
        %get3A_691 = tpu.vector_load %arg7[%get3A_689, %get3A_690] {strides = array<i32>} : memref<400x80xf32, #tpu.memory_space<vmem>>, vector<1x16xf32>,
        %get3A_692 = vector.shape_cast %get3A_691 : vector<1x16xf32> to vector<16xf32>
        %get3A_693 = arith.index_cast %add3A_688 : i32 to index
        %get3A_694 = arith.constant 0 : index
        %get3A_695 = tpu.vector_load %arg8[%get3A_693, %get3A_694] {strides = array<i32>} : memref<400x16xf32, #tpu.memory_space<vmem>>, vector<1x16xf32>,
        %get3A_696 = vector.shape_cast %get3A_695 : vector<1x16xf32> to vector<16xf32>
        %add3A_697 = arith.addf %get3A_692, %get3A_696 : vector<16xf32>
        %mul3A_698 = arith.constant 2.000000e-01 : f32
        %mul3A_699 = vector.broadcast %mul3A_698 : f32 to vector<16xf32>
        %mul3A_700 = arith.mulf %mul3A_699, %add3A_697 : vector<16xf32>
        %max3A_701 = arith.maximumf %add3A_697, %mul3A_700 : vector<16xf32>
        %exp3A_702 = math.exp %max3A_701 : vector<16xf32>
        %slice3A_703 = vector.extract_strided_slice %get3A_57 {offsets = [8], sizes = [1], strides = [1]} : vector<16xf32> to vector<1xf32>
        %squeeze3A_704 = vector.extract %slice3A_703[0] : f32 from vector<1xf32>
        %mul3A_705 = vector.broadcast %squeeze3A_704 : f32 to vector<16xf32>
        %mul3A_706 = arith.mulf %exp3A_702, %mul3A_705 : vector<16xf32>
        %swap3A_707 = arith.index_cast %add3A_688 : i32 to index
        %swap3A_708 = arith.constant 64 : index
        %swap3A_709 = tpu.vector_load %arg9[%swap3A_707, %swap3A_708] {strides = array<i32>} : memref<400x80xf32, #tpu.memory_space<vmem>>, vector<1x16xf32>,
        %swap3A_710 = vector.shape_cast %swap3A_709 : vector<1x16xf32> to vector<16xf32>
        %swap3A_711 = vector.shape_cast %mul3A_706 : vector<16xf32> to vector<1x16xf32>
        tpu.vector_store %arg9[%swap3A_707, %swap3A_708], %swap3A_711 {strides = array<i32>} : memref<400x80xf32, #tpu.memory_space<vmem>>, vector<1x16xf32>,
        %get3A_712 = arith.index_cast %add3A_688 : i32 to index
        %get3A_713 = arith.constant 0 : index
        %get3A_714 = tpu.vector_load %arg7[%get3A_712, %get3A_713] {strides = array<i32>} : memref<400x80xf32, #tpu.memory_space<vmem>>, vector<1x16xf32>,
        %get3A_715 = vector.shape_cast %get3A_714 : vector<1x16xf32> to vector<16xf32>
        %slice3A_716 = vector.extract_strided_slice %mul3A_706 {offsets = [12], sizes = [1], strides = [1]} : vector<16xf32> to vector<1xf32>
        %squeeze3A_717 = vector.extract %slice3A_716[0] : f32 from vector<1xf32>
        %mul3A_718 = vector.broadcast %squeeze3A_717 : f32 to vector<16xf32>
        %mul3A_719 = arith.mulf %get3A_715, %mul3A_718 : vector<16xf32>
        %swap3A_720 = arith.index_cast %add3A_688 : i32 to index
        %swap3A_721 = arith.constant 0 : index
        %swap3A_722 = tpu.vector_load %arg9[%swap3A_720, %swap3A_721] {strides = array<i32>} : memref<400x80xf32, #tpu.memory_space<vmem>>, vector<1x16xf32>,
        %swap3A_723 = vector.shape_cast %swap3A_722 : vector<1x16xf32> to vector<16xf32>
        %swap3A_724 = vector.shape_cast %mul3A_719 : vector<16xf32> to vector<1x16xf32>
        tpu.vector_store %arg9[%swap3A_720, %swap3A_721], %swap3A_724 {strides = array<i32>} : memref<400x80xf32, #tpu.memory_space<vmem>>, vector<1x16xf32>,
        %get3A_725 = arith.index_cast %add3A_688 : i32 to index
        %get3A_726 = arith.constant 16 : index
        %get3A_727 = tpu.vector_load %arg7[%get3A_725, %get3A_726] {strides = array<i32>} : memref<400x80xf32, #tpu.memory_space<vmem>>, vector<1x16xf32>,
        %get3A_728 = vector.shape_cast %get3A_727 : vector<1x16xf32> to vector<16xf32>
        %slice3A_729 = vector.extract_strided_slice %mul3A_706 {offsets = [13], sizes = [1], strides = [1]} : vector<16xf32> to vector<1xf32>
        %squeeze3A_730 = vector.extract %slice3A_729[0] : f32 from vector<1xf32>
        %mul3A_731 = vector.broadcast %squeeze3A_730 : f32 to vector<16xf32>
        %mul3A_732 = arith.mulf %get3A_728, %mul3A_731 : vector<16xf32>
        %swap3A_733 = arith.index_cast %add3A_688 : i32 to index
        %swap3A_734 = arith.constant 16 : index
        %swap3A_735 = tpu.vector_load %arg9[%swap3A_733, %swap3A_734] {strides = array<i32>} : memref<400x80xf32, #tpu.memory_space<vmem>>, vector<1x16xf32>,
        %swap3A_736 = vector.shape_cast %swap3A_735 : vector<1x16xf32> to vector<16xf32>
        %swap3A_737 = vector.shape_cast %mul3A_732 : vector<16xf32> to vector<1x16xf32>
        tpu.vector_store %arg9[%swap3A_733, %swap3A_734], %swap3A_737 {strides = array<i32>} : memref<400x80xf32, #tpu.memory_space<vmem>>, vector<1x16xf32>,
        %get3A_738 = arith.index_cast %add3A_688 : i32 to index
        %get3A_739 = arith.constant 32 : index
        %get3A_740 = tpu.vector_load %arg7[%get3A_738, %get3A_739] {strides = array<i32>} : memref<400x80xf32, #tpu.memory_space<vmem>>, vector<1x16xf32>,
        %get3A_741 = vector.shape_cast %get3A_740 : vector<1x16xf32> to vector<16xf32>
        %slice3A_742 = vector.extract_strided_slice %mul3A_706 {offsets = [14], sizes = [1], strides = [1]} : vector<16xf32> to vector<1xf32>
        %squeeze3A_743 = vector.extract %slice3A_742[0] : f32 from vector<1xf32>
        %mul3A_744 = vector.broadcast %squeeze3A_743 : f32 to vector<16xf32>
        %mul3A_745 = arith.mulf %get3A_741, %mul3A_744 : vector<16xf32>
        %swap3A_746 = arith.index_cast %add3A_688 : i32 to index
        %swap3A_747 = arith.constant 32 : index
        %swap3A_748 = tpu.vector_load %arg9[%swap3A_746, %swap3A_747] {strides = array<i32>} : memref<400x80xf32, #tpu.memory_space<vmem>>, vector<1x16xf32>,
        %swap3A_749 = vector.shape_cast %swap3A_748 : vector<1x16xf32> to vector<16xf32>
        %swap3A_750 = vector.shape_cast %mul3A_745 : vector<16xf32> to vector<1x16xf32>
        tpu.vector_store %arg9[%swap3A_746, %swap3A_747], %swap3A_750 {strides = array<i32>} : memref<400x80xf32, #tpu.memory_space<vmem>>, vector<1x16xf32>,
        %get3A_751 = arith.index_cast %add3A_688 : i32 to index
        %get3A_752 = arith.constant 48 : index
        %get3A_753 = tpu.vector_load %arg7[%get3A_751, %get3A_752] {strides = array<i32>} : memref<400x80xf32, #tpu.memory_space<vmem>>, vector<1x16xf32>,
        %get3A_754 = vector.shape_cast %get3A_753 : vector<1x16xf32> to vector<16xf32>
        %slice3A_755 = vector.extract_strided_slice %mul3A_706 {offsets = [15], sizes = [1], strides = [1]} : vector<16xf32> to vector<1xf32>
        %squeeze3A_756 = vector.extract %slice3A_755[0] : f32 from vector<1xf32>
        %mul3A_757 = vector.broadcast %squeeze3A_756 : f32 to vector<16xf32>
        %mul3A_758 = arith.mulf %get3A_754, %mul3A_757 : vector<16xf32>
        %swap3A_759 = arith.index_cast %add3A_688 : i32 to index
        %swap3A_760 = arith.constant 48 : index
        %swap3A_761 = tpu.vector_load %arg9[%swap3A_759, %swap3A_760] {strides = array<i32>} : memref<400x80xf32, #tpu.memory_space<vmem>>, vector<1x16xf32>,
        %swap3A_762 = vector.shape_cast %swap3A_761 : vector<1x16xf32> to vector<16xf32>
        %swap3A_763 = vector.shape_cast %mul3A_758 : vector<16xf32> to vector<1x16xf32>
        tpu.vector_store %arg9[%swap3A_759, %swap3A_760], %swap3A_763 {strides = array<i32>} : memref<400x80xf32, #tpu.memory_space<vmem>>, vector<1x16xf32>,
        %mul3A_764 = arith.constant 16 : i32
        %mul3A_765 = arith.muli %scan3A_52, %mul3A_764 : i32
        %add3A_766 = arith.constant 9 : i32
        %add3A_767 = arith.addi %mul3A_765, %add3A_766 : i32
        %get3A_768 = arith.index_cast %add3A_767 : i32 to index
        %get3A_769 = arith.constant 64 : index
        %get3A_770 = tpu.vector_load %arg7[%get3A_768, %get3A_769] {strides = array<i32>} : memref<400x80xf32, #tpu.memory_space<vmem>>, vector<1x16xf32>,
        %get3A_771 = vector.shape_cast %get3A_770 : vector<1x16xf32> to vector<16xf32>
        %get3A_772 = arith.index_cast %add3A_767 : i32 to index
        %get3A_773 = arith.constant 0 : index
        %get3A_774 = tpu.vector_load %arg8[%get3A_772, %get3A_773] {strides = array<i32>} : memref<400x16xf32, #tpu.memory_space<vmem>>, vector<1x16xf32>,
        %get3A_775 = vector.shape_cast %get3A_774 : vector<1x16xf32> to vector<16xf32>
        %add3A_776 = arith.addf %get3A_771, %get3A_775 : vector<16xf32>
        %mul3A_777 = arith.constant 2.000000e-01 : f32
        %mul3A_778 = vector.broadcast %mul3A_777 : f32 to vector<16xf32>
        %mul3A_779 = arith.mulf %mul3A_778, %add3A_776 : vector<16xf32>
        %max3A_780 = arith.maximumf %add3A_776, %mul3A_779 : vector<16xf32>
        %exp3A_781 = math.exp %max3A_780 : vector<16xf32>
        %slice3A_782 = vector.extract_strided_slice %get3A_57 {offsets = [9], sizes = [1], strides = [1]} : vector<16xf32> to vector<1xf32>
        %squeeze3A_783 = vector.extract %slice3A_782[0] : f32 from vector<1xf32>
        %mul3A_784 = vector.broadcast %squeeze3A_783 : f32 to vector<16xf32>
        %mul3A_785 = arith.mulf %exp3A_781, %mul3A_784 : vector<16xf32>
        %swap3A_786 = arith.index_cast %add3A_767 : i32 to index
        %swap3A_787 = arith.constant 64 : index
        %swap3A_788 = tpu.vector_load %arg9[%swap3A_786, %swap3A_787] {strides = array<i32>} : memref<400x80xf32, #tpu.memory_space<vmem>>, vector<1x16xf32>,
        %swap3A_789 = vector.shape_cast %swap3A_788 : vector<1x16xf32> to vector<16xf32>
        %swap3A_790 = vector.shape_cast %mul3A_785 : vector<16xf32> to vector<1x16xf32>
        tpu.vector_store %arg9[%swap3A_786, %swap3A_787], %swap3A_790 {strides = array<i32>} : memref<400x80xf32, #tpu.memory_space<vmem>>, vector<1x16xf32>,
        %get3A_791 = arith.index_cast %add3A_767 : i32 to index
        %get3A_792 = arith.constant 0 : index
        %get3A_793 = tpu.vector_load %arg7[%get3A_791, %get3A_792] {strides = array<i32>} : memref<400x80xf32, #tpu.memory_space<vmem>>, vector<1x16xf32>,
        %get3A_794 = vector.shape_cast %get3A_793 : vector<1x16xf32> to vector<16xf32>
        %slice3A_795 = vector.extract_strided_slice %mul3A_785 {offsets = [12], sizes = [1], strides = [1]} : vector<16xf32> to vector<1xf32>
        %squeeze3A_796 = vector.extract %slice3A_795[0] : f32 from vector<1xf32>
        %mul3A_797 = vector.broadcast %squeeze3A_796 : f32 to vector<16xf32>
        %mul3A_798 = arith.mulf %get3A_794, %mul3A_797 : vector<16xf32>
        %swap3A_799 = arith.index_cast %add3A_767 : i32 to index
        %swap3A_800 = arith.constant 0 : index
        %swap3A_801 = tpu.vector_load %arg9[%swap3A_799, %swap3A_800] {strides = array<i32>} : memref<400x80xf32, #tpu.memory_space<vmem>>, vector<1x16xf32>,
        %swap3A_802 = vector.shape_cast %swap3A_801 : vector<1x16xf32> to vector<16xf32>
        %swap3A_803 = vector.shape_cast %mul3A_798 : vector<16xf32> to vector<1x16xf32>
        tpu.vector_store %arg9[%swap3A_799, %swap3A_800], %swap3A_803 {strides = array<i32>} : memref<400x80xf32, #tpu.memory_space<vmem>>, vector<1x16xf32>,
        %get3A_804 = arith.index_cast %add3A_767 : i32 to index
        %get3A_805 = arith.constant 16 : index
        %get3A_806 = tpu.vector_load %arg7[%get3A_804, %get3A_805] {strides = array<i32>} : memref<400x80xf32, #tpu.memory_space<vmem>>, vector<1x16xf32>,
        %get3A_807 = vector.shape_cast %get3A_806 : vector<1x16xf32> to vector<16xf32>
        %slice3A_808 = vector.extract_strided_slice %mul3A_785 {offsets = [13], sizes = [1], strides = [1]} : vector<16xf32> to vector<1xf32>
        %squeeze3A_809 = vector.extract %slice3A_808[0] : f32 from vector<1xf32>
        %mul3A_810 = vector.broadcast %squeeze3A_809 : f32 to vector<16xf32>
        %mul3A_811 = arith.mulf %get3A_807, %mul3A_810 : vector<16xf32>
        %swap3A_812 = arith.index_cast %add3A_767 : i32 to index
        %swap3A_813 = arith.constant 16 : index
        %swap3A_814 = tpu.vector_load %arg9[%swap3A_812, %swap3A_813] {strides = array<i32>} : memref<400x80xf32, #tpu.memory_space<vmem>>, vector<1x16xf32>,
        %swap3A_815 = vector.shape_cast %swap3A_814 : vector<1x16xf32> to vector<16xf32>
        %swap3A_816 = vector.shape_cast %mul3A_811 : vector<16xf32> to vector<1x16xf32>
        tpu.vector_store %arg9[%swap3A_812, %swap3A_813], %swap3A_816 {strides = array<i32>} : memref<400x80xf32, #tpu.memory_space<vmem>>, vector<1x16xf32>,
        %get3A_817 = arith.index_cast %add3A_767 : i32 to index
        %get3A_818 = arith.constant 32 : index
        %get3A_819 = tpu.vector_load %arg7[%get3A_817, %get3A_818] {strides = array<i32>} : memref<400x80xf32, #tpu.memory_space<vmem>>, vector<1x16xf32>,
        %get3A_820 = vector.shape_cast %get3A_819 : vector<1x16xf32> to vector<16xf32>
        %slice3A_821 = vector.extract_strided_slice %mul3A_785 {offsets = [14], sizes = [1], strides = [1]} : vector<16xf32> to vector<1xf32>
        %squeeze3A_822 = vector.extract %slice3A_821[0] : f32 from vector<1xf32>
        %mul3A_823 = vector.broadcast %squeeze3A_822 : f32 to vector<16xf32>
        %mul3A_824 = arith.mulf %get3A_820, %mul3A_823 : vector<16xf32>
        %swap3A_825 = arith.index_cast %add3A_767 : i32 to index
        %swap3A_826 = arith.constant 32 : index
        %swap3A_827 = tpu.vector_load %arg9[%swap3A_825, %swap3A_826] {strides = array<i32>} : memref<400x80xf32, #tpu.memory_space<vmem>>, vector<1x16xf32>,
        %swap3A_828 = vector.shape_cast %swap3A_827 : vector<1x16xf32> to vector<16xf32>
        %swap3A_829 = vector.shape_cast %mul3A_824 : vector<16xf32> to vector<1x16xf32>
        tpu.vector_store %arg9[%swap3A_825, %swap3A_826], %swap3A_829 {strides = array<i32>} : memref<400x80xf32, #tpu.memory_space<vmem>>, vector<1x16xf32>,
        %get3A_830 = arith.index_cast %add3A_767 : i32 to index
        %get3A_831 = arith.constant 48 : index
        %get3A_832 = tpu.vector_load %arg7[%get3A_830, %get3A_831] {strides = array<i32>} : memref<400x80xf32, #tpu.memory_space<vmem>>, vector<1x16xf32>,
        %get3A_833 = vector.shape_cast %get3A_832 : vector<1x16xf32> to vector<16xf32>
        %slice3A_834 = vector.extract_strided_slice %mul3A_785 {offsets = [15], sizes = [1], strides = [1]} : vector<16xf32> to vector<1xf32>
        %squeeze3A_835 = vector.extract %slice3A_834[0] : f32 from vector<1xf32>
        %mul3A_836 = vector.broadcast %squeeze3A_835 : f32 to vector<16xf32>
        %mul3A_837 = arith.mulf %get3A_833, %mul3A_836 : vector<16xf32>
        %swap3A_838 = arith.index_cast %add3A_767 : i32 to index
        %swap3A_839 = arith.constant 48 : index
        %swap3A_840 = tpu.vector_load %arg9[%swap3A_838, %swap3A_839] {strides = array<i32>} : memref<400x80xf32, #tpu.memory_space<vmem>>, vector<1x16xf32>,
        %swap3A_841 = vector.shape_cast %swap3A_840 : vector<1x16xf32> to vector<16xf32>
        %swap3A_842 = vector.shape_cast %mul3A_837 : vector<16xf32> to vector<1x16xf32>
        tpu.vector_store %arg9[%swap3A_838, %swap3A_839], %swap3A_842 {strides = array<i32>} : memref<400x80xf32, #tpu.memory_space<vmem>>, vector<1x16xf32>,
        %mul3A_843 = arith.constant 16 : i32
        %mul3A_844 = arith.muli %scan3A_52, %mul3A_843 : i32
        %add3A_845 = arith.constant 10 : i32
        %add3A_846 = arith.addi %mul3A_844, %add3A_845 : i32
        %get3A_847 = arith.index_cast %add3A_846 : i32 to index
        %get3A_848 = arith.constant 64 : index
        %get3A_849 = tpu.vector_load %arg7[%get3A_847, %get3A_848] {strides = array<i32>} : memref<400x80xf32, #tpu.memory_space<vmem>>, vector<1x16xf32>,
        %get3A_850 = vector.shape_cast %get3A_849 : vector<1x16xf32> to vector<16xf32>
        %get3A_851 = arith.index_cast %add3A_846 : i32 to index
        %get3A_852 = arith.constant 0 : index
        %get3A_853 = tpu.vector_load %arg8[%get3A_851, %get3A_852] {strides = array<i32>} : memref<400x16xf32, #tpu.memory_space<vmem>>, vector<1x16xf32>,
        %get3A_854 = vector.shape_cast %get3A_853 : vector<1x16xf32> to vector<16xf32>
        %add3A_855 = arith.addf %get3A_850, %get3A_854 : vector<16xf32>
        %mul3A_856 = arith.constant 2.000000e-01 : f32
        %mul3A_857 = vector.broadcast %mul3A_856 : f32 to vector<16xf32>
        %mul3A_858 = arith.mulf %mul3A_857, %add3A_855 : vector<16xf32>
        %max3A_859 = arith.maximumf %add3A_855, %mul3A_858 : vector<16xf32>
        %exp3A_860 = math.exp %max3A_859 : vector<16xf32>
        %slice3A_861 = vector.extract_strided_slice %get3A_57 {offsets = [10], sizes = [1], strides = [1]} : vector<16xf32> to vector<1xf32>
        %squeeze3A_862 = vector.extract %slice3A_861[0] : f32 from vector<1xf32>
        %mul3A_863 = vector.broadcast %squeeze3A_862 : f32 to vector<16xf32>
        %mul3A_864 = arith.mulf %exp3A_860, %mul3A_863 : vector<16xf32>
        %swap3A_865 = arith.index_cast %add3A_846 : i32 to index
        %swap3A_866 = arith.constant 64 : index
        %swap3A_867 = tpu.vector_load %arg9[%swap3A_865, %swap3A_866] {strides = array<i32>} : memref<400x80xf32, #tpu.memory_space<vmem>>, vector<1x16xf32>,
        %swap3A_868 = vector.shape_cast %swap3A_867 : vector<1x16xf32> to vector<16xf32>
        %swap3A_869 = vector.shape_cast %mul3A_864 : vector<16xf32> to vector<1x16xf32>
        tpu.vector_store %arg9[%swap3A_865, %swap3A_866], %swap3A_869 {strides = array<i32>} : memref<400x80xf32, #tpu.memory_space<vmem>>, vector<1x16xf32>,
        %get3A_870 = arith.index_cast %add3A_846 : i32 to index
        %get3A_871 = arith.constant 0 : index
        %get3A_872 = tpu.vector_load %arg7[%get3A_870, %get3A_871] {strides = array<i32>} : memref<400x80xf32, #tpu.memory_space<vmem>>, vector<1x16xf32>,
        %get3A_873 = vector.shape_cast %get3A_872 : vector<1x16xf32> to vector<16xf32>
        %slice3A_874 = vector.extract_strided_slice %mul3A_864 {offsets = [12], sizes = [1], strides = [1]} : vector<16xf32> to vector<1xf32>
        %squeeze3A_875 = vector.extract %slice3A_874[0] : f32 from vector<1xf32>
        %mul3A_876 = vector.broadcast %squeeze3A_875 : f32 to vector<16xf32>
        %mul3A_877 = arith.mulf %get3A_873, %mul3A_876 : vector<16xf32>
        %swap3A_878 = arith.index_cast %add3A_846 : i32 to index
        %swap3A_879 = arith.constant 0 : index
        %swap3A_880 = tpu.vector_load %arg9[%swap3A_878, %swap3A_879] {strides = array<i32>} : memref<400x80xf32, #tpu.memory_space<vmem>>, vector<1x16xf32>,
        %swap3A_881 = vector.shape_cast %swap3A_880 : vector<1x16xf32> to vector<16xf32>
        %swap3A_882 = vector.shape_cast %mul3A_877 : vector<16xf32> to vector<1x16xf32>
        tpu.vector_store %arg9[%swap3A_878, %swap3A_879], %swap3A_882 {strides = array<i32>} : memref<400x80xf32, #tpu.memory_space<vmem>>, vector<1x16xf32>,
        %get3A_883 = arith.index_cast %add3A_846 : i32 to index
        %get3A_884 = arith.constant 16 : index
        %get3A_885 = tpu.vector_load %arg7[%get3A_883, %get3A_884] {strides = array<i32>} : memref<400x80xf32, #tpu.memory_space<vmem>>, vector<1x16xf32>,
        %get3A_886 = vector.shape_cast %get3A_885 : vector<1x16xf32> to vector<16xf32>
        %slice3A_887 = vector.extract_strided_slice %mul3A_864 {offsets = [13], sizes = [1], strides = [1]} : vector<16xf32> to vector<1xf32>
        %squeeze3A_888 = vector.extract %slice3A_887[0] : f32 from vector<1xf32>
        %mul3A_889 = vector.broadcast %squeeze3A_888 : f32 to vector<16xf32>
        %mul3A_890 = arith.mulf %get3A_886, %mul3A_889 : vector<16xf32>
        %swap3A_891 = arith.index_cast %add3A_846 : i32 to index
        %swap3A_892 = arith.constant 16 : index
        %swap3A_893 = tpu.vector_load %arg9[%swap3A_891, %swap3A_892] {strides = array<i32>} : memref<400x80xf32, #tpu.memory_space<vmem>>, vector<1x16xf32>,
        %swap3A_894 = vector.shape_cast %swap3A_893 : vector<1x16xf32> to vector<16xf32>
        %swap3A_895 = vector.shape_cast %mul3A_890 : vector<16xf32> to vector<1x16xf32>
        tpu.vector_store %arg9[%swap3A_891, %swap3A_892], %swap3A_895 {strides = array<i32>} : memref<400x80xf32, #tpu.memory_space<vmem>>, vector<1x16xf32>,
        %get3A_896 = arith.index_cast %add3A_846 : i32 to index
        %get3A_897 = arith.constant 32 : index
        %get3A_898 = tpu.vector_load %arg7[%get3A_896, %get3A_897] {strides = array<i32>} : memref<400x80xf32, #tpu.memory_space<vmem>>, vector<1x16xf32>,
        %get3A_899 = vector.shape_cast %get3A_898 : vector<1x16xf32> to vector<16xf32>
        %slice3A_900 = vector.extract_strided_slice %mul3A_864 {offsets = [14], sizes = [1], strides = [1]} : vector<16xf32> to vector<1xf32>
        %squeeze3A_901 = vector.extract %slice3A_900[0] : f32 from vector<1xf32>
        %mul3A_902 = vector.broadcast %squeeze3A_901 : f32 to vector<16xf32>
        %mul3A_903 = arith.mulf %get3A_899, %mul3A_902 : vector<16xf32>
        %swap3A_904 = arith.index_cast %add3A_846 : i32 to index
        %swap3A_905 = arith.constant 32 : index
        %swap3A_906 = tpu.vector_load %arg9[%swap3A_904, %swap3A_905] {strides = array<i32>} : memref<400x80xf32, #tpu.memory_space<vmem>>, vector<1x16xf32>,
        %swap3A_907 = vector.shape_cast %swap3A_906 : vector<1x16xf32> to vector<16xf32>
        %swap3A_908 = vector.shape_cast %mul3A_903 : vector<16xf32> to vector<1x16xf32>
        tpu.vector_store %arg9[%swap3A_904, %swap3A_905], %swap3A_908 {strides = array<i32>} : memref<400x80xf32, #tpu.memory_space<vmem>>, vector<1x16xf32>,
        %get3A_909 = arith.index_cast %add3A_846 : i32 to index
        %get3A_910 = arith.constant 48 : index
        %get3A_911 = tpu.vector_load %arg7[%get3A_909, %get3A_910] {strides = array<i32>} : memref<400x80xf32, #tpu.memory_space<vmem>>, vector<1x16xf32>,
        %get3A_912 = vector.shape_cast %get3A_911 : vector<1x16xf32> to vector<16xf32>
        %slice3A_913 = vector.extract_strided_slice %mul3A_864 {offsets = [15], sizes = [1], strides = [1]} : vector<16xf32> to vector<1xf32>
        %squeeze3A_914 = vector.extract %slice3A_913[0] : f32 from vector<1xf32>
        %mul3A_915 = vector.broadcast %squeeze3A_914 : f32 to vector<16xf32>
        %mul3A_916 = arith.mulf %get3A_912, %mul3A_915 : vector<16xf32>
        %swap3A_917 = arith.index_cast %add3A_846 : i32 to index
        %swap3A_918 = arith.constant 48 : index
        %swap3A_919 = tpu.vector_load %arg9[%swap3A_917, %swap3A_918] {strides = array<i32>} : memref<400x80xf32, #tpu.memory_space<vmem>>, vector<1x16xf32>,
        %swap3A_920 = vector.shape_cast %swap3A_919 : vector<1x16xf32> to vector<16xf32>
        %swap3A_921 = vector.shape_cast %mul3A_916 : vector<16xf32> to vector<1x16xf32>
        tpu.vector_store %arg9[%swap3A_917, %swap3A_918], %swap3A_921 {strides = array<i32>} : memref<400x80xf32, #tpu.memory_space<vmem>>, vector<1x16xf32>,
        %mul3A_922 = arith.constant 16 : i32
        %mul3A_923 = arith.muli %scan3A_52, %mul3A_922 : i32
        %add3A_924 = arith.constant 11 : i32
        %add3A_925 = arith.addi %mul3A_923, %add3A_924 : i32
        %get3A_926 = arith.index_cast %add3A_925 : i32 to index
        %get3A_927 = arith.constant 64 : index
        %get3A_928 = tpu.vector_load %arg7[%get3A_926, %get3A_927] {strides = array<i32>} : memref<400x80xf32, #tpu.memory_space<vmem>>, vector<1x16xf32>,
        %get3A_929 = vector.shape_cast %get3A_928 : vector<1x16xf32> to vector<16xf32>
        %get3A_930 = arith.index_cast %add3A_925 : i32 to index
        %get3A_931 = arith.constant 0 : index
        %get3A_932 = tpu.vector_load %arg8[%get3A_930, %get3A_931] {strides = array<i32>} : memref<400x16xf32, #tpu.memory_space<vmem>>, vector<1x16xf32>,
        %get3A_933 = vector.shape_cast %get3A_932 : vector<1x16xf32> to vector<16xf32>
        %add3A_934 = arith.addf %get3A_929, %get3A_933 : vector<16xf32>
        %mul3A_935 = arith.constant 2.000000e-01 : f32
        %mul3A_936 = vector.broadcast %mul3A_935 : f32 to vector<16xf32>
        %mul3A_937 = arith.mulf %mul3A_936, %add3A_934 : vector<16xf32>
        %max3A_938 = arith.maximumf %add3A_934, %mul3A_937 : vector<16xf32>
        %exp3A_939 = math.exp %max3A_938 : vector<16xf32>
        %slice3A_940 = vector.extract_strided_slice %get3A_57 {offsets = [11], sizes = [1], strides = [1]} : vector<16xf32> to vector<1xf32>
        %squeeze3A_941 = vector.extract %slice3A_940[0] : f32 from vector<1xf32>
        %mul3A_942 = vector.broadcast %squeeze3A_941 : f32 to vector<16xf32>
        %mul3A_943 = arith.mulf %exp3A_939, %mul3A_942 : vector<16xf32>
        %swap3A_944 = arith.index_cast %add3A_925 : i32 to index
        %swap3A_945 = arith.constant 64 : index
        %swap3A_946 = tpu.vector_load %arg9[%swap3A_944, %swap3A_945] {strides = array<i32>} : memref<400x80xf32, #tpu.memory_space<vmem>>, vector<1x16xf32>,
        %swap3A_947 = vector.shape_cast %swap3A_946 : vector<1x16xf32> to vector<16xf32>
        %swap3A_948 = vector.shape_cast %mul3A_943 : vector<16xf32> to vector<1x16xf32>
        tpu.vector_store %arg9[%swap3A_944, %swap3A_945], %swap3A_948 {strides = array<i32>} : memref<400x80xf32, #tpu.memory_space<vmem>>, vector<1x16xf32>,
        %get3A_949 = arith.index_cast %add3A_925 : i32 to index
        %get3A_950 = arith.constant 0 : index
        %get3A_951 = tpu.vector_load %arg7[%get3A_949, %get3A_950] {strides = array<i32>} : memref<400x80xf32, #tpu.memory_space<vmem>>, vector<1x16xf32>,
        %get3A_952 = vector.shape_cast %get3A_951 : vector<1x16xf32> to vector<16xf32>
        %slice3A_953 = vector.extract_strided_slice %mul3A_943 {offsets = [12], sizes = [1], strides = [1]} : vector<16xf32> to vector<1xf32>
        %squeeze3A_954 = vector.extract %slice3A_953[0] : f32 from vector<1xf32>
        %mul3A_955 = vector.broadcast %squeeze3A_954 : f32 to vector<16xf32>
        %mul3A_956 = arith.mulf %get3A_952, %mul3A_955 : vector<16xf32>
        %swap3A_957 = arith.index_cast %add3A_925 : i32 to index
        %swap3A_958 = arith.constant 0 : index
        %swap3A_959 = tpu.vector_load %arg9[%swap3A_957, %swap3A_958] {strides = array<i32>} : memref<400x80xf32, #tpu.memory_space<vmem>>, vector<1x16xf32>,
        %swap3A_960 = vector.shape_cast %swap3A_959 : vector<1x16xf32> to vector<16xf32>
        %swap3A_961 = vector.shape_cast %mul3A_956 : vector<16xf32> to vector<1x16xf32>
        tpu.vector_store %arg9[%swap3A_957, %swap3A_958], %swap3A_961 {strides = array<i32>} : memref<400x80xf32, #tpu.memory_space<vmem>>, vector<1x16xf32>,
        %get3A_962 = arith.index_cast %add3A_925 : i32 to index
        %get3A_963 = arith.constant 16 : index
        %get3A_964 = tpu.vector_load %arg7[%get3A_962, %get3A_963] {strides = array<i32>} : memref<400x80xf32, #tpu.memory_space<vmem>>, vector<1x16xf32>,
        %get3A_965 = vector.shape_cast %get3A_964 : vector<1x16xf32> to vector<16xf32>
        %slice3A_966 = vector.extract_strided_slice %mul3A_943 {offsets = [13], sizes = [1], strides = [1]} : vector<16xf32> to vector<1xf32>
        %squeeze3A_967 = vector.extract %slice3A_966[0] : f32 from vector<1xf32>
        %mul3A_968 = vector.broadcast %squeeze3A_967 : f32 to vector<16xf32>
        %mul3A_969 = arith.mulf %get3A_965, %mul3A_968 : vector<16xf32>
        %swap3A_970 = arith.index_cast %add3A_925 : i32 to index
        %swap3A_971 = arith.constant 16 : index
        %swap3A_972 = tpu.vector_load %arg9[%swap3A_970, %swap3A_971] {strides = array<i32>} : memref<400x80xf32, #tpu.memory_space<vmem>>, vector<1x16xf32>,
        %swap3A_973 = vector.shape_cast %swap3A_972 : vector<1x16xf32> to vector<16xf32>
        %swap3A_974 = vector.shape_cast %mul3A_969 : vector<16xf32> to vector<1x16xf32>
        tpu.vector_store %arg9[%swap3A_970, %swap3A_971], %swap3A_974 {strides = array<i32>} : memref<400x80xf32, #tpu.memory_space<vmem>>, vector<1x16xf32>,
        %get3A_975 = arith.index_cast %add3A_925 : i32 to index
        %get3A_976 = arith.constant 32 : index
        %get3A_977 = tpu.vector_load %arg7[%get3A_975, %get3A_976] {strides = array<i32>} : memref<400x80xf32, #tpu.memory_space<vmem>>, vector<1x16xf32>,
        %get3A_978 = vector.shape_cast %get3A_977 : vector<1x16xf32> to vector<16xf32>
        %slice3A_979 = vector.extract_strided_slice %mul3A_943 {offsets = [14], sizes = [1], strides = [1]} : vector<16xf32> to vector<1xf32>
        %squeeze3A_980 = vector.extract %slice3A_979[0] : f32 from vector<1xf32>
        %mul3A_981 = vector.broadcast %squeeze3A_980 : f32 to vector<16xf32>
        %mul3A_982 = arith.mulf %get3A_978, %mul3A_981 : vector<16xf32>
        %swap3A_983 = arith.index_cast %add3A_925 : i32 to index
        %swap3A_984 = arith.constant 32 : index
        %swap3A_985 = tpu.vector_load %arg9[%swap3A_983, %swap3A_984] {strides = array<i32>} : memref<400x80xf32, #tpu.memory_space<vmem>>, vector<1x16xf32>,
        %swap3A_986 = vector.shape_cast %swap3A_985 : vector<1x16xf32> to vector<16xf32>
        %swap3A_987 = vector.shape_cast %mul3A_982 : vector<16xf32> to vector<1x16xf32>
        tpu.vector_store %arg9[%swap3A_983, %swap3A_984], %swap3A_987 {strides = array<i32>} : memref<400x80xf32, #tpu.memory_space<vmem>>, vector<1x16xf32>,
        %get3A_988 = arith.index_cast %add3A_925 : i32 to index
        %get3A_989 = arith.constant 48 : index
        %get3A_990 = tpu.vector_load %arg7[%get3A_988, %get3A_989] {strides = array<i32>} : memref<400x80xf32, #tpu.memory_space<vmem>>, vector<1x16xf32>,
        %get3A_991 = vector.shape_cast %get3A_990 : vector<1x16xf32> to vector<16xf32>
        %slice3A_992 = vector.extract_strided_slice %mul3A_943 {offsets = [15], sizes = [1], strides = [1]} : vector<16xf32> to vector<1xf32>
        %squeeze3A_993 = vector.extract %slice3A_992[0] : f32 from vector<1xf32>
        %mul3A_994 = vector.broadcast %squeeze3A_993 : f32 to vector<16xf32>
        %mul3A_995 = arith.mulf %get3A_991, %mul3A_994 : vector<16xf32>
        %swap3A_996 = arith.index_cast %add3A_925 : i32 to index
        %swap3A_997 = arith.constant 48 : index
        %swap3A_998 = tpu.vector_load %arg9[%swap3A_996, %swap3A_997] {strides = array<i32>} : memref<400x80xf32, #tpu.memory_space<vmem>>, vector<1x16xf32>,
        %swap3A_999 = vector.shape_cast %swap3A_998 : vector<1x16xf32> to vector<16xf32>
        %swap3A_1000 = vector.shape_cast %mul3A_995 : vector<16xf32> to vector<1x16xf32>
        tpu.vector_store %arg9[%swap3A_996, %swap3A_997], %swap3A_1000 {strides = array<i32>} : memref<400x80xf32, #tpu.memory_space<vmem>>, vector<1x16xf32>,
        %mul3A_1001 = arith.constant 16 : i32
        %mul3A_1002 = arith.muli %scan3A_52, %mul3A_1001 : i32
        %add3A_1003 = arith.constant 12 : i32
        %add3A_1004 = arith.addi %mul3A_1002, %add3A_1003 : i32
        %get3A_1005 = arith.index_cast %add3A_1004 : i32 to index
        %get3A_1006 = arith.constant 64 : index
        %get3A_1007 = tpu.vector_load %arg7[%get3A_1005, %get3A_1006] {strides = array<i32>} : memref<400x80xf32, #tpu.memory_space<vmem>>, vector<1x16xf32>,
        %get3A_1008 = vector.shape_cast %get3A_1007 : vector<1x16xf32> to vector<16xf32>
        %get3A_1009 = arith.index_cast %add3A_1004 : i32 to index
        %get3A_1010 = arith.constant 0 : index
        %get3A_1011 = tpu.vector_load %arg8[%get3A_1009, %get3A_1010] {strides = array<i32>} : memref<400x16xf32, #tpu.memory_space<vmem>>, vector<1x16xf32>,
        %get3A_1012 = vector.shape_cast %get3A_1011 : vector<1x16xf32> to vector<16xf32>
        %add3A_1013 = arith.addf %get3A_1008, %get3A_1012 : vector<16xf32>
        %mul3A_1014 = arith.constant 2.000000e-01 : f32
        %mul3A_1015 = vector.broadcast %mul3A_1014 : f32 to vector<16xf32>
        %mul3A_1016 = arith.mulf %mul3A_1015, %add3A_1013 : vector<16xf32>
        %max3A_1017 = arith.maximumf %add3A_1013, %mul3A_1016 : vector<16xf32>
        %exp3A_1018 = math.exp %max3A_1017 : vector<16xf32>
        %slice3A_1019 = vector.extract_strided_slice %get3A_57 {offsets = [12], sizes = [1], strides = [1]} : vector<16xf32> to vector<1xf32>
        %squeeze3A_1020 = vector.extract %slice3A_1019[0] : f32 from vector<1xf32>
        %mul3A_1021 = vector.broadcast %squeeze3A_1020 : f32 to vector<16xf32>
        %mul3A_1022 = arith.mulf %exp3A_1018, %mul3A_1021 : vector<16xf32>
        %swap3A_1023 = arith.index_cast %add3A_1004 : i32 to index
        %swap3A_1024 = arith.constant 64 : index
        %swap3A_1025 = tpu.vector_load %arg9[%swap3A_1023, %swap3A_1024] {strides = array<i32>} : memref<400x80xf32, #tpu.memory_space<vmem>>, vector<1x16xf32>,
        %swap3A_1026 = vector.shape_cast %swap3A_1025 : vector<1x16xf32> to vector<16xf32>
        %swap3A_1027 = vector.shape_cast %mul3A_1022 : vector<16xf32> to vector<1x16xf32>
        tpu.vector_store %arg9[%swap3A_1023, %swap3A_1024], %swap3A_1027 {strides = array<i32>} : memref<400x80xf32, #tpu.memory_space<vmem>>, vector<1x16xf32>,
        %get3A_1028 = arith.index_cast %add3A_1004 : i32 to index
        %get3A_1029 = arith.constant 0 : index
        %get3A_1030 = tpu.vector_load %arg7[%get3A_1028, %get3A_1029] {strides = array<i32>} : memref<400x80xf32, #tpu.memory_space<vmem>>, vector<1x16xf32>,
        %get3A_1031 = vector.shape_cast %get3A_1030 : vector<1x16xf32> to vector<16xf32>
        %slice3A_1032 = vector.extract_strided_slice %mul3A_1022 {offsets = [12], sizes = [1], strides = [1]} : vector<16xf32> to vector<1xf32>
        %squeeze3A_1033 = vector.extract %slice3A_1032[0] : f32 from vector<1xf32>
        %mul3A_1034 = vector.broadcast %squeeze3A_1033 : f32 to vector<16xf32>
        %mul3A_1035 = arith.mulf %get3A_1031, %mul3A_1034 : vector<16xf32>
        %swap3A_1036 = arith.index_cast %add3A_1004 : i32 to index
        %swap3A_1037 = arith.constant 0 : index
        %swap3A_1038 = tpu.vector_load %arg9[%swap3A_1036, %swap3A_1037] {strides = array<i32>} : memref<400x80xf32, #tpu.memory_space<vmem>>, vector<1x16xf32>,
        %swap3A_1039 = vector.shape_cast %swap3A_1038 : vector<1x16xf32> to vector<16xf32>
        %swap3A_1040 = vector.shape_cast %mul3A_1035 : vector<16xf32> to vector<1x16xf32>
        tpu.vector_store %arg9[%swap3A_1036, %swap3A_1037], %swap3A_1040 {strides = array<i32>} : memref<400x80xf32, #tpu.memory_space<vmem>>, vector<1x16xf32>,
        %get3A_1041 = arith.index_cast %add3A_1004 : i32 to index
        %get3A_1042 = arith.constant 16 : index
        %get3A_1043 = tpu.vector_load %arg7[%get3A_1041, %get3A_1042] {strides = array<i32>} : memref<400x80xf32, #tpu.memory_space<vmem>>, vector<1x16xf32>,
        %get3A_1044 = vector.shape_cast %get3A_1043 : vector<1x16xf32> to vector<16xf32>
        %slice3A_1045 = vector.extract_strided_slice %mul3A_1022 {offsets = [13], sizes = [1], strides = [1]} : vector<16xf32> to vector<1xf32>
        %squeeze3A_1046 = vector.extract %slice3A_1045[0] : f32 from vector<1xf32>
        %mul3A_1047 = vector.broadcast %squeeze3A_1046 : f32 to vector<16xf32>
        %mul3A_1048 = arith.mulf %get3A_1044, %mul3A_1047 : vector<16xf32>
        %swap3A_1049 = arith.index_cast %add3A_1004 : i32 to index
        %swap3A_1050 = arith.constant 16 : index
        %swap3A_1051 = tpu.vector_load %arg9[%swap3A_1049, %swap3A_1050] {strides = array<i32>} : memref<400x80xf32, #tpu.memory_space<vmem>>, vector<1x16xf32>,
        %swap3A_1052 = vector.shape_cast %swap3A_1051 : vector<1x16xf32> to vector<16xf32>
        %swap3A_1053 = vector.shape_cast %mul3A_1048 : vector<16xf32> to vector<1x16xf32>
        tpu.vector_store %arg9[%swap3A_1049, %swap3A_1050], %swap3A_1053 {strides = array<i32>} : memref<400x80xf32, #tpu.memory_space<vmem>>, vector<1x16xf32>,
        %get3A_1054 = arith.index_cast %add3A_1004 : i32 to index
        %get3A_1055 = arith.constant 32 : index
        %get3A_1056 = tpu.vector_load %arg7[%get3A_1054, %get3A_1055] {strides = array<i32>} : memref<400x80xf32, #tpu.memory_space<vmem>>, vector<1x16xf32>,
        %get3A_1057 = vector.shape_cast %get3A_1056 : vector<1x16xf32> to vector<16xf32>
        %slice3A_1058 = vector.extract_strided_slice %mul3A_1022 {offsets = [14], sizes = [1], strides = [1]} : vector<16xf32> to vector<1xf32>
        %squeeze3A_1059 = vector.extract %slice3A_1058[0] : f32 from vector<1xf32>
        %mul3A_1060 = vector.broadcast %squeeze3A_1059 : f32 to vector<16xf32>
        %mul3A_1061 = arith.mulf %get3A_1057, %mul3A_1060 : vector<16xf32>
        %swap3A_1062 = arith.index_cast %add3A_1004 : i32 to index
        %swap3A_1063 = arith.constant 32 : index
        %swap3A_1064 = tpu.vector_load %arg9[%swap3A_1062, %swap3A_1063] {strides = array<i32>} : memref<400x80xf32, #tpu.memory_space<vmem>>, vector<1x16xf32>,
        %swap3A_1065 = vector.shape_cast %swap3A_1064 : vector<1x16xf32> to vector<16xf32>
        %swap3A_1066 = vector.shape_cast %mul3A_1061 : vector<16xf32> to vector<1x16xf32>
        tpu.vector_store %arg9[%swap3A_1062, %swap3A_1063], %swap3A_1066 {strides = array<i32>} : memref<400x80xf32, #tpu.memory_space<vmem>>, vector<1x16xf32>,
        %get3A_1067 = arith.index_cast %add3A_1004 : i32 to index
        %get3A_1068 = arith.constant 48 : index
        %get3A_1069 = tpu.vector_load %arg7[%get3A_1067, %get3A_1068] {strides = array<i32>} : memref<400x80xf32, #tpu.memory_space<vmem>>, vector<1x16xf32>,
        %get3A_1070 = vector.shape_cast %get3A_1069 : vector<1x16xf32> to vector<16xf32>
        %slice3A_1071 = vector.extract_strided_slice %mul3A_1022 {offsets = [15], sizes = [1], strides = [1]} : vector<16xf32> to vector<1xf32>
        %squeeze3A_1072 = vector.extract %slice3A_1071[0] : f32 from vector<1xf32>
        %mul3A_1073 = vector.broadcast %squeeze3A_1072 : f32 to vector<16xf32>
        %mul3A_1074 = arith.mulf %get3A_1070, %mul3A_1073 : vector<16xf32>
        %swap3A_1075 = arith.index_cast %add3A_1004 : i32 to index
        %swap3A_1076 = arith.constant 48 : index
        %swap3A_1077 = tpu.vector_load %arg9[%swap3A_1075, %swap3A_1076] {strides = array<i32>} : memref<400x80xf32, #tpu.memory_space<vmem>>, vector<1x16xf32>,
        %swap3A_1078 = vector.shape_cast %swap3A_1077 : vector<1x16xf32> to vector<16xf32>
        %swap3A_1079 = vector.shape_cast %mul3A_1074 : vector<16xf32> to vector<1x16xf32>
        tpu.vector_store %arg9[%swap3A_1075, %swap3A_1076], %swap3A_1079 {strides = array<i32>} : memref<400x80xf32, #tpu.memory_space<vmem>>, vector<1x16xf32>,
        %mul3A_1080 = arith.constant 16 : i32
        %mul3A_1081 = arith.muli %scan3A_52, %mul3A_1080 : i32
        %add3A_1082 = arith.constant 13 : i32
        %add3A_1083 = arith.addi %mul3A_1081, %add3A_1082 : i32
        %get3A_1084 = arith.index_cast %add3A_1083 : i32 to index
        %get3A_1085 = arith.constant 64 : index
        %get3A_1086 = tpu.vector_load %arg7[%get3A_1084, %get3A_1085] {strides = array<i32>} : memref<400x80xf32, #tpu.memory_space<vmem>>, vector<1x16xf32>,
        %get3A_1087 = vector.shape_cast %get3A_1086 : vector<1x16xf32> to vector<16xf32>
        %get3A_1088 = arith.index_cast %add3A_1083 : i32 to index
        %get3A_1089 = arith.constant 0 : index
        %get3A_1090 = tpu.vector_load %arg8[%get3A_1088, %get3A_1089] {strides = array<i32>} : memref<400x16xf32, #tpu.memory_space<vmem>>, vector<1x16xf32>,
        %get3A_1091 = vector.shape_cast %get3A_1090 : vector<1x16xf32> to vector<16xf32>
        %add3A_1092 = arith.addf %get3A_1087, %get3A_1091 : vector<16xf32>
        %mul3A_1093 = arith.constant 2.000000e-01 : f32
        %mul3A_1094 = vector.broadcast %mul3A_1093 : f32 to vector<16xf32>
        %mul3A_1095 = arith.mulf %mul3A_1094, %add3A_1092 : vector<16xf32>
        %max3A_1096 = arith.maximumf %add3A_1092, %mul3A_1095 : vector<16xf32>
        %exp3A_1097 = math.exp %max3A_1096 : vector<16xf32>
        %slice3A_1098 = vector.extract_strided_slice %get3A_57 {offsets = [13], sizes = [1], strides = [1]} : vector<16xf32> to vector<1xf32>
        %squeeze3A_1099 = vector.extract %slice3A_1098[0] : f32 from vector<1xf32>
        %mul3A_1100 = vector.broadcast %squeeze3A_1099 : f32 to vector<16xf32>
        %mul3A_1101 = arith.mulf %exp3A_1097, %mul3A_1100 : vector<16xf32>
        %swap3A_1102 = arith.index_cast %add3A_1083 : i32 to index
        %swap3A_1103 = arith.constant 64 : index
        %swap3A_1104 = tpu.vector_load %arg9[%swap3A_1102, %swap3A_1103] {strides = array<i32>} : memref<400x80xf32, #tpu.memory_space<vmem>>, vector<1x16xf32>,
        %swap3A_1105 = vector.shape_cast %swap3A_1104 : vector<1x16xf32> to vector<16xf32>
        %swap3A_1106 = vector.shape_cast %mul3A_1101 : vector<16xf32> to vector<1x16xf32>
        tpu.vector_store %arg9[%swap3A_1102, %swap3A_1103], %swap3A_1106 {strides = array<i32>} : memref<400x80xf32, #tpu.memory_space<vmem>>, vector<1x16xf32>,
        %get3A_1107 = arith.index_cast %add3A_1083 : i32 to index
        %get3A_1108 = arith.constant 0 : index
        %get3A_1109 = tpu.vector_load %arg7[%get3A_1107, %get3A_1108] {strides = array<i32>} : memref<400x80xf32, #tpu.memory_space<vmem>>, vector<1x16xf32>,
        %get3A_1110 = vector.shape_cast %get3A_1109 : vector<1x16xf32> to vector<16xf32>
        %slice3A_1111 = vector.extract_strided_slice %mul3A_1101 {offsets = [12], sizes = [1], strides = [1]} : vector<16xf32> to vector<1xf32>
        %squeeze3A_1112 = vector.extract %slice3A_1111[0] : f32 from vector<1xf32>
        %mul3A_1113 = vector.broadcast %squeeze3A_1112 : f32 to vector<16xf32>
        %mul3A_1114 = arith.mulf %get3A_1110, %mul3A_1113 : vector<16xf32>
        %swap3A_1115 = arith.index_cast %add3A_1083 : i32 to index
        %swap3A_1116 = arith.constant 0 : index
        %swap3A_1117 = tpu.vector_load %arg9[%swap3A_1115, %swap3A_1116] {strides = array<i32>} : memref<400x80xf32, #tpu.memory_space<vmem>>, vector<1x16xf32>,
        %swap3A_1118 = vector.shape_cast %swap3A_1117 : vector<1x16xf32> to vector<16xf32>
        %swap3A_1119 = vector.shape_cast %mul3A_1114 : vector<16xf32> to vector<1x16xf32>
        tpu.vector_store %arg9[%swap3A_1115, %swap3A_1116], %swap3A_1119 {strides = array<i32>} : memref<400x80xf32, #tpu.memory_space<vmem>>, vector<1x16xf32>,
        %get3A_1120 = arith.index_cast %add3A_1083 : i32 to index
        %get3A_1121 = arith.constant 16 : index
        %get3A_1122 = tpu.vector_load %arg7[%get3A_1120, %get3A_1121] {strides = array<i32>} : memref<400x80xf32, #tpu.memory_space<vmem>>, vector<1x16xf32>,
        %get3A_1123 = vector.shape_cast %get3A_1122 : vector<1x16xf32> to vector<16xf32>
        %slice3A_1124 = vector.extract_strided_slice %mul3A_1101 {offsets = [13], sizes = [1], strides = [1]} : vector<16xf32> to vector<1xf32>
        %squeeze3A_1125 = vector.extract %slice3A_1124[0] : f32 from vector<1xf32>
        %mul3A_1126 = vector.broadcast %squeeze3A_1125 : f32 to vector<16xf32>
        %mul3A_1127 = arith.mulf %get3A_1123, %mul3A_1126 : vector<16xf32>
        %swap3A_1128 = arith.index_cast %add3A_1083 : i32 to index
        %swap3A_1129 = arith.constant 16 : index
        %swap3A_1130 = tpu.vector_load %arg9[%swap3A_1128, %swap3A_1129] {strides = array<i32>} : memref<400x80xf32, #tpu.memory_space<vmem>>, vector<1x16xf32>,
        %swap3A_1131 = vector.shape_cast %swap3A_1130 : vector<1x16xf32> to vector<16xf32>
        %swap3A_1132 = vector.shape_cast %mul3A_1127 : vector<16xf32> to vector<1x16xf32>
        tpu.vector_store %arg9[%swap3A_1128, %swap3A_1129], %swap3A_1132 {strides = array<i32>} : memref<400x80xf32, #tpu.memory_space<vmem>>, vector<1x16xf32>,
        %get3A_1133 = arith.index_cast %add3A_1083 : i32 to index
        %get3A_1134 = arith.constant 32 : index
        %get3A_1135 = tpu.vector_load %arg7[%get3A_1133, %get3A_1134] {strides = array<i32>} : memref<400x80xf32, #tpu.memory_space<vmem>>, vector<1x16xf32>,
        %get3A_1136 = vector.shape_cast %get3A_1135 : vector<1x16xf32> to vector<16xf32>
        %slice3A_1137 = vector.extract_strided_slice %mul3A_1101 {offsets = [14], sizes = [1], strides = [1]} : vector<16xf32> to vector<1xf32>
        %squeeze3A_1138 = vector.extract %slice3A_1137[0] : f32 from vector<1xf32>
        %mul3A_1139 = vector.broadcast %squeeze3A_1138 : f32 to vector<16xf32>
        %mul3A_1140 = arith.mulf %get3A_1136, %mul3A_1139 : vector<16xf32>
        %swap3A_1141 = arith.index_cast %add3A_1083 : i32 to index
        %swap3A_1142 = arith.constant 32 : index
        %swap3A_1143 = tpu.vector_load %arg9[%swap3A_1141, %swap3A_1142] {strides = array<i32>} : memref<400x80xf32, #tpu.memory_space<vmem>>, vector<1x16xf32>,
        %swap3A_1144 = vector.shape_cast %swap3A_1143 : vector<1x16xf32> to vector<16xf32>
        %swap3A_1145 = vector.shape_cast %mul3A_1140 : vector<16xf32> to vector<1x16xf32>
        tpu.vector_store %arg9[%swap3A_1141, %swap3A_1142], %swap3A_1145 {strides = array<i32>} : memref<400x80xf32, #tpu.memory_space<vmem>>, vector<1x16xf32>,
        %get3A_1146 = arith.index_cast %add3A_1083 : i32 to index
        %get3A_1147 = arith.constant 48 : index
        %get3A_1148 = tpu.vector_load %arg7[%get3A_1146, %get3A_1147] {strides = array<i32>} : memref<400x80xf32, #tpu.memory_space<vmem>>, vector<1x16xf32>,
        %get3A_1149 = vector.shape_cast %get3A_1148 : vector<1x16xf32> to vector<16xf32>
        %slice3A_1150 = vector.extract_strided_slice %mul3A_1101 {offsets = [15], sizes = [1], strides = [1]} : vector<16xf32> to vector<1xf32>
        %squeeze3A_1151 = vector.extract %slice3A_1150[0] : f32 from vector<1xf32>
        %mul3A_1152 = vector.broadcast %squeeze3A_1151 : f32 to vector<16xf32>
        %mul3A_1153 = arith.mulf %get3A_1149, %mul3A_1152 : vector<16xf32>
        %swap3A_1154 = arith.index_cast %add3A_1083 : i32 to index
        %swap3A_1155 = arith.constant 48 : index
        %swap3A_1156 = tpu.vector_load %arg9[%swap3A_1154, %swap3A_1155] {strides = array<i32>} : memref<400x80xf32, #tpu.memory_space<vmem>>, vector<1x16xf32>,
        %swap3A_1157 = vector.shape_cast %swap3A_1156 : vector<1x16xf32> to vector<16xf32>
        %swap3A_1158 = vector.shape_cast %mul3A_1153 : vector<16xf32> to vector<1x16xf32>
        tpu.vector_store %arg9[%swap3A_1154, %swap3A_1155], %swap3A_1158 {strides = array<i32>} : memref<400x80xf32, #tpu.memory_space<vmem>>, vector<1x16xf32>,
        %mul3A_1159 = arith.constant 16 : i32
        %mul3A_1160 = arith.muli %scan3A_52, %mul3A_1159 : i32
        %add3A_1161 = arith.constant 14 : i32
        %add3A_1162 = arith.addi %mul3A_1160, %add3A_1161 : i32
        %get3A_1163 = arith.index_cast %add3A_1162 : i32 to index
        %get3A_1164 = arith.constant 64 : index
        %get3A_1165 = tpu.vector_load %arg7[%get3A_1163, %get3A_1164] {strides = array<i32>} : memref<400x80xf32, #tpu.memory_space<vmem>>, vector<1x16xf32>,
        %get3A_1166 = vector.shape_cast %get3A_1165 : vector<1x16xf32> to vector<16xf32>
        %get3A_1167 = arith.index_cast %add3A_1162 : i32 to index
        %get3A_1168 = arith.constant 0 : index
        %get3A_1169 = tpu.vector_load %arg8[%get3A_1167, %get3A_1168] {strides = array<i32>} : memref<400x16xf32, #tpu.memory_space<vmem>>, vector<1x16xf32>,
        %get3A_1170 = vector.shape_cast %get3A_1169 : vector<1x16xf32> to vector<16xf32>
        %add3A_1171 = arith.addf %get3A_1166, %get3A_1170 : vector<16xf32>
        %mul3A_1172 = arith.constant 2.000000e-01 : f32
        %mul3A_1173 = vector.broadcast %mul3A_1172 : f32 to vector<16xf32>
        %mul3A_1174 = arith.mulf %mul3A_1173, %add3A_1171 : vector<16xf32>
        %max3A_1175 = arith.maximumf %add3A_1171, %mul3A_1174 : vector<16xf32>
        %exp3A_1176 = math.exp %max3A_1175 : vector<16xf32>
        %slice3A_1177 = vector.extract_strided_slice %get3A_57 {offsets = [14], sizes = [1], strides = [1]} : vector<16xf32> to vector<1xf32>
        %squeeze3A_1178 = vector.extract %slice3A_1177[0] : f32 from vector<1xf32>
        %mul3A_1179 = vector.broadcast %squeeze3A_1178 : f32 to vector<16xf32>
        %mul3A_1180 = arith.mulf %exp3A_1176, %mul3A_1179 : vector<16xf32>
        %swap3A_1181 = arith.index_cast %add3A_1162 : i32 to index
        %swap3A_1182 = arith.constant 64 : index
        %swap3A_1183 = tpu.vector_load %arg9[%swap3A_1181, %swap3A_1182] {strides = array<i32>} : memref<400x80xf32, #tpu.memory_space<vmem>>, vector<1x16xf32>,
        %swap3A_1184 = vector.shape_cast %swap3A_1183 : vector<1x16xf32> to vector<16xf32>
        %swap3A_1185 = vector.shape_cast %mul3A_1180 : vector<16xf32> to vector<1x16xf32>
        tpu.vector_store %arg9[%swap3A_1181, %swap3A_1182], %swap3A_1185 {strides = array<i32>} : memref<400x80xf32, #tpu.memory_space<vmem>>, vector<1x16xf32>,
        %get3A_1186 = arith.index_cast %add3A_1162 : i32 to index
        %get3A_1187 = arith.constant 0 : index
        %get3A_1188 = tpu.vector_load %arg7[%get3A_1186, %get3A_1187] {strides = array<i32>} : memref<400x80xf32, #tpu.memory_space<vmem>>, vector<1x16xf32>,
        %get3A_1189 = vector.shape_cast %get3A_1188 : vector<1x16xf32> to vector<16xf32>
        %slice3A_1190 = vector.extract_strided_slice %mul3A_1180 {offsets = [12], sizes = [1], strides = [1]} : vector<16xf32> to vector<1xf32>
        %squeeze3A_1191 = vector.extract %slice3A_1190[0] : f32 from vector<1xf32>
        %mul3A_1192 = vector.broadcast %squeeze3A_1191 : f32 to vector<16xf32>
        %mul3A_1193 = arith.mulf %get3A_1189, %mul3A_1192 : vector<16xf32>
        %swap3A_1194 = arith.index_cast %add3A_1162 : i32 to index
        %swap3A_1195 = arith.constant 0 : index
        %swap3A_1196 = tpu.vector_load %arg9[%swap3A_1194, %swap3A_1195] {strides = array<i32>} : memref<400x80xf32, #tpu.memory_space<vmem>>, vector<1x16xf32>,
        %swap3A_1197 = vector.shape_cast %swap3A_1196 : vector<1x16xf32> to vector<16xf32>
        %swap3A_1198 = vector.shape_cast %mul3A_1193 : vector<16xf32> to vector<1x16xf32>
        tpu.vector_store %arg9[%swap3A_1194, %swap3A_1195], %swap3A_1198 {strides = array<i32>} : memref<400x80xf32, #tpu.memory_space<vmem>>, vector<1x16xf32>,
        %get3A_1199 = arith.index_cast %add3A_1162 : i32 to index
        %get3A_1200 = arith.constant 16 : index
        %get3A_1201 = tpu.vector_load %arg7[%get3A_1199, %get3A_1200] {strides = array<i32>} : memref<400x80xf32, #tpu.memory_space<vmem>>, vector<1x16xf32>,
        %get3A_1202 = vector.shape_cast %get3A_1201 : vector<1x16xf32> to vector<16xf32>
        %slice3A_1203 = vector.extract_strided_slice %mul3A_1180 {offsets = [13], sizes = [1], strides = [1]} : vector<16xf32> to vector<1xf32>
        %squeeze3A_1204 = vector.extract %slice3A_1203[0] : f32 from vector<1xf32>
        %mul3A_1205 = vector.broadcast %squeeze3A_1204 : f32 to vector<16xf32>
        %mul3A_1206 = arith.mulf %get3A_1202, %mul3A_1205 : vector<16xf32>
        %swap3A_1207 = arith.index_cast %add3A_1162 : i32 to index
        %swap3A_1208 = arith.constant 16 : index
        %swap3A_1209 = tpu.vector_load %arg9[%swap3A_1207, %swap3A_1208] {strides = array<i32>} : memref<400x80xf32, #tpu.memory_space<vmem>>, vector<1x16xf32>,
        %swap3A_1210 = vector.shape_cast %swap3A_1209 : vector<1x16xf32> to vector<16xf32>
        %swap3A_1211 = vector.shape_cast %mul3A_1206 : vector<16xf32> to vector<1x16xf32>
        tpu.vector_store %arg9[%swap3A_1207, %swap3A_1208], %swap3A_1211 {strides = array<i32>} : memref<400x80xf32, #tpu.memory_space<vmem>>, vector<1x16xf32>,
        %get3A_1212 = arith.index_cast %add3A_1162 : i32 to index
        %get3A_1213 = arith.constant 32 : index
        %get3A_1214 = tpu.vector_load %arg7[%get3A_1212, %get3A_1213] {strides = array<i32>} : memref<400x80xf32, #tpu.memory_space<vmem>>, vector<1x16xf32>,
        %get3A_1215 = vector.shape_cast %get3A_1214 : vector<1x16xf32> to vector<16xf32>
        %slice3A_1216 = vector.extract_strided_slice %mul3A_1180 {offsets = [14], sizes = [1], strides = [1]} : vector<16xf32> to vector<1xf32>
        %squeeze3A_1217 = vector.extract %slice3A_1216[0] : f32 from vector<1xf32>
        %mul3A_1218 = vector.broadcast %squeeze3A_1217 : f32 to vector<16xf32>
        %mul3A_1219 = arith.mulf %get3A_1215, %mul3A_1218 : vector<16xf32>
        %swap3A_1220 = arith.index_cast %add3A_1162 : i32 to index
        %swap3A_1221 = arith.constant 32 : index
        %swap3A_1222 = tpu.vector_load %arg9[%swap3A_1220, %swap3A_1221] {strides = array<i32>} : memref<400x80xf32, #tpu.memory_space<vmem>>, vector<1x16xf32>,
        %swap3A_1223 = vector.shape_cast %swap3A_1222 : vector<1x16xf32> to vector<16xf32>
        %swap3A_1224 = vector.shape_cast %mul3A_1219 : vector<16xf32> to vector<1x16xf32>
        tpu.vector_store %arg9[%swap3A_1220, %swap3A_1221], %swap3A_1224 {strides = array<i32>} : memref<400x80xf32, #tpu.memory_space<vmem>>, vector<1x16xf32>,
        %get3A_1225 = arith.index_cast %add3A_1162 : i32 to index
        %get3A_1226 = arith.constant 48 : index
        %get3A_1227 = tpu.vector_load %arg7[%get3A_1225, %get3A_1226] {strides = array<i32>} : memref<400x80xf32, #tpu.memory_space<vmem>>, vector<1x16xf32>,
        %get3A_1228 = vector.shape_cast %get3A_1227 : vector<1x16xf32> to vector<16xf32>
        %slice3A_1229 = vector.extract_strided_slice %mul3A_1180 {offsets = [15], sizes = [1], strides = [1]} : vector<16xf32> to vector<1xf32>
        %squeeze3A_1230 = vector.extract %slice3A_1229[0] : f32 from vector<1xf32>
        %mul3A_1231 = vector.broadcast %squeeze3A_1230 : f32 to vector<16xf32>
        %mul3A_1232 = arith.mulf %get3A_1228, %mul3A_1231 : vector<16xf32>
        %swap3A_1233 = arith.index_cast %add3A_1162 : i32 to index
        %swap3A_1234 = arith.constant 48 : index
        %swap3A_1235 = tpu.vector_load %arg9[%swap3A_1233, %swap3A_1234] {strides = array<i32>} : memref<400x80xf32, #tpu.memory_space<vmem>>, vector<1x16xf32>,
        %swap3A_1236 = vector.shape_cast %swap3A_1235 : vector<1x16xf32> to vector<16xf32>
        %swap3A_1237 = vector.shape_cast %mul3A_1232 : vector<16xf32> to vector<1x16xf32>
        tpu.vector_store %arg9[%swap3A_1233, %swap3A_1234], %swap3A_1237 {strides = array<i32>} : memref<400x80xf32, #tpu.memory_space<vmem>>, vector<1x16xf32>,
        %mul3A_1238 = arith.constant 16 : i32
        %mul3A_1239 = arith.muli %scan3A_52, %mul3A_1238 : i32
        %add3A_1240 = arith.constant 15 : i32
        %add3A_1241 = arith.addi %mul3A_1239, %add3A_1240 : i32
        %get3A_1242 = arith.index_cast %add3A_1241 : i32 to index
        %get3A_1243 = arith.constant 64 : index
        %get3A_1244 = tpu.vector_load %arg7[%get3A_1242, %get3A_1243] {strides = array<i32>} : memref<400x80xf32, #tpu.memory_space<vmem>>, vector<1x16xf32>,
        %get3A_1245 = vector.shape_cast %get3A_1244 : vector<1x16xf32> to vector<16xf32>
        %get3A_1246 = arith.index_cast %add3A_1241 : i32 to index
        %get3A_1247 = arith.constant 0 : index
        %get3A_1248 = tpu.vector_load %arg8[%get3A_1246, %get3A_1247] {strides = array<i32>} : memref<400x16xf32, #tpu.memory_space<vmem>>, vector<1x16xf32>,
        %get3A_1249 = vector.shape_cast %get3A_1248 : vector<1x16xf32> to vector<16xf32>
        %add3A_1250 = arith.addf %get3A_1245, %get3A_1249 : vector<16xf32>
        %mul3A_1251 = arith.constant 2.000000e-01 : f32
        %mul3A_1252 = vector.broadcast %mul3A_1251 : f32 to vector<16xf32>
        %mul3A_1253 = arith.mulf %mul3A_1252, %add3A_1250 : vector<16xf32>
        %max3A_1254 = arith.maximumf %add3A_1250, %mul3A_1253 : vector<16xf32>
        %exp3A_1255 = math.exp %max3A_1254 : vector<16xf32>
        %slice3A_1256 = vector.extract_strided_slice %get3A_57 {offsets = [15], sizes = [1], strides = [1]} : vector<16xf32> to vector<1xf32>
        %squeeze3A_1257 = vector.extract %slice3A_1256[0] : f32 from vector<1xf32>
        %mul3A_1258 = vector.broadcast %squeeze3A_1257 : f32 to vector<16xf32>
        %mul3A_1259 = arith.mulf %exp3A_1255, %mul3A_1258 : vector<16xf32>
        %swap3A_1260 = arith.index_cast %add3A_1241 : i32 to index
        %swap3A_1261 = arith.constant 64 : index
        %swap3A_1262 = tpu.vector_load %arg9[%swap3A_1260, %swap3A_1261] {strides = array<i32>} : memref<400x80xf32, #tpu.memory_space<vmem>>, vector<1x16xf32>,
        %swap3A_1263 = vector.shape_cast %swap3A_1262 : vector<1x16xf32> to vector<16xf32>
        %swap3A_1264 = vector.shape_cast %mul3A_1259 : vector<16xf32> to vector<1x16xf32>
        tpu.vector_store %arg9[%swap3A_1260, %swap3A_1261], %swap3A_1264 {strides = array<i32>} : memref<400x80xf32, #tpu.memory_space<vmem>>, vector<1x16xf32>,
        %get3A_1265 = arith.index_cast %add3A_1241 : i32 to index
        %get3A_1266 = arith.constant 0 : index
        %get3A_1267 = tpu.vector_load %arg7[%get3A_1265, %get3A_1266] {strides = array<i32>} : memref<400x80xf32, #tpu.memory_space<vmem>>, vector<1x16xf32>,
        %get3A_1268 = vector.shape_cast %get3A_1267 : vector<1x16xf32> to vector<16xf32>
        %slice3A_1269 = vector.extract_strided_slice %mul3A_1259 {offsets = [12], sizes = [1], strides = [1]} : vector<16xf32> to vector<1xf32>
        %squeeze3A_1270 = vector.extract %slice3A_1269[0] : f32 from vector<1xf32>
        %mul3A_1271 = vector.broadcast %squeeze3A_1270 : f32 to vector<16xf32>
        %mul3A_1272 = arith.mulf %get3A_1268, %mul3A_1271 : vector<16xf32>
        %swap3A_1273 = arith.index_cast %add3A_1241 : i32 to index
        %swap3A_1274 = arith.constant 0 : index
        %swap3A_1275 = tpu.vector_load %arg9[%swap3A_1273, %swap3A_1274] {strides = array<i32>} : memref<400x80xf32, #tpu.memory_space<vmem>>, vector<1x16xf32>,
        %swap3A_1276 = vector.shape_cast %swap3A_1275 : vector<1x16xf32> to vector<16xf32>
        %swap3A_1277 = vector.shape_cast %mul3A_1272 : vector<16xf32> to vector<1x16xf32>
        tpu.vector_store %arg9[%swap3A_1273, %swap3A_1274], %swap3A_1277 {strides = array<i32>} : memref<400x80xf32, #tpu.memory_space<vmem>>, vector<1x16xf32>,
        %get3A_1278 = arith.index_cast %add3A_1241 : i32 to index
        %get3A_1279 = arith.constant 16 : index
        %get3A_1280 = tpu.vector_load %arg7[%get3A_1278, %get3A_1279] {strides = array<i32>} : memref<400x80xf32, #tpu.memory_space<vmem>>, vector<1x16xf32>,
        %get3A_1281 = vector.shape_cast %get3A_1280 : vector<1x16xf32> to vector<16xf32>
        %slice3A_1282 = vector.extract_strided_slice %mul3A_1259 {offsets = [13], sizes = [1], strides = [1]} : vector<16xf32> to vector<1xf32>
        %squeeze3A_1283 = vector.extract %slice3A_1282[0] : f32 from vector<1xf32>
        %mul3A_1284 = vector.broadcast %squeeze3A_1283 : f32 to vector<16xf32>
        %mul3A_1285 = arith.mulf %get3A_1281, %mul3A_1284 : vector<16xf32>
        %swap3A_1286 = arith.index_cast %add3A_1241 : i32 to index
        %swap3A_1287 = arith.constant 16 : index
        %swap3A_1288 = tpu.vector_load %arg9[%swap3A_1286, %swap3A_1287] {strides = array<i32>} : memref<400x80xf32, #tpu.memory_space<vmem>>, vector<1x16xf32>,
        %swap3A_1289 = vector.shape_cast %swap3A_1288 : vector<1x16xf32> to vector<16xf32>
        %swap3A_1290 = vector.shape_cast %mul3A_1285 : vector<16xf32> to vector<1x16xf32>
        tpu.vector_store %arg9[%swap3A_1286, %swap3A_1287], %swap3A_1290 {strides = array<i32>} : memref<400x80xf32, #tpu.memory_space<vmem>>, vector<1x16xf32>,
        %get3A_1291 = arith.index_cast %add3A_1241 : i32 to index
        %get3A_1292 = arith.constant 32 : index
        %get3A_1293 = tpu.vector_load %arg7[%get3A_1291, %get3A_1292] {strides = array<i32>} : memref<400x80xf32, #tpu.memory_space<vmem>>, vector<1x16xf32>,
        %get3A_1294 = vector.shape_cast %get3A_1293 : vector<1x16xf32> to vector<16xf32>
        %slice3A_1295 = vector.extract_strided_slice %mul3A_1259 {offsets = [14], sizes = [1], strides = [1]} : vector<16xf32> to vector<1xf32>
        %squeeze3A_1296 = vector.extract %slice3A_1295[0] : f32 from vector<1xf32>
        %mul3A_1297 = vector.broadcast %squeeze3A_1296 : f32 to vector<16xf32>
        %mul3A_1298 = arith.mulf %get3A_1294, %mul3A_1297 : vector<16xf32>
        %swap3A_1299 = arith.index_cast %add3A_1241 : i32 to index
        %swap3A_1300 = arith.constant 32 : index
        %swap3A_1301 = tpu.vector_load %arg9[%swap3A_1299, %swap3A_1300] {strides = array<i32>} : memref<400x80xf32, #tpu.memory_space<vmem>>, vector<1x16xf32>,
        %swap3A_1302 = vector.shape_cast %swap3A_1301 : vector<1x16xf32> to vector<16xf32>
        %swap3A_1303 = vector.shape_cast %mul3A_1298 : vector<16xf32> to vector<1x16xf32>
        tpu.vector_store %arg9[%swap3A_1299, %swap3A_1300], %swap3A_1303 {strides = array<i32>} : memref<400x80xf32, #tpu.memory_space<vmem>>, vector<1x16xf32>,
        %get3A_1304 = arith.index_cast %add3A_1241 : i32 to index
        %get3A_1305 = arith.constant 48 : index
        %get3A_1306 = tpu.vector_load %arg7[%get3A_1304, %get3A_1305] {strides = array<i32>} : memref<400x80xf32, #tpu.memory_space<vmem>>, vector<1x16xf32>,
        %get3A_1307 = vector.shape_cast %get3A_1306 : vector<1x16xf32> to vector<16xf32>
        %slice3A_1308 = vector.extract_strided_slice %mul3A_1259 {offsets = [15], sizes = [1], strides = [1]} : vector<16xf32> to vector<1xf32>
        %squeeze3A_1309 = vector.extract %slice3A_1308[0] : f32 from vector<1xf32>
        %mul3A_1310 = vector.broadcast %squeeze3A_1309 : f32 to vector<16xf32>
        %mul3A_1311 = arith.mulf %get3A_1307, %mul3A_1310 : vector<16xf32>
        %swap3A_1312 = arith.index_cast %add3A_1241 : i32 to index
        %swap3A_1313 = arith.constant 48 : index
        %swap3A_1314 = tpu.vector_load %arg9[%swap3A_1312, %swap3A_1313] {strides = array<i32>} : memref<400x80xf32, #tpu.memory_space<vmem>>, vector<1x16xf32>,
        %swap3A_1315 = vector.shape_cast %swap3A_1314 : vector<1x16xf32> to vector<16xf32>
        %swap3A_1316 = vector.shape_cast %mul3A_1311 : vector<16xf32> to vector<1x16xf32>
        tpu.vector_store %arg9[%swap3A_1312, %swap3A_1313], %swap3A_1316 {strides = array<i32>} : memref<400x80xf32, #tpu.memory_space<vmem>>, vector<1x16xf32>,
        %scan3A_1317 = arith.constant 0 : i32
        scf.yield %scan3A_1317 : i32
      }
      %scan3A_50 = arith.constant 25 : i32
      "tpu.region"() ({
        %run_scoped3A = tpu.sem_alloc : memref<!tpu.dma_semaphore, #tpu.memory_space<semaphore_mem>>
        %dma_start3A_52 = arith.constant 0 : i32
        %dma_start3A_53 = arith.constant 0 : i32
        %dma_start3A_54 = tpu.memref_slice %arg15[%dma_start3A_52, %dma_start3A_53] : memref<5056x80xf32, #tpu.memory_space<vmem_shared>> -> memref<5056x80xf32, #tpu.memory_space<vmem_shared>>
        %dma_start3A_55 = arith.constant -1 : i32
        tpu.enqueue_indirect_dma source(%arg9 : memref<400x80xf32, #tpu.memory_space<vmem>>) target(%dma_start3A_54 : memref<5056x80xf32, #tpu.memory_space<vmem_shared>>) offsets(%arg13 : memref<400xi32, #tpu.memory_space<vmem>>) offset_filter(%dma_start3A_55) semaphore(%run_scoped3A : memref<!tpu.dma_semaphore, #tpu.memory_space<semaphore_mem>>) {add = true}
        %dma_wait3A_56 = arith.constant 0 : i32
        %dma_wait3A_57 = arith.constant 0 : i32
        %dma_wait3A_58 = tpu.memref_slice %arg15[%dma_wait3A_56, %dma_wait3A_57] : memref<5056x80xf32, #tpu.memory_space<vmem_shared>> -> memref<5056x80xf32, #tpu.memory_space<vmem_shared>>
        tpu.wait_indirect_dma semaphore(%run_scoped3A : memref<!tpu.dma_semaphore, #tpu.memory_space<semaphore_mem>>) src(%arg9 : memref<400x80xf32, #tpu.memory_space<vmem>>) dst(%dma_wait3A_58 : memref<5056x80xf32, #tpu.memory_space<vmem_shared>>)
        tpu.yield
      }) : () -> ()
      %scan3A_51 = arith.constant 0 : i32
      scf.yield %scan3A_51 : i32
    }
    %scan3A_18 = arith.constant 50 : i32
    %barrier3A_19 = arith.constant 0 : index
    tpu.barrier barrier_id(%barrier3A_19)
    %mul3A_20 = arith.constant 316 : i32
    %mul3A_21 = arith.muli %arg1, %mul3A_20 : i32
    "tpu.region"() ({
      %run_scoped3A = tpu.sem_alloc : memref<!tpu.dma_semaphore, #tpu.memory_space<semaphore_mem>>
      %dma_start3A = arith.constant 0 : i32
      %dma_start3A_22 = arith.constant 0 : i32
      %dma_start3A_23 = tpu.memref_slice %arg9[%dma_start3A, %dma_start3A_22] : memref<400x80xf32, #tpu.memory_space<vmem>> -> memref<316x80xf32, #tpu.memory_space<vmem>>
      %dma_start3A_24 = arith.constant 0 : i32
      %dma_start3A_25 = tpu.memref_slice %arg15[%mul3A_21, %dma_start3A_24] : memref<5056x80xf32, #tpu.memory_space<vmem_shared>> -> memref<316x80xf32, #tpu.memory_space<vmem_shared>>
      %dma_start3A_26 = arith.constant 0 : i32
      %dma_start3A_27 = arith.constant 0 : i32
      %dma_start3A_28 = tpu.memref_slice %arg9[%dma_start3A_26, %dma_start3A_27] : memref<400x80xf32, #tpu.memory_space<vmem>> -> memref<316x80xf32, #tpu.memory_space<vmem>>
      %dma_start3A_29 = arith.constant 0 : i32
      %dma_start3A_30 = tpu.memref_slice %arg15[%mul3A_21, %dma_start3A_29] : memref<5056x80xf32, #tpu.memory_space<vmem_shared>> -> memref<316x80xf32, #tpu.memory_space<vmem_shared>>
      tpu.enqueue_dma source(%dma_start3A_30 : memref<316x80xf32, #tpu.memory_space<vmem_shared>>) target(%dma_start3A_28 : memref<316x80xf32, #tpu.memory_space<vmem>>) target_semaphore(%run_scoped3A : memref<!tpu.dma_semaphore, #tpu.memory_space<semaphore_mem>>)
      %dma_wait3A = arith.constant 0 : i32
      %dma_wait3A_31 = arith.constant 0 : i32
      %dma_wait3A_32 = tpu.memref_slice %arg9[%dma_wait3A, %dma_wait3A_31] : memref<400x80xf32, #tpu.memory_space<vmem>> -> memref<316x80xf32, #tpu.memory_space<vmem>>
      %dma_wait3A_33 = arith.constant 0 : i32
      %dma_wait3A_34 = tpu.memref_slice %arg15[%mul3A_21, %dma_wait3A_33] : memref<5056x80xf32, #tpu.memory_space<vmem_shared>> -> memref<316x80xf32, #tpu.memory_space<vmem_shared>>
      %dma_wait3A_35 = arith.constant 0 : i32
      %dma_wait3A_36 = arith.constant 0 : i32
      %dma_wait3A_37 = tpu.memref_slice %arg9[%dma_wait3A_35, %dma_wait3A_36] : memref<400x80xf32, #tpu.memory_space<vmem>> -> memref<316x80xf32, #tpu.memory_space<vmem>>
      %dma_wait3A_38 = arith.constant 0 : i32
      %dma_wait3A_39 = tpu.memref_slice %arg15[%mul3A_21, %dma_wait3A_38] : memref<5056x80xf32, #tpu.memory_space<vmem_shared>> -> memref<316x80xf32, #tpu.memory_space<vmem_shared>>
      tpu.wait_dma2 semaphore(%run_scoped3A : memref<!tpu.dma_semaphore, #tpu.memory_space<semaphore_mem>>) src(%dma_wait3A_39 : memref<316x80xf32, #tpu.memory_space<vmem_shared>>) dst(%dma_wait3A_37 : memref<316x80xf32, #tpu.memory_space<vmem>>)
      tpu.yield
    }) : () -> ()
    "tpu.region"() ({
      %run_scoped3A = tpu.sem_alloc : memref<!tpu.dma_semaphore, #tpu.memory_space<semaphore_mem>>
      %dma_start3A = arith.constant 0 : i32
      %dma_start3A_22 = arith.constant 0 : i32
      %dma_start3A_23 = tpu.memref_slice %arg9[%dma_start3A, %dma_start3A_22] : memref<400x80xf32, #tpu.memory_space<vmem>> -> memref<316x80xf32, #tpu.memory_space<vmem>>
      %dma_start3A_24 = arith.constant 0 : i32
      %dma_start3A_25 = tpu.memref_slice %arg6[%arg0, %mul3A_21, %dma_start3A_24] : memref<2x5056x80xf32, #tpu.memory_space<hbm>> -> memref<1x316x80xf32, #tpu.memory_space<hbm>>
      %dma_start3A_26 = tpu.memref_squeeze %dma_start3A_25 : memref<1x316x80xf32, #tpu.memory_space<hbm>> -> memref<316x80xf32, #tpu.memory_space<hbm>>
      %dma_start3A_27 = arith.constant 0 : i32
      %dma_start3A_28 = tpu.memref_slice %arg6[%arg0, %mul3A_21, %dma_start3A_27] : memref<2x5056x80xf32, #tpu.memory_space<hbm>> -> memref<1x316x80xf32, #tpu.memory_space<hbm>>
      %dma_start3A_29 = tpu.memref_squeeze %dma_start3A_28 : memref<1x316x80xf32, #tpu.memory_space<hbm>> -> memref<316x80xf32, #tpu.memory_space<hbm>>
      %dma_start3A_30 = arith.constant 0 : i32
      %dma_start3A_31 = arith.constant 0 : i32
      %dma_start3A_32 = tpu.memref_slice %arg9[%dma_start3A_30, %dma_start3A_31] : memref<400x80xf32, #tpu.memory_space<vmem>> -> memref<316x80xf32, #tpu.memory_space<vmem>>
      tpu.enqueue_dma source(%dma_start3A_32 : memref<316x80xf32, #tpu.memory_space<vmem>>) target(%dma_start3A_29 : memref<316x80xf32, #tpu.memory_space<hbm>>) target_semaphore(%run_scoped3A : memref<!tpu.dma_semaphore, #tpu.memory_space<semaphore_mem>>)
      %dma_wait3A = arith.constant 0 : i32
      %dma_wait3A_33 = arith.constant 0 : i32
      %dma_wait3A_34 = tpu.memref_slice %arg9[%dma_wait3A, %dma_wait3A_33] : memref<400x80xf32, #tpu.memory_space<vmem>> -> memref<316x80xf32, #tpu.memory_space<vmem>>
      %dma_wait3A_35 = arith.constant 0 : i32
      %dma_wait3A_36 = tpu.memref_slice %arg6[%arg0, %mul3A_21, %dma_wait3A_35] : memref<2x5056x80xf32, #tpu.memory_space<hbm>> -> memref<1x316x80xf32, #tpu.memory_space<hbm>>
      %dma_wait3A_37 = tpu.memref_squeeze %dma_wait3A_36 : memref<1x316x80xf32, #tpu.memory_space<hbm>> -> memref<316x80xf32, #tpu.memory_space<hbm>>
      %dma_wait3A_38 = arith.constant 0 : i32
      %dma_wait3A_39 = tpu.memref_slice %arg6[%arg0, %mul3A_21, %dma_wait3A_38] : memref<2x5056x80xf32, #tpu.memory_space<hbm>> -> memref<1x316x80xf32, #tpu.memory_space<hbm>>
      %dma_wait3A_40 = tpu.memref_squeeze %dma_wait3A_39 : memref<1x316x80xf32, #tpu.memory_space<hbm>> -> memref<316x80xf32, #tpu.memory_space<hbm>>
      %dma_wait3A_41 = arith.constant 0 : i32
      %dma_wait3A_42 = arith.constant 0 : i32
      %dma_wait3A_43 = tpu.memref_slice %arg9[%dma_wait3A_41, %dma_wait3A_42] : memref<400x80xf32, #tpu.memory_space<vmem>> -> memref<316x80xf32, #tpu.memory_space<vmem>>
      tpu.wait_dma2 semaphore(%run_scoped3A : memref<!tpu.dma_semaphore, #tpu.memory_space<semaphore_mem>>) src(%dma_wait3A_43 : memref<316x80xf32, #tpu.memory_space<vmem>>) dst(%dma_wait3A_40 : memref<316x80xf32, #tpu.memory_space<hbm>>)
      tpu.yield
    }) : () -> ()
    return
  }
}

#map = affine_map<(d0, d1) -> (0, 0)>
#map1 = affine_map<(d0, d1) -> (0)>
#map2 = affine_map<(d0, d1) -> (0, 0, 0)>
module attributes {stable_mosaic.version = 14 : i64} {
  func.func @_sc_edge_body(%arg0: i32, %arg1: i32, %arg2: memref<10112x80xf32, #tpu.memory_space<hbm>>, %arg3: memref<10112x16xf32, #tpu.memory_space<hbm>>, %arg4: memref<320000xi32, #tpu.memory_space<hbm>>, %arg5: memref<320000xi32, #tpu.memory_space<hbm>>, %arg6: memref<2x5056x80xf32, #tpu.memory_space<hbm>>, %arg7: memref<400x80xf32, #tpu.memory_space<vmem>>, %arg8: memref<400x16xf32, #tpu.memory_space<vmem>>, %arg9: memref<400x80xf32, #tpu.memory_space<vmem>>, %arg10: memref<400xi32, #tpu.memory_space<vmem>>, %arg11: memref<400xi32, #tpu.memory_space<vmem>>, %arg12: memref<400xi32, #tpu.memory_space<vmem>>, %arg13: memref<400xi32, #tpu.memory_space<vmem>>, %arg14: memref<400xf32, #tpu.memory_space<vmem>>, %arg15: memref<5056x80xf32, #tpu.memory_space<vmem_shared>>, %arg16: memref<!tpu.dma_semaphore, #tpu.memory_space<semaphore_mem>>, %arg17: memref<!tpu.dma_semaphore, #tpu.memory_space<semaphore_mem>>) attributes {dimension_semantics = [#tpu.dimension_semantics<core_parallel>, #tpu.dimension_semantics<subcore_parallel>], iteration_bounds = array<i64: 2, 16>, scalar_prefetch = 0 : i64, scratch_operands = 11 : i64, tpu.core_type = #tpu.core_type<sc_vector_subcore>, window_params = [{transform_indices = #map}, {transform_indices = #map}, {transform_indices = #map1}, {transform_indices = #map1}, {transform_indices = #map2}]} {
    %broadcast_in_dim3A = arith.constant 0.000000e+00 : f32
    %broadcast_in_dim3A_0 = vector.broadcast %broadcast_in_dim3A : f32 to vector<16xf32>
    %scan3A = arith.constant 0 : i32
    %scan3A_1 = arith.constant 0 : i32
    %scan3A_2 = arith.constant 400 : i32
    %scan3A_3 = arith.addi %scan3A_1, %scan3A_2 : i32
    %scan3A_4 = arith.constant 4 : i32
    %scan3A_5 = scf.for %scan3A_22 = %scan3A_1 to %scan3A_3 step %scan3A_4 iter_args(%scan3A_23 = %scan3A) -> (i32)  : i32 {
      %swap3A = arith.index_cast %scan3A_22 : i32 to index
      %swap3A_24 = arith.constant 0 : index
      %swap3A_25 = tpu.vector_load %arg9[%swap3A, %swap3A_24] {strides = array<i32>} : memref<400x80xf32, #tpu.memory_space<vmem>>, vector<1x16xf32>,
      %swap3A_26 = vector.shape_cast %swap3A_25 : vector<1x16xf32> to vector<16xf32>
      %swap3A_27 = vector.shape_cast %broadcast_in_dim3A_0 : vector<16xf32> to vector<1x16xf32>
      tpu.vector_store %arg9[%swap3A, %swap3A_24], %swap3A_27 {strides = array<i32>} : memref<400x80xf32, #tpu.memory_space<vmem>>, vector<1x16xf32>,
      %swap3A_28 = arith.index_cast %scan3A_22 : i32 to index
      %swap3A_29 = arith.constant 0 : index
      %swap3A_30 = tpu.vector_load %arg7[%swap3A_28, %swap3A_29] {strides = array<i32>} : memref<400x80xf32, #tpu.memory_space<vmem>>, vector<1x16xf32>,
      %swap3A_31 = vector.shape_cast %swap3A_30 : vector<1x16xf32> to vector<16xf32>
      %swap3A_32 = vector.shape_cast %broadcast_in_dim3A_0 : vector<16xf32> to vector<1x16xf32>
      tpu.vector_store %arg7[%swap3A_28, %swap3A_29], %swap3A_32 {strides = array<i32>} : memref<400x80xf32, #tpu.memory_space<vmem>>, vector<1x16xf32>,
      %swap3A_33 = arith.index_cast %scan3A_22 : i32 to index
      %swap3A_34 = arith.constant 16 : index
      %swap3A_35 = tpu.vector_load %arg9[%swap3A_33, %swap3A_34] {strides = array<i32>} : memref<400x80xf32, #tpu.memory_space<vmem>>, vector<1x16xf32>,
      %swap3A_36 = vector.shape_cast %swap3A_35 : vector<1x16xf32> to vector<16xf32>
      %swap3A_37 = vector.shape_cast %broadcast_in_dim3A_0 : vector<16xf32> to vector<1x16xf32>
      tpu.vector_store %arg9[%swap3A_33, %swap3A_34], %swap3A_37 {strides = array<i32>} : memref<400x80xf32, #tpu.memory_space<vmem>>, vector<1x16xf32>,
      %swap3A_38 = arith.index_cast %scan3A_22 : i32 to index
      %swap3A_39 = arith.constant 16 : index
      %swap3A_40 = tpu.vector_load %arg7[%swap3A_38, %swap3A_39] {strides = array<i32>} : memref<400x80xf32, #tpu.memory_space<vmem>>, vector<1x16xf32>,
      %swap3A_41 = vector.shape_cast %swap3A_40 : vector<1x16xf32> to vector<16xf32>
      %swap3A_42 = vector.shape_cast %broadcast_in_dim3A_0 : vector<16xf32> to vector<1x16xf32>
      tpu.vector_store %arg7[%swap3A_38, %swap3A_39], %swap3A_42 {strides = array<i32>} : memref<400x80xf32, #tpu.memory_space<vmem>>, vector<1x16xf32>,
      %swap3A_43 = arith.index_cast %scan3A_22 : i32 to index
      %swap3A_44 = arith.constant 32 : index
      %swap3A_45 = tpu.vector_load %arg9[%swap3A_43, %swap3A_44] {strides = array<i32>} : memref<400x80xf32, #tpu.memory_space<vmem>>, vector<1x16xf32>,
      %swap3A_46 = vector.shape_cast %swap3A_45 : vector<1x16xf32> to vector<16xf32>
      %swap3A_47 = vector.shape_cast %broadcast_in_dim3A_0 : vector<16xf32> to vector<1x16xf32>
      tpu.vector_store %arg9[%swap3A_43, %swap3A_44], %swap3A_47 {strides = array<i32>} : memref<400x80xf32, #tpu.memory_space<vmem>>, vector<1x16xf32>,
      %swap3A_48 = arith.index_cast %scan3A_22 : i32 to index
      %swap3A_49 = arith.constant 32 : index
      %swap3A_50 = tpu.vector_load %arg7[%swap3A_48, %swap3A_49] {strides = array<i32>} : memref<400x80xf32, #tpu.memory_space<vmem>>, vector<1x16xf32>,
      %swap3A_51 = vector.shape_cast %swap3A_50 : vector<1x16xf32> to vector<16xf32>
      %swap3A_52 = vector.shape_cast %broadcast_in_dim3A_0 : vector<16xf32> to vector<1x16xf32>
      tpu.vector_store %arg7[%swap3A_48, %swap3A_49], %swap3A_52 {strides = array<i32>} : memref<400x80xf32, #tpu.memory_space<vmem>>, vector<1x16xf32>,
      %swap3A_53 = arith.index_cast %scan3A_22 : i32 to index
      %swap3A_54 = arith.constant 48 : index
      %swap3A_55 = tpu.vector_load %arg9[%swap3A_53, %swap3A_54] {strides = array<i32>} : memref<400x80xf32, #tpu.memory_space<vmem>>, vector<1x16xf32>,
      %swap3A_56 = vector.shape_cast %swap3A_55 : vector<1x16xf32> to vector<16xf32>
      %swap3A_57 = vector.shape_cast %broadcast_in_dim3A_0 : vector<16xf32> to vector<1x16xf32>
      tpu.vector_store %arg9[%swap3A_53, %swap3A_54], %swap3A_57 {strides = array<i32>} : memref<400x80xf32, #tpu.memory_space<vmem>>, vector<1x16xf32>,
      %swap3A_58 = arith.index_cast %scan3A_22 : i32 to index
      %swap3A_59 = arith.constant 48 : index
      %swap3A_60 = tpu.vector_load %arg7[%swap3A_58, %swap3A_59] {strides = array<i32>} : memref<400x80xf32, #tpu.memory_space<vmem>>, vector<1x16xf32>,
      %swap3A_61 = vector.shape_cast %swap3A_60 : vector<1x16xf32> to vector<16xf32>
      %swap3A_62 = vector.shape_cast %broadcast_in_dim3A_0 : vector<16xf32> to vector<1x16xf32>
      tpu.vector_store %arg7[%swap3A_58, %swap3A_59], %swap3A_62 {strides = array<i32>} : memref<400x80xf32, #tpu.memory_space<vmem>>, vector<1x16xf32>,
      %swap3A_63 = arith.index_cast %scan3A_22 : i32 to index
      %swap3A_64 = arith.constant 64 : index
      %swap3A_65 = tpu.vector_load %arg9[%swap3A_63, %swap3A_64] {strides = array<i32>} : memref<400x80xf32, #tpu.memory_space<vmem>>, vector<1x16xf32>,
      %swap3A_66 = vector.shape_cast %swap3A_65 : vector<1x16xf32> to vector<16xf32>
      %swap3A_67 = vector.shape_cast %broadcast_in_dim3A_0 : vector<16xf32> to vector<1x16xf32>
      tpu.vector_store %arg9[%swap3A_63, %swap3A_64], %swap3A_67 {strides = array<i32>} : memref<400x80xf32, #tpu.memory_space<vmem>>, vector<1x16xf32>,
      %swap3A_68 = arith.index_cast %scan3A_22 : i32 to index
      %swap3A_69 = arith.constant 64 : index
      %swap3A_70 = tpu.vector_load %arg7[%swap3A_68, %swap3A_69] {strides = array<i32>} : memref<400x80xf32, #tpu.memory_space<vmem>>, vector<1x16xf32>,
      %swap3A_71 = vector.shape_cast %swap3A_70 : vector<1x16xf32> to vector<16xf32>
      %swap3A_72 = vector.shape_cast %broadcast_in_dim3A_0 : vector<16xf32> to vector<1x16xf32>
      tpu.vector_store %arg7[%swap3A_68, %swap3A_69], %swap3A_72 {strides = array<i32>} : memref<400x80xf32, #tpu.memory_space<vmem>>, vector<1x16xf32>,
      %scan3A_73 = arith.constant 0 : i32
      %scan3A_74 = arith.constant 1 : i32
      %scan3A_75 = arith.addi %scan3A_22, %scan3A_74 : i32
      %swap3A_76 = arith.index_cast %scan3A_75 : i32 to index
      %swap3A_77 = arith.constant 0 : index
      %swap3A_78 = tpu.vector_load %arg9[%swap3A_76, %swap3A_77] {strides = array<i32>} : memref<400x80xf32, #tpu.memory_space<vmem>>, vector<1x16xf32>,
      %swap3A_79 = vector.shape_cast %swap3A_78 : vector<1x16xf32> to vector<16xf32>
      %swap3A_80 = vector.shape_cast %broadcast_in_dim3A_0 : vector<16xf32> to vector<1x16xf32>
      tpu.vector_store %arg9[%swap3A_76, %swap3A_77], %swap3A_80 {strides = array<i32>} : memref<400x80xf32, #tpu.memory_space<vmem>>, vector<1x16xf32>,
      %swap3A_81 = arith.index_cast %scan3A_75 : i32 to index
      %swap3A_82 = arith.constant 0 : index
      %swap3A_83 = tpu.vector_load %arg7[%swap3A_81, %swap3A_82] {strides = array<i32>} : memref<400x80xf32, #tpu.memory_space<vmem>>, vector<1x16xf32>,
      %swap3A_84 = vector.shape_cast %swap3A_83 : vector<1x16xf32> to vector<16xf32>
      %swap3A_85 = vector.shape_cast %broadcast_in_dim3A_0 : vector<16xf32> to vector<1x16xf32>
      tpu.vector_store %arg7[%swap3A_81, %swap3A_82], %swap3A_85 {strides = array<i32>} : memref<400x80xf32, #tpu.memory_space<vmem>>, vector<1x16xf32>,
      %swap3A_86 = arith.index_cast %scan3A_75 : i32 to index
      %swap3A_87 = arith.constant 16 : index
      %swap3A_88 = tpu.vector_load %arg9[%swap3A_86, %swap3A_87] {strides = array<i32>} : memref<400x80xf32, #tpu.memory_space<vmem>>, vector<1x16xf32>,
      %swap3A_89 = vector.shape_cast %swap3A_88 : vector<1x16xf32> to vector<16xf32>
      %swap3A_90 = vector.shape_cast %broadcast_in_dim3A_0 : vector<16xf32> to vector<1x16xf32>
      tpu.vector_store %arg9[%swap3A_86, %swap3A_87], %swap3A_90 {strides = array<i32>} : memref<400x80xf32, #tpu.memory_space<vmem>>, vector<1x16xf32>,
      %swap3A_91 = arith.index_cast %scan3A_75 : i32 to index
      %swap3A_92 = arith.constant 16 : index
      %swap3A_93 = tpu.vector_load %arg7[%swap3A_91, %swap3A_92] {strides = array<i32>} : memref<400x80xf32, #tpu.memory_space<vmem>>, vector<1x16xf32>,
      %swap3A_94 = vector.shape_cast %swap3A_93 : vector<1x16xf32> to vector<16xf32>
      %swap3A_95 = vector.shape_cast %broadcast_in_dim3A_0 : vector<16xf32> to vector<1x16xf32>
      tpu.vector_store %arg7[%swap3A_91, %swap3A_92], %swap3A_95 {strides = array<i32>} : memref<400x80xf32, #tpu.memory_space<vmem>>, vector<1x16xf32>,
      %swap3A_96 = arith.index_cast %scan3A_75 : i32 to index
      %swap3A_97 = arith.constant 32 : index
      %swap3A_98 = tpu.vector_load %arg9[%swap3A_96, %swap3A_97] {strides = array<i32>} : memref<400x80xf32, #tpu.memory_space<vmem>>, vector<1x16xf32>,
      %swap3A_99 = vector.shape_cast %swap3A_98 : vector<1x16xf32> to vector<16xf32>
      %swap3A_100 = vector.shape_cast %broadcast_in_dim3A_0 : vector<16xf32> to vector<1x16xf32>
      tpu.vector_store %arg9[%swap3A_96, %swap3A_97], %swap3A_100 {strides = array<i32>} : memref<400x80xf32, #tpu.memory_space<vmem>>, vector<1x16xf32>,
      %swap3A_101 = arith.index_cast %scan3A_75 : i32 to index
      %swap3A_102 = arith.constant 32 : index
      %swap3A_103 = tpu.vector_load %arg7[%swap3A_101, %swap3A_102] {strides = array<i32>} : memref<400x80xf32, #tpu.memory_space<vmem>>, vector<1x16xf32>,
      %swap3A_104 = vector.shape_cast %swap3A_103 : vector<1x16xf32> to vector<16xf32>
      %swap3A_105 = vector.shape_cast %broadcast_in_dim3A_0 : vector<16xf32> to vector<1x16xf32>
      tpu.vector_store %arg7[%swap3A_101, %swap3A_102], %swap3A_105 {strides = array<i32>} : memref<400x80xf32, #tpu.memory_space<vmem>>, vector<1x16xf32>,
      %swap3A_106 = arith.index_cast %scan3A_75 : i32 to index
      %swap3A_107 = arith.constant 48 : index
      %swap3A_108 = tpu.vector_load %arg9[%swap3A_106, %swap3A_107] {strides = array<i32>} : memref<400x80xf32, #tpu.memory_space<vmem>>, vector<1x16xf32>,
      %swap3A_109 = vector.shape_cast %swap3A_108 : vector<1x16xf32> to vector<16xf32>
      %swap3A_110 = vector.shape_cast %broadcast_in_dim3A_0 : vector<16xf32> to vector<1x16xf32>
      tpu.vector_store %arg9[%swap3A_106, %swap3A_107], %swap3A_110 {strides = array<i32>} : memref<400x80xf32, #tpu.memory_space<vmem>>, vector<1x16xf32>,
      %swap3A_111 = arith.index_cast %scan3A_75 : i32 to index
      %swap3A_112 = arith.constant 48 : index
      %swap3A_113 = tpu.vector_load %arg7[%swap3A_111, %swap3A_112] {strides = array<i32>} : memref<400x80xf32, #tpu.memory_space<vmem>>, vector<1x16xf32>,
      %swap3A_114 = vector.shape_cast %swap3A_113 : vector<1x16xf32> to vector<16xf32>
      %swap3A_115 = vector.shape_cast %broadcast_in_dim3A_0 : vector<16xf32> to vector<1x16xf32>
      tpu.vector_store %arg7[%swap3A_111, %swap3A_112], %swap3A_115 {strides = array<i32>} : memref<400x80xf32, #tpu.memory_space<vmem>>, vector<1x16xf32>,
      %swap3A_116 = arith.index_cast %scan3A_75 : i32 to index
      %swap3A_117 = arith.constant 64 : index
      %swap3A_118 = tpu.vector_load %arg9[%swap3A_116, %swap3A_117] {strides = array<i32>} : memref<400x80xf32, #tpu.memory_space<vmem>>, vector<1x16xf32>,
      %swap3A_119 = vector.shape_cast %swap3A_118 : vector<1x16xf32> to vector<16xf32>
      %swap3A_120 = vector.shape_cast %broadcast_in_dim3A_0 : vector<16xf32> to vector<1x16xf32>
      tpu.vector_store %arg9[%swap3A_116, %swap3A_117], %swap3A_120 {strides = array<i32>} : memref<400x80xf32, #tpu.memory_space<vmem>>, vector<1x16xf32>,
      %swap3A_121 = arith.index_cast %scan3A_75 : i32 to index
      %swap3A_122 = arith.constant 64 : index
      %swap3A_123 = tpu.vector_load %arg7[%swap3A_121, %swap3A_122] {strides = array<i32>} : memref<400x80xf32, #tpu.memory_space<vmem>>, vector<1x16xf32>,
      %swap3A_124 = vector.shape_cast %swap3A_123 : vector<1x16xf32> to vector<16xf32>
      %swap3A_125 = vector.shape_cast %broadcast_in_dim3A_0 : vector<16xf32> to vector<1x16xf32>
      tpu.vector_store %arg7[%swap3A_121, %swap3A_122], %swap3A_125 {strides = array<i32>} : memref<400x80xf32, #tpu.memory_space<vmem>>, vector<1x16xf32>,
      %scan3A_126 = arith.constant 0 : i32
      %scan3A_127 = arith.constant 2 : i32
      %scan3A_128 = arith.addi %scan3A_22, %scan3A_127 : i32
      %swap3A_129 = arith.index_cast %scan3A_128 : i32 to index
      %swap3A_130 = arith.constant 0 : index
      %swap3A_131 = tpu.vector_load %arg9[%swap3A_129, %swap3A_130] {strides = array<i32>} : memref<400x80xf32, #tpu.memory_space<vmem>>, vector<1x16xf32>,
      %swap3A_132 = vector.shape_cast %swap3A_131 : vector<1x16xf32> to vector<16xf32>
      %swap3A_133 = vector.shape_cast %broadcast_in_dim3A_0 : vector<16xf32> to vector<1x16xf32>
      tpu.vector_store %arg9[%swap3A_129, %swap3A_130], %swap3A_133 {strides = array<i32>} : memref<400x80xf32, #tpu.memory_space<vmem>>, vector<1x16xf32>,
      %swap3A_134 = arith.index_cast %scan3A_128 : i32 to index
      %swap3A_135 = arith.constant 0 : index
      %swap3A_136 = tpu.vector_load %arg7[%swap3A_134, %swap3A_135] {strides = array<i32>} : memref<400x80xf32, #tpu.memory_space<vmem>>, vector<1x16xf32>,
      %swap3A_137 = vector.shape_cast %swap3A_136 : vector<1x16xf32> to vector<16xf32>
      %swap3A_138 = vector.shape_cast %broadcast_in_dim3A_0 : vector<16xf32> to vector<1x16xf32>
      tpu.vector_store %arg7[%swap3A_134, %swap3A_135], %swap3A_138 {strides = array<i32>} : memref<400x80xf32, #tpu.memory_space<vmem>>, vector<1x16xf32>,
      %swap3A_139 = arith.index_cast %scan3A_128 : i32 to index
      %swap3A_140 = arith.constant 16 : index
      %swap3A_141 = tpu.vector_load %arg9[%swap3A_139, %swap3A_140] {strides = array<i32>} : memref<400x80xf32, #tpu.memory_space<vmem>>, vector<1x16xf32>,
      %swap3A_142 = vector.shape_cast %swap3A_141 : vector<1x16xf32> to vector<16xf32>
      %swap3A_143 = vector.shape_cast %broadcast_in_dim3A_0 : vector<16xf32> to vector<1x16xf32>
      tpu.vector_store %arg9[%swap3A_139, %swap3A_140], %swap3A_143 {strides = array<i32>} : memref<400x80xf32, #tpu.memory_space<vmem>>, vector<1x16xf32>,
      %swap3A_144 = arith.index_cast %scan3A_128 : i32 to index
      %swap3A_145 = arith.constant 16 : index
      %swap3A_146 = tpu.vector_load %arg7[%swap3A_144, %swap3A_145] {strides = array<i32>} : memref<400x80xf32, #tpu.memory_space<vmem>>, vector<1x16xf32>,
      %swap3A_147 = vector.shape_cast %swap3A_146 : vector<1x16xf32> to vector<16xf32>
      %swap3A_148 = vector.shape_cast %broadcast_in_dim3A_0 : vector<16xf32> to vector<1x16xf32>
      tpu.vector_store %arg7[%swap3A_144, %swap3A_145], %swap3A_148 {strides = array<i32>} : memref<400x80xf32, #tpu.memory_space<vmem>>, vector<1x16xf32>,
      %swap3A_149 = arith.index_cast %scan3A_128 : i32 to index
      %swap3A_150 = arith.constant 32 : index
      %swap3A_151 = tpu.vector_load %arg9[%swap3A_149, %swap3A_150] {strides = array<i32>} : memref<400x80xf32, #tpu.memory_space<vmem>>, vector<1x16xf32>,
      %swap3A_152 = vector.shape_cast %swap3A_151 : vector<1x16xf32> to vector<16xf32>
      %swap3A_153 = vector.shape_cast %broadcast_in_dim3A_0 : vector<16xf32> to vector<1x16xf32>
      tpu.vector_store %arg9[%swap3A_149, %swap3A_150], %swap3A_153 {strides = array<i32>} : memref<400x80xf32, #tpu.memory_space<vmem>>, vector<1x16xf32>,
      %swap3A_154 = arith.index_cast %scan3A_128 : i32 to index
      %swap3A_155 = arith.constant 32 : index
      %swap3A_156 = tpu.vector_load %arg7[%swap3A_154, %swap3A_155] {strides = array<i32>} : memref<400x80xf32, #tpu.memory_space<vmem>>, vector<1x16xf32>,
      %swap3A_157 = vector.shape_cast %swap3A_156 : vector<1x16xf32> to vector<16xf32>
      %swap3A_158 = vector.shape_cast %broadcast_in_dim3A_0 : vector<16xf32> to vector<1x16xf32>
      tpu.vector_store %arg7[%swap3A_154, %swap3A_155], %swap3A_158 {strides = array<i32>} : memref<400x80xf32, #tpu.memory_space<vmem>>, vector<1x16xf32>,
      %swap3A_159 = arith.index_cast %scan3A_128 : i32 to index
      %swap3A_160 = arith.constant 48 : index
      %swap3A_161 = tpu.vector_load %arg9[%swap3A_159, %swap3A_160] {strides = array<i32>} : memref<400x80xf32, #tpu.memory_space<vmem>>, vector<1x16xf32>,
      %swap3A_162 = vector.shape_cast %swap3A_161 : vector<1x16xf32> to vector<16xf32>
      %swap3A_163 = vector.shape_cast %broadcast_in_dim3A_0 : vector<16xf32> to vector<1x16xf32>
      tpu.vector_store %arg9[%swap3A_159, %swap3A_160], %swap3A_163 {strides = array<i32>} : memref<400x80xf32, #tpu.memory_space<vmem>>, vector<1x16xf32>,
      %swap3A_164 = arith.index_cast %scan3A_128 : i32 to index
      %swap3A_165 = arith.constant 48 : index
      %swap3A_166 = tpu.vector_load %arg7[%swap3A_164, %swap3A_165] {strides = array<i32>} : memref<400x80xf32, #tpu.memory_space<vmem>>, vector<1x16xf32>,
      %swap3A_167 = vector.shape_cast %swap3A_166 : vector<1x16xf32> to vector<16xf32>
      %swap3A_168 = vector.shape_cast %broadcast_in_dim3A_0 : vector<16xf32> to vector<1x16xf32>
      tpu.vector_store %arg7[%swap3A_164, %swap3A_165], %swap3A_168 {strides = array<i32>} : memref<400x80xf32, #tpu.memory_space<vmem>>, vector<1x16xf32>,
      %swap3A_169 = arith.index_cast %scan3A_128 : i32 to index
      %swap3A_170 = arith.constant 64 : index
      %swap3A_171 = tpu.vector_load %arg9[%swap3A_169, %swap3A_170] {strides = array<i32>} : memref<400x80xf32, #tpu.memory_space<vmem>>, vector<1x16xf32>,
      %swap3A_172 = vector.shape_cast %swap3A_171 : vector<1x16xf32> to vector<16xf32>
      %swap3A_173 = vector.shape_cast %broadcast_in_dim3A_0 : vector<16xf32> to vector<1x16xf32>
      tpu.vector_store %arg9[%swap3A_169, %swap3A_170], %swap3A_173 {strides = array<i32>} : memref<400x80xf32, #tpu.memory_space<vmem>>, vector<1x16xf32>,
      %swap3A_174 = arith.index_cast %scan3A_128 : i32 to index
      %swap3A_175 = arith.constant 64 : index
      %swap3A_176 = tpu.vector_load %arg7[%swap3A_174, %swap3A_175] {strides = array<i32>} : memref<400x80xf32, #tpu.memory_space<vmem>>, vector<1x16xf32>,
      %swap3A_177 = vector.shape_cast %swap3A_176 : vector<1x16xf32> to vector<16xf32>
      %swap3A_178 = vector.shape_cast %broadcast_in_dim3A_0 : vector<16xf32> to vector<1x16xf32>
      tpu.vector_store %arg7[%swap3A_174, %swap3A_175], %swap3A_178 {strides = array<i32>} : memref<400x80xf32, #tpu.memory_space<vmem>>, vector<1x16xf32>,
      %scan3A_179 = arith.constant 0 : i32
      %scan3A_180 = arith.constant 3 : i32
      %scan3A_181 = arith.addi %scan3A_22, %scan3A_180 : i32
      %swap3A_182 = arith.index_cast %scan3A_181 : i32 to index
      %swap3A_183 = arith.constant 0 : index
      %swap3A_184 = tpu.vector_load %arg9[%swap3A_182, %swap3A_183] {strides = array<i32>} : memref<400x80xf32, #tpu.memory_space<vmem>>, vector<1x16xf32>,
      %swap3A_185 = vector.shape_cast %swap3A_184 : vector<1x16xf32> to vector<16xf32>
      %swap3A_186 = vector.shape_cast %broadcast_in_dim3A_0 : vector<16xf32> to vector<1x16xf32>
      tpu.vector_store %arg9[%swap3A_182, %swap3A_183], %swap3A_186 {strides = array<i32>} : memref<400x80xf32, #tpu.memory_space<vmem>>, vector<1x16xf32>,
      %swap3A_187 = arith.index_cast %scan3A_181 : i32 to index
      %swap3A_188 = arith.constant 0 : index
      %swap3A_189 = tpu.vector_load %arg7[%swap3A_187, %swap3A_188] {strides = array<i32>} : memref<400x80xf32, #tpu.memory_space<vmem>>, vector<1x16xf32>,
      %swap3A_190 = vector.shape_cast %swap3A_189 : vector<1x16xf32> to vector<16xf32>
      %swap3A_191 = vector.shape_cast %broadcast_in_dim3A_0 : vector<16xf32> to vector<1x16xf32>
      tpu.vector_store %arg7[%swap3A_187, %swap3A_188], %swap3A_191 {strides = array<i32>} : memref<400x80xf32, #tpu.memory_space<vmem>>, vector<1x16xf32>,
      %swap3A_192 = arith.index_cast %scan3A_181 : i32 to index
      %swap3A_193 = arith.constant 16 : index
      %swap3A_194 = tpu.vector_load %arg9[%swap3A_192, %swap3A_193] {strides = array<i32>} : memref<400x80xf32, #tpu.memory_space<vmem>>, vector<1x16xf32>,
      %swap3A_195 = vector.shape_cast %swap3A_194 : vector<1x16xf32> to vector<16xf32>
      %swap3A_196 = vector.shape_cast %broadcast_in_dim3A_0 : vector<16xf32> to vector<1x16xf32>
      tpu.vector_store %arg9[%swap3A_192, %swap3A_193], %swap3A_196 {strides = array<i32>} : memref<400x80xf32, #tpu.memory_space<vmem>>, vector<1x16xf32>,
      %swap3A_197 = arith.index_cast %scan3A_181 : i32 to index
      %swap3A_198 = arith.constant 16 : index
      %swap3A_199 = tpu.vector_load %arg7[%swap3A_197, %swap3A_198] {strides = array<i32>} : memref<400x80xf32, #tpu.memory_space<vmem>>, vector<1x16xf32>,
      %swap3A_200 = vector.shape_cast %swap3A_199 : vector<1x16xf32> to vector<16xf32>
      %swap3A_201 = vector.shape_cast %broadcast_in_dim3A_0 : vector<16xf32> to vector<1x16xf32>
      tpu.vector_store %arg7[%swap3A_197, %swap3A_198], %swap3A_201 {strides = array<i32>} : memref<400x80xf32, #tpu.memory_space<vmem>>, vector<1x16xf32>,
      %swap3A_202 = arith.index_cast %scan3A_181 : i32 to index
      %swap3A_203 = arith.constant 32 : index
      %swap3A_204 = tpu.vector_load %arg9[%swap3A_202, %swap3A_203] {strides = array<i32>} : memref<400x80xf32, #tpu.memory_space<vmem>>, vector<1x16xf32>,
      %swap3A_205 = vector.shape_cast %swap3A_204 : vector<1x16xf32> to vector<16xf32>
      %swap3A_206 = vector.shape_cast %broadcast_in_dim3A_0 : vector<16xf32> to vector<1x16xf32>
      tpu.vector_store %arg9[%swap3A_202, %swap3A_203], %swap3A_206 {strides = array<i32>} : memref<400x80xf32, #tpu.memory_space<vmem>>, vector<1x16xf32>,
      %swap3A_207 = arith.index_cast %scan3A_181 : i32 to index
      %swap3A_208 = arith.constant 32 : index
      %swap3A_209 = tpu.vector_load %arg7[%swap3A_207, %swap3A_208] {strides = array<i32>} : memref<400x80xf32, #tpu.memory_space<vmem>>, vector<1x16xf32>,
      %swap3A_210 = vector.shape_cast %swap3A_209 : vector<1x16xf32> to vector<16xf32>
      %swap3A_211 = vector.shape_cast %broadcast_in_dim3A_0 : vector<16xf32> to vector<1x16xf32>
      tpu.vector_store %arg7[%swap3A_207, %swap3A_208], %swap3A_211 {strides = array<i32>} : memref<400x80xf32, #tpu.memory_space<vmem>>, vector<1x16xf32>,
      %swap3A_212 = arith.index_cast %scan3A_181 : i32 to index
      %swap3A_213 = arith.constant 48 : index
      %swap3A_214 = tpu.vector_load %arg9[%swap3A_212, %swap3A_213] {strides = array<i32>} : memref<400x80xf32, #tpu.memory_space<vmem>>, vector<1x16xf32>,
      %swap3A_215 = vector.shape_cast %swap3A_214 : vector<1x16xf32> to vector<16xf32>
      %swap3A_216 = vector.shape_cast %broadcast_in_dim3A_0 : vector<16xf32> to vector<1x16xf32>
      tpu.vector_store %arg9[%swap3A_212, %swap3A_213], %swap3A_216 {strides = array<i32>} : memref<400x80xf32, #tpu.memory_space<vmem>>, vector<1x16xf32>,
      %swap3A_217 = arith.index_cast %scan3A_181 : i32 to index
      %swap3A_218 = arith.constant 48 : index
      %swap3A_219 = tpu.vector_load %arg7[%swap3A_217, %swap3A_218] {strides = array<i32>} : memref<400x80xf32, #tpu.memory_space<vmem>>, vector<1x16xf32>,
      %swap3A_220 = vector.shape_cast %swap3A_219 : vector<1x16xf32> to vector<16xf32>
      %swap3A_221 = vector.shape_cast %broadcast_in_dim3A_0 : vector<16xf32> to vector<1x16xf32>
      tpu.vector_store %arg7[%swap3A_217, %swap3A_218], %swap3A_221 {strides = array<i32>} : memref<400x80xf32, #tpu.memory_space<vmem>>, vector<1x16xf32>,
      %swap3A_222 = arith.index_cast %scan3A_181 : i32 to index
      %swap3A_223 = arith.constant 64 : index
      %swap3A_224 = tpu.vector_load %arg9[%swap3A_222, %swap3A_223] {strides = array<i32>} : memref<400x80xf32, #tpu.memory_space<vmem>>, vector<1x16xf32>,
      %swap3A_225 = vector.shape_cast %swap3A_224 : vector<1x16xf32> to vector<16xf32>
      %swap3A_226 = vector.shape_cast %broadcast_in_dim3A_0 : vector<16xf32> to vector<1x16xf32>
      tpu.vector_store %arg9[%swap3A_222, %swap3A_223], %swap3A_226 {strides = array<i32>} : memref<400x80xf32, #tpu.memory_space<vmem>>, vector<1x16xf32>,
      %swap3A_227 = arith.index_cast %scan3A_181 : i32 to index
      %swap3A_228 = arith.constant 64 : index
      %swap3A_229 = tpu.vector_load %arg7[%swap3A_227, %swap3A_228] {strides = array<i32>} : memref<400x80xf32, #tpu.memory_space<vmem>>, vector<1x16xf32>,
      %swap3A_230 = vector.shape_cast %swap3A_229 : vector<1x16xf32> to vector<16xf32>
      %swap3A_231 = vector.shape_cast %broadcast_in_dim3A_0 : vector<16xf32> to vector<1x16xf32>
      tpu.vector_store %arg7[%swap3A_227, %swap3A_228], %swap3A_231 {strides = array<i32>} : memref<400x80xf32, #tpu.memory_space<vmem>>, vector<1x16xf32>,
      %scan3A_232 = arith.constant 0 : i32
      scf.yield %scan3A_232 : i32
    }
    %scan3A_6 = arith.constant 400 : i32
    %mul3A = arith.constant 316 : i32
    %mul3A_7 = arith.muli %arg1, %mul3A : i32
    "tpu.region"() ({
      %run_scoped3A = tpu.sem_alloc : memref<!tpu.dma_semaphore, #tpu.memory_space<semaphore_mem>>
      %dma_start3A = arith.constant 0 : i32
      %dma_start3A_22 = arith.constant 0 : i32
      %dma_start3A_23 = tpu.memref_slice %arg9[%dma_start3A, %dma_start3A_22] : memref<400x80xf32, #tpu.memory_space<vmem>> -> memref<316x80xf32, #tpu.memory_space<vmem>>
      %dma_start3A_24 = arith.constant 0 : i32
      %dma_start3A_25 = tpu.memref_slice %arg15[%mul3A_7, %dma_start3A_24] : memref<5056x80xf32, #tpu.memory_space<vmem_shared>> -> memref<316x80xf32, #tpu.memory_space<vmem_shared>>
      %dma_start3A_26 = arith.constant 0 : i32
      %dma_start3A_27 = tpu.memref_slice %arg15[%mul3A_7, %dma_start3A_26] : memref<5056x80xf32, #tpu.memory_space<vmem_shared>> -> memref<316x80xf32, #tpu.memory_space<vmem_shared>>
      %dma_start3A_28 = arith.constant 0 : i32
      %dma_start3A_29 = arith.constant 0 : i32
      %dma_start3A_30 = tpu.memref_slice %arg9[%dma_start3A_28, %dma_start3A_29] : memref<400x80xf32, #tpu.memory_space<vmem>> -> memref<316x80xf32, #tpu.memory_space<vmem>>
      tpu.enqueue_dma source(%dma_start3A_30 : memref<316x80xf32, #tpu.memory_space<vmem>>) target(%dma_start3A_27 : memref<316x80xf32, #tpu.memory_space<vmem_shared>>) target_semaphore(%run_scoped3A : memref<!tpu.dma_semaphore, #tpu.memory_space<semaphore_mem>>)
      %dma_wait3A = arith.constant 0 : i32
      %dma_wait3A_31 = arith.constant 0 : i32
      %dma_wait3A_32 = tpu.memref_slice %arg9[%dma_wait3A, %dma_wait3A_31] : memref<400x80xf32, #tpu.memory_space<vmem>> -> memref<316x80xf32, #tpu.memory_space<vmem>>
      %dma_wait3A_33 = arith.constant 0 : i32
      %dma_wait3A_34 = tpu.memref_slice %arg15[%mul3A_7, %dma_wait3A_33] : memref<5056x80xf32, #tpu.memory_space<vmem_shared>> -> memref<316x80xf32, #tpu.memory_space<vmem_shared>>
      %dma_wait3A_35 = arith.constant 0 : i32
      %dma_wait3A_36 = tpu.memref_slice %arg15[%mul3A_7, %dma_wait3A_35] : memref<5056x80xf32, #tpu.memory_space<vmem_shared>> -> memref<316x80xf32, #tpu.memory_space<vmem_shared>>
      %dma_wait3A_37 = arith.constant 0 : i32
      %dma_wait3A_38 = arith.constant 0 : i32
      %dma_wait3A_39 = tpu.memref_slice %arg9[%dma_wait3A_37, %dma_wait3A_38] : memref<400x80xf32, #tpu.memory_space<vmem>> -> memref<316x80xf32, #tpu.memory_space<vmem>>
      tpu.wait_dma2 semaphore(%run_scoped3A : memref<!tpu.dma_semaphore, #tpu.memory_space<semaphore_mem>>) src(%dma_wait3A_39 : memref<316x80xf32, #tpu.memory_space<vmem>>) dst(%dma_wait3A_36 : memref<316x80xf32, #tpu.memory_space<vmem_shared>>)
      tpu.yield
    }) : () -> ()
    %barrier3A = arith.constant 0 : index
    tpu.barrier barrier_id(%barrier3A)
    %mul3A_8 = arith.constant 20000 : i32
    %mul3A_9 = arith.muli %arg1, %mul3A_8 : i32
    %mul3A_10 = arith.constant 5056 : i32
    %mul3A_11 = arith.muli %arg0, %mul3A_10 : i32
    %scan3A_12 = arith.constant 0 : i32
    %scan3A_13 = arith.constant 0 : i32
    %scan3A_14 = arith.constant 50 : i32
    %scan3A_15 = arith.addi %scan3A_13, %scan3A_14 : i32
    %scan3A_16 = arith.constant 1 : i32
    %scan3A_17 = scf.for %scan3A_22 = %scan3A_13 to %scan3A_15 step %scan3A_16 iter_args(%scan3A_23 = %scan3A_12) -> (i32)  : i32 {
      %mul3A_24 = arith.constant 400 : i32
      %mul3A_25 = arith.muli %scan3A_22, %mul3A_24 : i32
      %add3A = arith.addi %mul3A_9, %mul3A_25 : i32
      "tpu.region"() ({
        %run_scoped3A = tpu.sem_alloc : memref<!tpu.dma_semaphore, #tpu.memory_space<semaphore_mem>>
        %dma_start3A_52 = tpu.memref_slice %arg4[%add3A] : memref<320000xi32, #tpu.memory_space<hbm>> -> memref<400xi32, #tpu.memory_space<hbm>>
        %dma_start3A_53 = tpu.memref_slice %arg4[%add3A] : memref<320000xi32, #tpu.memory_space<hbm>> -> memref<400xi32, #tpu.memory_space<hbm>>
        tpu.enqueue_dma source(%dma_start3A_53 : memref<400xi32, #tpu.memory_space<hbm>>) target(%arg10 : memref<400xi32, #tpu.memory_space<vmem>>) target_semaphore(%run_scoped3A : memref<!tpu.dma_semaphore, #tpu.memory_space<semaphore_mem>>)
        %dma_wait3A_54 = tpu.memref_slice %arg4[%add3A] : memref<320000xi32, #tpu.memory_space<hbm>> -> memref<400xi32, #tpu.memory_space<hbm>>
        %dma_wait3A_55 = tpu.memref_slice %arg4[%add3A] : memref<320000xi32, #tpu.memory_space<hbm>> -> memref<400xi32, #tpu.memory_space<hbm>>
        tpu.wait_dma2 semaphore(%run_scoped3A : memref<!tpu.dma_semaphore, #tpu.memory_space<semaphore_mem>>) src(%dma_wait3A_55 : memref<400xi32, #tpu.memory_space<hbm>>) dst(%arg10 : memref<400xi32, #tpu.memory_space<vmem>>)
        tpu.yield
      }) : () -> ()
      "tpu.region"() ({
        %run_scoped3A = tpu.sem_alloc : memref<!tpu.dma_semaphore, #tpu.memory_space<semaphore_mem>>
        %dma_start3A_52 = tpu.memref_slice %arg5[%add3A] : memref<320000xi32, #tpu.memory_space<hbm>> -> memref<400xi32, #tpu.memory_space<hbm>>
        %dma_start3A_53 = tpu.memref_slice %arg5[%add3A] : memref<320000xi32, #tpu.memory_space<hbm>> -> memref<400xi32, #tpu.memory_space<hbm>>
        tpu.enqueue_dma source(%dma_start3A_53 : memref<400xi32, #tpu.memory_space<hbm>>) target(%arg11 : memref<400xi32, #tpu.memory_space<vmem>>) target_semaphore(%run_scoped3A : memref<!tpu.dma_semaphore, #tpu.memory_space<semaphore_mem>>)
        %dma_wait3A_54 = tpu.memref_slice %arg5[%add3A] : memref<320000xi32, #tpu.memory_space<hbm>> -> memref<400xi32, #tpu.memory_space<hbm>>
        %dma_wait3A_55 = tpu.memref_slice %arg5[%add3A] : memref<320000xi32, #tpu.memory_space<hbm>> -> memref<400xi32, #tpu.memory_space<hbm>>
        tpu.wait_dma2 semaphore(%run_scoped3A : memref<!tpu.dma_semaphore, #tpu.memory_space<semaphore_mem>>) src(%dma_wait3A_55 : memref<400xi32, #tpu.memory_space<hbm>>) dst(%arg11 : memref<400xi32, #tpu.memory_space<vmem>>)
        tpu.yield
      }) : () -> ()
      %scan3A_26 = arith.constant 0 : i32
      %scan3A_27 = arith.constant 0 : i32
      %scan3A_28 = arith.constant 25 : i32
      %scan3A_29 = arith.addi %scan3A_27, %scan3A_28 : i32
      %scan3A_30 = arith.constant 5 : i32
      %scan3A_31 = scf.for %scan3A_52 = %scan3A_27 to %scan3A_29 step %scan3A_30 iter_args(%scan3A_53 = %scan3A_26) -> (i32)  : i32 {
        %mul3A_54 = arith.constant 16 : i32
        %mul3A_55 = arith.muli %scan3A_52, %mul3A_54 : i32
        %get3A = arith.index_cast %mul3A_55 : i32 to index
        %get3A_56 = tpu.vector_load %arg11[%get3A] {strides = array<i32>} : memref<400xi32, #tpu.memory_space<vmem>>, vector<16xi32>,
        %get3A_57 = vector.shape_cast %get3A_56 : vector<16xi32> to vector<16xi32>
        %get3A_58 = arith.index_cast %mul3A_55 : i32 to index
        %get3A_59 = tpu.vector_load %arg10[%get3A_58] {strides = array<i32>} : memref<400xi32, #tpu.memory_space<vmem>>, vector<16xi32>,
        %get3A_60 = vector.shape_cast %get3A_59 : vector<16xi32> to vector<16xi32>
        %sub3A = vector.broadcast %mul3A_11 : i32 to vector<16xi32>
        %sub3A_61 = arith.subi %get3A_57, %sub3A : vector<16xi32>
        %ge3A = arith.constant 0 : i32
        %ge3A_62 = vector.broadcast %ge3A : i32 to vector<16xi32>
        %ge3A_63 = arith.cmpi sge, %sub3A_61, %ge3A_62 : vector<16xi32>
        %lt3A = arith.constant 5056 : i32
        %lt3A_64 = vector.broadcast %lt3A : i32 to vector<16xi32>
        %lt3A_65 = arith.cmpi slt, %sub3A_61, %lt3A_64 : vector<16xi32>
        %and3A = arith.andi %ge3A_63, %lt3A_65 : vector<16xi1>
        %broadcast_in_dim3A_66 = arith.constant -1 : i32
        %broadcast_in_dim3A_67 = vector.broadcast %broadcast_in_dim3A_66 : i32 to vector<16xi32>
        %select_n3A = arith.select %and3A, %sub3A_61, %broadcast_in_dim3A_67 : vector<16xi1>, vector<16xi32>
        %swap3A = arith.index_cast %mul3A_55 : i32 to index
        %swap3A_68 = tpu.vector_load %arg13[%swap3A] {strides = array<i32>} : memref<400xi32, #tpu.memory_space<vmem>>, vector<16xi32>,
        %swap3A_69 = vector.shape_cast %swap3A_68 : vector<16xi32> to vector<16xi32>
        %swap3A_70 = vector.shape_cast %select_n3A : vector<16xi32> to vector<16xi32>
        tpu.vector_store %arg13[%swap3A], %swap3A_70 {strides = array<i32>} : memref<400xi32, #tpu.memory_space<vmem>>, vector<16xi32>,
        %select_n3A_71 = arith.select %and3A, %get3A_60, %broadcast_in_dim3A_67 : vector<16xi1>, vector<16xi32>
        %swap3A_72 = arith.index_cast %mul3A_55 : i32 to index
        %swap3A_73 = tpu.vector_load %arg12[%swap3A_72] {strides = array<i32>} : memref<400xi32, #tpu.memory_space<vmem>>, vector<16xi32>,
        %swap3A_74 = vector.shape_cast %swap3A_73 : vector<16xi32> to vector<16xi32>
        %swap3A_75 = vector.shape_cast %select_n3A_71 : vector<16xi32> to vector<16xi32>
        tpu.vector_store %arg12[%swap3A_72], %swap3A_75 {strides = array<i32>} : memref<400xi32, #tpu.memory_space<vmem>>, vector<16xi32>,
        %jit3A = arith.constant 1.000000e+00 : f32
        %jit3A_76 = arith.constant 0.000000e+00 : f32
        %broadcast_in_dim3A_77 = vector.broadcast %jit3A : f32 to vector<16xf32>
        %broadcast_in_dim3A_78 = vector.broadcast %jit3A_76 : f32 to vector<16xf32>
        %select_n3A_79 = arith.select %and3A, %broadcast_in_dim3A_77, %broadcast_in_dim3A_78 : vector<16xi1>, vector<16xf32>
        %swap3A_80 = arith.index_cast %mul3A_55 : i32 to index
        %swap3A_81 = tpu.vector_load %arg14[%swap3A_80] {strides = array<i32>} : memref<400xf32, #tpu.memory_space<vmem>>, vector<16xf32>,
        %swap3A_82 = vector.shape_cast %swap3A_81 : vector<16xf32> to vector<16xf32>
        %swap3A_83 = vector.shape_cast %select_n3A_79 : vector<16xf32> to vector<16xf32>
        tpu.vector_store %arg14[%swap3A_80], %swap3A_83 {strides = array<i32>} : memref<400xf32, #tpu.memory_space<vmem>>, vector<16xf32>,
        %scan3A_84 = arith.constant 0 : i32
        %scan3A_85 = arith.constant 1 : i32
        %scan3A_86 = arith.addi %scan3A_52, %scan3A_85 : i32
        %mul3A_87 = arith.constant 16 : i32
        %mul3A_88 = arith.muli %scan3A_86, %mul3A_87 : i32
        %get3A_89 = arith.index_cast %mul3A_88 : i32 to index
        %get3A_90 = tpu.vector_load %arg11[%get3A_89] {strides = array<i32>} : memref<400xi32, #tpu.memory_space<vmem>>, vector<16xi32>,
        %get3A_91 = vector.shape_cast %get3A_90 : vector<16xi32> to vector<16xi32>
        %get3A_92 = arith.index_cast %mul3A_88 : i32 to index
        %get3A_93 = tpu.vector_load %arg10[%get3A_92] {strides = array<i32>} : memref<400xi32, #tpu.memory_space<vmem>>, vector<16xi32>,
        %get3A_94 = vector.shape_cast %get3A_93 : vector<16xi32> to vector<16xi32>
        %sub3A_95 = vector.broadcast %mul3A_11 : i32 to vector<16xi32>
        %sub3A_96 = arith.subi %get3A_91, %sub3A_95 : vector<16xi32>
        %ge3A_97 = arith.constant 0 : i32
        %ge3A_98 = vector.broadcast %ge3A_97 : i32 to vector<16xi32>
        %ge3A_99 = arith.cmpi sge, %sub3A_96, %ge3A_98 : vector<16xi32>
        %lt3A_100 = arith.constant 5056 : i32
        %lt3A_101 = vector.broadcast %lt3A_100 : i32 to vector<16xi32>
        %lt3A_102 = arith.cmpi slt, %sub3A_96, %lt3A_101 : vector<16xi32>
        %and3A_103 = arith.andi %ge3A_99, %lt3A_102 : vector<16xi1>
        %broadcast_in_dim3A_104 = arith.constant -1 : i32
        %broadcast_in_dim3A_105 = vector.broadcast %broadcast_in_dim3A_104 : i32 to vector<16xi32>
        %select_n3A_106 = arith.select %and3A_103, %sub3A_96, %broadcast_in_dim3A_105 : vector<16xi1>, vector<16xi32>
        %swap3A_107 = arith.index_cast %mul3A_88 : i32 to index
        %swap3A_108 = tpu.vector_load %arg13[%swap3A_107] {strides = array<i32>} : memref<400xi32, #tpu.memory_space<vmem>>, vector<16xi32>,
        %swap3A_109 = vector.shape_cast %swap3A_108 : vector<16xi32> to vector<16xi32>
        %swap3A_110 = vector.shape_cast %select_n3A_106 : vector<16xi32> to vector<16xi32>
        tpu.vector_store %arg13[%swap3A_107], %swap3A_110 {strides = array<i32>} : memref<400xi32, #tpu.memory_space<vmem>>, vector<16xi32>,
        %select_n3A_111 = arith.select %and3A_103, %get3A_94, %broadcast_in_dim3A_105 : vector<16xi1>, vector<16xi32>
        %swap3A_112 = arith.index_cast %mul3A_88 : i32 to index
        %swap3A_113 = tpu.vector_load %arg12[%swap3A_112] {strides = array<i32>} : memref<400xi32, #tpu.memory_space<vmem>>, vector<16xi32>,
        %swap3A_114 = vector.shape_cast %swap3A_113 : vector<16xi32> to vector<16xi32>
        %swap3A_115 = vector.shape_cast %select_n3A_111 : vector<16xi32> to vector<16xi32>
        tpu.vector_store %arg12[%swap3A_112], %swap3A_115 {strides = array<i32>} : memref<400xi32, #tpu.memory_space<vmem>>, vector<16xi32>,
        %jit3A_116 = arith.constant 1.000000e+00 : f32
        %jit3A_117 = arith.constant 0.000000e+00 : f32
        %broadcast_in_dim3A_118 = vector.broadcast %jit3A_116 : f32 to vector<16xf32>
        %broadcast_in_dim3A_119 = vector.broadcast %jit3A_117 : f32 to vector<16xf32>
        %select_n3A_120 = arith.select %and3A_103, %broadcast_in_dim3A_118, %broadcast_in_dim3A_119 : vector<16xi1>, vector<16xf32>
        %swap3A_121 = arith.index_cast %mul3A_88 : i32 to index
        %swap3A_122 = tpu.vector_load %arg14[%swap3A_121] {strides = array<i32>} : memref<400xf32, #tpu.memory_space<vmem>>, vector<16xf32>,
        %swap3A_123 = vector.shape_cast %swap3A_122 : vector<16xf32> to vector<16xf32>
        %swap3A_124 = vector.shape_cast %select_n3A_120 : vector<16xf32> to vector<16xf32>
        tpu.vector_store %arg14[%swap3A_121], %swap3A_124 {strides = array<i32>} : memref<400xf32, #tpu.memory_space<vmem>>, vector<16xf32>,
        %scan3A_125 = arith.constant 0 : i32
        %scan3A_126 = arith.constant 2 : i32
        %scan3A_127 = arith.addi %scan3A_52, %scan3A_126 : i32
        %mul3A_128 = arith.constant 16 : i32
        %mul3A_129 = arith.muli %scan3A_127, %mul3A_128 : i32
        %get3A_130 = arith.index_cast %mul3A_129 : i32 to index
        %get3A_131 = tpu.vector_load %arg11[%get3A_130] {strides = array<i32>} : memref<400xi32, #tpu.memory_space<vmem>>, vector<16xi32>,
        %get3A_132 = vector.shape_cast %get3A_131 : vector<16xi32> to vector<16xi32>
        %get3A_133 = arith.index_cast %mul3A_129 : i32 to index
        %get3A_134 = tpu.vector_load %arg10[%get3A_133] {strides = array<i32>} : memref<400xi32, #tpu.memory_space<vmem>>, vector<16xi32>,
        %get3A_135 = vector.shape_cast %get3A_134 : vector<16xi32> to vector<16xi32>
        %sub3A_136 = vector.broadcast %mul3A_11 : i32 to vector<16xi32>
        %sub3A_137 = arith.subi %get3A_132, %sub3A_136 : vector<16xi32>
        %ge3A_138 = arith.constant 0 : i32
        %ge3A_139 = vector.broadcast %ge3A_138 : i32 to vector<16xi32>
        %ge3A_140 = arith.cmpi sge, %sub3A_137, %ge3A_139 : vector<16xi32>
        %lt3A_141 = arith.constant 5056 : i32
        %lt3A_142 = vector.broadcast %lt3A_141 : i32 to vector<16xi32>
        %lt3A_143 = arith.cmpi slt, %sub3A_137, %lt3A_142 : vector<16xi32>
        %and3A_144 = arith.andi %ge3A_140, %lt3A_143 : vector<16xi1>
        %broadcast_in_dim3A_145 = arith.constant -1 : i32
        %broadcast_in_dim3A_146 = vector.broadcast %broadcast_in_dim3A_145 : i32 to vector<16xi32>
        %select_n3A_147 = arith.select %and3A_144, %sub3A_137, %broadcast_in_dim3A_146 : vector<16xi1>, vector<16xi32>
        %swap3A_148 = arith.index_cast %mul3A_129 : i32 to index
        %swap3A_149 = tpu.vector_load %arg13[%swap3A_148] {strides = array<i32>} : memref<400xi32, #tpu.memory_space<vmem>>, vector<16xi32>,
        %swap3A_150 = vector.shape_cast %swap3A_149 : vector<16xi32> to vector<16xi32>
        %swap3A_151 = vector.shape_cast %select_n3A_147 : vector<16xi32> to vector<16xi32>
        tpu.vector_store %arg13[%swap3A_148], %swap3A_151 {strides = array<i32>} : memref<400xi32, #tpu.memory_space<vmem>>, vector<16xi32>,
        %select_n3A_152 = arith.select %and3A_144, %get3A_135, %broadcast_in_dim3A_146 : vector<16xi1>, vector<16xi32>
        %swap3A_153 = arith.index_cast %mul3A_129 : i32 to index
        %swap3A_154 = tpu.vector_load %arg12[%swap3A_153] {strides = array<i32>} : memref<400xi32, #tpu.memory_space<vmem>>, vector<16xi32>,
        %swap3A_155 = vector.shape_cast %swap3A_154 : vector<16xi32> to vector<16xi32>
        %swap3A_156 = vector.shape_cast %select_n3A_152 : vector<16xi32> to vector<16xi32>
        tpu.vector_store %arg12[%swap3A_153], %swap3A_156 {strides = array<i32>} : memref<400xi32, #tpu.memory_space<vmem>>, vector<16xi32>,
        %jit3A_157 = arith.constant 1.000000e+00 : f32
        %jit3A_158 = arith.constant 0.000000e+00 : f32
        %broadcast_in_dim3A_159 = vector.broadcast %jit3A_157 : f32 to vector<16xf32>
        %broadcast_in_dim3A_160 = vector.broadcast %jit3A_158 : f32 to vector<16xf32>
        %select_n3A_161 = arith.select %and3A_144, %broadcast_in_dim3A_159, %broadcast_in_dim3A_160 : vector<16xi1>, vector<16xf32>
        %swap3A_162 = arith.index_cast %mul3A_129 : i32 to index
        %swap3A_163 = tpu.vector_load %arg14[%swap3A_162] {strides = array<i32>} : memref<400xf32, #tpu.memory_space<vmem>>, vector<16xf32>,
        %swap3A_164 = vector.shape_cast %swap3A_163 : vector<16xf32> to vector<16xf32>
        %swap3A_165 = vector.shape_cast %select_n3A_161 : vector<16xf32> to vector<16xf32>
        tpu.vector_store %arg14[%swap3A_162], %swap3A_165 {strides = array<i32>} : memref<400xf32, #tpu.memory_space<vmem>>, vector<16xf32>,
        %scan3A_166 = arith.constant 0 : i32
        %scan3A_167 = arith.constant 3 : i32
        %scan3A_168 = arith.addi %scan3A_52, %scan3A_167 : i32
        %mul3A_169 = arith.constant 16 : i32
        %mul3A_170 = arith.muli %scan3A_168, %mul3A_169 : i32
        %get3A_171 = arith.index_cast %mul3A_170 : i32 to index
        %get3A_172 = tpu.vector_load %arg11[%get3A_171] {strides = array<i32>} : memref<400xi32, #tpu.memory_space<vmem>>, vector<16xi32>,
        %get3A_173 = vector.shape_cast %get3A_172 : vector<16xi32> to vector<16xi32>
        %get3A_174 = arith.index_cast %mul3A_170 : i32 to index
        %get3A_175 = tpu.vector_load %arg10[%get3A_174] {strides = array<i32>} : memref<400xi32, #tpu.memory_space<vmem>>, vector<16xi32>,
        %get3A_176 = vector.shape_cast %get3A_175 : vector<16xi32> to vector<16xi32>
        %sub3A_177 = vector.broadcast %mul3A_11 : i32 to vector<16xi32>
        %sub3A_178 = arith.subi %get3A_173, %sub3A_177 : vector<16xi32>
        %ge3A_179 = arith.constant 0 : i32
        %ge3A_180 = vector.broadcast %ge3A_179 : i32 to vector<16xi32>
        %ge3A_181 = arith.cmpi sge, %sub3A_178, %ge3A_180 : vector<16xi32>
        %lt3A_182 = arith.constant 5056 : i32
        %lt3A_183 = vector.broadcast %lt3A_182 : i32 to vector<16xi32>
        %lt3A_184 = arith.cmpi slt, %sub3A_178, %lt3A_183 : vector<16xi32>
        %and3A_185 = arith.andi %ge3A_181, %lt3A_184 : vector<16xi1>
        %broadcast_in_dim3A_186 = arith.constant -1 : i32
        %broadcast_in_dim3A_187 = vector.broadcast %broadcast_in_dim3A_186 : i32 to vector<16xi32>
        %select_n3A_188 = arith.select %and3A_185, %sub3A_178, %broadcast_in_dim3A_187 : vector<16xi1>, vector<16xi32>
        %swap3A_189 = arith.index_cast %mul3A_170 : i32 to index
        %swap3A_190 = tpu.vector_load %arg13[%swap3A_189] {strides = array<i32>} : memref<400xi32, #tpu.memory_space<vmem>>, vector<16xi32>,
        %swap3A_191 = vector.shape_cast %swap3A_190 : vector<16xi32> to vector<16xi32>
        %swap3A_192 = vector.shape_cast %select_n3A_188 : vector<16xi32> to vector<16xi32>
        tpu.vector_store %arg13[%swap3A_189], %swap3A_192 {strides = array<i32>} : memref<400xi32, #tpu.memory_space<vmem>>, vector<16xi32>,
        %select_n3A_193 = arith.select %and3A_185, %get3A_176, %broadcast_in_dim3A_187 : vector<16xi1>, vector<16xi32>
        %swap3A_194 = arith.index_cast %mul3A_170 : i32 to index
        %swap3A_195 = tpu.vector_load %arg12[%swap3A_194] {strides = array<i32>} : memref<400xi32, #tpu.memory_space<vmem>>, vector<16xi32>,
        %swap3A_196 = vector.shape_cast %swap3A_195 : vector<16xi32> to vector<16xi32>
        %swap3A_197 = vector.shape_cast %select_n3A_193 : vector<16xi32> to vector<16xi32>
        tpu.vector_store %arg12[%swap3A_194], %swap3A_197 {strides = array<i32>} : memref<400xi32, #tpu.memory_space<vmem>>, vector<16xi32>,
        %jit3A_198 = arith.constant 1.000000e+00 : f32
        %jit3A_199 = arith.constant 0.000000e+00 : f32
        %broadcast_in_dim3A_200 = vector.broadcast %jit3A_198 : f32 to vector<16xf32>
        %broadcast_in_dim3A_201 = vector.broadcast %jit3A_199 : f32 to vector<16xf32>
        %select_n3A_202 = arith.select %and3A_185, %broadcast_in_dim3A_200, %broadcast_in_dim3A_201 : vector<16xi1>, vector<16xf32>
        %swap3A_203 = arith.index_cast %mul3A_170 : i32 to index
        %swap3A_204 = tpu.vector_load %arg14[%swap3A_203] {strides = array<i32>} : memref<400xf32, #tpu.memory_space<vmem>>, vector<16xf32>,
        %swap3A_205 = vector.shape_cast %swap3A_204 : vector<16xf32> to vector<16xf32>
        %swap3A_206 = vector.shape_cast %select_n3A_202 : vector<16xf32> to vector<16xf32>
        tpu.vector_store %arg14[%swap3A_203], %swap3A_206 {strides = array<i32>} : memref<400xf32, #tpu.memory_space<vmem>>, vector<16xf32>,
        %scan3A_207 = arith.constant 0 : i32
        %scan3A_208 = arith.constant 4 : i32
        %scan3A_209 = arith.addi %scan3A_52, %scan3A_208 : i32
        %mul3A_210 = arith.constant 16 : i32
        %mul3A_211 = arith.muli %scan3A_209, %mul3A_210 : i32
        %get3A_212 = arith.index_cast %mul3A_211 : i32 to index
        %get3A_213 = tpu.vector_load %arg11[%get3A_212] {strides = array<i32>} : memref<400xi32, #tpu.memory_space<vmem>>, vector<16xi32>,
        %get3A_214 = vector.shape_cast %get3A_213 : vector<16xi32> to vector<16xi32>
        %get3A_215 = arith.index_cast %mul3A_211 : i32 to index
        %get3A_216 = tpu.vector_load %arg10[%get3A_215] {strides = array<i32>} : memref<400xi32, #tpu.memory_space<vmem>>, vector<16xi32>,
        %get3A_217 = vector.shape_cast %get3A_216 : vector<16xi32> to vector<16xi32>
        %sub3A_218 = vector.broadcast %mul3A_11 : i32 to vector<16xi32>
        %sub3A_219 = arith.subi %get3A_214, %sub3A_218 : vector<16xi32>
        %ge3A_220 = arith.constant 0 : i32
        %ge3A_221 = vector.broadcast %ge3A_220 : i32 to vector<16xi32>
        %ge3A_222 = arith.cmpi sge, %sub3A_219, %ge3A_221 : vector<16xi32>
        %lt3A_223 = arith.constant 5056 : i32
        %lt3A_224 = vector.broadcast %lt3A_223 : i32 to vector<16xi32>
        %lt3A_225 = arith.cmpi slt, %sub3A_219, %lt3A_224 : vector<16xi32>
        %and3A_226 = arith.andi %ge3A_222, %lt3A_225 : vector<16xi1>
        %broadcast_in_dim3A_227 = arith.constant -1 : i32
        %broadcast_in_dim3A_228 = vector.broadcast %broadcast_in_dim3A_227 : i32 to vector<16xi32>
        %select_n3A_229 = arith.select %and3A_226, %sub3A_219, %broadcast_in_dim3A_228 : vector<16xi1>, vector<16xi32>
        %swap3A_230 = arith.index_cast %mul3A_211 : i32 to index
        %swap3A_231 = tpu.vector_load %arg13[%swap3A_230] {strides = array<i32>} : memref<400xi32, #tpu.memory_space<vmem>>, vector<16xi32>,
        %swap3A_232 = vector.shape_cast %swap3A_231 : vector<16xi32> to vector<16xi32>
        %swap3A_233 = vector.shape_cast %select_n3A_229 : vector<16xi32> to vector<16xi32>
        tpu.vector_store %arg13[%swap3A_230], %swap3A_233 {strides = array<i32>} : memref<400xi32, #tpu.memory_space<vmem>>, vector<16xi32>,
        %select_n3A_234 = arith.select %and3A_226, %get3A_217, %broadcast_in_dim3A_228 : vector<16xi1>, vector<16xi32>
        %swap3A_235 = arith.index_cast %mul3A_211 : i32 to index
        %swap3A_236 = tpu.vector_load %arg12[%swap3A_235] {strides = array<i32>} : memref<400xi32, #tpu.memory_space<vmem>>, vector<16xi32>,
        %swap3A_237 = vector.shape_cast %swap3A_236 : vector<16xi32> to vector<16xi32>
        %swap3A_238 = vector.shape_cast %select_n3A_234 : vector<16xi32> to vector<16xi32>
        tpu.vector_store %arg12[%swap3A_235], %swap3A_238 {strides = array<i32>} : memref<400xi32, #tpu.memory_space<vmem>>, vector<16xi32>,
        %jit3A_239 = arith.constant 1.000000e+00 : f32
        %jit3A_240 = arith.constant 0.000000e+00 : f32
        %broadcast_in_dim3A_241 = vector.broadcast %jit3A_239 : f32 to vector<16xf32>
        %broadcast_in_dim3A_242 = vector.broadcast %jit3A_240 : f32 to vector<16xf32>
        %select_n3A_243 = arith.select %and3A_226, %broadcast_in_dim3A_241, %broadcast_in_dim3A_242 : vector<16xi1>, vector<16xf32>
        %swap3A_244 = arith.index_cast %mul3A_211 : i32 to index
        %swap3A_245 = tpu.vector_load %arg14[%swap3A_244] {strides = array<i32>} : memref<400xf32, #tpu.memory_space<vmem>>, vector<16xf32>,
        %swap3A_246 = vector.shape_cast %swap3A_245 : vector<16xf32> to vector<16xf32>
        %swap3A_247 = vector.shape_cast %select_n3A_243 : vector<16xf32> to vector<16xf32>
        tpu.vector_store %arg14[%swap3A_244], %swap3A_247 {strides = array<i32>} : memref<400xf32, #tpu.memory_space<vmem>>, vector<16xf32>,
        %scan3A_248 = arith.constant 0 : i32
        scf.yield %scan3A_248 : i32
      }
      %scan3A_32 = arith.constant 25 : i32
      %dma_start3A = arith.constant 0 : i32
      %dma_start3A_33 = arith.constant 0 : i32
      %dma_start3A_34 = tpu.memref_slice %arg2[%dma_start3A, %dma_start3A_33] : memref<10112x80xf32, #tpu.memory_space<hbm>> -> memref<10112x80xf32, #tpu.memory_space<hbm>>
      %dma_start3A_35 = arith.constant -1 : i32
      tpu.enqueue_indirect_dma source(%dma_start3A_34 : memref<10112x80xf32, #tpu.memory_space<hbm>>) target(%arg7 : memref<400x80xf32, #tpu.memory_space<vmem>>) offsets(%arg12 : memref<400xi32, #tpu.memory_space<vmem>>) offset_filter(%dma_start3A_35) semaphore(%arg16 : memref<!tpu.dma_semaphore, #tpu.memory_space<semaphore_mem>>)
      %dma_start3A_36 = arith.constant 0 : i32
      %dma_start3A_37 = arith.constant 0 : i32
      %dma_start3A_38 = tpu.memref_slice %arg3[%dma_start3A_36, %dma_start3A_37] : memref<10112x16xf32, #tpu.memory_space<hbm>> -> memref<10112x16xf32, #tpu.memory_space<hbm>>
      tpu.enqueue_indirect_dma source(%dma_start3A_38 : memref<10112x16xf32, #tpu.memory_space<hbm>>) target(%arg8 : memref<400x16xf32, #tpu.memory_space<vmem>>) offsets(%arg11 : memref<400xi32, #tpu.memory_space<vmem>>) semaphore(%arg17 : memref<!tpu.dma_semaphore, #tpu.memory_space<semaphore_mem>>)
      %dma_wait3A = arith.constant 0 : i32
      %dma_wait3A_39 = arith.constant 0 : i32
      %dma_wait3A_40 = tpu.memref_slice %arg2[%dma_wait3A, %dma_wait3A_39] : memref<10112x80xf32, #tpu.memory_space<hbm>> -> memref<10112x80xf32, #tpu.memory_space<hbm>>
      tpu.wait_indirect_dma semaphore(%arg16 : memref<!tpu.dma_semaphore, #tpu.memory_space<semaphore_mem>>) src(%dma_wait3A_40 : memref<10112x80xf32, #tpu.memory_space<hbm>>) dst(%arg7 : memref<400x80xf32, #tpu.memory_space<vmem>>)
      %dma_wait3A_41 = arith.constant 0 : i32
      %dma_wait3A_42 = arith.constant 0 : i32
      %dma_wait3A_43 = tpu.memref_slice %arg3[%dma_wait3A_41, %dma_wait3A_42] : memref<10112x16xf32, #tpu.memory_space<hbm>> -> memref<10112x16xf32, #tpu.memory_space<hbm>>
      tpu.wait_indirect_dma semaphore(%arg17 : memref<!tpu.dma_semaphore, #tpu.memory_space<semaphore_mem>>) src(%dma_wait3A_43 : memref<10112x16xf32, #tpu.memory_space<hbm>>) dst(%arg8 : memref<400x16xf32, #tpu.memory_space<vmem>>)
      %scan3A_44 = arith.constant 0 : i32
      %scan3A_45 = arith.constant 0 : i32
      %scan3A_46 = arith.constant 25 : i32
      %scan3A_47 = arith.addi %scan3A_45, %scan3A_46 : i32
      %scan3A_48 = arith.constant 1 : i32
      %scan3A_49 = scf.for %scan3A_52 = %scan3A_45 to %scan3A_47 step %scan3A_48 iter_args(%scan3A_53 = %scan3A_44) -> (i32)  : i32 {
        %mul3A_54 = arith.constant 16 : i32
        %mul3A_55 = arith.muli %scan3A_52, %mul3A_54 : i32
        %get3A = arith.index_cast %mul3A_55 : i32 to index
        %get3A_56 = tpu.vector_load %arg14[%get3A] {strides = array<i32>} : memref<400xf32, #tpu.memory_space<vmem>>, vector<16xf32>,
        %get3A_57 = vector.shape_cast %get3A_56 : vector<16xf32> to vector<16xf32>
        %mul3A_58 = arith.constant 16 : i32
        %mul3A_59 = arith.muli %scan3A_52, %mul3A_58 : i32
        %add3A_60 = arith.constant 0 : i32
        %add3A_61 = arith.addi %mul3A_59, %add3A_60 : i32
        %get3A_62 = arith.index_cast %add3A_61 : i32 to index
        %get3A_63 = arith.constant 64 : index
        %get3A_64 = tpu.vector_load %arg7[%get3A_62, %get3A_63] {strides = array<i32>} : memref<400x80xf32, #tpu.memory_space<vmem>>, vector<1x16xf32>,
        %get3A_65 = vector.shape_cast %get3A_64 : vector<1x16xf32> to vector<16xf32>
        %get3A_66 = arith.index_cast %add3A_61 : i32 to index
        %get3A_67 = arith.constant 0 : index
        %get3A_68 = tpu.vector_load %arg8[%get3A_66, %get3A_67] {strides = array<i32>} : memref<400x16xf32, #tpu.memory_space<vmem>>, vector<1x16xf32>,
        %get3A_69 = vector.shape_cast %get3A_68 : vector<1x16xf32> to vector<16xf32>
        %add3A_70 = arith.addf %get3A_65, %get3A_69 : vector<16xf32>
        %mul3A_71 = arith.constant 2.000000e-01 : f32
        %mul3A_72 = vector.broadcast %mul3A_71 : f32 to vector<16xf32>
        %mul3A_73 = arith.mulf %mul3A_72, %add3A_70 : vector<16xf32>
        %max3A = arith.maximumf %add3A_70, %mul3A_73 : vector<16xf32>
        %exp3A = math.exp %max3A : vector<16xf32>
        %slice3A = vector.extract_strided_slice %get3A_57 {offsets = [0], sizes = [1], strides = [1]} : vector<16xf32> to vector<1xf32>
        %squeeze3A = vector.extract %slice3A[0] : f32 from vector<1xf32>
        %mul3A_74 = vector.broadcast %squeeze3A : f32 to vector<16xf32>
        %mul3A_75 = arith.mulf %exp3A, %mul3A_74 : vector<16xf32>
        %swap3A = arith.index_cast %add3A_61 : i32 to index
        %swap3A_76 = arith.constant 64 : index
        %swap3A_77 = tpu.vector_load %arg9[%swap3A, %swap3A_76] {strides = array<i32>} : memref<400x80xf32, #tpu.memory_space<vmem>>, vector<1x16xf32>,
        %swap3A_78 = vector.shape_cast %swap3A_77 : vector<1x16xf32> to vector<16xf32>
        %swap3A_79 = vector.shape_cast %mul3A_75 : vector<16xf32> to vector<1x16xf32>
        tpu.vector_store %arg9[%swap3A, %swap3A_76], %swap3A_79 {strides = array<i32>} : memref<400x80xf32, #tpu.memory_space<vmem>>, vector<1x16xf32>,
        %get3A_80 = arith.index_cast %add3A_61 : i32 to index
        %get3A_81 = arith.constant 0 : index
        %get3A_82 = tpu.vector_load %arg7[%get3A_80, %get3A_81] {strides = array<i32>} : memref<400x80xf32, #tpu.memory_space<vmem>>, vector<1x16xf32>,
        %get3A_83 = vector.shape_cast %get3A_82 : vector<1x16xf32> to vector<16xf32>
        %slice3A_84 = vector.extract_strided_slice %mul3A_75 {offsets = [12], sizes = [1], strides = [1]} : vector<16xf32> to vector<1xf32>
        %squeeze3A_85 = vector.extract %slice3A_84[0] : f32 from vector<1xf32>
        %mul3A_86 = vector.broadcast %squeeze3A_85 : f32 to vector<16xf32>
        %mul3A_87 = arith.mulf %get3A_83, %mul3A_86 : vector<16xf32>
        %swap3A_88 = arith.index_cast %add3A_61 : i32 to index
        %swap3A_89 = arith.constant 0 : index
        %swap3A_90 = tpu.vector_load %arg9[%swap3A_88, %swap3A_89] {strides = array<i32>} : memref<400x80xf32, #tpu.memory_space<vmem>>, vector<1x16xf32>,
        %swap3A_91 = vector.shape_cast %swap3A_90 : vector<1x16xf32> to vector<16xf32>
        %swap3A_92 = vector.shape_cast %mul3A_87 : vector<16xf32> to vector<1x16xf32>
        tpu.vector_store %arg9[%swap3A_88, %swap3A_89], %swap3A_92 {strides = array<i32>} : memref<400x80xf32, #tpu.memory_space<vmem>>, vector<1x16xf32>,
        %get3A_93 = arith.index_cast %add3A_61 : i32 to index
        %get3A_94 = arith.constant 16 : index
        %get3A_95 = tpu.vector_load %arg7[%get3A_93, %get3A_94] {strides = array<i32>} : memref<400x80xf32, #tpu.memory_space<vmem>>, vector<1x16xf32>,
        %get3A_96 = vector.shape_cast %get3A_95 : vector<1x16xf32> to vector<16xf32>
        %slice3A_97 = vector.extract_strided_slice %mul3A_75 {offsets = [13], sizes = [1], strides = [1]} : vector<16xf32> to vector<1xf32>
        %squeeze3A_98 = vector.extract %slice3A_97[0] : f32 from vector<1xf32>
        %mul3A_99 = vector.broadcast %squeeze3A_98 : f32 to vector<16xf32>
        %mul3A_100 = arith.mulf %get3A_96, %mul3A_99 : vector<16xf32>
        %swap3A_101 = arith.index_cast %add3A_61 : i32 to index
        %swap3A_102 = arith.constant 16 : index
        %swap3A_103 = tpu.vector_load %arg9[%swap3A_101, %swap3A_102] {strides = array<i32>} : memref<400x80xf32, #tpu.memory_space<vmem>>, vector<1x16xf32>,
        %swap3A_104 = vector.shape_cast %swap3A_103 : vector<1x16xf32> to vector<16xf32>
        %swap3A_105 = vector.shape_cast %mul3A_100 : vector<16xf32> to vector<1x16xf32>
        tpu.vector_store %arg9[%swap3A_101, %swap3A_102], %swap3A_105 {strides = array<i32>} : memref<400x80xf32, #tpu.memory_space<vmem>>, vector<1x16xf32>,
        %get3A_106 = arith.index_cast %add3A_61 : i32 to index
        %get3A_107 = arith.constant 32 : index
        %get3A_108 = tpu.vector_load %arg7[%get3A_106, %get3A_107] {strides = array<i32>} : memref<400x80xf32, #tpu.memory_space<vmem>>, vector<1x16xf32>,
        %get3A_109 = vector.shape_cast %get3A_108 : vector<1x16xf32> to vector<16xf32>
        %slice3A_110 = vector.extract_strided_slice %mul3A_75 {offsets = [14], sizes = [1], strides = [1]} : vector<16xf32> to vector<1xf32>
        %squeeze3A_111 = vector.extract %slice3A_110[0] : f32 from vector<1xf32>
        %mul3A_112 = vector.broadcast %squeeze3A_111 : f32 to vector<16xf32>
        %mul3A_113 = arith.mulf %get3A_109, %mul3A_112 : vector<16xf32>
        %swap3A_114 = arith.index_cast %add3A_61 : i32 to index
        %swap3A_115 = arith.constant 32 : index
        %swap3A_116 = tpu.vector_load %arg9[%swap3A_114, %swap3A_115] {strides = array<i32>} : memref<400x80xf32, #tpu.memory_space<vmem>>, vector<1x16xf32>,
        %swap3A_117 = vector.shape_cast %swap3A_116 : vector<1x16xf32> to vector<16xf32>
        %swap3A_118 = vector.shape_cast %mul3A_113 : vector<16xf32> to vector<1x16xf32>
        tpu.vector_store %arg9[%swap3A_114, %swap3A_115], %swap3A_118 {strides = array<i32>} : memref<400x80xf32, #tpu.memory_space<vmem>>, vector<1x16xf32>,
        %get3A_119 = arith.index_cast %add3A_61 : i32 to index
        %get3A_120 = arith.constant 48 : index
        %get3A_121 = tpu.vector_load %arg7[%get3A_119, %get3A_120] {strides = array<i32>} : memref<400x80xf32, #tpu.memory_space<vmem>>, vector<1x16xf32>,
        %get3A_122 = vector.shape_cast %get3A_121 : vector<1x16xf32> to vector<16xf32>
        %slice3A_123 = vector.extract_strided_slice %mul3A_75 {offsets = [15], sizes = [1], strides = [1]} : vector<16xf32> to vector<1xf32>
        %squeeze3A_124 = vector.extract %slice3A_123[0] : f32 from vector<1xf32>
        %mul3A_125 = vector.broadcast %squeeze3A_124 : f32 to vector<16xf32>
        %mul3A_126 = arith.mulf %get3A_122, %mul3A_125 : vector<16xf32>
        %swap3A_127 = arith.index_cast %add3A_61 : i32 to index
        %swap3A_128 = arith.constant 48 : index
        %swap3A_129 = tpu.vector_load %arg9[%swap3A_127, %swap3A_128] {strides = array<i32>} : memref<400x80xf32, #tpu.memory_space<vmem>>, vector<1x16xf32>,
        %swap3A_130 = vector.shape_cast %swap3A_129 : vector<1x16xf32> to vector<16xf32>
        %swap3A_131 = vector.shape_cast %mul3A_126 : vector<16xf32> to vector<1x16xf32>
        tpu.vector_store %arg9[%swap3A_127, %swap3A_128], %swap3A_131 {strides = array<i32>} : memref<400x80xf32, #tpu.memory_space<vmem>>, vector<1x16xf32>,
        %mul3A_132 = arith.constant 16 : i32
        %mul3A_133 = arith.muli %scan3A_52, %mul3A_132 : i32
        %add3A_134 = arith.constant 1 : i32
        %add3A_135 = arith.addi %mul3A_133, %add3A_134 : i32
        %get3A_136 = arith.index_cast %add3A_135 : i32 to index
        %get3A_137 = arith.constant 64 : index
        %get3A_138 = tpu.vector_load %arg7[%get3A_136, %get3A_137] {strides = array<i32>} : memref<400x80xf32, #tpu.memory_space<vmem>>, vector<1x16xf32>,
        %get3A_139 = vector.shape_cast %get3A_138 : vector<1x16xf32> to vector<16xf32>
        %get3A_140 = arith.index_cast %add3A_135 : i32 to index
        %get3A_141 = arith.constant 0 : index
        %get3A_142 = tpu.vector_load %arg8[%get3A_140, %get3A_141] {strides = array<i32>} : memref<400x16xf32, #tpu.memory_space<vmem>>, vector<1x16xf32>,
        %get3A_143 = vector.shape_cast %get3A_142 : vector<1x16xf32> to vector<16xf32>
        %add3A_144 = arith.addf %get3A_139, %get3A_143 : vector<16xf32>
        %mul3A_145 = arith.constant 2.000000e-01 : f32
        %mul3A_146 = vector.broadcast %mul3A_145 : f32 to vector<16xf32>
        %mul3A_147 = arith.mulf %mul3A_146, %add3A_144 : vector<16xf32>
        %max3A_148 = arith.maximumf %add3A_144, %mul3A_147 : vector<16xf32>
        %exp3A_149 = math.exp %max3A_148 : vector<16xf32>
        %slice3A_150 = vector.extract_strided_slice %get3A_57 {offsets = [1], sizes = [1], strides = [1]} : vector<16xf32> to vector<1xf32>
        %squeeze3A_151 = vector.extract %slice3A_150[0] : f32 from vector<1xf32>
        %mul3A_152 = vector.broadcast %squeeze3A_151 : f32 to vector<16xf32>
        %mul3A_153 = arith.mulf %exp3A_149, %mul3A_152 : vector<16xf32>
        %swap3A_154 = arith.index_cast %add3A_135 : i32 to index
        %swap3A_155 = arith.constant 64 : index
        %swap3A_156 = tpu.vector_load %arg9[%swap3A_154, %swap3A_155] {strides = array<i32>} : memref<400x80xf32, #tpu.memory_space<vmem>>, vector<1x16xf32>,
        %swap3A_157 = vector.shape_cast %swap3A_156 : vector<1x16xf32> to vector<16xf32>
        %swap3A_158 = vector.shape_cast %mul3A_153 : vector<16xf32> to vector<1x16xf32>
        tpu.vector_store %arg9[%swap3A_154, %swap3A_155], %swap3A_158 {strides = array<i32>} : memref<400x80xf32, #tpu.memory_space<vmem>>, vector<1x16xf32>,
        %get3A_159 = arith.index_cast %add3A_135 : i32 to index
        %get3A_160 = arith.constant 0 : index
        %get3A_161 = tpu.vector_load %arg7[%get3A_159, %get3A_160] {strides = array<i32>} : memref<400x80xf32, #tpu.memory_space<vmem>>, vector<1x16xf32>,
        %get3A_162 = vector.shape_cast %get3A_161 : vector<1x16xf32> to vector<16xf32>
        %slice3A_163 = vector.extract_strided_slice %mul3A_153 {offsets = [12], sizes = [1], strides = [1]} : vector<16xf32> to vector<1xf32>
        %squeeze3A_164 = vector.extract %slice3A_163[0] : f32 from vector<1xf32>
        %mul3A_165 = vector.broadcast %squeeze3A_164 : f32 to vector<16xf32>
        %mul3A_166 = arith.mulf %get3A_162, %mul3A_165 : vector<16xf32>
        %swap3A_167 = arith.index_cast %add3A_135 : i32 to index
        %swap3A_168 = arith.constant 0 : index
        %swap3A_169 = tpu.vector_load %arg9[%swap3A_167, %swap3A_168] {strides = array<i32>} : memref<400x80xf32, #tpu.memory_space<vmem>>, vector<1x16xf32>,
        %swap3A_170 = vector.shape_cast %swap3A_169 : vector<1x16xf32> to vector<16xf32>
        %swap3A_171 = vector.shape_cast %mul3A_166 : vector<16xf32> to vector<1x16xf32>
        tpu.vector_store %arg9[%swap3A_167, %swap3A_168], %swap3A_171 {strides = array<i32>} : memref<400x80xf32, #tpu.memory_space<vmem>>, vector<1x16xf32>,
        %get3A_172 = arith.index_cast %add3A_135 : i32 to index
        %get3A_173 = arith.constant 16 : index
        %get3A_174 = tpu.vector_load %arg7[%get3A_172, %get3A_173] {strides = array<i32>} : memref<400x80xf32, #tpu.memory_space<vmem>>, vector<1x16xf32>,
        %get3A_175 = vector.shape_cast %get3A_174 : vector<1x16xf32> to vector<16xf32>
        %slice3A_176 = vector.extract_strided_slice %mul3A_153 {offsets = [13], sizes = [1], strides = [1]} : vector<16xf32> to vector<1xf32>
        %squeeze3A_177 = vector.extract %slice3A_176[0] : f32 from vector<1xf32>
        %mul3A_178 = vector.broadcast %squeeze3A_177 : f32 to vector<16xf32>
        %mul3A_179 = arith.mulf %get3A_175, %mul3A_178 : vector<16xf32>
        %swap3A_180 = arith.index_cast %add3A_135 : i32 to index
        %swap3A_181 = arith.constant 16 : index
        %swap3A_182 = tpu.vector_load %arg9[%swap3A_180, %swap3A_181] {strides = array<i32>} : memref<400x80xf32, #tpu.memory_space<vmem>>, vector<1x16xf32>,
        %swap3A_183 = vector.shape_cast %swap3A_182 : vector<1x16xf32> to vector<16xf32>
        %swap3A_184 = vector.shape_cast %mul3A_179 : vector<16xf32> to vector<1x16xf32>
        tpu.vector_store %arg9[%swap3A_180, %swap3A_181], %swap3A_184 {strides = array<i32>} : memref<400x80xf32, #tpu.memory_space<vmem>>, vector<1x16xf32>,
        %get3A_185 = arith.index_cast %add3A_135 : i32 to index
        %get3A_186 = arith.constant 32 : index
        %get3A_187 = tpu.vector_load %arg7[%get3A_185, %get3A_186] {strides = array<i32>} : memref<400x80xf32, #tpu.memory_space<vmem>>, vector<1x16xf32>,
        %get3A_188 = vector.shape_cast %get3A_187 : vector<1x16xf32> to vector<16xf32>
        %slice3A_189 = vector.extract_strided_slice %mul3A_153 {offsets = [14], sizes = [1], strides = [1]} : vector<16xf32> to vector<1xf32>
        %squeeze3A_190 = vector.extract %slice3A_189[0] : f32 from vector<1xf32>
        %mul3A_191 = vector.broadcast %squeeze3A_190 : f32 to vector<16xf32>
        %mul3A_192 = arith.mulf %get3A_188, %mul3A_191 : vector<16xf32>
        %swap3A_193 = arith.index_cast %add3A_135 : i32 to index
        %swap3A_194 = arith.constant 32 : index
        %swap3A_195 = tpu.vector_load %arg9[%swap3A_193, %swap3A_194] {strides = array<i32>} : memref<400x80xf32, #tpu.memory_space<vmem>>, vector<1x16xf32>,
        %swap3A_196 = vector.shape_cast %swap3A_195 : vector<1x16xf32> to vector<16xf32>
        %swap3A_197 = vector.shape_cast %mul3A_192 : vector<16xf32> to vector<1x16xf32>
        tpu.vector_store %arg9[%swap3A_193, %swap3A_194], %swap3A_197 {strides = array<i32>} : memref<400x80xf32, #tpu.memory_space<vmem>>, vector<1x16xf32>,
        %get3A_198 = arith.index_cast %add3A_135 : i32 to index
        %get3A_199 = arith.constant 48 : index
        %get3A_200 = tpu.vector_load %arg7[%get3A_198, %get3A_199] {strides = array<i32>} : memref<400x80xf32, #tpu.memory_space<vmem>>, vector<1x16xf32>,
        %get3A_201 = vector.shape_cast %get3A_200 : vector<1x16xf32> to vector<16xf32>
        %slice3A_202 = vector.extract_strided_slice %mul3A_153 {offsets = [15], sizes = [1], strides = [1]} : vector<16xf32> to vector<1xf32>
        %squeeze3A_203 = vector.extract %slice3A_202[0] : f32 from vector<1xf32>
        %mul3A_204 = vector.broadcast %squeeze3A_203 : f32 to vector<16xf32>
        %mul3A_205 = arith.mulf %get3A_201, %mul3A_204 : vector<16xf32>
        %swap3A_206 = arith.index_cast %add3A_135 : i32 to index
        %swap3A_207 = arith.constant 48 : index
        %swap3A_208 = tpu.vector_load %arg9[%swap3A_206, %swap3A_207] {strides = array<i32>} : memref<400x80xf32, #tpu.memory_space<vmem>>, vector<1x16xf32>,
        %swap3A_209 = vector.shape_cast %swap3A_208 : vector<1x16xf32> to vector<16xf32>
        %swap3A_210 = vector.shape_cast %mul3A_205 : vector<16xf32> to vector<1x16xf32>
        tpu.vector_store %arg9[%swap3A_206, %swap3A_207], %swap3A_210 {strides = array<i32>} : memref<400x80xf32, #tpu.memory_space<vmem>>, vector<1x16xf32>,
        %mul3A_211 = arith.constant 16 : i32
        %mul3A_212 = arith.muli %scan3A_52, %mul3A_211 : i32
        %add3A_213 = arith.constant 2 : i32
        %add3A_214 = arith.addi %mul3A_212, %add3A_213 : i32
        %get3A_215 = arith.index_cast %add3A_214 : i32 to index
        %get3A_216 = arith.constant 64 : index
        %get3A_217 = tpu.vector_load %arg7[%get3A_215, %get3A_216] {strides = array<i32>} : memref<400x80xf32, #tpu.memory_space<vmem>>, vector<1x16xf32>,
        %get3A_218 = vector.shape_cast %get3A_217 : vector<1x16xf32> to vector<16xf32>
        %get3A_219 = arith.index_cast %add3A_214 : i32 to index
        %get3A_220 = arith.constant 0 : index
        %get3A_221 = tpu.vector_load %arg8[%get3A_219, %get3A_220] {strides = array<i32>} : memref<400x16xf32, #tpu.memory_space<vmem>>, vector<1x16xf32>,
        %get3A_222 = vector.shape_cast %get3A_221 : vector<1x16xf32> to vector<16xf32>
        %add3A_223 = arith.addf %get3A_218, %get3A_222 : vector<16xf32>
        %mul3A_224 = arith.constant 2.000000e-01 : f32
        %mul3A_225 = vector.broadcast %mul3A_224 : f32 to vector<16xf32>
        %mul3A_226 = arith.mulf %mul3A_225, %add3A_223 : vector<16xf32>
        %max3A_227 = arith.maximumf %add3A_223, %mul3A_226 : vector<16xf32>
        %exp3A_228 = math.exp %max3A_227 : vector<16xf32>
        %slice3A_229 = vector.extract_strided_slice %get3A_57 {offsets = [2], sizes = [1], strides = [1]} : vector<16xf32> to vector<1xf32>
        %squeeze3A_230 = vector.extract %slice3A_229[0] : f32 from vector<1xf32>
        %mul3A_231 = vector.broadcast %squeeze3A_230 : f32 to vector<16xf32>
        %mul3A_232 = arith.mulf %exp3A_228, %mul3A_231 : vector<16xf32>
        %swap3A_233 = arith.index_cast %add3A_214 : i32 to index
        %swap3A_234 = arith.constant 64 : index
        %swap3A_235 = tpu.vector_load %arg9[%swap3A_233, %swap3A_234] {strides = array<i32>} : memref<400x80xf32, #tpu.memory_space<vmem>>, vector<1x16xf32>,
        %swap3A_236 = vector.shape_cast %swap3A_235 : vector<1x16xf32> to vector<16xf32>
        %swap3A_237 = vector.shape_cast %mul3A_232 : vector<16xf32> to vector<1x16xf32>
        tpu.vector_store %arg9[%swap3A_233, %swap3A_234], %swap3A_237 {strides = array<i32>} : memref<400x80xf32, #tpu.memory_space<vmem>>, vector<1x16xf32>,
        %get3A_238 = arith.index_cast %add3A_214 : i32 to index
        %get3A_239 = arith.constant 0 : index
        %get3A_240 = tpu.vector_load %arg7[%get3A_238, %get3A_239] {strides = array<i32>} : memref<400x80xf32, #tpu.memory_space<vmem>>, vector<1x16xf32>,
        %get3A_241 = vector.shape_cast %get3A_240 : vector<1x16xf32> to vector<16xf32>
        %slice3A_242 = vector.extract_strided_slice %mul3A_232 {offsets = [12], sizes = [1], strides = [1]} : vector<16xf32> to vector<1xf32>
        %squeeze3A_243 = vector.extract %slice3A_242[0] : f32 from vector<1xf32>
        %mul3A_244 = vector.broadcast %squeeze3A_243 : f32 to vector<16xf32>
        %mul3A_245 = arith.mulf %get3A_241, %mul3A_244 : vector<16xf32>
        %swap3A_246 = arith.index_cast %add3A_214 : i32 to index
        %swap3A_247 = arith.constant 0 : index
        %swap3A_248 = tpu.vector_load %arg9[%swap3A_246, %swap3A_247] {strides = array<i32>} : memref<400x80xf32, #tpu.memory_space<vmem>>, vector<1x16xf32>,
        %swap3A_249 = vector.shape_cast %swap3A_248 : vector<1x16xf32> to vector<16xf32>
        %swap3A_250 = vector.shape_cast %mul3A_245 : vector<16xf32> to vector<1x16xf32>
        tpu.vector_store %arg9[%swap3A_246, %swap3A_247], %swap3A_250 {strides = array<i32>} : memref<400x80xf32, #tpu.memory_space<vmem>>, vector<1x16xf32>,
        %get3A_251 = arith.index_cast %add3A_214 : i32 to index
        %get3A_252 = arith.constant 16 : index
        %get3A_253 = tpu.vector_load %arg7[%get3A_251, %get3A_252] {strides = array<i32>} : memref<400x80xf32, #tpu.memory_space<vmem>>, vector<1x16xf32>,
        %get3A_254 = vector.shape_cast %get3A_253 : vector<1x16xf32> to vector<16xf32>
        %slice3A_255 = vector.extract_strided_slice %mul3A_232 {offsets = [13], sizes = [1], strides = [1]} : vector<16xf32> to vector<1xf32>
        %squeeze3A_256 = vector.extract %slice3A_255[0] : f32 from vector<1xf32>
        %mul3A_257 = vector.broadcast %squeeze3A_256 : f32 to vector<16xf32>
        %mul3A_258 = arith.mulf %get3A_254, %mul3A_257 : vector<16xf32>
        %swap3A_259 = arith.index_cast %add3A_214 : i32 to index
        %swap3A_260 = arith.constant 16 : index
        %swap3A_261 = tpu.vector_load %arg9[%swap3A_259, %swap3A_260] {strides = array<i32>} : memref<400x80xf32, #tpu.memory_space<vmem>>, vector<1x16xf32>,
        %swap3A_262 = vector.shape_cast %swap3A_261 : vector<1x16xf32> to vector<16xf32>
        %swap3A_263 = vector.shape_cast %mul3A_258 : vector<16xf32> to vector<1x16xf32>
        tpu.vector_store %arg9[%swap3A_259, %swap3A_260], %swap3A_263 {strides = array<i32>} : memref<400x80xf32, #tpu.memory_space<vmem>>, vector<1x16xf32>,
        %get3A_264 = arith.index_cast %add3A_214 : i32 to index
        %get3A_265 = arith.constant 32 : index
        %get3A_266 = tpu.vector_load %arg7[%get3A_264, %get3A_265] {strides = array<i32>} : memref<400x80xf32, #tpu.memory_space<vmem>>, vector<1x16xf32>,
        %get3A_267 = vector.shape_cast %get3A_266 : vector<1x16xf32> to vector<16xf32>
        %slice3A_268 = vector.extract_strided_slice %mul3A_232 {offsets = [14], sizes = [1], strides = [1]} : vector<16xf32> to vector<1xf32>
        %squeeze3A_269 = vector.extract %slice3A_268[0] : f32 from vector<1xf32>
        %mul3A_270 = vector.broadcast %squeeze3A_269 : f32 to vector<16xf32>
        %mul3A_271 = arith.mulf %get3A_267, %mul3A_270 : vector<16xf32>
        %swap3A_272 = arith.index_cast %add3A_214 : i32 to index
        %swap3A_273 = arith.constant 32 : index
        %swap3A_274 = tpu.vector_load %arg9[%swap3A_272, %swap3A_273] {strides = array<i32>} : memref<400x80xf32, #tpu.memory_space<vmem>>, vector<1x16xf32>,
        %swap3A_275 = vector.shape_cast %swap3A_274 : vector<1x16xf32> to vector<16xf32>
        %swap3A_276 = vector.shape_cast %mul3A_271 : vector<16xf32> to vector<1x16xf32>
        tpu.vector_store %arg9[%swap3A_272, %swap3A_273], %swap3A_276 {strides = array<i32>} : memref<400x80xf32, #tpu.memory_space<vmem>>, vector<1x16xf32>,
        %get3A_277 = arith.index_cast %add3A_214 : i32 to index
        %get3A_278 = arith.constant 48 : index
        %get3A_279 = tpu.vector_load %arg7[%get3A_277, %get3A_278] {strides = array<i32>} : memref<400x80xf32, #tpu.memory_space<vmem>>, vector<1x16xf32>,
        %get3A_280 = vector.shape_cast %get3A_279 : vector<1x16xf32> to vector<16xf32>
        %slice3A_281 = vector.extract_strided_slice %mul3A_232 {offsets = [15], sizes = [1], strides = [1]} : vector<16xf32> to vector<1xf32>
        %squeeze3A_282 = vector.extract %slice3A_281[0] : f32 from vector<1xf32>
        %mul3A_283 = vector.broadcast %squeeze3A_282 : f32 to vector<16xf32>
        %mul3A_284 = arith.mulf %get3A_280, %mul3A_283 : vector<16xf32>
        %swap3A_285 = arith.index_cast %add3A_214 : i32 to index
        %swap3A_286 = arith.constant 48 : index
        %swap3A_287 = tpu.vector_load %arg9[%swap3A_285, %swap3A_286] {strides = array<i32>} : memref<400x80xf32, #tpu.memory_space<vmem>>, vector<1x16xf32>,
        %swap3A_288 = vector.shape_cast %swap3A_287 : vector<1x16xf32> to vector<16xf32>
        %swap3A_289 = vector.shape_cast %mul3A_284 : vector<16xf32> to vector<1x16xf32>
        tpu.vector_store %arg9[%swap3A_285, %swap3A_286], %swap3A_289 {strides = array<i32>} : memref<400x80xf32, #tpu.memory_space<vmem>>, vector<1x16xf32>,
        %mul3A_290 = arith.constant 16 : i32
        %mul3A_291 = arith.muli %scan3A_52, %mul3A_290 : i32
        %add3A_292 = arith.constant 3 : i32
        %add3A_293 = arith.addi %mul3A_291, %add3A_292 : i32
        %get3A_294 = arith.index_cast %add3A_293 : i32 to index
        %get3A_295 = arith.constant 64 : index
        %get3A_296 = tpu.vector_load %arg7[%get3A_294, %get3A_295] {strides = array<i32>} : memref<400x80xf32, #tpu.memory_space<vmem>>, vector<1x16xf32>,
        %get3A_297 = vector.shape_cast %get3A_296 : vector<1x16xf32> to vector<16xf32>
        %get3A_298 = arith.index_cast %add3A_293 : i32 to index
        %get3A_299 = arith.constant 0 : index
        %get3A_300 = tpu.vector_load %arg8[%get3A_298, %get3A_299] {strides = array<i32>} : memref<400x16xf32, #tpu.memory_space<vmem>>, vector<1x16xf32>,
        %get3A_301 = vector.shape_cast %get3A_300 : vector<1x16xf32> to vector<16xf32>
        %add3A_302 = arith.addf %get3A_297, %get3A_301 : vector<16xf32>
        %mul3A_303 = arith.constant 2.000000e-01 : f32
        %mul3A_304 = vector.broadcast %mul3A_303 : f32 to vector<16xf32>
        %mul3A_305 = arith.mulf %mul3A_304, %add3A_302 : vector<16xf32>
        %max3A_306 = arith.maximumf %add3A_302, %mul3A_305 : vector<16xf32>
        %exp3A_307 = math.exp %max3A_306 : vector<16xf32>
        %slice3A_308 = vector.extract_strided_slice %get3A_57 {offsets = [3], sizes = [1], strides = [1]} : vector<16xf32> to vector<1xf32>
        %squeeze3A_309 = vector.extract %slice3A_308[0] : f32 from vector<1xf32>
        %mul3A_310 = vector.broadcast %squeeze3A_309 : f32 to vector<16xf32>
        %mul3A_311 = arith.mulf %exp3A_307, %mul3A_310 : vector<16xf32>
        %swap3A_312 = arith.index_cast %add3A_293 : i32 to index
        %swap3A_313 = arith.constant 64 : index
        %swap3A_314 = tpu.vector_load %arg9[%swap3A_312, %swap3A_313] {strides = array<i32>} : memref<400x80xf32, #tpu.memory_space<vmem>>, vector<1x16xf32>,
        %swap3A_315 = vector.shape_cast %swap3A_314 : vector<1x16xf32> to vector<16xf32>
        %swap3A_316 = vector.shape_cast %mul3A_311 : vector<16xf32> to vector<1x16xf32>
        tpu.vector_store %arg9[%swap3A_312, %swap3A_313], %swap3A_316 {strides = array<i32>} : memref<400x80xf32, #tpu.memory_space<vmem>>, vector<1x16xf32>,
        %get3A_317 = arith.index_cast %add3A_293 : i32 to index
        %get3A_318 = arith.constant 0 : index
        %get3A_319 = tpu.vector_load %arg7[%get3A_317, %get3A_318] {strides = array<i32>} : memref<400x80xf32, #tpu.memory_space<vmem>>, vector<1x16xf32>,
        %get3A_320 = vector.shape_cast %get3A_319 : vector<1x16xf32> to vector<16xf32>
        %slice3A_321 = vector.extract_strided_slice %mul3A_311 {offsets = [12], sizes = [1], strides = [1]} : vector<16xf32> to vector<1xf32>
        %squeeze3A_322 = vector.extract %slice3A_321[0] : f32 from vector<1xf32>
        %mul3A_323 = vector.broadcast %squeeze3A_322 : f32 to vector<16xf32>
        %mul3A_324 = arith.mulf %get3A_320, %mul3A_323 : vector<16xf32>
        %swap3A_325 = arith.index_cast %add3A_293 : i32 to index
        %swap3A_326 = arith.constant 0 : index
        %swap3A_327 = tpu.vector_load %arg9[%swap3A_325, %swap3A_326] {strides = array<i32>} : memref<400x80xf32, #tpu.memory_space<vmem>>, vector<1x16xf32>,
        %swap3A_328 = vector.shape_cast %swap3A_327 : vector<1x16xf32> to vector<16xf32>
        %swap3A_329 = vector.shape_cast %mul3A_324 : vector<16xf32> to vector<1x16xf32>
        tpu.vector_store %arg9[%swap3A_325, %swap3A_326], %swap3A_329 {strides = array<i32>} : memref<400x80xf32, #tpu.memory_space<vmem>>, vector<1x16xf32>,
        %get3A_330 = arith.index_cast %add3A_293 : i32 to index
        %get3A_331 = arith.constant 16 : index
        %get3A_332 = tpu.vector_load %arg7[%get3A_330, %get3A_331] {strides = array<i32>} : memref<400x80xf32, #tpu.memory_space<vmem>>, vector<1x16xf32>,
        %get3A_333 = vector.shape_cast %get3A_332 : vector<1x16xf32> to vector<16xf32>
        %slice3A_334 = vector.extract_strided_slice %mul3A_311 {offsets = [13], sizes = [1], strides = [1]} : vector<16xf32> to vector<1xf32>
        %squeeze3A_335 = vector.extract %slice3A_334[0] : f32 from vector<1xf32>
        %mul3A_336 = vector.broadcast %squeeze3A_335 : f32 to vector<16xf32>
        %mul3A_337 = arith.mulf %get3A_333, %mul3A_336 : vector<16xf32>
        %swap3A_338 = arith.index_cast %add3A_293 : i32 to index
        %swap3A_339 = arith.constant 16 : index
        %swap3A_340 = tpu.vector_load %arg9[%swap3A_338, %swap3A_339] {strides = array<i32>} : memref<400x80xf32, #tpu.memory_space<vmem>>, vector<1x16xf32>,
        %swap3A_341 = vector.shape_cast %swap3A_340 : vector<1x16xf32> to vector<16xf32>
        %swap3A_342 = vector.shape_cast %mul3A_337 : vector<16xf32> to vector<1x16xf32>
        tpu.vector_store %arg9[%swap3A_338, %swap3A_339], %swap3A_342 {strides = array<i32>} : memref<400x80xf32, #tpu.memory_space<vmem>>, vector<1x16xf32>,
        %get3A_343 = arith.index_cast %add3A_293 : i32 to index
        %get3A_344 = arith.constant 32 : index
        %get3A_345 = tpu.vector_load %arg7[%get3A_343, %get3A_344] {strides = array<i32>} : memref<400x80xf32, #tpu.memory_space<vmem>>, vector<1x16xf32>,
        %get3A_346 = vector.shape_cast %get3A_345 : vector<1x16xf32> to vector<16xf32>
        %slice3A_347 = vector.extract_strided_slice %mul3A_311 {offsets = [14], sizes = [1], strides = [1]} : vector<16xf32> to vector<1xf32>
        %squeeze3A_348 = vector.extract %slice3A_347[0] : f32 from vector<1xf32>
        %mul3A_349 = vector.broadcast %squeeze3A_348 : f32 to vector<16xf32>
        %mul3A_350 = arith.mulf %get3A_346, %mul3A_349 : vector<16xf32>
        %swap3A_351 = arith.index_cast %add3A_293 : i32 to index
        %swap3A_352 = arith.constant 32 : index
        %swap3A_353 = tpu.vector_load %arg9[%swap3A_351, %swap3A_352] {strides = array<i32>} : memref<400x80xf32, #tpu.memory_space<vmem>>, vector<1x16xf32>,
        %swap3A_354 = vector.shape_cast %swap3A_353 : vector<1x16xf32> to vector<16xf32>
        %swap3A_355 = vector.shape_cast %mul3A_350 : vector<16xf32> to vector<1x16xf32>
        tpu.vector_store %arg9[%swap3A_351, %swap3A_352], %swap3A_355 {strides = array<i32>} : memref<400x80xf32, #tpu.memory_space<vmem>>, vector<1x16xf32>,
        %get3A_356 = arith.index_cast %add3A_293 : i32 to index
        %get3A_357 = arith.constant 48 : index
        %get3A_358 = tpu.vector_load %arg7[%get3A_356, %get3A_357] {strides = array<i32>} : memref<400x80xf32, #tpu.memory_space<vmem>>, vector<1x16xf32>,
        %get3A_359 = vector.shape_cast %get3A_358 : vector<1x16xf32> to vector<16xf32>
        %slice3A_360 = vector.extract_strided_slice %mul3A_311 {offsets = [15], sizes = [1], strides = [1]} : vector<16xf32> to vector<1xf32>
        %squeeze3A_361 = vector.extract %slice3A_360[0] : f32 from vector<1xf32>
        %mul3A_362 = vector.broadcast %squeeze3A_361 : f32 to vector<16xf32>
        %mul3A_363 = arith.mulf %get3A_359, %mul3A_362 : vector<16xf32>
        %swap3A_364 = arith.index_cast %add3A_293 : i32 to index
        %swap3A_365 = arith.constant 48 : index
        %swap3A_366 = tpu.vector_load %arg9[%swap3A_364, %swap3A_365] {strides = array<i32>} : memref<400x80xf32, #tpu.memory_space<vmem>>, vector<1x16xf32>,
        %swap3A_367 = vector.shape_cast %swap3A_366 : vector<1x16xf32> to vector<16xf32>
        %swap3A_368 = vector.shape_cast %mul3A_363 : vector<16xf32> to vector<1x16xf32>
        tpu.vector_store %arg9[%swap3A_364, %swap3A_365], %swap3A_368 {strides = array<i32>} : memref<400x80xf32, #tpu.memory_space<vmem>>, vector<1x16xf32>,
        %mul3A_369 = arith.constant 16 : i32
        %mul3A_370 = arith.muli %scan3A_52, %mul3A_369 : i32
        %add3A_371 = arith.constant 4 : i32
        %add3A_372 = arith.addi %mul3A_370, %add3A_371 : i32
        %get3A_373 = arith.index_cast %add3A_372 : i32 to index
        %get3A_374 = arith.constant 64 : index
        %get3A_375 = tpu.vector_load %arg7[%get3A_373, %get3A_374] {strides = array<i32>} : memref<400x80xf32, #tpu.memory_space<vmem>>, vector<1x16xf32>,
        %get3A_376 = vector.shape_cast %get3A_375 : vector<1x16xf32> to vector<16xf32>
        %get3A_377 = arith.index_cast %add3A_372 : i32 to index
        %get3A_378 = arith.constant 0 : index
        %get3A_379 = tpu.vector_load %arg8[%get3A_377, %get3A_378] {strides = array<i32>} : memref<400x16xf32, #tpu.memory_space<vmem>>, vector<1x16xf32>,
        %get3A_380 = vector.shape_cast %get3A_379 : vector<1x16xf32> to vector<16xf32>
        %add3A_381 = arith.addf %get3A_376, %get3A_380 : vector<16xf32>
        %mul3A_382 = arith.constant 2.000000e-01 : f32
        %mul3A_383 = vector.broadcast %mul3A_382 : f32 to vector<16xf32>
        %mul3A_384 = arith.mulf %mul3A_383, %add3A_381 : vector<16xf32>
        %max3A_385 = arith.maximumf %add3A_381, %mul3A_384 : vector<16xf32>
        %exp3A_386 = math.exp %max3A_385 : vector<16xf32>
        %slice3A_387 = vector.extract_strided_slice %get3A_57 {offsets = [4], sizes = [1], strides = [1]} : vector<16xf32> to vector<1xf32>
        %squeeze3A_388 = vector.extract %slice3A_387[0] : f32 from vector<1xf32>
        %mul3A_389 = vector.broadcast %squeeze3A_388 : f32 to vector<16xf32>
        %mul3A_390 = arith.mulf %exp3A_386, %mul3A_389 : vector<16xf32>
        %swap3A_391 = arith.index_cast %add3A_372 : i32 to index
        %swap3A_392 = arith.constant 64 : index
        %swap3A_393 = tpu.vector_load %arg9[%swap3A_391, %swap3A_392] {strides = array<i32>} : memref<400x80xf32, #tpu.memory_space<vmem>>, vector<1x16xf32>,
        %swap3A_394 = vector.shape_cast %swap3A_393 : vector<1x16xf32> to vector<16xf32>
        %swap3A_395 = vector.shape_cast %mul3A_390 : vector<16xf32> to vector<1x16xf32>
        tpu.vector_store %arg9[%swap3A_391, %swap3A_392], %swap3A_395 {strides = array<i32>} : memref<400x80xf32, #tpu.memory_space<vmem>>, vector<1x16xf32>,
        %get3A_396 = arith.index_cast %add3A_372 : i32 to index
        %get3A_397 = arith.constant 0 : index
        %get3A_398 = tpu.vector_load %arg7[%get3A_396, %get3A_397] {strides = array<i32>} : memref<400x80xf32, #tpu.memory_space<vmem>>, vector<1x16xf32>,
        %get3A_399 = vector.shape_cast %get3A_398 : vector<1x16xf32> to vector<16xf32>
        %slice3A_400 = vector.extract_strided_slice %mul3A_390 {offsets = [12], sizes = [1], strides = [1]} : vector<16xf32> to vector<1xf32>
        %squeeze3A_401 = vector.extract %slice3A_400[0] : f32 from vector<1xf32>
        %mul3A_402 = vector.broadcast %squeeze3A_401 : f32 to vector<16xf32>
        %mul3A_403 = arith.mulf %get3A_399, %mul3A_402 : vector<16xf32>
        %swap3A_404 = arith.index_cast %add3A_372 : i32 to index
        %swap3A_405 = arith.constant 0 : index
        %swap3A_406 = tpu.vector_load %arg9[%swap3A_404, %swap3A_405] {strides = array<i32>} : memref<400x80xf32, #tpu.memory_space<vmem>>, vector<1x16xf32>,
        %swap3A_407 = vector.shape_cast %swap3A_406 : vector<1x16xf32> to vector<16xf32>
        %swap3A_408 = vector.shape_cast %mul3A_403 : vector<16xf32> to vector<1x16xf32>
        tpu.vector_store %arg9[%swap3A_404, %swap3A_405], %swap3A_408 {strides = array<i32>} : memref<400x80xf32, #tpu.memory_space<vmem>>, vector<1x16xf32>,
        %get3A_409 = arith.index_cast %add3A_372 : i32 to index
        %get3A_410 = arith.constant 16 : index
        %get3A_411 = tpu.vector_load %arg7[%get3A_409, %get3A_410] {strides = array<i32>} : memref<400x80xf32, #tpu.memory_space<vmem>>, vector<1x16xf32>,
        %get3A_412 = vector.shape_cast %get3A_411 : vector<1x16xf32> to vector<16xf32>
        %slice3A_413 = vector.extract_strided_slice %mul3A_390 {offsets = [13], sizes = [1], strides = [1]} : vector<16xf32> to vector<1xf32>
        %squeeze3A_414 = vector.extract %slice3A_413[0] : f32 from vector<1xf32>
        %mul3A_415 = vector.broadcast %squeeze3A_414 : f32 to vector<16xf32>
        %mul3A_416 = arith.mulf %get3A_412, %mul3A_415 : vector<16xf32>
        %swap3A_417 = arith.index_cast %add3A_372 : i32 to index
        %swap3A_418 = arith.constant 16 : index
        %swap3A_419 = tpu.vector_load %arg9[%swap3A_417, %swap3A_418] {strides = array<i32>} : memref<400x80xf32, #tpu.memory_space<vmem>>, vector<1x16xf32>,
        %swap3A_420 = vector.shape_cast %swap3A_419 : vector<1x16xf32> to vector<16xf32>
        %swap3A_421 = vector.shape_cast %mul3A_416 : vector<16xf32> to vector<1x16xf32>
        tpu.vector_store %arg9[%swap3A_417, %swap3A_418], %swap3A_421 {strides = array<i32>} : memref<400x80xf32, #tpu.memory_space<vmem>>, vector<1x16xf32>,
        %get3A_422 = arith.index_cast %add3A_372 : i32 to index
        %get3A_423 = arith.constant 32 : index
        %get3A_424 = tpu.vector_load %arg7[%get3A_422, %get3A_423] {strides = array<i32>} : memref<400x80xf32, #tpu.memory_space<vmem>>, vector<1x16xf32>,
        %get3A_425 = vector.shape_cast %get3A_424 : vector<1x16xf32> to vector<16xf32>
        %slice3A_426 = vector.extract_strided_slice %mul3A_390 {offsets = [14], sizes = [1], strides = [1]} : vector<16xf32> to vector<1xf32>
        %squeeze3A_427 = vector.extract %slice3A_426[0] : f32 from vector<1xf32>
        %mul3A_428 = vector.broadcast %squeeze3A_427 : f32 to vector<16xf32>
        %mul3A_429 = arith.mulf %get3A_425, %mul3A_428 : vector<16xf32>
        %swap3A_430 = arith.index_cast %add3A_372 : i32 to index
        %swap3A_431 = arith.constant 32 : index
        %swap3A_432 = tpu.vector_load %arg9[%swap3A_430, %swap3A_431] {strides = array<i32>} : memref<400x80xf32, #tpu.memory_space<vmem>>, vector<1x16xf32>,
        %swap3A_433 = vector.shape_cast %swap3A_432 : vector<1x16xf32> to vector<16xf32>
        %swap3A_434 = vector.shape_cast %mul3A_429 : vector<16xf32> to vector<1x16xf32>
        tpu.vector_store %arg9[%swap3A_430, %swap3A_431], %swap3A_434 {strides = array<i32>} : memref<400x80xf32, #tpu.memory_space<vmem>>, vector<1x16xf32>,
        %get3A_435 = arith.index_cast %add3A_372 : i32 to index
        %get3A_436 = arith.constant 48 : index
        %get3A_437 = tpu.vector_load %arg7[%get3A_435, %get3A_436] {strides = array<i32>} : memref<400x80xf32, #tpu.memory_space<vmem>>, vector<1x16xf32>,
        %get3A_438 = vector.shape_cast %get3A_437 : vector<1x16xf32> to vector<16xf32>
        %slice3A_439 = vector.extract_strided_slice %mul3A_390 {offsets = [15], sizes = [1], strides = [1]} : vector<16xf32> to vector<1xf32>
        %squeeze3A_440 = vector.extract %slice3A_439[0] : f32 from vector<1xf32>
        %mul3A_441 = vector.broadcast %squeeze3A_440 : f32 to vector<16xf32>
        %mul3A_442 = arith.mulf %get3A_438, %mul3A_441 : vector<16xf32>
        %swap3A_443 = arith.index_cast %add3A_372 : i32 to index
        %swap3A_444 = arith.constant 48 : index
        %swap3A_445 = tpu.vector_load %arg9[%swap3A_443, %swap3A_444] {strides = array<i32>} : memref<400x80xf32, #tpu.memory_space<vmem>>, vector<1x16xf32>,
        %swap3A_446 = vector.shape_cast %swap3A_445 : vector<1x16xf32> to vector<16xf32>
        %swap3A_447 = vector.shape_cast %mul3A_442 : vector<16xf32> to vector<1x16xf32>
        tpu.vector_store %arg9[%swap3A_443, %swap3A_444], %swap3A_447 {strides = array<i32>} : memref<400x80xf32, #tpu.memory_space<vmem>>, vector<1x16xf32>,
        %mul3A_448 = arith.constant 16 : i32
        %mul3A_449 = arith.muli %scan3A_52, %mul3A_448 : i32
        %add3A_450 = arith.constant 5 : i32
        %add3A_451 = arith.addi %mul3A_449, %add3A_450 : i32
        %get3A_452 = arith.index_cast %add3A_451 : i32 to index
        %get3A_453 = arith.constant 64 : index
        %get3A_454 = tpu.vector_load %arg7[%get3A_452, %get3A_453] {strides = array<i32>} : memref<400x80xf32, #tpu.memory_space<vmem>>, vector<1x16xf32>,
        %get3A_455 = vector.shape_cast %get3A_454 : vector<1x16xf32> to vector<16xf32>
        %get3A_456 = arith.index_cast %add3A_451 : i32 to index
        %get3A_457 = arith.constant 0 : index
        %get3A_458 = tpu.vector_load %arg8[%get3A_456, %get3A_457] {strides = array<i32>} : memref<400x16xf32, #tpu.memory_space<vmem>>, vector<1x16xf32>,
        %get3A_459 = vector.shape_cast %get3A_458 : vector<1x16xf32> to vector<16xf32>
        %add3A_460 = arith.addf %get3A_455, %get3A_459 : vector<16xf32>
        %mul3A_461 = arith.constant 2.000000e-01 : f32
        %mul3A_462 = vector.broadcast %mul3A_461 : f32 to vector<16xf32>
        %mul3A_463 = arith.mulf %mul3A_462, %add3A_460 : vector<16xf32>
        %max3A_464 = arith.maximumf %add3A_460, %mul3A_463 : vector<16xf32>
        %exp3A_465 = math.exp %max3A_464 : vector<16xf32>
        %slice3A_466 = vector.extract_strided_slice %get3A_57 {offsets = [5], sizes = [1], strides = [1]} : vector<16xf32> to vector<1xf32>
        %squeeze3A_467 = vector.extract %slice3A_466[0] : f32 from vector<1xf32>
        %mul3A_468 = vector.broadcast %squeeze3A_467 : f32 to vector<16xf32>
        %mul3A_469 = arith.mulf %exp3A_465, %mul3A_468 : vector<16xf32>
        %swap3A_470 = arith.index_cast %add3A_451 : i32 to index
        %swap3A_471 = arith.constant 64 : index
        %swap3A_472 = tpu.vector_load %arg9[%swap3A_470, %swap3A_471] {strides = array<i32>} : memref<400x80xf32, #tpu.memory_space<vmem>>, vector<1x16xf32>,
        %swap3A_473 = vector.shape_cast %swap3A_472 : vector<1x16xf32> to vector<16xf32>
        %swap3A_474 = vector.shape_cast %mul3A_469 : vector<16xf32> to vector<1x16xf32>
        tpu.vector_store %arg9[%swap3A_470, %swap3A_471], %swap3A_474 {strides = array<i32>} : memref<400x80xf32, #tpu.memory_space<vmem>>, vector<1x16xf32>,
        %get3A_475 = arith.index_cast %add3A_451 : i32 to index
        %get3A_476 = arith.constant 0 : index
        %get3A_477 = tpu.vector_load %arg7[%get3A_475, %get3A_476] {strides = array<i32>} : memref<400x80xf32, #tpu.memory_space<vmem>>, vector<1x16xf32>,
        %get3A_478 = vector.shape_cast %get3A_477 : vector<1x16xf32> to vector<16xf32>
        %slice3A_479 = vector.extract_strided_slice %mul3A_469 {offsets = [12], sizes = [1], strides = [1]} : vector<16xf32> to vector<1xf32>
        %squeeze3A_480 = vector.extract %slice3A_479[0] : f32 from vector<1xf32>
        %mul3A_481 = vector.broadcast %squeeze3A_480 : f32 to vector<16xf32>
        %mul3A_482 = arith.mulf %get3A_478, %mul3A_481 : vector<16xf32>
        %swap3A_483 = arith.index_cast %add3A_451 : i32 to index
        %swap3A_484 = arith.constant 0 : index
        %swap3A_485 = tpu.vector_load %arg9[%swap3A_483, %swap3A_484] {strides = array<i32>} : memref<400x80xf32, #tpu.memory_space<vmem>>, vector<1x16xf32>,
        %swap3A_486 = vector.shape_cast %swap3A_485 : vector<1x16xf32> to vector<16xf32>
        %swap3A_487 = vector.shape_cast %mul3A_482 : vector<16xf32> to vector<1x16xf32>
        tpu.vector_store %arg9[%swap3A_483, %swap3A_484], %swap3A_487 {strides = array<i32>} : memref<400x80xf32, #tpu.memory_space<vmem>>, vector<1x16xf32>,
        %get3A_488 = arith.index_cast %add3A_451 : i32 to index
        %get3A_489 = arith.constant 16 : index
        %get3A_490 = tpu.vector_load %arg7[%get3A_488, %get3A_489] {strides = array<i32>} : memref<400x80xf32, #tpu.memory_space<vmem>>, vector<1x16xf32>,
        %get3A_491 = vector.shape_cast %get3A_490 : vector<1x16xf32> to vector<16xf32>
        %slice3A_492 = vector.extract_strided_slice %mul3A_469 {offsets = [13], sizes = [1], strides = [1]} : vector<16xf32> to vector<1xf32>
        %squeeze3A_493 = vector.extract %slice3A_492[0] : f32 from vector<1xf32>
        %mul3A_494 = vector.broadcast %squeeze3A_493 : f32 to vector<16xf32>
        %mul3A_495 = arith.mulf %get3A_491, %mul3A_494 : vector<16xf32>
        %swap3A_496 = arith.index_cast %add3A_451 : i32 to index
        %swap3A_497 = arith.constant 16 : index
        %swap3A_498 = tpu.vector_load %arg9[%swap3A_496, %swap3A_497] {strides = array<i32>} : memref<400x80xf32, #tpu.memory_space<vmem>>, vector<1x16xf32>,
        %swap3A_499 = vector.shape_cast %swap3A_498 : vector<1x16xf32> to vector<16xf32>
        %swap3A_500 = vector.shape_cast %mul3A_495 : vector<16xf32> to vector<1x16xf32>
        tpu.vector_store %arg9[%swap3A_496, %swap3A_497], %swap3A_500 {strides = array<i32>} : memref<400x80xf32, #tpu.memory_space<vmem>>, vector<1x16xf32>,
        %get3A_501 = arith.index_cast %add3A_451 : i32 to index
        %get3A_502 = arith.constant 32 : index
        %get3A_503 = tpu.vector_load %arg7[%get3A_501, %get3A_502] {strides = array<i32>} : memref<400x80xf32, #tpu.memory_space<vmem>>, vector<1x16xf32>,
        %get3A_504 = vector.shape_cast %get3A_503 : vector<1x16xf32> to vector<16xf32>
        %slice3A_505 = vector.extract_strided_slice %mul3A_469 {offsets = [14], sizes = [1], strides = [1]} : vector<16xf32> to vector<1xf32>
        %squeeze3A_506 = vector.extract %slice3A_505[0] : f32 from vector<1xf32>
        %mul3A_507 = vector.broadcast %squeeze3A_506 : f32 to vector<16xf32>
        %mul3A_508 = arith.mulf %get3A_504, %mul3A_507 : vector<16xf32>
        %swap3A_509 = arith.index_cast %add3A_451 : i32 to index
        %swap3A_510 = arith.constant 32 : index
        %swap3A_511 = tpu.vector_load %arg9[%swap3A_509, %swap3A_510] {strides = array<i32>} : memref<400x80xf32, #tpu.memory_space<vmem>>, vector<1x16xf32>,
        %swap3A_512 = vector.shape_cast %swap3A_511 : vector<1x16xf32> to vector<16xf32>
        %swap3A_513 = vector.shape_cast %mul3A_508 : vector<16xf32> to vector<1x16xf32>
        tpu.vector_store %arg9[%swap3A_509, %swap3A_510], %swap3A_513 {strides = array<i32>} : memref<400x80xf32, #tpu.memory_space<vmem>>, vector<1x16xf32>,
        %get3A_514 = arith.index_cast %add3A_451 : i32 to index
        %get3A_515 = arith.constant 48 : index
        %get3A_516 = tpu.vector_load %arg7[%get3A_514, %get3A_515] {strides = array<i32>} : memref<400x80xf32, #tpu.memory_space<vmem>>, vector<1x16xf32>,
        %get3A_517 = vector.shape_cast %get3A_516 : vector<1x16xf32> to vector<16xf32>
        %slice3A_518 = vector.extract_strided_slice %mul3A_469 {offsets = [15], sizes = [1], strides = [1]} : vector<16xf32> to vector<1xf32>
        %squeeze3A_519 = vector.extract %slice3A_518[0] : f32 from vector<1xf32>
        %mul3A_520 = vector.broadcast %squeeze3A_519 : f32 to vector<16xf32>
        %mul3A_521 = arith.mulf %get3A_517, %mul3A_520 : vector<16xf32>
        %swap3A_522 = arith.index_cast %add3A_451 : i32 to index
        %swap3A_523 = arith.constant 48 : index
        %swap3A_524 = tpu.vector_load %arg9[%swap3A_522, %swap3A_523] {strides = array<i32>} : memref<400x80xf32, #tpu.memory_space<vmem>>, vector<1x16xf32>,
        %swap3A_525 = vector.shape_cast %swap3A_524 : vector<1x16xf32> to vector<16xf32>
        %swap3A_526 = vector.shape_cast %mul3A_521 : vector<16xf32> to vector<1x16xf32>
        tpu.vector_store %arg9[%swap3A_522, %swap3A_523], %swap3A_526 {strides = array<i32>} : memref<400x80xf32, #tpu.memory_space<vmem>>, vector<1x16xf32>,
        %mul3A_527 = arith.constant 16 : i32
        %mul3A_528 = arith.muli %scan3A_52, %mul3A_527 : i32
        %add3A_529 = arith.constant 6 : i32
        %add3A_530 = arith.addi %mul3A_528, %add3A_529 : i32
        %get3A_531 = arith.index_cast %add3A_530 : i32 to index
        %get3A_532 = arith.constant 64 : index
        %get3A_533 = tpu.vector_load %arg7[%get3A_531, %get3A_532] {strides = array<i32>} : memref<400x80xf32, #tpu.memory_space<vmem>>, vector<1x16xf32>,
        %get3A_534 = vector.shape_cast %get3A_533 : vector<1x16xf32> to vector<16xf32>
        %get3A_535 = arith.index_cast %add3A_530 : i32 to index
        %get3A_536 = arith.constant 0 : index
        %get3A_537 = tpu.vector_load %arg8[%get3A_535, %get3A_536] {strides = array<i32>} : memref<400x16xf32, #tpu.memory_space<vmem>>, vector<1x16xf32>,
        %get3A_538 = vector.shape_cast %get3A_537 : vector<1x16xf32> to vector<16xf32>
        %add3A_539 = arith.addf %get3A_534, %get3A_538 : vector<16xf32>
        %mul3A_540 = arith.constant 2.000000e-01 : f32
        %mul3A_541 = vector.broadcast %mul3A_540 : f32 to vector<16xf32>
        %mul3A_542 = arith.mulf %mul3A_541, %add3A_539 : vector<16xf32>
        %max3A_543 = arith.maximumf %add3A_539, %mul3A_542 : vector<16xf32>
        %exp3A_544 = math.exp %max3A_543 : vector<16xf32>
        %slice3A_545 = vector.extract_strided_slice %get3A_57 {offsets = [6], sizes = [1], strides = [1]} : vector<16xf32> to vector<1xf32>
        %squeeze3A_546 = vector.extract %slice3A_545[0] : f32 from vector<1xf32>
        %mul3A_547 = vector.broadcast %squeeze3A_546 : f32 to vector<16xf32>
        %mul3A_548 = arith.mulf %exp3A_544, %mul3A_547 : vector<16xf32>
        %swap3A_549 = arith.index_cast %add3A_530 : i32 to index
        %swap3A_550 = arith.constant 64 : index
        %swap3A_551 = tpu.vector_load %arg9[%swap3A_549, %swap3A_550] {strides = array<i32>} : memref<400x80xf32, #tpu.memory_space<vmem>>, vector<1x16xf32>,
        %swap3A_552 = vector.shape_cast %swap3A_551 : vector<1x16xf32> to vector<16xf32>
        %swap3A_553 = vector.shape_cast %mul3A_548 : vector<16xf32> to vector<1x16xf32>
        tpu.vector_store %arg9[%swap3A_549, %swap3A_550], %swap3A_553 {strides = array<i32>} : memref<400x80xf32, #tpu.memory_space<vmem>>, vector<1x16xf32>,
        %get3A_554 = arith.index_cast %add3A_530 : i32 to index
        %get3A_555 = arith.constant 0 : index
        %get3A_556 = tpu.vector_load %arg7[%get3A_554, %get3A_555] {strides = array<i32>} : memref<400x80xf32, #tpu.memory_space<vmem>>, vector<1x16xf32>,
        %get3A_557 = vector.shape_cast %get3A_556 : vector<1x16xf32> to vector<16xf32>
        %slice3A_558 = vector.extract_strided_slice %mul3A_548 {offsets = [12], sizes = [1], strides = [1]} : vector<16xf32> to vector<1xf32>
        %squeeze3A_559 = vector.extract %slice3A_558[0] : f32 from vector<1xf32>
        %mul3A_560 = vector.broadcast %squeeze3A_559 : f32 to vector<16xf32>
        %mul3A_561 = arith.mulf %get3A_557, %mul3A_560 : vector<16xf32>
        %swap3A_562 = arith.index_cast %add3A_530 : i32 to index
        %swap3A_563 = arith.constant 0 : index
        %swap3A_564 = tpu.vector_load %arg9[%swap3A_562, %swap3A_563] {strides = array<i32>} : memref<400x80xf32, #tpu.memory_space<vmem>>, vector<1x16xf32>,
        %swap3A_565 = vector.shape_cast %swap3A_564 : vector<1x16xf32> to vector<16xf32>
        %swap3A_566 = vector.shape_cast %mul3A_561 : vector<16xf32> to vector<1x16xf32>
        tpu.vector_store %arg9[%swap3A_562, %swap3A_563], %swap3A_566 {strides = array<i32>} : memref<400x80xf32, #tpu.memory_space<vmem>>, vector<1x16xf32>,
        %get3A_567 = arith.index_cast %add3A_530 : i32 to index
        %get3A_568 = arith.constant 16 : index
        %get3A_569 = tpu.vector_load %arg7[%get3A_567, %get3A_568] {strides = array<i32>} : memref<400x80xf32, #tpu.memory_space<vmem>>, vector<1x16xf32>,
        %get3A_570 = vector.shape_cast %get3A_569 : vector<1x16xf32> to vector<16xf32>
        %slice3A_571 = vector.extract_strided_slice %mul3A_548 {offsets = [13], sizes = [1], strides = [1]} : vector<16xf32> to vector<1xf32>
        %squeeze3A_572 = vector.extract %slice3A_571[0] : f32 from vector<1xf32>
        %mul3A_573 = vector.broadcast %squeeze3A_572 : f32 to vector<16xf32>
        %mul3A_574 = arith.mulf %get3A_570, %mul3A_573 : vector<16xf32>
        %swap3A_575 = arith.index_cast %add3A_530 : i32 to index
        %swap3A_576 = arith.constant 16 : index
        %swap3A_577 = tpu.vector_load %arg9[%swap3A_575, %swap3A_576] {strides = array<i32>} : memref<400x80xf32, #tpu.memory_space<vmem>>, vector<1x16xf32>,
        %swap3A_578 = vector.shape_cast %swap3A_577 : vector<1x16xf32> to vector<16xf32>
        %swap3A_579 = vector.shape_cast %mul3A_574 : vector<16xf32> to vector<1x16xf32>
        tpu.vector_store %arg9[%swap3A_575, %swap3A_576], %swap3A_579 {strides = array<i32>} : memref<400x80xf32, #tpu.memory_space<vmem>>, vector<1x16xf32>,
        %get3A_580 = arith.index_cast %add3A_530 : i32 to index
        %get3A_581 = arith.constant 32 : index
        %get3A_582 = tpu.vector_load %arg7[%get3A_580, %get3A_581] {strides = array<i32>} : memref<400x80xf32, #tpu.memory_space<vmem>>, vector<1x16xf32>,
        %get3A_583 = vector.shape_cast %get3A_582 : vector<1x16xf32> to vector<16xf32>
        %slice3A_584 = vector.extract_strided_slice %mul3A_548 {offsets = [14], sizes = [1], strides = [1]} : vector<16xf32> to vector<1xf32>
        %squeeze3A_585 = vector.extract %slice3A_584[0] : f32 from vector<1xf32>
        %mul3A_586 = vector.broadcast %squeeze3A_585 : f32 to vector<16xf32>
        %mul3A_587 = arith.mulf %get3A_583, %mul3A_586 : vector<16xf32>
        %swap3A_588 = arith.index_cast %add3A_530 : i32 to index
        %swap3A_589 = arith.constant 32 : index
        %swap3A_590 = tpu.vector_load %arg9[%swap3A_588, %swap3A_589] {strides = array<i32>} : memref<400x80xf32, #tpu.memory_space<vmem>>, vector<1x16xf32>,
        %swap3A_591 = vector.shape_cast %swap3A_590 : vector<1x16xf32> to vector<16xf32>
        %swap3A_592 = vector.shape_cast %mul3A_587 : vector<16xf32> to vector<1x16xf32>
        tpu.vector_store %arg9[%swap3A_588, %swap3A_589], %swap3A_592 {strides = array<i32>} : memref<400x80xf32, #tpu.memory_space<vmem>>, vector<1x16xf32>,
        %get3A_593 = arith.index_cast %add3A_530 : i32 to index
        %get3A_594 = arith.constant 48 : index
        %get3A_595 = tpu.vector_load %arg7[%get3A_593, %get3A_594] {strides = array<i32>} : memref<400x80xf32, #tpu.memory_space<vmem>>, vector<1x16xf32>,
        %get3A_596 = vector.shape_cast %get3A_595 : vector<1x16xf32> to vector<16xf32>
        %slice3A_597 = vector.extract_strided_slice %mul3A_548 {offsets = [15], sizes = [1], strides = [1]} : vector<16xf32> to vector<1xf32>
        %squeeze3A_598 = vector.extract %slice3A_597[0] : f32 from vector<1xf32>
        %mul3A_599 = vector.broadcast %squeeze3A_598 : f32 to vector<16xf32>
        %mul3A_600 = arith.mulf %get3A_596, %mul3A_599 : vector<16xf32>
        %swap3A_601 = arith.index_cast %add3A_530 : i32 to index
        %swap3A_602 = arith.constant 48 : index
        %swap3A_603 = tpu.vector_load %arg9[%swap3A_601, %swap3A_602] {strides = array<i32>} : memref<400x80xf32, #tpu.memory_space<vmem>>, vector<1x16xf32>,
        %swap3A_604 = vector.shape_cast %swap3A_603 : vector<1x16xf32> to vector<16xf32>
        %swap3A_605 = vector.shape_cast %mul3A_600 : vector<16xf32> to vector<1x16xf32>
        tpu.vector_store %arg9[%swap3A_601, %swap3A_602], %swap3A_605 {strides = array<i32>} : memref<400x80xf32, #tpu.memory_space<vmem>>, vector<1x16xf32>,
        %mul3A_606 = arith.constant 16 : i32
        %mul3A_607 = arith.muli %scan3A_52, %mul3A_606 : i32
        %add3A_608 = arith.constant 7 : i32
        %add3A_609 = arith.addi %mul3A_607, %add3A_608 : i32
        %get3A_610 = arith.index_cast %add3A_609 : i32 to index
        %get3A_611 = arith.constant 64 : index
        %get3A_612 = tpu.vector_load %arg7[%get3A_610, %get3A_611] {strides = array<i32>} : memref<400x80xf32, #tpu.memory_space<vmem>>, vector<1x16xf32>,
        %get3A_613 = vector.shape_cast %get3A_612 : vector<1x16xf32> to vector<16xf32>
        %get3A_614 = arith.index_cast %add3A_609 : i32 to index
        %get3A_615 = arith.constant 0 : index
        %get3A_616 = tpu.vector_load %arg8[%get3A_614, %get3A_615] {strides = array<i32>} : memref<400x16xf32, #tpu.memory_space<vmem>>, vector<1x16xf32>,
        %get3A_617 = vector.shape_cast %get3A_616 : vector<1x16xf32> to vector<16xf32>
        %add3A_618 = arith.addf %get3A_613, %get3A_617 : vector<16xf32>
        %mul3A_619 = arith.constant 2.000000e-01 : f32
        %mul3A_620 = vector.broadcast %mul3A_619 : f32 to vector<16xf32>
        %mul3A_621 = arith.mulf %mul3A_620, %add3A_618 : vector<16xf32>
        %max3A_622 = arith.maximumf %add3A_618, %mul3A_621 : vector<16xf32>
        %exp3A_623 = math.exp %max3A_622 : vector<16xf32>
        %slice3A_624 = vector.extract_strided_slice %get3A_57 {offsets = [7], sizes = [1], strides = [1]} : vector<16xf32> to vector<1xf32>
        %squeeze3A_625 = vector.extract %slice3A_624[0] : f32 from vector<1xf32>
        %mul3A_626 = vector.broadcast %squeeze3A_625 : f32 to vector<16xf32>
        %mul3A_627 = arith.mulf %exp3A_623, %mul3A_626 : vector<16xf32>
        %swap3A_628 = arith.index_cast %add3A_609 : i32 to index
        %swap3A_629 = arith.constant 64 : index
        %swap3A_630 = tpu.vector_load %arg9[%swap3A_628, %swap3A_629] {strides = array<i32>} : memref<400x80xf32, #tpu.memory_space<vmem>>, vector<1x16xf32>,
        %swap3A_631 = vector.shape_cast %swap3A_630 : vector<1x16xf32> to vector<16xf32>
        %swap3A_632 = vector.shape_cast %mul3A_627 : vector<16xf32> to vector<1x16xf32>
        tpu.vector_store %arg9[%swap3A_628, %swap3A_629], %swap3A_632 {strides = array<i32>} : memref<400x80xf32, #tpu.memory_space<vmem>>, vector<1x16xf32>,
        %get3A_633 = arith.index_cast %add3A_609 : i32 to index
        %get3A_634 = arith.constant 0 : index
        %get3A_635 = tpu.vector_load %arg7[%get3A_633, %get3A_634] {strides = array<i32>} : memref<400x80xf32, #tpu.memory_space<vmem>>, vector<1x16xf32>,
        %get3A_636 = vector.shape_cast %get3A_635 : vector<1x16xf32> to vector<16xf32>
        %slice3A_637 = vector.extract_strided_slice %mul3A_627 {offsets = [12], sizes = [1], strides = [1]} : vector<16xf32> to vector<1xf32>
        %squeeze3A_638 = vector.extract %slice3A_637[0] : f32 from vector<1xf32>
        %mul3A_639 = vector.broadcast %squeeze3A_638 : f32 to vector<16xf32>
        %mul3A_640 = arith.mulf %get3A_636, %mul3A_639 : vector<16xf32>
        %swap3A_641 = arith.index_cast %add3A_609 : i32 to index
        %swap3A_642 = arith.constant 0 : index
        %swap3A_643 = tpu.vector_load %arg9[%swap3A_641, %swap3A_642] {strides = array<i32>} : memref<400x80xf32, #tpu.memory_space<vmem>>, vector<1x16xf32>,
        %swap3A_644 = vector.shape_cast %swap3A_643 : vector<1x16xf32> to vector<16xf32>
        %swap3A_645 = vector.shape_cast %mul3A_640 : vector<16xf32> to vector<1x16xf32>
        tpu.vector_store %arg9[%swap3A_641, %swap3A_642], %swap3A_645 {strides = array<i32>} : memref<400x80xf32, #tpu.memory_space<vmem>>, vector<1x16xf32>,
        %get3A_646 = arith.index_cast %add3A_609 : i32 to index
        %get3A_647 = arith.constant 16 : index
        %get3A_648 = tpu.vector_load %arg7[%get3A_646, %get3A_647] {strides = array<i32>} : memref<400x80xf32, #tpu.memory_space<vmem>>, vector<1x16xf32>,
        %get3A_649 = vector.shape_cast %get3A_648 : vector<1x16xf32> to vector<16xf32>
        %slice3A_650 = vector.extract_strided_slice %mul3A_627 {offsets = [13], sizes = [1], strides = [1]} : vector<16xf32> to vector<1xf32>
        %squeeze3A_651 = vector.extract %slice3A_650[0] : f32 from vector<1xf32>
        %mul3A_652 = vector.broadcast %squeeze3A_651 : f32 to vector<16xf32>
        %mul3A_653 = arith.mulf %get3A_649, %mul3A_652 : vector<16xf32>
        %swap3A_654 = arith.index_cast %add3A_609 : i32 to index
        %swap3A_655 = arith.constant 16 : index
        %swap3A_656 = tpu.vector_load %arg9[%swap3A_654, %swap3A_655] {strides = array<i32>} : memref<400x80xf32, #tpu.memory_space<vmem>>, vector<1x16xf32>,
        %swap3A_657 = vector.shape_cast %swap3A_656 : vector<1x16xf32> to vector<16xf32>
        %swap3A_658 = vector.shape_cast %mul3A_653 : vector<16xf32> to vector<1x16xf32>
        tpu.vector_store %arg9[%swap3A_654, %swap3A_655], %swap3A_658 {strides = array<i32>} : memref<400x80xf32, #tpu.memory_space<vmem>>, vector<1x16xf32>,
        %get3A_659 = arith.index_cast %add3A_609 : i32 to index
        %get3A_660 = arith.constant 32 : index
        %get3A_661 = tpu.vector_load %arg7[%get3A_659, %get3A_660] {strides = array<i32>} : memref<400x80xf32, #tpu.memory_space<vmem>>, vector<1x16xf32>,
        %get3A_662 = vector.shape_cast %get3A_661 : vector<1x16xf32> to vector<16xf32>
        %slice3A_663 = vector.extract_strided_slice %mul3A_627 {offsets = [14], sizes = [1], strides = [1]} : vector<16xf32> to vector<1xf32>
        %squeeze3A_664 = vector.extract %slice3A_663[0] : f32 from vector<1xf32>
        %mul3A_665 = vector.broadcast %squeeze3A_664 : f32 to vector<16xf32>
        %mul3A_666 = arith.mulf %get3A_662, %mul3A_665 : vector<16xf32>
        %swap3A_667 = arith.index_cast %add3A_609 : i32 to index
        %swap3A_668 = arith.constant 32 : index
        %swap3A_669 = tpu.vector_load %arg9[%swap3A_667, %swap3A_668] {strides = array<i32>} : memref<400x80xf32, #tpu.memory_space<vmem>>, vector<1x16xf32>,
        %swap3A_670 = vector.shape_cast %swap3A_669 : vector<1x16xf32> to vector<16xf32>
        %swap3A_671 = vector.shape_cast %mul3A_666 : vector<16xf32> to vector<1x16xf32>
        tpu.vector_store %arg9[%swap3A_667, %swap3A_668], %swap3A_671 {strides = array<i32>} : memref<400x80xf32, #tpu.memory_space<vmem>>, vector<1x16xf32>,
        %get3A_672 = arith.index_cast %add3A_609 : i32 to index
        %get3A_673 = arith.constant 48 : index
        %get3A_674 = tpu.vector_load %arg7[%get3A_672, %get3A_673] {strides = array<i32>} : memref<400x80xf32, #tpu.memory_space<vmem>>, vector<1x16xf32>,
        %get3A_675 = vector.shape_cast %get3A_674 : vector<1x16xf32> to vector<16xf32>
        %slice3A_676 = vector.extract_strided_slice %mul3A_627 {offsets = [15], sizes = [1], strides = [1]} : vector<16xf32> to vector<1xf32>
        %squeeze3A_677 = vector.extract %slice3A_676[0] : f32 from vector<1xf32>
        %mul3A_678 = vector.broadcast %squeeze3A_677 : f32 to vector<16xf32>
        %mul3A_679 = arith.mulf %get3A_675, %mul3A_678 : vector<16xf32>
        %swap3A_680 = arith.index_cast %add3A_609 : i32 to index
        %swap3A_681 = arith.constant 48 : index
        %swap3A_682 = tpu.vector_load %arg9[%swap3A_680, %swap3A_681] {strides = array<i32>} : memref<400x80xf32, #tpu.memory_space<vmem>>, vector<1x16xf32>,
        %swap3A_683 = vector.shape_cast %swap3A_682 : vector<1x16xf32> to vector<16xf32>
        %swap3A_684 = vector.shape_cast %mul3A_679 : vector<16xf32> to vector<1x16xf32>
        tpu.vector_store %arg9[%swap3A_680, %swap3A_681], %swap3A_684 {strides = array<i32>} : memref<400x80xf32, #tpu.memory_space<vmem>>, vector<1x16xf32>,
        %mul3A_685 = arith.constant 16 : i32
        %mul3A_686 = arith.muli %scan3A_52, %mul3A_685 : i32
        %add3A_687 = arith.constant 8 : i32
        %add3A_688 = arith.addi %mul3A_686, %add3A_687 : i32
        %get3A_689 = arith.index_cast %add3A_688 : i32 to index
        %get3A_690 = arith.constant 64 : index
        %get3A_691 = tpu.vector_load %arg7[%get3A_689, %get3A_690] {strides = array<i32>} : memref<400x80xf32, #tpu.memory_space<vmem>>, vector<1x16xf32>,
        %get3A_692 = vector.shape_cast %get3A_691 : vector<1x16xf32> to vector<16xf32>
        %get3A_693 = arith.index_cast %add3A_688 : i32 to index
        %get3A_694 = arith.constant 0 : index
        %get3A_695 = tpu.vector_load %arg8[%get3A_693, %get3A_694] {strides = array<i32>} : memref<400x16xf32, #tpu.memory_space<vmem>>, vector<1x16xf32>,
        %get3A_696 = vector.shape_cast %get3A_695 : vector<1x16xf32> to vector<16xf32>
        %add3A_697 = arith.addf %get3A_692, %get3A_696 : vector<16xf32>
        %mul3A_698 = arith.constant 2.000000e-01 : f32
        %mul3A_699 = vector.broadcast %mul3A_698 : f32 to vector<16xf32>
        %mul3A_700 = arith.mulf %mul3A_699, %add3A_697 : vector<16xf32>
        %max3A_701 = arith.maximumf %add3A_697, %mul3A_700 : vector<16xf32>
        %exp3A_702 = math.exp %max3A_701 : vector<16xf32>
        %slice3A_703 = vector.extract_strided_slice %get3A_57 {offsets = [8], sizes = [1], strides = [1]} : vector<16xf32> to vector<1xf32>
        %squeeze3A_704 = vector.extract %slice3A_703[0] : f32 from vector<1xf32>
        %mul3A_705 = vector.broadcast %squeeze3A_704 : f32 to vector<16xf32>
        %mul3A_706 = arith.mulf %exp3A_702, %mul3A_705 : vector<16xf32>
        %swap3A_707 = arith.index_cast %add3A_688 : i32 to index
        %swap3A_708 = arith.constant 64 : index
        %swap3A_709 = tpu.vector_load %arg9[%swap3A_707, %swap3A_708] {strides = array<i32>} : memref<400x80xf32, #tpu.memory_space<vmem>>, vector<1x16xf32>,
        %swap3A_710 = vector.shape_cast %swap3A_709 : vector<1x16xf32> to vector<16xf32>
        %swap3A_711 = vector.shape_cast %mul3A_706 : vector<16xf32> to vector<1x16xf32>
        tpu.vector_store %arg9[%swap3A_707, %swap3A_708], %swap3A_711 {strides = array<i32>} : memref<400x80xf32, #tpu.memory_space<vmem>>, vector<1x16xf32>,
        %get3A_712 = arith.index_cast %add3A_688 : i32 to index
        %get3A_713 = arith.constant 0 : index
        %get3A_714 = tpu.vector_load %arg7[%get3A_712, %get3A_713] {strides = array<i32>} : memref<400x80xf32, #tpu.memory_space<vmem>>, vector<1x16xf32>,
        %get3A_715 = vector.shape_cast %get3A_714 : vector<1x16xf32> to vector<16xf32>
        %slice3A_716 = vector.extract_strided_slice %mul3A_706 {offsets = [12], sizes = [1], strides = [1]} : vector<16xf32> to vector<1xf32>
        %squeeze3A_717 = vector.extract %slice3A_716[0] : f32 from vector<1xf32>
        %mul3A_718 = vector.broadcast %squeeze3A_717 : f32 to vector<16xf32>
        %mul3A_719 = arith.mulf %get3A_715, %mul3A_718 : vector<16xf32>
        %swap3A_720 = arith.index_cast %add3A_688 : i32 to index
        %swap3A_721 = arith.constant 0 : index
        %swap3A_722 = tpu.vector_load %arg9[%swap3A_720, %swap3A_721] {strides = array<i32>} : memref<400x80xf32, #tpu.memory_space<vmem>>, vector<1x16xf32>,
        %swap3A_723 = vector.shape_cast %swap3A_722 : vector<1x16xf32> to vector<16xf32>
        %swap3A_724 = vector.shape_cast %mul3A_719 : vector<16xf32> to vector<1x16xf32>
        tpu.vector_store %arg9[%swap3A_720, %swap3A_721], %swap3A_724 {strides = array<i32>} : memref<400x80xf32, #tpu.memory_space<vmem>>, vector<1x16xf32>,
        %get3A_725 = arith.index_cast %add3A_688 : i32 to index
        %get3A_726 = arith.constant 16 : index
        %get3A_727 = tpu.vector_load %arg7[%get3A_725, %get3A_726] {strides = array<i32>} : memref<400x80xf32, #tpu.memory_space<vmem>>, vector<1x16xf32>,
        %get3A_728 = vector.shape_cast %get3A_727 : vector<1x16xf32> to vector<16xf32>
        %slice3A_729 = vector.extract_strided_slice %mul3A_706 {offsets = [13], sizes = [1], strides = [1]} : vector<16xf32> to vector<1xf32>
        %squeeze3A_730 = vector.extract %slice3A_729[0] : f32 from vector<1xf32>
        %mul3A_731 = vector.broadcast %squeeze3A_730 : f32 to vector<16xf32>
        %mul3A_732 = arith.mulf %get3A_728, %mul3A_731 : vector<16xf32>
        %swap3A_733 = arith.index_cast %add3A_688 : i32 to index
        %swap3A_734 = arith.constant 16 : index
        %swap3A_735 = tpu.vector_load %arg9[%swap3A_733, %swap3A_734] {strides = array<i32>} : memref<400x80xf32, #tpu.memory_space<vmem>>, vector<1x16xf32>,
        %swap3A_736 = vector.shape_cast %swap3A_735 : vector<1x16xf32> to vector<16xf32>
        %swap3A_737 = vector.shape_cast %mul3A_732 : vector<16xf32> to vector<1x16xf32>
        tpu.vector_store %arg9[%swap3A_733, %swap3A_734], %swap3A_737 {strides = array<i32>} : memref<400x80xf32, #tpu.memory_space<vmem>>, vector<1x16xf32>,
        %get3A_738 = arith.index_cast %add3A_688 : i32 to index
        %get3A_739 = arith.constant 32 : index
        %get3A_740 = tpu.vector_load %arg7[%get3A_738, %get3A_739] {strides = array<i32>} : memref<400x80xf32, #tpu.memory_space<vmem>>, vector<1x16xf32>,
        %get3A_741 = vector.shape_cast %get3A_740 : vector<1x16xf32> to vector<16xf32>
        %slice3A_742 = vector.extract_strided_slice %mul3A_706 {offsets = [14], sizes = [1], strides = [1]} : vector<16xf32> to vector<1xf32>
        %squeeze3A_743 = vector.extract %slice3A_742[0] : f32 from vector<1xf32>
        %mul3A_744 = vector.broadcast %squeeze3A_743 : f32 to vector<16xf32>
        %mul3A_745 = arith.mulf %get3A_741, %mul3A_744 : vector<16xf32>
        %swap3A_746 = arith.index_cast %add3A_688 : i32 to index
        %swap3A_747 = arith.constant 32 : index
        %swap3A_748 = tpu.vector_load %arg9[%swap3A_746, %swap3A_747] {strides = array<i32>} : memref<400x80xf32, #tpu.memory_space<vmem>>, vector<1x16xf32>,
        %swap3A_749 = vector.shape_cast %swap3A_748 : vector<1x16xf32> to vector<16xf32>
        %swap3A_750 = vector.shape_cast %mul3A_745 : vector<16xf32> to vector<1x16xf32>
        tpu.vector_store %arg9[%swap3A_746, %swap3A_747], %swap3A_750 {strides = array<i32>} : memref<400x80xf32, #tpu.memory_space<vmem>>, vector<1x16xf32>,
        %get3A_751 = arith.index_cast %add3A_688 : i32 to index
        %get3A_752 = arith.constant 48 : index
        %get3A_753 = tpu.vector_load %arg7[%get3A_751, %get3A_752] {strides = array<i32>} : memref<400x80xf32, #tpu.memory_space<vmem>>, vector<1x16xf32>,
        %get3A_754 = vector.shape_cast %get3A_753 : vector<1x16xf32> to vector<16xf32>
        %slice3A_755 = vector.extract_strided_slice %mul3A_706 {offsets = [15], sizes = [1], strides = [1]} : vector<16xf32> to vector<1xf32>
        %squeeze3A_756 = vector.extract %slice3A_755[0] : f32 from vector<1xf32>
        %mul3A_757 = vector.broadcast %squeeze3A_756 : f32 to vector<16xf32>
        %mul3A_758 = arith.mulf %get3A_754, %mul3A_757 : vector<16xf32>
        %swap3A_759 = arith.index_cast %add3A_688 : i32 to index
        %swap3A_760 = arith.constant 48 : index
        %swap3A_761 = tpu.vector_load %arg9[%swap3A_759, %swap3A_760] {strides = array<i32>} : memref<400x80xf32, #tpu.memory_space<vmem>>, vector<1x16xf32>,
        %swap3A_762 = vector.shape_cast %swap3A_761 : vector<1x16xf32> to vector<16xf32>
        %swap3A_763 = vector.shape_cast %mul3A_758 : vector<16xf32> to vector<1x16xf32>
        tpu.vector_store %arg9[%swap3A_759, %swap3A_760], %swap3A_763 {strides = array<i32>} : memref<400x80xf32, #tpu.memory_space<vmem>>, vector<1x16xf32>,
        %mul3A_764 = arith.constant 16 : i32
        %mul3A_765 = arith.muli %scan3A_52, %mul3A_764 : i32
        %add3A_766 = arith.constant 9 : i32
        %add3A_767 = arith.addi %mul3A_765, %add3A_766 : i32
        %get3A_768 = arith.index_cast %add3A_767 : i32 to index
        %get3A_769 = arith.constant 64 : index
        %get3A_770 = tpu.vector_load %arg7[%get3A_768, %get3A_769] {strides = array<i32>} : memref<400x80xf32, #tpu.memory_space<vmem>>, vector<1x16xf32>,
        %get3A_771 = vector.shape_cast %get3A_770 : vector<1x16xf32> to vector<16xf32>
        %get3A_772 = arith.index_cast %add3A_767 : i32 to index
        %get3A_773 = arith.constant 0 : index
        %get3A_774 = tpu.vector_load %arg8[%get3A_772, %get3A_773] {strides = array<i32>} : memref<400x16xf32, #tpu.memory_space<vmem>>, vector<1x16xf32>,
        %get3A_775 = vector.shape_cast %get3A_774 : vector<1x16xf32> to vector<16xf32>
        %add3A_776 = arith.addf %get3A_771, %get3A_775 : vector<16xf32>
        %mul3A_777 = arith.constant 2.000000e-01 : f32
        %mul3A_778 = vector.broadcast %mul3A_777 : f32 to vector<16xf32>
        %mul3A_779 = arith.mulf %mul3A_778, %add3A_776 : vector<16xf32>
        %max3A_780 = arith.maximumf %add3A_776, %mul3A_779 : vector<16xf32>
        %exp3A_781 = math.exp %max3A_780 : vector<16xf32>
        %slice3A_782 = vector.extract_strided_slice %get3A_57 {offsets = [9], sizes = [1], strides = [1]} : vector<16xf32> to vector<1xf32>
        %squeeze3A_783 = vector.extract %slice3A_782[0] : f32 from vector<1xf32>
        %mul3A_784 = vector.broadcast %squeeze3A_783 : f32 to vector<16xf32>
        %mul3A_785 = arith.mulf %exp3A_781, %mul3A_784 : vector<16xf32>
        %swap3A_786 = arith.index_cast %add3A_767 : i32 to index
        %swap3A_787 = arith.constant 64 : index
        %swap3A_788 = tpu.vector_load %arg9[%swap3A_786, %swap3A_787] {strides = array<i32>} : memref<400x80xf32, #tpu.memory_space<vmem>>, vector<1x16xf32>,
        %swap3A_789 = vector.shape_cast %swap3A_788 : vector<1x16xf32> to vector<16xf32>
        %swap3A_790 = vector.shape_cast %mul3A_785 : vector<16xf32> to vector<1x16xf32>
        tpu.vector_store %arg9[%swap3A_786, %swap3A_787], %swap3A_790 {strides = array<i32>} : memref<400x80xf32, #tpu.memory_space<vmem>>, vector<1x16xf32>,
        %get3A_791 = arith.index_cast %add3A_767 : i32 to index
        %get3A_792 = arith.constant 0 : index
        %get3A_793 = tpu.vector_load %arg7[%get3A_791, %get3A_792] {strides = array<i32>} : memref<400x80xf32, #tpu.memory_space<vmem>>, vector<1x16xf32>,
        %get3A_794 = vector.shape_cast %get3A_793 : vector<1x16xf32> to vector<16xf32>
        %slice3A_795 = vector.extract_strided_slice %mul3A_785 {offsets = [12], sizes = [1], strides = [1]} : vector<16xf32> to vector<1xf32>
        %squeeze3A_796 = vector.extract %slice3A_795[0] : f32 from vector<1xf32>
        %mul3A_797 = vector.broadcast %squeeze3A_796 : f32 to vector<16xf32>
        %mul3A_798 = arith.mulf %get3A_794, %mul3A_797 : vector<16xf32>
        %swap3A_799 = arith.index_cast %add3A_767 : i32 to index
        %swap3A_800 = arith.constant 0 : index
        %swap3A_801 = tpu.vector_load %arg9[%swap3A_799, %swap3A_800] {strides = array<i32>} : memref<400x80xf32, #tpu.memory_space<vmem>>, vector<1x16xf32>,
        %swap3A_802 = vector.shape_cast %swap3A_801 : vector<1x16xf32> to vector<16xf32>
        %swap3A_803 = vector.shape_cast %mul3A_798 : vector<16xf32> to vector<1x16xf32>
        tpu.vector_store %arg9[%swap3A_799, %swap3A_800], %swap3A_803 {strides = array<i32>} : memref<400x80xf32, #tpu.memory_space<vmem>>, vector<1x16xf32>,
        %get3A_804 = arith.index_cast %add3A_767 : i32 to index
        %get3A_805 = arith.constant 16 : index
        %get3A_806 = tpu.vector_load %arg7[%get3A_804, %get3A_805] {strides = array<i32>} : memref<400x80xf32, #tpu.memory_space<vmem>>, vector<1x16xf32>,
        %get3A_807 = vector.shape_cast %get3A_806 : vector<1x16xf32> to vector<16xf32>
        %slice3A_808 = vector.extract_strided_slice %mul3A_785 {offsets = [13], sizes = [1], strides = [1]} : vector<16xf32> to vector<1xf32>
        %squeeze3A_809 = vector.extract %slice3A_808[0] : f32 from vector<1xf32>
        %mul3A_810 = vector.broadcast %squeeze3A_809 : f32 to vector<16xf32>
        %mul3A_811 = arith.mulf %get3A_807, %mul3A_810 : vector<16xf32>
        %swap3A_812 = arith.index_cast %add3A_767 : i32 to index
        %swap3A_813 = arith.constant 16 : index
        %swap3A_814 = tpu.vector_load %arg9[%swap3A_812, %swap3A_813] {strides = array<i32>} : memref<400x80xf32, #tpu.memory_space<vmem>>, vector<1x16xf32>,
        %swap3A_815 = vector.shape_cast %swap3A_814 : vector<1x16xf32> to vector<16xf32>
        %swap3A_816 = vector.shape_cast %mul3A_811 : vector<16xf32> to vector<1x16xf32>
        tpu.vector_store %arg9[%swap3A_812, %swap3A_813], %swap3A_816 {strides = array<i32>} : memref<400x80xf32, #tpu.memory_space<vmem>>, vector<1x16xf32>,
        %get3A_817 = arith.index_cast %add3A_767 : i32 to index
        %get3A_818 = arith.constant 32 : index
        %get3A_819 = tpu.vector_load %arg7[%get3A_817, %get3A_818] {strides = array<i32>} : memref<400x80xf32, #tpu.memory_space<vmem>>, vector<1x16xf32>,
        %get3A_820 = vector.shape_cast %get3A_819 : vector<1x16xf32> to vector<16xf32>
        %slice3A_821 = vector.extract_strided_slice %mul3A_785 {offsets = [14], sizes = [1], strides = [1]} : vector<16xf32> to vector<1xf32>
        %squeeze3A_822 = vector.extract %slice3A_821[0] : f32 from vector<1xf32>
        %mul3A_823 = vector.broadcast %squeeze3A_822 : f32 to vector<16xf32>
        %mul3A_824 = arith.mulf %get3A_820, %mul3A_823 : vector<16xf32>
        %swap3A_825 = arith.index_cast %add3A_767 : i32 to index
        %swap3A_826 = arith.constant 32 : index
        %swap3A_827 = tpu.vector_load %arg9[%swap3A_825, %swap3A_826] {strides = array<i32>} : memref<400x80xf32, #tpu.memory_space<vmem>>, vector<1x16xf32>,
        %swap3A_828 = vector.shape_cast %swap3A_827 : vector<1x16xf32> to vector<16xf32>
        %swap3A_829 = vector.shape_cast %mul3A_824 : vector<16xf32> to vector<1x16xf32>
        tpu.vector_store %arg9[%swap3A_825, %swap3A_826], %swap3A_829 {strides = array<i32>} : memref<400x80xf32, #tpu.memory_space<vmem>>, vector<1x16xf32>,
        %get3A_830 = arith.index_cast %add3A_767 : i32 to index
        %get3A_831 = arith.constant 48 : index
        %get3A_832 = tpu.vector_load %arg7[%get3A_830, %get3A_831] {strides = array<i32>} : memref<400x80xf32, #tpu.memory_space<vmem>>, vector<1x16xf32>,
        %get3A_833 = vector.shape_cast %get3A_832 : vector<1x16xf32> to vector<16xf32>
        %slice3A_834 = vector.extract_strided_slice %mul3A_785 {offsets = [15], sizes = [1], strides = [1]} : vector<16xf32> to vector<1xf32>
        %squeeze3A_835 = vector.extract %slice3A_834[0] : f32 from vector<1xf32>
        %mul3A_836 = vector.broadcast %squeeze3A_835 : f32 to vector<16xf32>
        %mul3A_837 = arith.mulf %get3A_833, %mul3A_836 : vector<16xf32>
        %swap3A_838 = arith.index_cast %add3A_767 : i32 to index
        %swap3A_839 = arith.constant 48 : index
        %swap3A_840 = tpu.vector_load %arg9[%swap3A_838, %swap3A_839] {strides = array<i32>} : memref<400x80xf32, #tpu.memory_space<vmem>>, vector<1x16xf32>,
        %swap3A_841 = vector.shape_cast %swap3A_840 : vector<1x16xf32> to vector<16xf32>
        %swap3A_842 = vector.shape_cast %mul3A_837 : vector<16xf32> to vector<1x16xf32>
        tpu.vector_store %arg9[%swap3A_838, %swap3A_839], %swap3A_842 {strides = array<i32>} : memref<400x80xf32, #tpu.memory_space<vmem>>, vector<1x16xf32>,
        %mul3A_843 = arith.constant 16 : i32
        %mul3A_844 = arith.muli %scan3A_52, %mul3A_843 : i32
        %add3A_845 = arith.constant 10 : i32
        %add3A_846 = arith.addi %mul3A_844, %add3A_845 : i32
        %get3A_847 = arith.index_cast %add3A_846 : i32 to index
        %get3A_848 = arith.constant 64 : index
        %get3A_849 = tpu.vector_load %arg7[%get3A_847, %get3A_848] {strides = array<i32>} : memref<400x80xf32, #tpu.memory_space<vmem>>, vector<1x16xf32>,
        %get3A_850 = vector.shape_cast %get3A_849 : vector<1x16xf32> to vector<16xf32>
        %get3A_851 = arith.index_cast %add3A_846 : i32 to index
        %get3A_852 = arith.constant 0 : index
        %get3A_853 = tpu.vector_load %arg8[%get3A_851, %get3A_852] {strides = array<i32>} : memref<400x16xf32, #tpu.memory_space<vmem>>, vector<1x16xf32>,
        %get3A_854 = vector.shape_cast %get3A_853 : vector<1x16xf32> to vector<16xf32>
        %add3A_855 = arith.addf %get3A_850, %get3A_854 : vector<16xf32>
        %mul3A_856 = arith.constant 2.000000e-01 : f32
        %mul3A_857 = vector.broadcast %mul3A_856 : f32 to vector<16xf32>
        %mul3A_858 = arith.mulf %mul3A_857, %add3A_855 : vector<16xf32>
        %max3A_859 = arith.maximumf %add3A_855, %mul3A_858 : vector<16xf32>
        %exp3A_860 = math.exp %max3A_859 : vector<16xf32>
        %slice3A_861 = vector.extract_strided_slice %get3A_57 {offsets = [10], sizes = [1], strides = [1]} : vector<16xf32> to vector<1xf32>
        %squeeze3A_862 = vector.extract %slice3A_861[0] : f32 from vector<1xf32>
        %mul3A_863 = vector.broadcast %squeeze3A_862 : f32 to vector<16xf32>
        %mul3A_864 = arith.mulf %exp3A_860, %mul3A_863 : vector<16xf32>
        %swap3A_865 = arith.index_cast %add3A_846 : i32 to index
        %swap3A_866 = arith.constant 64 : index
        %swap3A_867 = tpu.vector_load %arg9[%swap3A_865, %swap3A_866] {strides = array<i32>} : memref<400x80xf32, #tpu.memory_space<vmem>>, vector<1x16xf32>,
        %swap3A_868 = vector.shape_cast %swap3A_867 : vector<1x16xf32> to vector<16xf32>
        %swap3A_869 = vector.shape_cast %mul3A_864 : vector<16xf32> to vector<1x16xf32>
        tpu.vector_store %arg9[%swap3A_865, %swap3A_866], %swap3A_869 {strides = array<i32>} : memref<400x80xf32, #tpu.memory_space<vmem>>, vector<1x16xf32>,
        %get3A_870 = arith.index_cast %add3A_846 : i32 to index
        %get3A_871 = arith.constant 0 : index
        %get3A_872 = tpu.vector_load %arg7[%get3A_870, %get3A_871] {strides = array<i32>} : memref<400x80xf32, #tpu.memory_space<vmem>>, vector<1x16xf32>,
        %get3A_873 = vector.shape_cast %get3A_872 : vector<1x16xf32> to vector<16xf32>
        %slice3A_874 = vector.extract_strided_slice %mul3A_864 {offsets = [12], sizes = [1], strides = [1]} : vector<16xf32> to vector<1xf32>
        %squeeze3A_875 = vector.extract %slice3A_874[0] : f32 from vector<1xf32>
        %mul3A_876 = vector.broadcast %squeeze3A_875 : f32 to vector<16xf32>
        %mul3A_877 = arith.mulf %get3A_873, %mul3A_876 : vector<16xf32>
        %swap3A_878 = arith.index_cast %add3A_846 : i32 to index
        %swap3A_879 = arith.constant 0 : index
        %swap3A_880 = tpu.vector_load %arg9[%swap3A_878, %swap3A_879] {strides = array<i32>} : memref<400x80xf32, #tpu.memory_space<vmem>>, vector<1x16xf32>,
        %swap3A_881 = vector.shape_cast %swap3A_880 : vector<1x16xf32> to vector<16xf32>
        %swap3A_882 = vector.shape_cast %mul3A_877 : vector<16xf32> to vector<1x16xf32>
        tpu.vector_store %arg9[%swap3A_878, %swap3A_879], %swap3A_882 {strides = array<i32>} : memref<400x80xf32, #tpu.memory_space<vmem>>, vector<1x16xf32>,
        %get3A_883 = arith.index_cast %add3A_846 : i32 to index
        %get3A_884 = arith.constant 16 : index
        %get3A_885 = tpu.vector_load %arg7[%get3A_883, %get3A_884] {strides = array<i32>} : memref<400x80xf32, #tpu.memory_space<vmem>>, vector<1x16xf32>,
        %get3A_886 = vector.shape_cast %get3A_885 : vector<1x16xf32> to vector<16xf32>
        %slice3A_887 = vector.extract_strided_slice %mul3A_864 {offsets = [13], sizes = [1], strides = [1]} : vector<16xf32> to vector<1xf32>
        %squeeze3A_888 = vector.extract %slice3A_887[0] : f32 from vector<1xf32>
        %mul3A_889 = vector.broadcast %squeeze3A_888 : f32 to vector<16xf32>
        %mul3A_890 = arith.mulf %get3A_886, %mul3A_889 : vector<16xf32>
        %swap3A_891 = arith.index_cast %add3A_846 : i32 to index
        %swap3A_892 = arith.constant 16 : index
        %swap3A_893 = tpu.vector_load %arg9[%swap3A_891, %swap3A_892] {strides = array<i32>} : memref<400x80xf32, #tpu.memory_space<vmem>>, vector<1x16xf32>,
        %swap3A_894 = vector.shape_cast %swap3A_893 : vector<1x16xf32> to vector<16xf32>
        %swap3A_895 = vector.shape_cast %mul3A_890 : vector<16xf32> to vector<1x16xf32>
        tpu.vector_store %arg9[%swap3A_891, %swap3A_892], %swap3A_895 {strides = array<i32>} : memref<400x80xf32, #tpu.memory_space<vmem>>, vector<1x16xf32>,
        %get3A_896 = arith.index_cast %add3A_846 : i32 to index
        %get3A_897 = arith.constant 32 : index
        %get3A_898 = tpu.vector_load %arg7[%get3A_896, %get3A_897] {strides = array<i32>} : memref<400x80xf32, #tpu.memory_space<vmem>>, vector<1x16xf32>,
        %get3A_899 = vector.shape_cast %get3A_898 : vector<1x16xf32> to vector<16xf32>
        %slice3A_900 = vector.extract_strided_slice %mul3A_864 {offsets = [14], sizes = [1], strides = [1]} : vector<16xf32> to vector<1xf32>
        %squeeze3A_901 = vector.extract %slice3A_900[0] : f32 from vector<1xf32>
        %mul3A_902 = vector.broadcast %squeeze3A_901 : f32 to vector<16xf32>
        %mul3A_903 = arith.mulf %get3A_899, %mul3A_902 : vector<16xf32>
        %swap3A_904 = arith.index_cast %add3A_846 : i32 to index
        %swap3A_905 = arith.constant 32 : index
        %swap3A_906 = tpu.vector_load %arg9[%swap3A_904, %swap3A_905] {strides = array<i32>} : memref<400x80xf32, #tpu.memory_space<vmem>>, vector<1x16xf32>,
        %swap3A_907 = vector.shape_cast %swap3A_906 : vector<1x16xf32> to vector<16xf32>
        %swap3A_908 = vector.shape_cast %mul3A_903 : vector<16xf32> to vector<1x16xf32>
        tpu.vector_store %arg9[%swap3A_904, %swap3A_905], %swap3A_908 {strides = array<i32>} : memref<400x80xf32, #tpu.memory_space<vmem>>, vector<1x16xf32>,
        %get3A_909 = arith.index_cast %add3A_846 : i32 to index
        %get3A_910 = arith.constant 48 : index
        %get3A_911 = tpu.vector_load %arg7[%get3A_909, %get3A_910] {strides = array<i32>} : memref<400x80xf32, #tpu.memory_space<vmem>>, vector<1x16xf32>,
        %get3A_912 = vector.shape_cast %get3A_911 : vector<1x16xf32> to vector<16xf32>
        %slice3A_913 = vector.extract_strided_slice %mul3A_864 {offsets = [15], sizes = [1], strides = [1]} : vector<16xf32> to vector<1xf32>
        %squeeze3A_914 = vector.extract %slice3A_913[0] : f32 from vector<1xf32>
        %mul3A_915 = vector.broadcast %squeeze3A_914 : f32 to vector<16xf32>
        %mul3A_916 = arith.mulf %get3A_912, %mul3A_915 : vector<16xf32>
        %swap3A_917 = arith.index_cast %add3A_846 : i32 to index
        %swap3A_918 = arith.constant 48 : index
        %swap3A_919 = tpu.vector_load %arg9[%swap3A_917, %swap3A_918] {strides = array<i32>} : memref<400x80xf32, #tpu.memory_space<vmem>>, vector<1x16xf32>,
        %swap3A_920 = vector.shape_cast %swap3A_919 : vector<1x16xf32> to vector<16xf32>
        %swap3A_921 = vector.shape_cast %mul3A_916 : vector<16xf32> to vector<1x16xf32>
        tpu.vector_store %arg9[%swap3A_917, %swap3A_918], %swap3A_921 {strides = array<i32>} : memref<400x80xf32, #tpu.memory_space<vmem>>, vector<1x16xf32>,
        %mul3A_922 = arith.constant 16 : i32
        %mul3A_923 = arith.muli %scan3A_52, %mul3A_922 : i32
        %add3A_924 = arith.constant 11 : i32
        %add3A_925 = arith.addi %mul3A_923, %add3A_924 : i32
        %get3A_926 = arith.index_cast %add3A_925 : i32 to index
        %get3A_927 = arith.constant 64 : index
        %get3A_928 = tpu.vector_load %arg7[%get3A_926, %get3A_927] {strides = array<i32>} : memref<400x80xf32, #tpu.memory_space<vmem>>, vector<1x16xf32>,
        %get3A_929 = vector.shape_cast %get3A_928 : vector<1x16xf32> to vector<16xf32>
        %get3A_930 = arith.index_cast %add3A_925 : i32 to index
        %get3A_931 = arith.constant 0 : index
        %get3A_932 = tpu.vector_load %arg8[%get3A_930, %get3A_931] {strides = array<i32>} : memref<400x16xf32, #tpu.memory_space<vmem>>, vector<1x16xf32>,
        %get3A_933 = vector.shape_cast %get3A_932 : vector<1x16xf32> to vector<16xf32>
        %add3A_934 = arith.addf %get3A_929, %get3A_933 : vector<16xf32>
        %mul3A_935 = arith.constant 2.000000e-01 : f32
        %mul3A_936 = vector.broadcast %mul3A_935 : f32 to vector<16xf32>
        %mul3A_937 = arith.mulf %mul3A_936, %add3A_934 : vector<16xf32>
        %max3A_938 = arith.maximumf %add3A_934, %mul3A_937 : vector<16xf32>
        %exp3A_939 = math.exp %max3A_938 : vector<16xf32>
        %slice3A_940 = vector.extract_strided_slice %get3A_57 {offsets = [11], sizes = [1], strides = [1]} : vector<16xf32> to vector<1xf32>
        %squeeze3A_941 = vector.extract %slice3A_940[0] : f32 from vector<1xf32>
        %mul3A_942 = vector.broadcast %squeeze3A_941 : f32 to vector<16xf32>
        %mul3A_943 = arith.mulf %exp3A_939, %mul3A_942 : vector<16xf32>
        %swap3A_944 = arith.index_cast %add3A_925 : i32 to index
        %swap3A_945 = arith.constant 64 : index
        %swap3A_946 = tpu.vector_load %arg9[%swap3A_944, %swap3A_945] {strides = array<i32>} : memref<400x80xf32, #tpu.memory_space<vmem>>, vector<1x16xf32>,
        %swap3A_947 = vector.shape_cast %swap3A_946 : vector<1x16xf32> to vector<16xf32>
        %swap3A_948 = vector.shape_cast %mul3A_943 : vector<16xf32> to vector<1x16xf32>
        tpu.vector_store %arg9[%swap3A_944, %swap3A_945], %swap3A_948 {strides = array<i32>} : memref<400x80xf32, #tpu.memory_space<vmem>>, vector<1x16xf32>,
        %get3A_949 = arith.index_cast %add3A_925 : i32 to index
        %get3A_950 = arith.constant 0 : index
        %get3A_951 = tpu.vector_load %arg7[%get3A_949, %get3A_950] {strides = array<i32>} : memref<400x80xf32, #tpu.memory_space<vmem>>, vector<1x16xf32>,
        %get3A_952 = vector.shape_cast %get3A_951 : vector<1x16xf32> to vector<16xf32>
        %slice3A_953 = vector.extract_strided_slice %mul3A_943 {offsets = [12], sizes = [1], strides = [1]} : vector<16xf32> to vector<1xf32>
        %squeeze3A_954 = vector.extract %slice3A_953[0] : f32 from vector<1xf32>
        %mul3A_955 = vector.broadcast %squeeze3A_954 : f32 to vector<16xf32>
        %mul3A_956 = arith.mulf %get3A_952, %mul3A_955 : vector<16xf32>
        %swap3A_957 = arith.index_cast %add3A_925 : i32 to index
        %swap3A_958 = arith.constant 0 : index
        %swap3A_959 = tpu.vector_load %arg9[%swap3A_957, %swap3A_958] {strides = array<i32>} : memref<400x80xf32, #tpu.memory_space<vmem>>, vector<1x16xf32>,
        %swap3A_960 = vector.shape_cast %swap3A_959 : vector<1x16xf32> to vector<16xf32>
        %swap3A_961 = vector.shape_cast %mul3A_956 : vector<16xf32> to vector<1x16xf32>
        tpu.vector_store %arg9[%swap3A_957, %swap3A_958], %swap3A_961 {strides = array<i32>} : memref<400x80xf32, #tpu.memory_space<vmem>>, vector<1x16xf32>,
        %get3A_962 = arith.index_cast %add3A_925 : i32 to index
        %get3A_963 = arith.constant 16 : index
        %get3A_964 = tpu.vector_load %arg7[%get3A_962, %get3A_963] {strides = array<i32>} : memref<400x80xf32, #tpu.memory_space<vmem>>, vector<1x16xf32>,
        %get3A_965 = vector.shape_cast %get3A_964 : vector<1x16xf32> to vector<16xf32>
        %slice3A_966 = vector.extract_strided_slice %mul3A_943 {offsets = [13], sizes = [1], strides = [1]} : vector<16xf32> to vector<1xf32>
        %squeeze3A_967 = vector.extract %slice3A_966[0] : f32 from vector<1xf32>
        %mul3A_968 = vector.broadcast %squeeze3A_967 : f32 to vector<16xf32>
        %mul3A_969 = arith.mulf %get3A_965, %mul3A_968 : vector<16xf32>
        %swap3A_970 = arith.index_cast %add3A_925 : i32 to index
        %swap3A_971 = arith.constant 16 : index
        %swap3A_972 = tpu.vector_load %arg9[%swap3A_970, %swap3A_971] {strides = array<i32>} : memref<400x80xf32, #tpu.memory_space<vmem>>, vector<1x16xf32>,
        %swap3A_973 = vector.shape_cast %swap3A_972 : vector<1x16xf32> to vector<16xf32>
        %swap3A_974 = vector.shape_cast %mul3A_969 : vector<16xf32> to vector<1x16xf32>
        tpu.vector_store %arg9[%swap3A_970, %swap3A_971], %swap3A_974 {strides = array<i32>} : memref<400x80xf32, #tpu.memory_space<vmem>>, vector<1x16xf32>,
        %get3A_975 = arith.index_cast %add3A_925 : i32 to index
        %get3A_976 = arith.constant 32 : index
        %get3A_977 = tpu.vector_load %arg7[%get3A_975, %get3A_976] {strides = array<i32>} : memref<400x80xf32, #tpu.memory_space<vmem>>, vector<1x16xf32>,
        %get3A_978 = vector.shape_cast %get3A_977 : vector<1x16xf32> to vector<16xf32>
        %slice3A_979 = vector.extract_strided_slice %mul3A_943 {offsets = [14], sizes = [1], strides = [1]} : vector<16xf32> to vector<1xf32>
        %squeeze3A_980 = vector.extract %slice3A_979[0] : f32 from vector<1xf32>
        %mul3A_981 = vector.broadcast %squeeze3A_980 : f32 to vector<16xf32>
        %mul3A_982 = arith.mulf %get3A_978, %mul3A_981 : vector<16xf32>
        %swap3A_983 = arith.index_cast %add3A_925 : i32 to index
        %swap3A_984 = arith.constant 32 : index
        %swap3A_985 = tpu.vector_load %arg9[%swap3A_983, %swap3A_984] {strides = array<i32>} : memref<400x80xf32, #tpu.memory_space<vmem>>, vector<1x16xf32>,
        %swap3A_986 = vector.shape_cast %swap3A_985 : vector<1x16xf32> to vector<16xf32>
        %swap3A_987 = vector.shape_cast %mul3A_982 : vector<16xf32> to vector<1x16xf32>
        tpu.vector_store %arg9[%swap3A_983, %swap3A_984], %swap3A_987 {strides = array<i32>} : memref<400x80xf32, #tpu.memory_space<vmem>>, vector<1x16xf32>,
        %get3A_988 = arith.index_cast %add3A_925 : i32 to index
        %get3A_989 = arith.constant 48 : index
        %get3A_990 = tpu.vector_load %arg7[%get3A_988, %get3A_989] {strides = array<i32>} : memref<400x80xf32, #tpu.memory_space<vmem>>, vector<1x16xf32>,
        %get3A_991 = vector.shape_cast %get3A_990 : vector<1x16xf32> to vector<16xf32>
        %slice3A_992 = vector.extract_strided_slice %mul3A_943 {offsets = [15], sizes = [1], strides = [1]} : vector<16xf32> to vector<1xf32>
        %squeeze3A_993 = vector.extract %slice3A_992[0] : f32 from vector<1xf32>
        %mul3A_994 = vector.broadcast %squeeze3A_993 : f32 to vector<16xf32>
        %mul3A_995 = arith.mulf %get3A_991, %mul3A_994 : vector<16xf32>
        %swap3A_996 = arith.index_cast %add3A_925 : i32 to index
        %swap3A_997 = arith.constant 48 : index
        %swap3A_998 = tpu.vector_load %arg9[%swap3A_996, %swap3A_997] {strides = array<i32>} : memref<400x80xf32, #tpu.memory_space<vmem>>, vector<1x16xf32>,
        %swap3A_999 = vector.shape_cast %swap3A_998 : vector<1x16xf32> to vector<16xf32>
        %swap3A_1000 = vector.shape_cast %mul3A_995 : vector<16xf32> to vector<1x16xf32>
        tpu.vector_store %arg9[%swap3A_996, %swap3A_997], %swap3A_1000 {strides = array<i32>} : memref<400x80xf32, #tpu.memory_space<vmem>>, vector<1x16xf32>,
        %mul3A_1001 = arith.constant 16 : i32
        %mul3A_1002 = arith.muli %scan3A_52, %mul3A_1001 : i32
        %add3A_1003 = arith.constant 12 : i32
        %add3A_1004 = arith.addi %mul3A_1002, %add3A_1003 : i32
        %get3A_1005 = arith.index_cast %add3A_1004 : i32 to index
        %get3A_1006 = arith.constant 64 : index
        %get3A_1007 = tpu.vector_load %arg7[%get3A_1005, %get3A_1006] {strides = array<i32>} : memref<400x80xf32, #tpu.memory_space<vmem>>, vector<1x16xf32>,
        %get3A_1008 = vector.shape_cast %get3A_1007 : vector<1x16xf32> to vector<16xf32>
        %get3A_1009 = arith.index_cast %add3A_1004 : i32 to index
        %get3A_1010 = arith.constant 0 : index
        %get3A_1011 = tpu.vector_load %arg8[%get3A_1009, %get3A_1010] {strides = array<i32>} : memref<400x16xf32, #tpu.memory_space<vmem>>, vector<1x16xf32>,
        %get3A_1012 = vector.shape_cast %get3A_1011 : vector<1x16xf32> to vector<16xf32>
        %add3A_1013 = arith.addf %get3A_1008, %get3A_1012 : vector<16xf32>
        %mul3A_1014 = arith.constant 2.000000e-01 : f32
        %mul3A_1015 = vector.broadcast %mul3A_1014 : f32 to vector<16xf32>
        %mul3A_1016 = arith.mulf %mul3A_1015, %add3A_1013 : vector<16xf32>
        %max3A_1017 = arith.maximumf %add3A_1013, %mul3A_1016 : vector<16xf32>
        %exp3A_1018 = math.exp %max3A_1017 : vector<16xf32>
        %slice3A_1019 = vector.extract_strided_slice %get3A_57 {offsets = [12], sizes = [1], strides = [1]} : vector<16xf32> to vector<1xf32>
        %squeeze3A_1020 = vector.extract %slice3A_1019[0] : f32 from vector<1xf32>
        %mul3A_1021 = vector.broadcast %squeeze3A_1020 : f32 to vector<16xf32>
        %mul3A_1022 = arith.mulf %exp3A_1018, %mul3A_1021 : vector<16xf32>
        %swap3A_1023 = arith.index_cast %add3A_1004 : i32 to index
        %swap3A_1024 = arith.constant 64 : index
        %swap3A_1025 = tpu.vector_load %arg9[%swap3A_1023, %swap3A_1024] {strides = array<i32>} : memref<400x80xf32, #tpu.memory_space<vmem>>, vector<1x16xf32>,
        %swap3A_1026 = vector.shape_cast %swap3A_1025 : vector<1x16xf32> to vector<16xf32>
        %swap3A_1027 = vector.shape_cast %mul3A_1022 : vector<16xf32> to vector<1x16xf32>
        tpu.vector_store %arg9[%swap3A_1023, %swap3A_1024], %swap3A_1027 {strides = array<i32>} : memref<400x80xf32, #tpu.memory_space<vmem>>, vector<1x16xf32>,
        %get3A_1028 = arith.index_cast %add3A_1004 : i32 to index
        %get3A_1029 = arith.constant 0 : index
        %get3A_1030 = tpu.vector_load %arg7[%get3A_1028, %get3A_1029] {strides = array<i32>} : memref<400x80xf32, #tpu.memory_space<vmem>>, vector<1x16xf32>,
        %get3A_1031 = vector.shape_cast %get3A_1030 : vector<1x16xf32> to vector<16xf32>
        %slice3A_1032 = vector.extract_strided_slice %mul3A_1022 {offsets = [12], sizes = [1], strides = [1]} : vector<16xf32> to vector<1xf32>
        %squeeze3A_1033 = vector.extract %slice3A_1032[0] : f32 from vector<1xf32>
        %mul3A_1034 = vector.broadcast %squeeze3A_1033 : f32 to vector<16xf32>
        %mul3A_1035 = arith.mulf %get3A_1031, %mul3A_1034 : vector<16xf32>
        %swap3A_1036 = arith.index_cast %add3A_1004 : i32 to index
        %swap3A_1037 = arith.constant 0 : index
        %swap3A_1038 = tpu.vector_load %arg9[%swap3A_1036, %swap3A_1037] {strides = array<i32>} : memref<400x80xf32, #tpu.memory_space<vmem>>, vector<1x16xf32>,
        %swap3A_1039 = vector.shape_cast %swap3A_1038 : vector<1x16xf32> to vector<16xf32>
        %swap3A_1040 = vector.shape_cast %mul3A_1035 : vector<16xf32> to vector<1x16xf32>
        tpu.vector_store %arg9[%swap3A_1036, %swap3A_1037], %swap3A_1040 {strides = array<i32>} : memref<400x80xf32, #tpu.memory_space<vmem>>, vector<1x16xf32>,
        %get3A_1041 = arith.index_cast %add3A_1004 : i32 to index
        %get3A_1042 = arith.constant 16 : index
        %get3A_1043 = tpu.vector_load %arg7[%get3A_1041, %get3A_1042] {strides = array<i32>} : memref<400x80xf32, #tpu.memory_space<vmem>>, vector<1x16xf32>,
        %get3A_1044 = vector.shape_cast %get3A_1043 : vector<1x16xf32> to vector<16xf32>
        %slice3A_1045 = vector.extract_strided_slice %mul3A_1022 {offsets = [13], sizes = [1], strides = [1]} : vector<16xf32> to vector<1xf32>
        %squeeze3A_1046 = vector.extract %slice3A_1045[0] : f32 from vector<1xf32>
        %mul3A_1047 = vector.broadcast %squeeze3A_1046 : f32 to vector<16xf32>
        %mul3A_1048 = arith.mulf %get3A_1044, %mul3A_1047 : vector<16xf32>
        %swap3A_1049 = arith.index_cast %add3A_1004 : i32 to index
        %swap3A_1050 = arith.constant 16 : index
        %swap3A_1051 = tpu.vector_load %arg9[%swap3A_1049, %swap3A_1050] {strides = array<i32>} : memref<400x80xf32, #tpu.memory_space<vmem>>, vector<1x16xf32>,
        %swap3A_1052 = vector.shape_cast %swap3A_1051 : vector<1x16xf32> to vector<16xf32>
        %swap3A_1053 = vector.shape_cast %mul3A_1048 : vector<16xf32> to vector<1x16xf32>
        tpu.vector_store %arg9[%swap3A_1049, %swap3A_1050], %swap3A_1053 {strides = array<i32>} : memref<400x80xf32, #tpu.memory_space<vmem>>, vector<1x16xf32>,
        %get3A_1054 = arith.index_cast %add3A_1004 : i32 to index
        %get3A_1055 = arith.constant 32 : index
        %get3A_1056 = tpu.vector_load %arg7[%get3A_1054, %get3A_1055] {strides = array<i32>} : memref<400x80xf32, #tpu.memory_space<vmem>>, vector<1x16xf32>,
        %get3A_1057 = vector.shape_cast %get3A_1056 : vector<1x16xf32> to vector<16xf32>
        %slice3A_1058 = vector.extract_strided_slice %mul3A_1022 {offsets = [14], sizes = [1], strides = [1]} : vector<16xf32> to vector<1xf32>
        %squeeze3A_1059 = vector.extract %slice3A_1058[0] : f32 from vector<1xf32>
        %mul3A_1060 = vector.broadcast %squeeze3A_1059 : f32 to vector<16xf32>
        %mul3A_1061 = arith.mulf %get3A_1057, %mul3A_1060 : vector<16xf32>
        %swap3A_1062 = arith.index_cast %add3A_1004 : i32 to index
        %swap3A_1063 = arith.constant 32 : index
        %swap3A_1064 = tpu.vector_load %arg9[%swap3A_1062, %swap3A_1063] {strides = array<i32>} : memref<400x80xf32, #tpu.memory_space<vmem>>, vector<1x16xf32>,
        %swap3A_1065 = vector.shape_cast %swap3A_1064 : vector<1x16xf32> to vector<16xf32>
        %swap3A_1066 = vector.shape_cast %mul3A_1061 : vector<16xf32> to vector<1x16xf32>
        tpu.vector_store %arg9[%swap3A_1062, %swap3A_1063], %swap3A_1066 {strides = array<i32>} : memref<400x80xf32, #tpu.memory_space<vmem>>, vector<1x16xf32>,
        %get3A_1067 = arith.index_cast %add3A_1004 : i32 to index
        %get3A_1068 = arith.constant 48 : index
        %get3A_1069 = tpu.vector_load %arg7[%get3A_1067, %get3A_1068] {strides = array<i32>} : memref<400x80xf32, #tpu.memory_space<vmem>>, vector<1x16xf32>,
        %get3A_1070 = vector.shape_cast %get3A_1069 : vector<1x16xf32> to vector<16xf32>
        %slice3A_1071 = vector.extract_strided_slice %mul3A_1022 {offsets = [15], sizes = [1], strides = [1]} : vector<16xf32> to vector<1xf32>
        %squeeze3A_1072 = vector.extract %slice3A_1071[0] : f32 from vector<1xf32>
        %mul3A_1073 = vector.broadcast %squeeze3A_1072 : f32 to vector<16xf32>
        %mul3A_1074 = arith.mulf %get3A_1070, %mul3A_1073 : vector<16xf32>
        %swap3A_1075 = arith.index_cast %add3A_1004 : i32 to index
        %swap3A_1076 = arith.constant 48 : index
        %swap3A_1077 = tpu.vector_load %arg9[%swap3A_1075, %swap3A_1076] {strides = array<i32>} : memref<400x80xf32, #tpu.memory_space<vmem>>, vector<1x16xf32>,
        %swap3A_1078 = vector.shape_cast %swap3A_1077 : vector<1x16xf32> to vector<16xf32>
        %swap3A_1079 = vector.shape_cast %mul3A_1074 : vector<16xf32> to vector<1x16xf32>
        tpu.vector_store %arg9[%swap3A_1075, %swap3A_1076], %swap3A_1079 {strides = array<i32>} : memref<400x80xf32, #tpu.memory_space<vmem>>, vector<1x16xf32>,
        %mul3A_1080 = arith.constant 16 : i32
        %mul3A_1081 = arith.muli %scan3A_52, %mul3A_1080 : i32
        %add3A_1082 = arith.constant 13 : i32
        %add3A_1083 = arith.addi %mul3A_1081, %add3A_1082 : i32
        %get3A_1084 = arith.index_cast %add3A_1083 : i32 to index
        %get3A_1085 = arith.constant 64 : index
        %get3A_1086 = tpu.vector_load %arg7[%get3A_1084, %get3A_1085] {strides = array<i32>} : memref<400x80xf32, #tpu.memory_space<vmem>>, vector<1x16xf32>,
        %get3A_1087 = vector.shape_cast %get3A_1086 : vector<1x16xf32> to vector<16xf32>
        %get3A_1088 = arith.index_cast %add3A_1083 : i32 to index
        %get3A_1089 = arith.constant 0 : index
        %get3A_1090 = tpu.vector_load %arg8[%get3A_1088, %get3A_1089] {strides = array<i32>} : memref<400x16xf32, #tpu.memory_space<vmem>>, vector<1x16xf32>,
        %get3A_1091 = vector.shape_cast %get3A_1090 : vector<1x16xf32> to vector<16xf32>
        %add3A_1092 = arith.addf %get3A_1087, %get3A_1091 : vector<16xf32>
        %mul3A_1093 = arith.constant 2.000000e-01 : f32
        %mul3A_1094 = vector.broadcast %mul3A_1093 : f32 to vector<16xf32>
        %mul3A_1095 = arith.mulf %mul3A_1094, %add3A_1092 : vector<16xf32>
        %max3A_1096 = arith.maximumf %add3A_1092, %mul3A_1095 : vector<16xf32>
        %exp3A_1097 = math.exp %max3A_1096 : vector<16xf32>
        %slice3A_1098 = vector.extract_strided_slice %get3A_57 {offsets = [13], sizes = [1], strides = [1]} : vector<16xf32> to vector<1xf32>
        %squeeze3A_1099 = vector.extract %slice3A_1098[0] : f32 from vector<1xf32>
        %mul3A_1100 = vector.broadcast %squeeze3A_1099 : f32 to vector<16xf32>
        %mul3A_1101 = arith.mulf %exp3A_1097, %mul3A_1100 : vector<16xf32>
        %swap3A_1102 = arith.index_cast %add3A_1083 : i32 to index
        %swap3A_1103 = arith.constant 64 : index
        %swap3A_1104 = tpu.vector_load %arg9[%swap3A_1102, %swap3A_1103] {strides = array<i32>} : memref<400x80xf32, #tpu.memory_space<vmem>>, vector<1x16xf32>,
        %swap3A_1105 = vector.shape_cast %swap3A_1104 : vector<1x16xf32> to vector<16xf32>
        %swap3A_1106 = vector.shape_cast %mul3A_1101 : vector<16xf32> to vector<1x16xf32>
        tpu.vector_store %arg9[%swap3A_1102, %swap3A_1103], %swap3A_1106 {strides = array<i32>} : memref<400x80xf32, #tpu.memory_space<vmem>>, vector<1x16xf32>,
        %get3A_1107 = arith.index_cast %add3A_1083 : i32 to index
        %get3A_1108 = arith.constant 0 : index
        %get3A_1109 = tpu.vector_load %arg7[%get3A_1107, %get3A_1108] {strides = array<i32>} : memref<400x80xf32, #tpu.memory_space<vmem>>, vector<1x16xf32>,
        %get3A_1110 = vector.shape_cast %get3A_1109 : vector<1x16xf32> to vector<16xf32>
        %slice3A_1111 = vector.extract_strided_slice %mul3A_1101 {offsets = [12], sizes = [1], strides = [1]} : vector<16xf32> to vector<1xf32>
        %squeeze3A_1112 = vector.extract %slice3A_1111[0] : f32 from vector<1xf32>
        %mul3A_1113 = vector.broadcast %squeeze3A_1112 : f32 to vector<16xf32>
        %mul3A_1114 = arith.mulf %get3A_1110, %mul3A_1113 : vector<16xf32>
        %swap3A_1115 = arith.index_cast %add3A_1083 : i32 to index
        %swap3A_1116 = arith.constant 0 : index
        %swap3A_1117 = tpu.vector_load %arg9[%swap3A_1115, %swap3A_1116] {strides = array<i32>} : memref<400x80xf32, #tpu.memory_space<vmem>>, vector<1x16xf32>,
        %swap3A_1118 = vector.shape_cast %swap3A_1117 : vector<1x16xf32> to vector<16xf32>
        %swap3A_1119 = vector.shape_cast %mul3A_1114 : vector<16xf32> to vector<1x16xf32>
        tpu.vector_store %arg9[%swap3A_1115, %swap3A_1116], %swap3A_1119 {strides = array<i32>} : memref<400x80xf32, #tpu.memory_space<vmem>>, vector<1x16xf32>,
        %get3A_1120 = arith.index_cast %add3A_1083 : i32 to index
        %get3A_1121 = arith.constant 16 : index
        %get3A_1122 = tpu.vector_load %arg7[%get3A_1120, %get3A_1121] {strides = array<i32>} : memref<400x80xf32, #tpu.memory_space<vmem>>, vector<1x16xf32>,
        %get3A_1123 = vector.shape_cast %get3A_1122 : vector<1x16xf32> to vector<16xf32>
        %slice3A_1124 = vector.extract_strided_slice %mul3A_1101 {offsets = [13], sizes = [1], strides = [1]} : vector<16xf32> to vector<1xf32>
        %squeeze3A_1125 = vector.extract %slice3A_1124[0] : f32 from vector<1xf32>
        %mul3A_1126 = vector.broadcast %squeeze3A_1125 : f32 to vector<16xf32>
        %mul3A_1127 = arith.mulf %get3A_1123, %mul3A_1126 : vector<16xf32>
        %swap3A_1128 = arith.index_cast %add3A_1083 : i32 to index
        %swap3A_1129 = arith.constant 16 : index
        %swap3A_1130 = tpu.vector_load %arg9[%swap3A_1128, %swap3A_1129] {strides = array<i32>} : memref<400x80xf32, #tpu.memory_space<vmem>>, vector<1x16xf32>,
        %swap3A_1131 = vector.shape_cast %swap3A_1130 : vector<1x16xf32> to vector<16xf32>
        %swap3A_1132 = vector.shape_cast %mul3A_1127 : vector<16xf32> to vector<1x16xf32>
        tpu.vector_store %arg9[%swap3A_1128, %swap3A_1129], %swap3A_1132 {strides = array<i32>} : memref<400x80xf32, #tpu.memory_space<vmem>>, vector<1x16xf32>,
        %get3A_1133 = arith.index_cast %add3A_1083 : i32 to index
        %get3A_1134 = arith.constant 32 : index
        %get3A_1135 = tpu.vector_load %arg7[%get3A_1133, %get3A_1134] {strides = array<i32>} : memref<400x80xf32, #tpu.memory_space<vmem>>, vector<1x16xf32>,
        %get3A_1136 = vector.shape_cast %get3A_1135 : vector<1x16xf32> to vector<16xf32>
        %slice3A_1137 = vector.extract_strided_slice %mul3A_1101 {offsets = [14], sizes = [1], strides = [1]} : vector<16xf32> to vector<1xf32>
        %squeeze3A_1138 = vector.extract %slice3A_1137[0] : f32 from vector<1xf32>
        %mul3A_1139 = vector.broadcast %squeeze3A_1138 : f32 to vector<16xf32>
        %mul3A_1140 = arith.mulf %get3A_1136, %mul3A_1139 : vector<16xf32>
        %swap3A_1141 = arith.index_cast %add3A_1083 : i32 to index
        %swap3A_1142 = arith.constant 32 : index
        %swap3A_1143 = tpu.vector_load %arg9[%swap3A_1141, %swap3A_1142] {strides = array<i32>} : memref<400x80xf32, #tpu.memory_space<vmem>>, vector<1x16xf32>,
        %swap3A_1144 = vector.shape_cast %swap3A_1143 : vector<1x16xf32> to vector<16xf32>
        %swap3A_1145 = vector.shape_cast %mul3A_1140 : vector<16xf32> to vector<1x16xf32>
        tpu.vector_store %arg9[%swap3A_1141, %swap3A_1142], %swap3A_1145 {strides = array<i32>} : memref<400x80xf32, #tpu.memory_space<vmem>>, vector<1x16xf32>,
        %get3A_1146 = arith.index_cast %add3A_1083 : i32 to index
        %get3A_1147 = arith.constant 48 : index
        %get3A_1148 = tpu.vector_load %arg7[%get3A_1146, %get3A_1147] {strides = array<i32>} : memref<400x80xf32, #tpu.memory_space<vmem>>, vector<1x16xf32>,
        %get3A_1149 = vector.shape_cast %get3A_1148 : vector<1x16xf32> to vector<16xf32>
        %slice3A_1150 = vector.extract_strided_slice %mul3A_1101 {offsets = [15], sizes = [1], strides = [1]} : vector<16xf32> to vector<1xf32>
        %squeeze3A_1151 = vector.extract %slice3A_1150[0] : f32 from vector<1xf32>
        %mul3A_1152 = vector.broadcast %squeeze3A_1151 : f32 to vector<16xf32>
        %mul3A_1153 = arith.mulf %get3A_1149, %mul3A_1152 : vector<16xf32>
        %swap3A_1154 = arith.index_cast %add3A_1083 : i32 to index
        %swap3A_1155 = arith.constant 48 : index
        %swap3A_1156 = tpu.vector_load %arg9[%swap3A_1154, %swap3A_1155] {strides = array<i32>} : memref<400x80xf32, #tpu.memory_space<vmem>>, vector<1x16xf32>,
        %swap3A_1157 = vector.shape_cast %swap3A_1156 : vector<1x16xf32> to vector<16xf32>
        %swap3A_1158 = vector.shape_cast %mul3A_1153 : vector<16xf32> to vector<1x16xf32>
        tpu.vector_store %arg9[%swap3A_1154, %swap3A_1155], %swap3A_1158 {strides = array<i32>} : memref<400x80xf32, #tpu.memory_space<vmem>>, vector<1x16xf32>,
        %mul3A_1159 = arith.constant 16 : i32
        %mul3A_1160 = arith.muli %scan3A_52, %mul3A_1159 : i32
        %add3A_1161 = arith.constant 14 : i32
        %add3A_1162 = arith.addi %mul3A_1160, %add3A_1161 : i32
        %get3A_1163 = arith.index_cast %add3A_1162 : i32 to index
        %get3A_1164 = arith.constant 64 : index
        %get3A_1165 = tpu.vector_load %arg7[%get3A_1163, %get3A_1164] {strides = array<i32>} : memref<400x80xf32, #tpu.memory_space<vmem>>, vector<1x16xf32>,
        %get3A_1166 = vector.shape_cast %get3A_1165 : vector<1x16xf32> to vector<16xf32>
        %get3A_1167 = arith.index_cast %add3A_1162 : i32 to index
        %get3A_1168 = arith.constant 0 : index
        %get3A_1169 = tpu.vector_load %arg8[%get3A_1167, %get3A_1168] {strides = array<i32>} : memref<400x16xf32, #tpu.memory_space<vmem>>, vector<1x16xf32>,
        %get3A_1170 = vector.shape_cast %get3A_1169 : vector<1x16xf32> to vector<16xf32>
        %add3A_1171 = arith.addf %get3A_1166, %get3A_1170 : vector<16xf32>
        %mul3A_1172 = arith.constant 2.000000e-01 : f32
        %mul3A_1173 = vector.broadcast %mul3A_1172 : f32 to vector<16xf32>
        %mul3A_1174 = arith.mulf %mul3A_1173, %add3A_1171 : vector<16xf32>
        %max3A_1175 = arith.maximumf %add3A_1171, %mul3A_1174 : vector<16xf32>
        %exp3A_1176 = math.exp %max3A_1175 : vector<16xf32>
        %slice3A_1177 = vector.extract_strided_slice %get3A_57 {offsets = [14], sizes = [1], strides = [1]} : vector<16xf32> to vector<1xf32>
        %squeeze3A_1178 = vector.extract %slice3A_1177[0] : f32 from vector<1xf32>
        %mul3A_1179 = vector.broadcast %squeeze3A_1178 : f32 to vector<16xf32>
        %mul3A_1180 = arith.mulf %exp3A_1176, %mul3A_1179 : vector<16xf32>
        %swap3A_1181 = arith.index_cast %add3A_1162 : i32 to index
        %swap3A_1182 = arith.constant 64 : index
        %swap3A_1183 = tpu.vector_load %arg9[%swap3A_1181, %swap3A_1182] {strides = array<i32>} : memref<400x80xf32, #tpu.memory_space<vmem>>, vector<1x16xf32>,
        %swap3A_1184 = vector.shape_cast %swap3A_1183 : vector<1x16xf32> to vector<16xf32>
        %swap3A_1185 = vector.shape_cast %mul3A_1180 : vector<16xf32> to vector<1x16xf32>
        tpu.vector_store %arg9[%swap3A_1181, %swap3A_1182], %swap3A_1185 {strides = array<i32>} : memref<400x80xf32, #tpu.memory_space<vmem>>, vector<1x16xf32>,
        %get3A_1186 = arith.index_cast %add3A_1162 : i32 to index
        %get3A_1187 = arith.constant 0 : index
        %get3A_1188 = tpu.vector_load %arg7[%get3A_1186, %get3A_1187] {strides = array<i32>} : memref<400x80xf32, #tpu.memory_space<vmem>>, vector<1x16xf32>,
        %get3A_1189 = vector.shape_cast %get3A_1188 : vector<1x16xf32> to vector<16xf32>
        %slice3A_1190 = vector.extract_strided_slice %mul3A_1180 {offsets = [12], sizes = [1], strides = [1]} : vector<16xf32> to vector<1xf32>
        %squeeze3A_1191 = vector.extract %slice3A_1190[0] : f32 from vector<1xf32>
        %mul3A_1192 = vector.broadcast %squeeze3A_1191 : f32 to vector<16xf32>
        %mul3A_1193 = arith.mulf %get3A_1189, %mul3A_1192 : vector<16xf32>
        %swap3A_1194 = arith.index_cast %add3A_1162 : i32 to index
        %swap3A_1195 = arith.constant 0 : index
        %swap3A_1196 = tpu.vector_load %arg9[%swap3A_1194, %swap3A_1195] {strides = array<i32>} : memref<400x80xf32, #tpu.memory_space<vmem>>, vector<1x16xf32>,
        %swap3A_1197 = vector.shape_cast %swap3A_1196 : vector<1x16xf32> to vector<16xf32>
        %swap3A_1198 = vector.shape_cast %mul3A_1193 : vector<16xf32> to vector<1x16xf32>
        tpu.vector_store %arg9[%swap3A_1194, %swap3A_1195], %swap3A_1198 {strides = array<i32>} : memref<400x80xf32, #tpu.memory_space<vmem>>, vector<1x16xf32>,
        %get3A_1199 = arith.index_cast %add3A_1162 : i32 to index
        %get3A_1200 = arith.constant 16 : index
        %get3A_1201 = tpu.vector_load %arg7[%get3A_1199, %get3A_1200] {strides = array<i32>} : memref<400x80xf32, #tpu.memory_space<vmem>>, vector<1x16xf32>,
        %get3A_1202 = vector.shape_cast %get3A_1201 : vector<1x16xf32> to vector<16xf32>
        %slice3A_1203 = vector.extract_strided_slice %mul3A_1180 {offsets = [13], sizes = [1], strides = [1]} : vector<16xf32> to vector<1xf32>
        %squeeze3A_1204 = vector.extract %slice3A_1203[0] : f32 from vector<1xf32>
        %mul3A_1205 = vector.broadcast %squeeze3A_1204 : f32 to vector<16xf32>
        %mul3A_1206 = arith.mulf %get3A_1202, %mul3A_1205 : vector<16xf32>
        %swap3A_1207 = arith.index_cast %add3A_1162 : i32 to index
        %swap3A_1208 = arith.constant 16 : index
        %swap3A_1209 = tpu.vector_load %arg9[%swap3A_1207, %swap3A_1208] {strides = array<i32>} : memref<400x80xf32, #tpu.memory_space<vmem>>, vector<1x16xf32>,
        %swap3A_1210 = vector.shape_cast %swap3A_1209 : vector<1x16xf32> to vector<16xf32>
        %swap3A_1211 = vector.shape_cast %mul3A_1206 : vector<16xf32> to vector<1x16xf32>
        tpu.vector_store %arg9[%swap3A_1207, %swap3A_1208], %swap3A_1211 {strides = array<i32>} : memref<400x80xf32, #tpu.memory_space<vmem>>, vector<1x16xf32>,
        %get3A_1212 = arith.index_cast %add3A_1162 : i32 to index
        %get3A_1213 = arith.constant 32 : index
        %get3A_1214 = tpu.vector_load %arg7[%get3A_1212, %get3A_1213] {strides = array<i32>} : memref<400x80xf32, #tpu.memory_space<vmem>>, vector<1x16xf32>,
        %get3A_1215 = vector.shape_cast %get3A_1214 : vector<1x16xf32> to vector<16xf32>
        %slice3A_1216 = vector.extract_strided_slice %mul3A_1180 {offsets = [14], sizes = [1], strides = [1]} : vector<16xf32> to vector<1xf32>
        %squeeze3A_1217 = vector.extract %slice3A_1216[0] : f32 from vector<1xf32>
        %mul3A_1218 = vector.broadcast %squeeze3A_1217 : f32 to vector<16xf32>
        %mul3A_1219 = arith.mulf %get3A_1215, %mul3A_1218 : vector<16xf32>
        %swap3A_1220 = arith.index_cast %add3A_1162 : i32 to index
        %swap3A_1221 = arith.constant 32 : index
        %swap3A_1222 = tpu.vector_load %arg9[%swap3A_1220, %swap3A_1221] {strides = array<i32>} : memref<400x80xf32, #tpu.memory_space<vmem>>, vector<1x16xf32>,
        %swap3A_1223 = vector.shape_cast %swap3A_1222 : vector<1x16xf32> to vector<16xf32>
        %swap3A_1224 = vector.shape_cast %mul3A_1219 : vector<16xf32> to vector<1x16xf32>
        tpu.vector_store %arg9[%swap3A_1220, %swap3A_1221], %swap3A_1224 {strides = array<i32>} : memref<400x80xf32, #tpu.memory_space<vmem>>, vector<1x16xf32>,
        %get3A_1225 = arith.index_cast %add3A_1162 : i32 to index
        %get3A_1226 = arith.constant 48 : index
        %get3A_1227 = tpu.vector_load %arg7[%get3A_1225, %get3A_1226] {strides = array<i32>} : memref<400x80xf32, #tpu.memory_space<vmem>>, vector<1x16xf32>,
        %get3A_1228 = vector.shape_cast %get3A_1227 : vector<1x16xf32> to vector<16xf32>
        %slice3A_1229 = vector.extract_strided_slice %mul3A_1180 {offsets = [15], sizes = [1], strides = [1]} : vector<16xf32> to vector<1xf32>
        %squeeze3A_1230 = vector.extract %slice3A_1229[0] : f32 from vector<1xf32>
        %mul3A_1231 = vector.broadcast %squeeze3A_1230 : f32 to vector<16xf32>
        %mul3A_1232 = arith.mulf %get3A_1228, %mul3A_1231 : vector<16xf32>
        %swap3A_1233 = arith.index_cast %add3A_1162 : i32 to index
        %swap3A_1234 = arith.constant 48 : index
        %swap3A_1235 = tpu.vector_load %arg9[%swap3A_1233, %swap3A_1234] {strides = array<i32>} : memref<400x80xf32, #tpu.memory_space<vmem>>, vector<1x16xf32>,
        %swap3A_1236 = vector.shape_cast %swap3A_1235 : vector<1x16xf32> to vector<16xf32>
        %swap3A_1237 = vector.shape_cast %mul3A_1232 : vector<16xf32> to vector<1x16xf32>
        tpu.vector_store %arg9[%swap3A_1233, %swap3A_1234], %swap3A_1237 {strides = array<i32>} : memref<400x80xf32, #tpu.memory_space<vmem>>, vector<1x16xf32>,
        %mul3A_1238 = arith.constant 16 : i32
        %mul3A_1239 = arith.muli %scan3A_52, %mul3A_1238 : i32
        %add3A_1240 = arith.constant 15 : i32
        %add3A_1241 = arith.addi %mul3A_1239, %add3A_1240 : i32
        %get3A_1242 = arith.index_cast %add3A_1241 : i32 to index
        %get3A_1243 = arith.constant 64 : index
        %get3A_1244 = tpu.vector_load %arg7[%get3A_1242, %get3A_1243] {strides = array<i32>} : memref<400x80xf32, #tpu.memory_space<vmem>>, vector<1x16xf32>,
        %get3A_1245 = vector.shape_cast %get3A_1244 : vector<1x16xf32> to vector<16xf32>
        %get3A_1246 = arith.index_cast %add3A_1241 : i32 to index
        %get3A_1247 = arith.constant 0 : index
        %get3A_1248 = tpu.vector_load %arg8[%get3A_1246, %get3A_1247] {strides = array<i32>} : memref<400x16xf32, #tpu.memory_space<vmem>>, vector<1x16xf32>,
        %get3A_1249 = vector.shape_cast %get3A_1248 : vector<1x16xf32> to vector<16xf32>
        %add3A_1250 = arith.addf %get3A_1245, %get3A_1249 : vector<16xf32>
        %mul3A_1251 = arith.constant 2.000000e-01 : f32
        %mul3A_1252 = vector.broadcast %mul3A_1251 : f32 to vector<16xf32>
        %mul3A_1253 = arith.mulf %mul3A_1252, %add3A_1250 : vector<16xf32>
        %max3A_1254 = arith.maximumf %add3A_1250, %mul3A_1253 : vector<16xf32>
        %exp3A_1255 = math.exp %max3A_1254 : vector<16xf32>
        %slice3A_1256 = vector.extract_strided_slice %get3A_57 {offsets = [15], sizes = [1], strides = [1]} : vector<16xf32> to vector<1xf32>
        %squeeze3A_1257 = vector.extract %slice3A_1256[0] : f32 from vector<1xf32>
        %mul3A_1258 = vector.broadcast %squeeze3A_1257 : f32 to vector<16xf32>
        %mul3A_1259 = arith.mulf %exp3A_1255, %mul3A_1258 : vector<16xf32>
        %swap3A_1260 = arith.index_cast %add3A_1241 : i32 to index
        %swap3A_1261 = arith.constant 64 : index
        %swap3A_1262 = tpu.vector_load %arg9[%swap3A_1260, %swap3A_1261] {strides = array<i32>} : memref<400x80xf32, #tpu.memory_space<vmem>>, vector<1x16xf32>,
        %swap3A_1263 = vector.shape_cast %swap3A_1262 : vector<1x16xf32> to vector<16xf32>
        %swap3A_1264 = vector.shape_cast %mul3A_1259 : vector<16xf32> to vector<1x16xf32>
        tpu.vector_store %arg9[%swap3A_1260, %swap3A_1261], %swap3A_1264 {strides = array<i32>} : memref<400x80xf32, #tpu.memory_space<vmem>>, vector<1x16xf32>,
        %get3A_1265 = arith.index_cast %add3A_1241 : i32 to index
        %get3A_1266 = arith.constant 0 : index
        %get3A_1267 = tpu.vector_load %arg7[%get3A_1265, %get3A_1266] {strides = array<i32>} : memref<400x80xf32, #tpu.memory_space<vmem>>, vector<1x16xf32>,
        %get3A_1268 = vector.shape_cast %get3A_1267 : vector<1x16xf32> to vector<16xf32>
        %slice3A_1269 = vector.extract_strided_slice %mul3A_1259 {offsets = [12], sizes = [1], strides = [1]} : vector<16xf32> to vector<1xf32>
        %squeeze3A_1270 = vector.extract %slice3A_1269[0] : f32 from vector<1xf32>
        %mul3A_1271 = vector.broadcast %squeeze3A_1270 : f32 to vector<16xf32>
        %mul3A_1272 = arith.mulf %get3A_1268, %mul3A_1271 : vector<16xf32>
        %swap3A_1273 = arith.index_cast %add3A_1241 : i32 to index
        %swap3A_1274 = arith.constant 0 : index
        %swap3A_1275 = tpu.vector_load %arg9[%swap3A_1273, %swap3A_1274] {strides = array<i32>} : memref<400x80xf32, #tpu.memory_space<vmem>>, vector<1x16xf32>,
        %swap3A_1276 = vector.shape_cast %swap3A_1275 : vector<1x16xf32> to vector<16xf32>
        %swap3A_1277 = vector.shape_cast %mul3A_1272 : vector<16xf32> to vector<1x16xf32>
        tpu.vector_store %arg9[%swap3A_1273, %swap3A_1274], %swap3A_1277 {strides = array<i32>} : memref<400x80xf32, #tpu.memory_space<vmem>>, vector<1x16xf32>,
        %get3A_1278 = arith.index_cast %add3A_1241 : i32 to index
        %get3A_1279 = arith.constant 16 : index
        %get3A_1280 = tpu.vector_load %arg7[%get3A_1278, %get3A_1279] {strides = array<i32>} : memref<400x80xf32, #tpu.memory_space<vmem>>, vector<1x16xf32>,
        %get3A_1281 = vector.shape_cast %get3A_1280 : vector<1x16xf32> to vector<16xf32>
        %slice3A_1282 = vector.extract_strided_slice %mul3A_1259 {offsets = [13], sizes = [1], strides = [1]} : vector<16xf32> to vector<1xf32>
        %squeeze3A_1283 = vector.extract %slice3A_1282[0] : f32 from vector<1xf32>
        %mul3A_1284 = vector.broadcast %squeeze3A_1283 : f32 to vector<16xf32>
        %mul3A_1285 = arith.mulf %get3A_1281, %mul3A_1284 : vector<16xf32>
        %swap3A_1286 = arith.index_cast %add3A_1241 : i32 to index
        %swap3A_1287 = arith.constant 16 : index
        %swap3A_1288 = tpu.vector_load %arg9[%swap3A_1286, %swap3A_1287] {strides = array<i32>} : memref<400x80xf32, #tpu.memory_space<vmem>>, vector<1x16xf32>,
        %swap3A_1289 = vector.shape_cast %swap3A_1288 : vector<1x16xf32> to vector<16xf32>
        %swap3A_1290 = vector.shape_cast %mul3A_1285 : vector<16xf32> to vector<1x16xf32>
        tpu.vector_store %arg9[%swap3A_1286, %swap3A_1287], %swap3A_1290 {strides = array<i32>} : memref<400x80xf32, #tpu.memory_space<vmem>>, vector<1x16xf32>,
        %get3A_1291 = arith.index_cast %add3A_1241 : i32 to index
        %get3A_1292 = arith.constant 32 : index
        %get3A_1293 = tpu.vector_load %arg7[%get3A_1291, %get3A_1292] {strides = array<i32>} : memref<400x80xf32, #tpu.memory_space<vmem>>, vector<1x16xf32>,
        %get3A_1294 = vector.shape_cast %get3A_1293 : vector<1x16xf32> to vector<16xf32>
        %slice3A_1295 = vector.extract_strided_slice %mul3A_1259 {offsets = [14], sizes = [1], strides = [1]} : vector<16xf32> to vector<1xf32>
        %squeeze3A_1296 = vector.extract %slice3A_1295[0] : f32 from vector<1xf32>
        %mul3A_1297 = vector.broadcast %squeeze3A_1296 : f32 to vector<16xf32>
        %mul3A_1298 = arith.mulf %get3A_1294, %mul3A_1297 : vector<16xf32>
        %swap3A_1299 = arith.index_cast %add3A_1241 : i32 to index
        %swap3A_1300 = arith.constant 32 : index
        %swap3A_1301 = tpu.vector_load %arg9[%swap3A_1299, %swap3A_1300] {strides = array<i32>} : memref<400x80xf32, #tpu.memory_space<vmem>>, vector<1x16xf32>,
        %swap3A_1302 = vector.shape_cast %swap3A_1301 : vector<1x16xf32> to vector<16xf32>
        %swap3A_1303 = vector.shape_cast %mul3A_1298 : vector<16xf32> to vector<1x16xf32>
        tpu.vector_store %arg9[%swap3A_1299, %swap3A_1300], %swap3A_1303 {strides = array<i32>} : memref<400x80xf32, #tpu.memory_space<vmem>>, vector<1x16xf32>,
        %get3A_1304 = arith.index_cast %add3A_1241 : i32 to index
        %get3A_1305 = arith.constant 48 : index
        %get3A_1306 = tpu.vector_load %arg7[%get3A_1304, %get3A_1305] {strides = array<i32>} : memref<400x80xf32, #tpu.memory_space<vmem>>, vector<1x16xf32>,
        %get3A_1307 = vector.shape_cast %get3A_1306 : vector<1x16xf32> to vector<16xf32>
        %slice3A_1308 = vector.extract_strided_slice %mul3A_1259 {offsets = [15], sizes = [1], strides = [1]} : vector<16xf32> to vector<1xf32>
        %squeeze3A_1309 = vector.extract %slice3A_1308[0] : f32 from vector<1xf32>
        %mul3A_1310 = vector.broadcast %squeeze3A_1309 : f32 to vector<16xf32>
        %mul3A_1311 = arith.mulf %get3A_1307, %mul3A_1310 : vector<16xf32>
        %swap3A_1312 = arith.index_cast %add3A_1241 : i32 to index
        %swap3A_1313 = arith.constant 48 : index
        %swap3A_1314 = tpu.vector_load %arg9[%swap3A_1312, %swap3A_1313] {strides = array<i32>} : memref<400x80xf32, #tpu.memory_space<vmem>>, vector<1x16xf32>,
        %swap3A_1315 = vector.shape_cast %swap3A_1314 : vector<1x16xf32> to vector<16xf32>
        %swap3A_1316 = vector.shape_cast %mul3A_1311 : vector<16xf32> to vector<1x16xf32>
        tpu.vector_store %arg9[%swap3A_1312, %swap3A_1313], %swap3A_1316 {strides = array<i32>} : memref<400x80xf32, #tpu.memory_space<vmem>>, vector<1x16xf32>,
        %scan3A_1317 = arith.constant 0 : i32
        scf.yield %scan3A_1317 : i32
      }
      %scan3A_50 = arith.constant 25 : i32
      "tpu.region"() ({
        %run_scoped3A = tpu.sem_alloc : memref<!tpu.dma_semaphore, #tpu.memory_space<semaphore_mem>>
        %dma_start3A_52 = arith.constant 0 : i32
        %dma_start3A_53 = arith.constant 0 : i32
        %dma_start3A_54 = tpu.memref_slice %arg15[%dma_start3A_52, %dma_start3A_53] : memref<5056x80xf32, #tpu.memory_space<vmem_shared>> -> memref<5056x80xf32, #tpu.memory_space<vmem_shared>>
        %dma_start3A_55 = arith.constant -1 : i32
        tpu.enqueue_indirect_dma source(%arg9 : memref<400x80xf32, #tpu.memory_space<vmem>>) target(%dma_start3A_54 : memref<5056x80xf32, #tpu.memory_space<vmem_shared>>) offsets(%arg13 : memref<400xi32, #tpu.memory_space<vmem>>) offset_filter(%dma_start3A_55) semaphore(%run_scoped3A : memref<!tpu.dma_semaphore, #tpu.memory_space<semaphore_mem>>) {add = true}
        %dma_wait3A_56 = arith.constant 0 : i32
        %dma_wait3A_57 = arith.constant 0 : i32
        %dma_wait3A_58 = tpu.memref_slice %arg15[%dma_wait3A_56, %dma_wait3A_57] : memref<5056x80xf32, #tpu.memory_space<vmem_shared>> -> memref<5056x80xf32, #tpu.memory_space<vmem_shared>>
        tpu.wait_indirect_dma semaphore(%run_scoped3A : memref<!tpu.dma_semaphore, #tpu.memory_space<semaphore_mem>>) src(%arg9 : memref<400x80xf32, #tpu.memory_space<vmem>>) dst(%dma_wait3A_58 : memref<5056x80xf32, #tpu.memory_space<vmem_shared>>)
        tpu.yield
      }) : () -> ()
      %scan3A_51 = arith.constant 0 : i32
      scf.yield %scan3A_51 : i32
    }
    %scan3A_18 = arith.constant 50 : i32
    %barrier3A_19 = arith.constant 0 : index
    tpu.barrier barrier_id(%barrier3A_19)
    %mul3A_20 = arith.constant 316 : i32
    %mul3A_21 = arith.muli %arg1, %mul3A_20 : i32
    "tpu.region"() ({
      %run_scoped3A = tpu.sem_alloc : memref<!tpu.dma_semaphore, #tpu.memory_space<semaphore_mem>>
      %dma_start3A = arith.constant 0 : i32
      %dma_start3A_22 = arith.constant 0 : i32
      %dma_start3A_23 = tpu.memref_slice %arg9[%dma_start3A, %dma_start3A_22] : memref<400x80xf32, #tpu.memory_space<vmem>> -> memref<316x80xf32, #tpu.memory_space<vmem>>
      %dma_start3A_24 = arith.constant 0 : i32
      %dma_start3A_25 = tpu.memref_slice %arg15[%mul3A_21, %dma_start3A_24] : memref<5056x80xf32, #tpu.memory_space<vmem_shared>> -> memref<316x80xf32, #tpu.memory_space<vmem_shared>>
      %dma_start3A_26 = arith.constant 0 : i32
      %dma_start3A_27 = arith.constant 0 : i32
      %dma_start3A_28 = tpu.memref_slice %arg9[%dma_start3A_26, %dma_start3A_27] : memref<400x80xf32, #tpu.memory_space<vmem>> -> memref<316x80xf32, #tpu.memory_space<vmem>>
      %dma_start3A_29 = arith.constant 0 : i32
      %dma_start3A_30 = tpu.memref_slice %arg15[%mul3A_21, %dma_start3A_29] : memref<5056x80xf32, #tpu.memory_space<vmem_shared>> -> memref<316x80xf32, #tpu.memory_space<vmem_shared>>
      tpu.enqueue_dma source(%dma_start3A_30 : memref<316x80xf32, #tpu.memory_space<vmem_shared>>) target(%dma_start3A_28 : memref<316x80xf32, #tpu.memory_space<vmem>>) target_semaphore(%run_scoped3A : memref<!tpu.dma_semaphore, #tpu.memory_space<semaphore_mem>>)
      %dma_wait3A = arith.constant 0 : i32
      %dma_wait3A_31 = arith.constant 0 : i32
      %dma_wait3A_32 = tpu.memref_slice %arg9[%dma_wait3A, %dma_wait3A_31] : memref<400x80xf32, #tpu.memory_space<vmem>> -> memref<316x80xf32, #tpu.memory_space<vmem>>
      %dma_wait3A_33 = arith.constant 0 : i32
      %dma_wait3A_34 = tpu.memref_slice %arg15[%mul3A_21, %dma_wait3A_33] : memref<5056x80xf32, #tpu.memory_space<vmem_shared>> -> memref<316x80xf32, #tpu.memory_space<vmem_shared>>
      %dma_wait3A_35 = arith.constant 0 : i32
      %dma_wait3A_36 = arith.constant 0 : i32
      %dma_wait3A_37 = tpu.memref_slice %arg9[%dma_wait3A_35, %dma_wait3A_36] : memref<400x80xf32, #tpu.memory_space<vmem>> -> memref<316x80xf32, #tpu.memory_space<vmem>>
      %dma_wait3A_38 = arith.constant 0 : i32
      %dma_wait3A_39 = tpu.memref_slice %arg15[%mul3A_21, %dma_wait3A_38] : memref<5056x80xf32, #tpu.memory_space<vmem_shared>> -> memref<316x80xf32, #tpu.memory_space<vmem_shared>>
      tpu.wait_dma2 semaphore(%run_scoped3A : memref<!tpu.dma_semaphore, #tpu.memory_space<semaphore_mem>>) src(%dma_wait3A_39 : memref<316x80xf32, #tpu.memory_space<vmem_shared>>) dst(%dma_wait3A_37 : memref<316x80xf32, #tpu.memory_space<vmem>>)
      tpu.yield
    }) : () -> ()
    "tpu.region"() ({
      %run_scoped3A = tpu.sem_alloc : memref<!tpu.dma_semaphore, #tpu.memory_space<semaphore_mem>>
      %dma_start3A = arith.constant 0 : i32
      %dma_start3A_22 = arith.constant 0 : i32
      %dma_start3A_23 = tpu.memref_slice %arg9[%dma_start3A, %dma_start3A_22] : memref<400x80xf32, #tpu.memory_space<vmem>> -> memref<316x80xf32, #tpu.memory_space<vmem>>
      %dma_start3A_24 = arith.constant 0 : i32
      %dma_start3A_25 = tpu.memref_slice %arg6[%arg0, %mul3A_21, %dma_start3A_24] : memref<2x5056x80xf32, #tpu.memory_space<hbm>> -> memref<1x316x80xf32, #tpu.memory_space<hbm>>
      %dma_start3A_26 = tpu.memref_squeeze %dma_start3A_25 : memref<1x316x80xf32, #tpu.memory_space<hbm>> -> memref<316x80xf32, #tpu.memory_space<hbm>>
      %dma_start3A_27 = arith.constant 0 : i32
      %dma_start3A_28 = tpu.memref_slice %arg6[%arg0, %mul3A_21, %dma_start3A_27] : memref<2x5056x80xf32, #tpu.memory_space<hbm>> -> memref<1x316x80xf32, #tpu.memory_space<hbm>>
      %dma_start3A_29 = tpu.memref_squeeze %dma_start3A_28 : memref<1x316x80xf32, #tpu.memory_space<hbm>> -> memref<316x80xf32, #tpu.memory_space<hbm>>
      %dma_start3A_30 = arith.constant 0 : i32
      %dma_start3A_31 = arith.constant 0 : i32
      %dma_start3A_32 = tpu.memref_slice %arg9[%dma_start3A_30, %dma_start3A_31] : memref<400x80xf32, #tpu.memory_space<vmem>> -> memref<316x80xf32, #tpu.memory_space<vmem>>
      tpu.enqueue_dma source(%dma_start3A_32 : memref<316x80xf32, #tpu.memory_space<vmem>>) target(%dma_start3A_29 : memref<316x80xf32, #tpu.memory_space<hbm>>) target_semaphore(%run_scoped3A : memref<!tpu.dma_semaphore, #tpu.memory_space<semaphore_mem>>)
      %dma_wait3A = arith.constant 0 : i32
      %dma_wait3A_33 = arith.constant 0 : i32
      %dma_wait3A_34 = tpu.memref_slice %arg9[%dma_wait3A, %dma_wait3A_33] : memref<400x80xf32, #tpu.memory_space<vmem>> -> memref<316x80xf32, #tpu.memory_space<vmem>>
      %dma_wait3A_35 = arith.constant 0 : i32
      %dma_wait3A_36 = tpu.memref_slice %arg6[%arg0, %mul3A_21, %dma_wait3A_35] : memref<2x5056x80xf32, #tpu.memory_space<hbm>> -> memref<1x316x80xf32, #tpu.memory_space<hbm>>
      %dma_wait3A_37 = tpu.memref_squeeze %dma_wait3A_36 : memref<1x316x80xf32, #tpu.memory_space<hbm>> -> memref<316x80xf32, #tpu.memory_space<hbm>>
      %dma_wait3A_38 = arith.constant 0 : i32
      %dma_wait3A_39 = tpu.memref_slice %arg6[%arg0, %mul3A_21, %dma_wait3A_38] : memref<2x5056x80xf32, #tpu.memory_space<hbm>> -> memref<1x316x80xf32, #tpu.memory_space<hbm>>
      %dma_wait3A_40 = tpu.memref_squeeze %dma_wait3A_39 : memref<1x316x80xf32, #tpu.memory_space<hbm>> -> memref<316x80xf32, #tpu.memory_space<hbm>>
      %dma_wait3A_41 = arith.constant 0 : i32
      %dma_wait3A_42 = arith.constant 0 : i32
      %dma_wait3A_43 = tpu.memref_slice %arg9[%dma_wait3A_41, %dma_wait3A_42] : memref<400x80xf32, #tpu.memory_space<vmem>> -> memref<316x80xf32, #tpu.memory_space<vmem>>
      tpu.wait_dma2 semaphore(%run_scoped3A : memref<!tpu.dma_semaphore, #tpu.memory_space<semaphore_mem>>) src(%dma_wait3A_43 : memref<316x80xf32, #tpu.memory_space<vmem>>) dst(%dma_wait3A_40 : memref<316x80xf32, #tpu.memory_space<hbm>>)
      tpu.yield
    }) : () -> ()
    return
  }
}

module attributes {stable_mosaic.version = 14 : i64} {
  func.func @_tc_prep_kernel(%arg0: i32, %arg1: memref<632x128xf32, #tpu.memory_space<vmem>>, %arg2: memref<128x64xf32, #tpu.memory_space<vmem>>, %arg3: memref<64x80xf32, #tpu.memory_space<vmem>>, %arg4: memref<64x16xf32, #tpu.memory_space<vmem>>, %arg5: memref<632x80xf32, #tpu.memory_space<vmem>>, %arg6: memref<632x16xf32, #tpu.memory_space<vmem>>) attributes {dimension_semantics = [#tpu.dimension_semantics<arbitrary>], iteration_bounds = array<i64: 16>, scalar_prefetch = 0 : i64, scratch_operands = 0 : i64, tpu.core_type = #tpu.core_type<tc>, window_params = [{transform_indices = @transform_0, window_bounds = array<i64: 632, 128>}, {pipeline_mode = #tpu.pipeline_mode<synchronous>, transform_indices = @transform_1, window_bounds = array<i64: 128, 64>}, {pipeline_mode = #tpu.pipeline_mode<synchronous>, transform_indices = @transform_2, window_bounds = array<i64: 64, 80>}, {pipeline_mode = #tpu.pipeline_mode<synchronous>, transform_indices = @transform_3, window_bounds = array<i64: 64, 16>}, {transform_indices = @transform_4, window_bounds = array<i64: 632, 80>}, {transform_indices = @transform_5, window_bounds = array<i64: 632, 16>}]} {
    %get3A = arith.constant 0 : index
    %get3A_0 = arith.constant 0 : index
    %get3A_1 = vector.load %arg1[%get3A, %get3A_0] : memref<632x128xf32, #tpu.memory_space<vmem>>, vector<632x128xf32>
    %get3A_2 = arith.constant 0 : index
    %get3A_3 = arith.constant 0 : index
    %get3A_4 = vector.load %arg2[%get3A_2, %get3A_3] : memref<128x64xf32, #tpu.memory_space<vmem>>, vector<128x64xf32>
    %dot_general3A = arith.constant dense<0.000000e+00> : vector<632x64xf32>
    %dot_general3A_5 = tpu.matmul %get3A_1, %get3A_4, %dot_general3A {dimension_numbers = #tpu.dot_dimension_numbers<[1], [0], [0], [1], [0, 0, 1, 1], [], []>, transpose_lhs_hint = false} : vector<632x128xf32>, vector<128x64xf32>, vector<632x64xf32> -> vector<632x64xf32>
    %get3A_6 = arith.constant 0 : index
    %get3A_7 = arith.constant 0 : index
    %get3A_8 = vector.load %arg3[%get3A_6, %get3A_7] : memref<64x80xf32, #tpu.memory_space<vmem>>, vector<64x80xf32>
    %dot_general3A_9 = arith.constant dense<0.000000e+00> : vector<632x80xf32>
    %dot_general3A_10 = tpu.matmul %dot_general3A_5, %get3A_8, %dot_general3A_9 {dimension_numbers = #tpu.dot_dimension_numbers<[1], [0], [0], [1], [0, 0, 1, 1], [], []>, transpose_lhs_hint = false} : vector<632x64xf32>, vector<64x80xf32>, vector<632x80xf32> -> vector<632x80xf32>
    %swap3A = arith.constant 0 : index
    %swap3A_11 = arith.constant 0 : index
    %swap3A_12 = vector.load %arg5[%swap3A, %swap3A_11] : memref<632x80xf32, #tpu.memory_space<vmem>>, vector<632x80xf32>
    tpu.vector_store %arg5[%swap3A, %swap3A_11], %dot_general3A_10 {strides = array<i32>} : memref<632x80xf32, #tpu.memory_space<vmem>>, vector<632x80xf32>,
    %get3A_13 = arith.constant 0 : index
    %get3A_14 = arith.constant 0 : index
    %get3A_15 = vector.load %arg4[%get3A_13, %get3A_14] : memref<64x16xf32, #tpu.memory_space<vmem>>, vector<64x16xf32>
    %dot_general3A_16 = arith.constant dense<0.000000e+00> : vector<632x16xf32>
    %dot_general3A_17 = tpu.matmul %dot_general3A_5, %get3A_15, %dot_general3A_16 {dimension_numbers = #tpu.dot_dimension_numbers<[1], [0], [0], [1], [0, 0, 1, 1], [], []>, transpose_lhs_hint = false} : vector<632x64xf32>, vector<64x16xf32>, vector<632x16xf32> -> vector<632x16xf32>
    %swap3A_18 = arith.constant 0 : index
    %swap3A_19 = arith.constant 0 : index
    %swap3A_20 = vector.load %arg6[%swap3A_18, %swap3A_19] : memref<632x16xf32, #tpu.memory_space<vmem>>, vector<632x16xf32>
    tpu.vector_store %arg6[%swap3A_18, %swap3A_19], %dot_general3A_17 {strides = array<i32>} : memref<632x16xf32, #tpu.memory_space<vmem>>, vector<632x16xf32>,
    return
  }
  func.func @transform_0(%arg0: i32) -> (i32, i32) {
    %c0_i32 = arith.constant 0 : i32
    %c0_i32_0 = arith.constant 0 : i32
    return %arg0, %c0_i32 : i32, i32
  }
  func.func @transform_1(%arg0: i32) -> (i32, i32) {
    %c0_i32 = arith.constant 0 : i32
    %c0_i32_0 = arith.constant 0 : i32
    %c0_i32_1 = arith.constant 0 : i32
    return %c0_i32, %c0_i32_0 : i32, i32
  }
  func.func @transform_2(%arg0: i32) -> (i32, i32) {
    %c0_i32 = arith.constant 0 : i32
    %c0_i32_0 = arith.constant 0 : i32
    %c0_i32_1 = arith.constant 0 : i32
    return %c0_i32, %c0_i32_0 : i32, i32
  }
  func.func @transform_3(%arg0: i32) -> (i32, i32) {
    %c0_i32 = arith.constant 0 : i32
    %c0_i32_0 = arith.constant 0 : i32
    %c0_i32_1 = arith.constant 0 : i32
    return %c0_i32, %c0_i32_0 : i32, i32
  }
  func.func @transform_4(%arg0: i32) -> (i32, i32) {
    %c0_i32 = arith.constant 0 : i32
    %c0_i32_0 = arith.constant 0 : i32
    return %arg0, %c0_i32 : i32, i32
  }
  func.func @transform_5(%arg0: i32) -> (i32, i32) {
    %c0_i32 = arith.constant 0 : i32
    %c0_i32_0 = arith.constant 0 : i32
    return %arg0, %c0_i32 : i32, i32
  }
}

module attributes {stable_mosaic.version = 14 : i64} {
  func.func @_tc_mid_kernel(%arg0: i32, %arg1: memref<632x80xf32, #tpu.memory_space<vmem>>, %arg2: memref<4x64xf32, #tpu.memory_space<vmem>>, %arg3: memref<1x64xf32, #tpu.memory_space<vmem>>, %arg4: memref<64x64xf32, #tpu.memory_space<vmem>>, %arg5: memref<64x80xf32, #tpu.memory_space<vmem>>, %arg6: memref<64x16xf32, #tpu.memory_space<vmem>>, %arg7: memref<632x80xf32, #tpu.memory_space<vmem>>, %arg8: memref<632x16xf32, #tpu.memory_space<vmem>>) attributes {dimension_semantics = [#tpu.dimension_semantics<arbitrary>], iteration_bounds = array<i64: 16>, scalar_prefetch = 0 : i64, scratch_operands = 0 : i64, tpu.core_type = #tpu.core_type<tc>, window_params = [{transform_indices = @transform_0, window_bounds = array<i64: 632, 80>}, {pipeline_mode = #tpu.pipeline_mode<synchronous>, transform_indices = @transform_1, window_bounds = array<i64: 4, 64>}, {pipeline_mode = #tpu.pipeline_mode<synchronous>, transform_indices = @transform_2, window_bounds = array<i64: 1, 64>}, {pipeline_mode = #tpu.pipeline_mode<synchronous>, transform_indices = @transform_3, window_bounds = array<i64: 64, 64>}, {pipeline_mode = #tpu.pipeline_mode<synchronous>, transform_indices = @transform_4, window_bounds = array<i64: 64, 80>}, {pipeline_mode = #tpu.pipeline_mode<synchronous>, transform_indices = @transform_5, window_bounds = array<i64: 64, 16>}, {transform_indices = @transform_6, window_bounds = array<i64: 632, 80>}, {transform_indices = @transform_7, window_bounds = array<i64: 632, 16>}]} {
    %get3A = arith.constant 0 : index
    %get3A_0 = arith.constant 0 : index
    %get3A_1 = vector.load %arg1[%get3A, %get3A_0] : memref<632x80xf32, #tpu.memory_space<vmem>>, vector<632x80xf32>
    %slice3A = vector.extract_strided_slice %get3A_1 {offsets = [0, 0], sizes = [632, 64], strides = [1, 1]} : vector<632x80xf32> to vector<632x64xf32>
    %slice3A_2 = vector.extract_strided_slice %get3A_1 {offsets = [0, 76], sizes = [632, 4], strides = [1, 1]} : vector<632x80xf32> to vector<632x4xf32>
    %add3A = arith.constant 1.000000e-16 : f32
    %add3A_3 = vector.broadcast %add3A : f32 to vector<632x4xf32>
    %add3A_4 = arith.addf %slice3A_2, %add3A_3 : vector<632x4xf32>
    %div3A = arith.constant 1.000000e+00 : f32
    %div3A_5 = vector.broadcast %div3A : f32 to vector<632x4xf32>
    %div3A_6 = arith.divf %div3A_5, %add3A_4 : vector<632x4xf32>
    %get3A_7 = arith.constant 0 : index
    %get3A_8 = arith.constant 0 : index
    %get3A_9 = vector.load %arg2[%get3A_7, %get3A_8] : memref<4x64xf32, #tpu.memory_space<vmem>>, vector<4x64xf32>
    %dot_general3A = arith.constant dense<0.000000e+00> : vector<632x64xf32>
    %dot_general3A_10 = tpu.matmul %div3A_6, %get3A_9, %dot_general3A {dimension_numbers = #tpu.dot_dimension_numbers<[1], [0], [0], [1], [0, 0, 1, 1], [], []>, transpose_lhs_hint = false} : vector<632x4xf32>, vector<4x64xf32>, vector<632x64xf32> -> vector<632x64xf32>
    %mul3A = arith.mulf %slice3A, %dot_general3A_10 : vector<632x64xf32>
    %get3A_11 = arith.constant 0 : index
    %get3A_12 = arith.constant 0 : index
    %get3A_13 = vector.load %arg3[%get3A_11, %get3A_12] : memref<1x64xf32, #tpu.memory_space<vmem>>, vector<1x64xf32>
    %add3A_14 = vector.broadcast %get3A_13 : vector<1x64xf32> to vector<632x64xf32>
    %add3A_15 = arith.addf %mul3A, %add3A_14 : vector<632x64xf32>
    %max3A = arith.constant 0.000000e+00 : f32
    %max3A_16 = vector.broadcast %max3A : f32 to vector<632x64xf32>
    %max3A_17 = arith.maximumf %add3A_15, %max3A_16 : vector<632x64xf32>
    %get3A_18 = arith.constant 0 : index
    %get3A_19 = arith.constant 0 : index
    %get3A_20 = vector.load %arg4[%get3A_18, %get3A_19] : memref<64x64xf32, #tpu.memory_space<vmem>>, vector<64x64xf32>
    %dot_general3A_21 = arith.constant dense<0.000000e+00> : vector<632x64xf32>
    %dot_general3A_22 = tpu.matmul %max3A_17, %get3A_20, %dot_general3A_21 {dimension_numbers = #tpu.dot_dimension_numbers<[1], [0], [0], [1], [0, 0, 1, 1], [], []>, transpose_lhs_hint = false} : vector<632x64xf32>, vector<64x64xf32>, vector<632x64xf32> -> vector<632x64xf32>
    %get3A_23 = arith.constant 0 : index
    %get3A_24 = arith.constant 0 : index
    %get3A_25 = vector.load %arg5[%get3A_23, %get3A_24] : memref<64x80xf32, #tpu.memory_space<vmem>>, vector<64x80xf32>
    %dot_general3A_26 = arith.constant dense<0.000000e+00> : vector<632x80xf32>
    %dot_general3A_27 = tpu.matmul %dot_general3A_22, %get3A_25, %dot_general3A_26 {dimension_numbers = #tpu.dot_dimension_numbers<[1], [0], [0], [1], [0, 0, 1, 1], [], []>, transpose_lhs_hint = false} : vector<632x64xf32>, vector<64x80xf32>, vector<632x80xf32> -> vector<632x80xf32>
    %swap3A = arith.constant 0 : index
    %swap3A_28 = arith.constant 0 : index
    %swap3A_29 = vector.load %arg7[%swap3A, %swap3A_28] : memref<632x80xf32, #tpu.memory_space<vmem>>, vector<632x80xf32>
    tpu.vector_store %arg7[%swap3A, %swap3A_28], %dot_general3A_27 {strides = array<i32>} : memref<632x80xf32, #tpu.memory_space<vmem>>, vector<632x80xf32>,
    %get3A_30 = arith.constant 0 : index
    %get3A_31 = arith.constant 0 : index
    %get3A_32 = vector.load %arg6[%get3A_30, %get3A_31] : memref<64x16xf32, #tpu.memory_space<vmem>>, vector<64x16xf32>
    %dot_general3A_33 = arith.constant dense<0.000000e+00> : vector<632x16xf32>
    %dot_general3A_34 = tpu.matmul %dot_general3A_22, %get3A_32, %dot_general3A_33 {dimension_numbers = #tpu.dot_dimension_numbers<[1], [0], [0], [1], [0, 0, 1, 1], [], []>, transpose_lhs_hint = false} : vector<632x64xf32>, vector<64x16xf32>, vector<632x16xf32> -> vector<632x16xf32>
    %swap3A_35 = arith.constant 0 : index
    %swap3A_36 = arith.constant 0 : index
    %swap3A_37 = vector.load %arg8[%swap3A_35, %swap3A_36] : memref<632x16xf32, #tpu.memory_space<vmem>>, vector<632x16xf32>
    tpu.vector_store %arg8[%swap3A_35, %swap3A_36], %dot_general3A_34 {strides = array<i32>} : memref<632x16xf32, #tpu.memory_space<vmem>>, vector<632x16xf32>,
    return
  }
  func.func @transform_0(%arg0: i32) -> (i32, i32) {
    %c0_i32 = arith.constant 0 : i32
    %c0_i32_0 = arith.constant 0 : i32
    return %arg0, %c0_i32 : i32, i32
  }
  func.func @transform_1(%arg0: i32) -> (i32, i32) {
    %c0_i32 = arith.constant 0 : i32
    %c0_i32_0 = arith.constant 0 : i32
    %c0_i32_1 = arith.constant 0 : i32
    return %c0_i32, %c0_i32_0 : i32, i32
  }
  func.func @transform_2(%arg0: i32) -> (i32, i32) {
    %c0_i32 = arith.constant 0 : i32
    %c0_i32_0 = arith.constant 0 : i32
    %c0_i32_1 = arith.constant 0 : i32
    return %c0_i32, %c0_i32_0 : i32, i32
  }
  func.func @transform_3(%arg0: i32) -> (i32, i32) {
    %c0_i32 = arith.constant 0 : i32
    %c0_i32_0 = arith.constant 0 : i32
    %c0_i32_1 = arith.constant 0 : i32
    return %c0_i32, %c0_i32_0 : i32, i32
  }
  func.func @transform_4(%arg0: i32) -> (i32, i32) {
    %c0_i32 = arith.constant 0 : i32
    %c0_i32_0 = arith.constant 0 : i32
    %c0_i32_1 = arith.constant 0 : i32
    return %c0_i32, %c0_i32_0 : i32, i32
  }
  func.func @transform_5(%arg0: i32) -> (i32, i32) {
    %c0_i32 = arith.constant 0 : i32
    %c0_i32_0 = arith.constant 0 : i32
    %c0_i32_1 = arith.constant 0 : i32
    return %c0_i32, %c0_i32_0 : i32, i32
  }
  func.func @transform_6(%arg0: i32) -> (i32, i32) {
    %c0_i32 = arith.constant 0 : i32
    %c0_i32_0 = arith.constant 0 : i32
    return %arg0, %c0_i32 : i32, i32
  }
  func.func @transform_7(%arg0: i32) -> (i32, i32) {
    %c0_i32 = arith.constant 0 : i32
    %c0_i32_0 = arith.constant 0 : i32
    return %arg0, %c0_i32 : i32, i32
  }
}

module attributes {stable_mosaic.version = 14 : i64} {
  func.func @_tc_final_kernel(%arg0: i32, %arg1: memref<632x80xf32, #tpu.memory_space<vmem>>, %arg2: memref<4x64xf32, #tpu.memory_space<vmem>>, %arg3: memref<1x64xf32, #tpu.memory_space<vmem>>, %arg4: memref<64x128xf32, #tpu.memory_space<vmem>>, %arg5: memref<1x128xf32, #tpu.memory_space<vmem>>, %arg6: memref<632x128xf32, #tpu.memory_space<vmem>>) attributes {dimension_semantics = [#tpu.dimension_semantics<arbitrary>], iteration_bounds = array<i64: 16>, scalar_prefetch = 0 : i64, scratch_operands = 0 : i64, tpu.core_type = #tpu.core_type<tc>, window_params = [{transform_indices = @transform_0, window_bounds = array<i64: 632, 80>}, {pipeline_mode = #tpu.pipeline_mode<synchronous>, transform_indices = @transform_1, window_bounds = array<i64: 4, 64>}, {pipeline_mode = #tpu.pipeline_mode<synchronous>, transform_indices = @transform_2, window_bounds = array<i64: 1, 64>}, {pipeline_mode = #tpu.pipeline_mode<synchronous>, transform_indices = @transform_3, window_bounds = array<i64: 64, 128>}, {pipeline_mode = #tpu.pipeline_mode<synchronous>, transform_indices = @transform_4, window_bounds = array<i64: 1, 128>}, {transform_indices = @transform_5, window_bounds = array<i64: 632, 128>}]} {
    %get3A = arith.constant 0 : index
    %get3A_0 = arith.constant 0 : index
    %get3A_1 = vector.load %arg1[%get3A, %get3A_0] : memref<632x80xf32, #tpu.memory_space<vmem>>, vector<632x80xf32>
    %slice3A = vector.extract_strided_slice %get3A_1 {offsets = [0, 0], sizes = [632, 64], strides = [1, 1]} : vector<632x80xf32> to vector<632x64xf32>
    %slice3A_2 = vector.extract_strided_slice %get3A_1 {offsets = [0, 76], sizes = [632, 4], strides = [1, 1]} : vector<632x80xf32> to vector<632x4xf32>
    %add3A = arith.constant 1.000000e-16 : f32
    %add3A_3 = vector.broadcast %add3A : f32 to vector<632x4xf32>
    %add3A_4 = arith.addf %slice3A_2, %add3A_3 : vector<632x4xf32>
    %div3A = arith.constant 1.000000e+00 : f32
    %div3A_5 = vector.broadcast %div3A : f32 to vector<632x4xf32>
    %div3A_6 = arith.divf %div3A_5, %add3A_4 : vector<632x4xf32>
    %get3A_7 = arith.constant 0 : index
    %get3A_8 = arith.constant 0 : index
    %get3A_9 = vector.load %arg2[%get3A_7, %get3A_8] : memref<4x64xf32, #tpu.memory_space<vmem>>, vector<4x64xf32>
    %dot_general3A = arith.constant dense<0.000000e+00> : vector<632x64xf32>
    %dot_general3A_10 = tpu.matmul %div3A_6, %get3A_9, %dot_general3A {dimension_numbers = #tpu.dot_dimension_numbers<[1], [0], [0], [1], [0, 0, 1, 1], [], []>, transpose_lhs_hint = false} : vector<632x4xf32>, vector<4x64xf32>, vector<632x64xf32> -> vector<632x64xf32>
    %mul3A = arith.mulf %slice3A, %dot_general3A_10 : vector<632x64xf32>
    %get3A_11 = arith.constant 0 : index
    %get3A_12 = arith.constant 0 : index
    %get3A_13 = vector.load %arg3[%get3A_11, %get3A_12] : memref<1x64xf32, #tpu.memory_space<vmem>>, vector<1x64xf32>
    %add3A_14 = vector.broadcast %get3A_13 : vector<1x64xf32> to vector<632x64xf32>
    %add3A_15 = arith.addf %mul3A, %add3A_14 : vector<632x64xf32>
    %mul3A_16 = arith.constant 0.00999999977 : f32
    %mul3A_17 = vector.broadcast %mul3A_16 : f32 to vector<632x64xf32>
    %mul3A_18 = arith.mulf %mul3A_17, %add3A_15 : vector<632x64xf32>
    %max3A = arith.maximumf %add3A_15, %mul3A_18 : vector<632x64xf32>
    %get3A_19 = arith.constant 0 : index
    %get3A_20 = arith.constant 0 : index
    %get3A_21 = vector.load %arg4[%get3A_19, %get3A_20] : memref<64x128xf32, #tpu.memory_space<vmem>>, vector<64x128xf32>
    %dot_general3A_22 = arith.constant dense<0.000000e+00> : vector<632x128xf32>
    %dot_general3A_23 = tpu.matmul %max3A, %get3A_21, %dot_general3A_22 {dimension_numbers = #tpu.dot_dimension_numbers<[1], [0], [0], [1], [0, 0, 1, 1], [], []>, transpose_lhs_hint = false} : vector<632x64xf32>, vector<64x128xf32>, vector<632x128xf32> -> vector<632x128xf32>
    %get3A_24 = arith.constant 0 : index
    %get3A_25 = arith.constant 0 : index
    %get3A_26 = vector.load %arg5[%get3A_24, %get3A_25] : memref<1x128xf32, #tpu.memory_space<vmem>>, vector<1x128xf32>
    %add3A_27 = vector.broadcast %get3A_26 : vector<1x128xf32> to vector<632x128xf32>
    %add3A_28 = arith.addf %dot_general3A_23, %add3A_27 : vector<632x128xf32>
    %swap3A = arith.constant 0 : index
    %swap3A_29 = arith.constant 0 : index
    %swap3A_30 = vector.load %arg6[%swap3A, %swap3A_29] : memref<632x128xf32, #tpu.memory_space<vmem>>, vector<632x128xf32>
    tpu.vector_store %arg6[%swap3A, %swap3A_29], %add3A_28 {strides = array<i32>} : memref<632x128xf32, #tpu.memory_space<vmem>>, vector<632x128xf32>,
    return
  }
  func.func @transform_0(%arg0: i32) -> (i32, i32) {
    %c0_i32 = arith.constant 0 : i32
    %c0_i32_0 = arith.constant 0 : i32
    return %arg0, %c0_i32 : i32, i32
  }
  func.func @transform_1(%arg0: i32) -> (i32, i32) {
    %c0_i32 = arith.constant 0 : i32
    %c0_i32_0 = arith.constant 0 : i32
    %c0_i32_1 = arith.constant 0 : i32
    return %c0_i32, %c0_i32_0 : i32, i32
  }
  func.func @transform_2(%arg0: i32) -> (i32, i32) {
    %c0_i32 = arith.constant 0 : i32
    %c0_i32_0 = arith.constant 0 : i32
    %c0_i32_1 = arith.constant 0 : i32
    return %c0_i32, %c0_i32_0 : i32, i32
  }
  func.func @transform_3(%arg0: i32) -> (i32, i32) {
    %c0_i32 = arith.constant 0 : i32
    %c0_i32_0 = arith.constant 0 : i32
    %c0_i32_1 = arith.constant 0 : i32
    return %c0_i32, %c0_i32_0 : i32, i32
  }
  func.func @transform_4(%arg0: i32) -> (i32, i32) {
    %c0_i32 = arith.constant 0 : i32
    %c0_i32_0 = arith.constant 0 : i32
    %c0_i32_1 = arith.constant 0 : i32
    return %c0_i32, %c0_i32_0 : i32, i32
  }
  func.func @transform_5(%arg0: i32) -> (i32, i32) {
    %c0_i32 = arith.constant 0 : i32
    %c0_i32_0 = arith.constant 0 : i32
    return %arg0, %c0_i32 : i32, i32
  }
}

</mosaic_0001>

<sc_bundles>
// kernel: kernel.10.cloned.1.call-start
scs
__scs_entry_jumppad:
0x0: {  	(pc) =	sbr.rel $0x88, $3  }
0x1: {  	(tag) =	ssettag $0x0;
	lr =	simm.s32 $0x1  }
0x2: {  	[smem:$0x3F95] =	sst lr;
	_ =	strace $0xD0000000  }
0x3: {  	_ = 	snop  }
0x4: {  	_ = 	snop  }
0x5: {  	_ = 	snop  }
0x6: {  	_ = 	snop  }
0x7: {  	_ = 	snop  }
__scs_overlays_trampoline_lowered:
0x8: {  	[smem:$0x3FA4] =	sst s0  }
0x9: {  	[smem:$0x3FA5] =	sst s1  }
0xa: {  	[smem:$0x3FA6] =	sst s2  }
0xb: {  	[smem:$0x3FA7] =	sst s3  }
0xc: {  	[smem:$0x3FA8] =	sst s4  }
0xd: {  	[smem:$0x3FA9] =	sst s5  }
0xe: {  	[smem:$0x3FAA] =	sst s6  }
0xf: {  	[smem:$0x3FAB] =	sst s7  }
0x10: {  	[smem:$0x3FAC] =	sst s8  }
0x11: {  	[smem:$0x3FAD] =	sst s9;
	s0 =	simm.s32 @!p0 $0x0  }
0x12: {  	s1 =	sld [smem:$0x3F93];
	s0 =	simm.s32 @p0 $0x1  }
0x13: {  	[smem:$0x3FAE] =	sst s0;
	s0 =	simm.s32 @!p1 $0x0  }
0x14: {  	s2 =	sld [smem:$0x3F92];
	s0 =	simm.s32 @p1 $0x1  }
0x15: {  	[smem:$0x3FAF] =	sst s0;
	s0 =	simm.s32 @!p2 $0x0  }
0x16: {  	s3 =	sld [smem:$0x3FDB];
	s0 =	simm.s32 @p2 $0x1  }
0x17: {  	s4 =	simm.s32 $0x1BF5;
	[smem:$0x3FB1] =	sst s0  }
0x18: {  	s0 =	sld [smem:$0x3F94];
	_ =	swait.ge [sflag:s4], $0x0  }
0x19: {  	s7 =	sld [smem:$0x3F95]  }
0x1a: {  	s8 =	sadd.s32 $0xFFFFE003, lr  }
0x1b: {  	s9 =	sadd.s32 $0xFFFFFEF7, lr;
	s5 =	simm.s32 $0xFFFFFFFF;
	p2 =	slt.u32 s8, $0xFFFFF086  }
0x1c: {  	p1 =	slt.u32 s9, $0xF7A;
	s5 =	simm.s32 @!p2 $0x0  }
0x1d: {  	s5 =	simm.s32 @p1 $0x1;
	p0 =	seq.s32 s7, s2  }
0x1e: {  	s7 =	smul.u32 @!p0 $0xF7A, s2;
	p2 =	seq.s32 @!p0 s5, $0x0  }
0x1f: {  	s9 =	smul.u32 $0xF7A, s1;
	s8 =	simm.s32 @!p0 $0x1BF5;
	p2 =	por !p2, p0  }
0x20: {  	[sflag:s8] =	ssyncset.s32 @!p0 $0xFFFFF086;
	s6 =	sadd.s32 @!p0 s3, s7;
	s7 =	simm.s32 @!p0 $0x108  }
0x21: {  	s3 =	sadd.s32 s3, s9;
	s6 =	sadd.s32 @!p0 $0x88, s6;
	s7 =	simm.s32 @p2 $0x1082  }
0x22: {  	[simem:s7], [sflag:s8] =	dma.local @!p0 [hbm:s6], $0xF7A  }
0x23: {  	s9 =	sor.u32 $0xD0000000, s2;
	s6 =	simm.s32 $0x108;
	_ =	swait.ge @!p0 [sflag:s8], $0x0  }
0x24: {  	s3 =	sadd.s32 $0x88, s3;
	s6 =	simm.s32 @!p1 $0x1082;
	[sflag:s4] =	ssyncset.s32 $0xFFFFF086  }
0x25: {  	[simem:s6], [sflag:s4] =	dma.local [hbm:s3], $0xF7A  }
0x26: {  	[smem:$0x3F95] =	sst s1;
	(tag) =	ssettag s2;
	_ =	strace s9  }
0x27: {  	s1 =	sld [smem:$0x3FA5]  }
0x28: {  	s2 =	sld [smem:$0x3FA6]  }
0x29: {  	s4 =	sld [smem:$0x3FA8]  }
0x2a: {  	p0 =	seq.s32 s5, $0x0;
	s5 =	sld [smem:$0x3FA9]  }
0x2b: {  	s6 =	sld [smem:$0x3FAA]  }
0x2c: {  	s7 =	sld [smem:$0x3FAB]  }
0x2d: {  	s3 =	simm.s32 $0x108;
	s8 =	sld [smem:$0x3FAC]  }
0x2e: {  	s3 =	simm.s32 @!p0 $0x1082;
	s9 =	sld [smem:$0x3FAD]  }
0x2f: {  	lr =	sadd.s32 s0, s3;
	s0 =	sld [smem:$0x3FA4]  }
0x30: {  	s3 =	sld [smem:$0x3FA7]  }
0x31: {  	[smem:$0x3FB0] =	sst s10  }
0x32: {  	s10 =	sld [smem:$0x3FAE];
	_ =	sdelay $0x3  }
0x33: {  	p0 =	seq.s32 s10, $0x1;
	s10 =	sld [smem:$0x3FB0];
	_ =	sdelay $0x3  }
0x34: {  	[smem:$0x3FB0] =	sst s10  }
0x35: {  	s10 =	sld [smem:$0x3FAF];
	_ =	sdelay $0x3  }
0x36: {  	p1 =	seq.s32 s10, $0x1;
	s10 =	sld [smem:$0x3FB0];
	_ =	sdelay $0x3  }
0x37: {  	[smem:$0x3FB0] =	sst s10  }
0x38: {  	s10 =	sld [smem:$0x3FB1]  }
0x39: {  	_ = 	snop;
	(pc) =	sbr.ind lr, $3  }
0x3a: {  	_ = 	snop  }
0x3b: {  	_ = 	snop  }
0x3c: {  	p2 =	seq.s32 s10, $0x1;
	s10 =	sld [smem:$0x3FB0]  }
0x3d: {  	_ =	shalt  }
0x3e: {  	_ =	shalt  }
0x3f: {  	_ =	shalt  }
0x40: {  	_ =	shalt  }
0x41: {  	_ =	shalt  }
0x42: {  	_ =	shalt  }
0x43: {  	_ =	shalt  }
0x44: {  	_ =	shalt  }
0x45: {  	_ =	shalt  }
0x46: {  	_ =	shalt  }
0x47: {  	_ =	shalt  }
0x48: {  	_ =	shalt  }
0x49: {  	_ =	shalt  }
0x4a: {  	_ =	shalt  }
0x4b: {  	_ =	shalt  }
0x4c: {  	_ =	shalt  }
0x4d: {  	_ =	shalt  }
0x4e: {  	_ =	shalt  }
0x4f: {  	_ =	shalt  }
0x50: {  	_ =	shalt  }
0x51: {  	_ =	shalt  }
0x52: {  	_ =	shalt  }
0x53: {  	_ =	shalt  }
0x54: {  	_ =	shalt  }
0x55: {  	_ =	shalt  }
0x56: {  	_ =	shalt  }
0x57: {  	_ =	shalt  }
0x58: {  	_ =	shalt  }
0x59: {  	_ =	shalt  }
0x5a: {  	_ =	shalt  }
0x5b: {  	_ =	shalt  }
0x5c: {  	_ =	shalt  }
0x5d: {  	_ =	shalt  }
0x5e: {  	_ =	shalt  }
0x5f: {  	_ =	shalt  }
0x60: {  	_ =	shalt  }
0x61: {  	_ =	shalt  }
0x62: {  	_ =	shalt  }
0x63: {  	_ =	shalt  }
0x64: {  	_ =	shalt  }
0x65: {  	_ =	shalt  }
0x66: {  	_ =	shalt  }
0x67: {  	_ =	shalt  }
0x68: {  	_ =	shalt  }
0x69: {  	_ =	shalt  }
0x6a: {  	_ =	shalt  }
0x6b: {  	_ =	shalt  }
0x6c: {  	_ =	shalt  }
0x6d: {  	_ =	shalt  }
0x6e: {  	_ =	shalt  }
0x6f: {  	_ =	shalt  }
0x70: {  	_ =	shalt  }
0x71: {  	_ =	shalt  }
0x72: {  	_ =	shalt  }
0x73: {  	_ =	shalt  }
0x74: {  	_ =	shalt  }
0x75: {  	_ =	shalt  }
0x76: {  	_ =	shalt  }
0x77: {  	_ =	shalt  }
0x78: {  	_ =	shalt  }
0x79: {  	_ =	shalt  }
0x7a: {  	_ =	shalt  }
0x7b: {  	_ =	shalt  }
0x7c: {  	_ =	shalt  }
0x7d: {  	_ =	shalt  }
0x7e: {  	_ =	shalt  }
0x7f: {  	_ =	shalt  }
0x80: {  	_ =	shalt  }
0x81: {  	_ =	shalt  }
0x82: {  	_ =	shalt  }
0x83: {  	_ =	shalt  }
0x84: {  	_ =	shalt  }
0x85: {  	_ =	shalt  }
0x86: {  	_ =	shalt  }
0x87: {  	_ =	shalt  }
.Lfunc_end0:
.L_simem_size_0:
called_computation.1_lowered:
.L_overlay_start_0:
0x88: {  	s2 =	sld [smem:$0x3FD9]  }
0x89: {  	s3 =	sld [smem:$0x3FFE];
	_ =	sdelay $0x1  }
0x8a: {  	s1 =	srdreg.scid  }
0x8b: {  	s0 =	sand.u32 $0x1, s1  }
0x8c: {  	s16 =	sshll.u32 s0, $0xA;
	s2 =	sadd.s32 s3, s2  }
0x8d: {  	s2 =	sadd.s32 s2, s16  }
0x8e: {  	[smem:$0x3FBC] =	sst s2  }
0x8f: {  	_ = 	snop  }
0x90: {  	(tm) =	ssettm $0x1  }
0x91: {  	s17 =	sld [smem:$0x3FFB];
	_ =	sdelay $0x3  }
0x92: {  	_ =	strace s17  }
0x93: {  	s2 =	sld [smem:$0x3FFC];
	_ =	sdelay $0x3  }
0x94: {  	_ =	strace s2  }
0x95: {  	s2 =	sld [smem:$0x3FFD];
	_ =	sdelay $0x3  }
0x96: {  	_ =	strace s2  }
0x97: {  	_ =	strace $0x8FFFFFFF  }
0x98: {  	s18 =	sld [smem:$0x3FDB];
	_ =	sdelay $0x1  }
0x99: {  	s19 =	simm.s32 $_scs_section_size  }
0x9a: {  	s4 =	simm.s32 $_size__tile_overlayer_lowered;
	s5 =	simm.s32 $_tile_overlayer_lowered  }
0x9b: {  	s22 =	simm.s32 $0x1BFF;
	s21 =	sshll.u32 s5, $0x1;
	s2 =	sadd.s32 s19, s18  }
0x9c: {  	s6 =	simm.s32 $0x0;
	s20 =	sshll.u32 s4, $0x1;
	s4 =	sadd.s32 s21, s2  }
0x9d: {  	[timem:s6], [sflag:s22] =	dma.local [hbm:s4], s20  }
0x9e: {  	_ =	swait.ge [sflag:s22], s20  }
0x9f: {  	s3 =	ssub.s32 $0x0, s20;
	[sflag:s22] =	ssyncset.done $0x0  }
0xa0: {  	[sflag:s22] =	ssyncadd.s32 s3;
	_ =	sdelay $0x1  }
0xa1: {  	s23 =	simm.s32 $0x1B8B  }
0xa2: {  	_ =	swait.ge [sflag:s23], $0x1  }
0xa3: {  	[sflag:s23] =	ssyncset.done $0x0  }
0xa4: {  	s25 =	simm.s32 $0x1B8E;
	s24 =	sld [smem:$0x3FFE];
	[sflag:s23] =	ssyncadd.s32 $0xFFFFFFFF  }
0xa5: {  	s26 =	simm.s32 $execute0_lowered;
	[smem:$0x3FD2] =	sst s25  }
0xa6: {  	s4 =	sshll.u32 s26, $0x1;
	_ =	strace $0x80000049;
	[dreg:$0x1] =	wrdreg $0xFFFFFFFF  }
0xa7: {  	s28 =	simm.s32 $_size_execute0_lowered;
	s2 =	sadd.s32 s2, s4;
	[dreg:$0x0] =	wrdreg $0x0  }
0xa8: {  	s4 =	sshll.u32 s28, $0x1;
	[dreg:$0x2] =	wrdreg s2  }
0xa9: {  	[dreg:$0x3] =	wrdreg s4  }
0xaa: {  	[dreg:$0x4] =	wrdreg $0xC0  }
0xab: {  	_ =	task [dreg:s6], $0x5FFFF  }
0xac: {  	[dreg:$0x1] =	wrdreg $0xFFFFFFFF  }
0xad: {  	[dreg:$0x0] =	wrdreg $0x60  }
0xae: {  	[dreg:$0x2] =	wrdreg s24  }
0xaf: {  	[dreg:$0x3] =	wrdreg $0x11AD00  }
0xb0: {  	[dreg:$0x4] =	wrdreg $0x9  }
0xb1: {  	_ =	task.clear_ibuf [dreg:s6], $0x5FFFF;
	_ =	strace $0x90000049  }
0xb2: {  	s29 =	simm.s32 $0x9;
	_ =	strace $0x8000004B  }
0xb3: {  	_ =	swait.ge [sflag:s29], $0x1  }
0xb4: {  	[sflag:s29] =	ssyncadd.s32 $0xFFFFFFFF  }
0xb5: {  	_ =	strace $0x9000004B  }
0xb6: {  	_ =	sfence  }
0xb7: {  	s30 =	sld [smem:$0x0];
	_ =	sdelay $0x2  }
0xb8: {  	s31 =	sshll.u32 s1, $0xD;
	s1 =	sshrl.u32 s1, $0x2  }
0xb9: {  	s3 =	sand.u32 $0x4000, s31;
	s1 =	sadd.s32 s1, s30  }
0xba: {  	s0 =	sor.u32 s3, s0;
	s1 =	sshll.u32 s1, $0x11  }
0xbb: {  	s0 =	sor.u32 s1, s0  }
0xbc: {  	s0 =	sadd.s32 $0x8F2B, s0  }
0xbd: {  	[sflag:s0] =	ssyncadd.remote.s32 $0x1  }
0xbe: {  	_ =	sfence.sel $0xFFFF  }
0xbf: {  	[dreg:$0x0] =	wrdreg $0xFFFFFFFF;
	(pc) =	sbr.abs _section_cstart, $3  }
0xc0: {  	[dreg:$0x1] =	wrdreg $0xFFFFFFFF  }
0xc1: {  	_ =	task.clear_ibuf [dreg:s6], $0x2FFFF;
	_ =	strace $0x9FFFFFFF  }
0xc2: {  	(tm) =	ssettm $0x7FFFFFFF  }
0xc3: {  	_ =	shalt  }
tec
execute0_lowered:
.L_overlay_start_1:
0x0: {  	(tag) =	ssettag $0x1  }
0x1: {  	s8 =	rddreg [dreg:$0x0]  }
0x2: {  	s2 =	rddreg [dreg:$0x1]  }
0x3: {  	s0 =	rddreg [dreg:$0x2];
	s4 =	srdreg.scid  }
0x4: {  	s1 =	stileid.u32;
	s3 =	simm.s32 $0x0;
	s14 =	simm.s32 $0x11300  }
0x5: {  	s15 =	simm.s32 $0x11490;
	s16 =	simm.s32 $0x190;
	s17 =	simm.s32 $0x11620  }
0x6: {  	s18 =	simm.s32 $0x7D00;
	s19 =	simm.s32 $0x1;
	s21 =	simm.s32 $0x117B0  }
0x7: {  	s22 =	simm.s32 $0x0;
	s10 =	sand.u32 $0x1, s4;
	s9 =	smul.u32 $0x62C0, s1  }
0x8: {  	[smem:$0x7FF] =	sst s3;
	s4 =	sadd.s32 $0x1800, s8;
	s5 =	sadd.s32 $0x1A400, s8  }
0x9: {  	s6 =	sadd.s32 $0x29200, s8;
	s7 =	smul.u32 $0x62C00, s10;
	s12 =	ssub.s32 $0x2, s10  }
0xa: {  	_ =	strace $0x8000004A;
	s20 =	smul.u32 $0x13C0, s10;
	s13 =	sshrl.u32 s12, $0x1  }
0xb: {  	s11 =	sadd.s32 s9, s7;
	s7 =	sadd.s32 $0x1F400, s8;
	s12 =	ssub.s32 s12, s13  }
0xc: {  	s9 =	sadd.s32 s9, s2;
	s13 =	simm.s32 $0x3;
	s11 =	sshrl.u32 s11, $0x3  }
0xd: {  	v0 =	vmov s20;
	s20 =	simm.s32 $0x2;
	s11 =	sadd.s32 s11, s8;
	s8 =	smul.u32 $0x4E20, s1  }
0xe: {  	v1 =	vimm.f32 $0.0e+00;
	s10 =	sadd.s32 $0x33000, s11;
	s11 =	smax.u32 s12, $0x1;
	s12 =	simm.s32 $0x9600  }
.LBB2_1:
0xf: {  	s24 =	simm.s32 $0x96A0  }
0x10: {  	s23 =	simm.s32 $0xA0;
	[tilespmem:s24+$0xFFFFFF60] =	vst v1  }
0x11: {  	[tilespmem:s23+$0xFFFFFF60] =	vst v1  }
0x12: {  	[tilespmem:s24+$0xFFFFFF70] =	vst v1  }
0x13: {  	[tilespmem:s23+$0xFFFFFF70] =	vst v1  }
0x14: {  	[tilespmem:s24+$0xFFFFFF80] =	vst v1  }
0x15: {  	[tilespmem:s23+$0xFFFFFF80] =	vst v1  }
0x16: {  	[tilespmem:s24+$0xFFFFFF90] =	vst v1  }
0x17: {  	[tilespmem:s23+$0xFFFFFF90] =	vst v1  }
0x18: {  	[tilespmem:s24+$0xFFFFFFA0] =	vst v1  }
0x19: {  	[tilespmem:s23+$0xFFFFFFA0] =	vst v1  }
0x1a: {  	[tilespmem:s24+$0xFFFFFFB0] =	vst v1  }
0x1b: {  	[tilespmem:s23+$0xFFFFFFB0] =	vst v1  }
0x1c: {  	[tilespmem:s24+$0xFFFFFFC0] =	vst v1  }
0x1d: {  	[tilespmem:s23+$0xFFFFFFC0] =	vst v1  }
0x1e: {  	[tilespmem:s24+$0xFFFFFFD0] =	vst v1  }
0x1f: {  	[tilespmem:s23+$0xFFFFFFD0] =	vst v1  }
0x20: {  	[tilespmem:s24+$0xFFFFFFE0] =	vst v1  }
0x21: {  	[tilespmem:s23+$0xFFFFFFE0] =	vst v1  }
0x22: {  	[tilespmem:s24+$0xFFFFFFF0] =	vst v1  }
0x23: {  	[tilespmem:s23+$0xFFFFFFF0] =	vst v1  }
0x24: {  	[tilespmem:s24+$0x0] =	vst v1  }
0x25: {  	[tilespmem:s23+$0x0] =	vst v1  }
0x26: {  	[tilespmem:s24+$0x10] =	vst v1  }
0x27: {  	[tilespmem:s23+$0x10] =	vst v1  }
0x28: {  	[tilespmem:s24+$0x20] =	vst v1  }
0x29: {  	[tilespmem:s23+$0x20] =	vst v1  }
0x2a: {  	[tilespmem:s24+$0x30] =	vst v1  }
0x2b: {  	[tilespmem:s23+$0x30] =	vst v1  }
0x2c: {  	[tilespmem:s24+$0x40] =	vst v1  }
0x2d: {  	[tilespmem:s23+$0x40] =	vst v1  }
0x2e: {  	[tilespmem:s24+$0x50] =	vst v1  }
0x2f: {  	[tilespmem:s23+$0x50] =	vst v1  }
0x30: {  	[tilespmem:s24+$0x60] =	vst v1  }
0x31: {  	[tilespmem:s23+$0x60] =	vst v1  }
0x32: {  	[tilespmem:s24+$0x70] =	vst v1  }
0x33: {  	[tilespmem:s23+$0x70] =	vst v1  }
0x34: {  	[tilespmem:s24+$0x80] =	vst v1  }
0x35: {  	[tilespmem:s23+$0x80] =	vst v1  }
0x36: {  	[tilespmem:s24+$0x90] =	vst v1  }
0x37: {  	s25 =	simm.s32 $0x97E0;
	s24 =	simm.s32 $0x0;
	[tilespmem:s23+$0x90] =	vst v1  }
.LBB2_2:
0x38: {  	[tilespmem:s25+$0xFFFFFF60] =	vst v1;
	s23 =	sadd.s32 $0x140, s23  }
0x39: {  	[tilespmem:s23+$0xFFFFFF60] =	vst v1  }
0x3a: {  	[tilespmem:s25+$0xFFFFFF70] =	vst v1  }
0x3b: {  	[tilespmem:s23+$0xFFFFFF70] =	vst v1  }
0x3c: {  	[tilespmem:s25+$0xFFFFFF80] =	vst v1  }
0x3d: {  	[tilespmem:s23+$0xFFFFFF80] =	vst v1  }
0x3e: {  	[tilespmem:s25+$0xFFFFFF90] =	vst v1  }
0x3f: {  	[tilespmem:s23+$0xFFFFFF90] =	vst v1  }
0x40: {  	[tilespmem:s25+$0xFFFFFFA0] =	vst v1  }
0x41: {  	[tilespmem:s23+$0xFFFFFFA0] =	vst v1  }
0x42: {  	[tilespmem:s25+$0xFFFFFFB0] =	vst v1  }
0x43: {  	[tilespmem:s23+$0xFFFFFFB0] =	vst v1  }
0x44: {  	[tilespmem:s25+$0xFFFFFFC0] =	vst v1  }
0x45: {  	[tilespmem:s23+$0xFFFFFFC0] =	vst v1  }
0x46: {  	[tilespmem:s25+$0xFFFFFFD0] =	vst v1  }
0x47: {  	[tilespmem:s23+$0xFFFFFFD0] =	vst v1  }
0x48: {  	[tilespmem:s25+$0xFFFFFFE0] =	vst v1  }
0x49: {  	[tilespmem:s23+$0xFFFFFFE0] =	vst v1  }
0x4a: {  	[tilespmem:s25+$0xFFFFFFF0] =	vst v1  }
0x4b: {  	[tilespmem:s23+$0xFFFFFFF0] =	vst v1  }
0x4c: {  	[tilespmem:s25+$0x0] =	vst v1  }
0x4d: {  	[tilespmem:s23+$0x0] =	vst v1  }
0x4e: {  	[tilespmem:s25+$0x10] =	vst v1  }
0x4f: {  	[tilespmem:s23+$0x10] =	vst v1  }
0x50: {  	[tilespmem:s25+$0x20] =	vst v1  }
0x51: {  	[tilespmem:s23+$0x20] =	vst v1  }
0x52: {  	[tilespmem:s25+$0x30] =	vst v1  }
0x53: {  	[tilespmem:s23+$0x30] =	vst v1  }
0x54: {  	[tilespmem:s25+$0x40] =	vst v1  }
0x55: {  	[tilespmem:s23+$0x40] =	vst v1  }
0x56: {  	[tilespmem:s25+$0x50] =	vst v1  }
0x57: {  	[tilespmem:s23+$0x50] =	vst v1  }
0x58: {  	[tilespmem:s25+$0x60] =	vst v1  }
0x59: {  	s24 =	sadd.s32 $0x4, s24;
	[tilespmem:s23+$0x60] =	vst v1  }
0x5a: {  	p0 =	slt.u32 s24, $0x18C;
	[tilespmem:s25+$0x70] =	vst v1  }
.Ltmp0:
0x5b: {  	[tilespmem:s23+$0x70] =	vst v1;
	(pc) =	sbr.rel @p0 .LBB2_2-.Ltmp0, $4  }
0x5c: {  	[tilespmem:s25+$0x80] =	vst v1  }
0x5d: {  	[tilespmem:s23+$0x80] =	vst v1  }
0x5e: {  	[tilespmem:s25+$0x90] =	vst v1  }
0x5f: {  	s25 =	sadd.s32 $0x140, s25;
	[tilespmem:s23+$0x90] =	vst v1  }
0x60: {  	[spmem:s9] =	stream.linear.scatter [tilespmem:s12], [sflag:$0x3], $0x62C0, $0x38;
	[tilespmem:$0x17D90] =	vst v63  }
0x61: {  	_ =	swait.ge [sflag:s13], $0x62C0  }
0x62: {  	[sflag:s13] =	ssyncset.done $0x0  }
0x63: {  	[sflag:s13] =	ssyncadd.s32 $0xFFFF9D40  }
0x64: {  	s23 =	simm.s32 $0x0;
	[bflag:$0x0] =	sbarrier.arrive $0xFFFF  }
.LBB2_4:
0x65: {  	s24 =	smul.u32 $0x190, s23;
	_ =	sdelay $0x1  }
0x66: {  	s24 =	sadd.s32 s8, s24  }
0x67: {  	s24 =	sshrl.u32 s24, $0x3  }
0x68: {  	s25 =	sadd.s32 s6, s24  }
0x69: {  	[tilespmem:s14], [sflag:$0x3] =	stream.linear.gather [hbm4b:s25+s3], $0x190, $0x38;
	[tilespmem:$0x17D90] =	vst v63  }
0x6a: {  	_ =	swait.ge [sflag:s13], $0x190  }
0x6b: {  	[sflag:s13] =	ssyncset.done $0x0  }
0x6c: {  	s24 =	sadd.s32 s7, s24;
	[sflag:s13] =	ssyncadd.s32 $0xFFFFFE70  }
0x6d: {  	[tilespmem:s15], [sflag:$0x3] =	stream.linear.gather [hbm4b:s24+s3], $0x190, $0x38;
	[tilespmem:$0x17D90] =	vst v63  }
0x6e: {  	_ =	swait.ge [sflag:s13], $0x190  }
0x6f: {  	[sflag:s13] =	ssyncset.done $0x0  }
0x70: {  	s24 =	simm.s32 $0x114B0;
	[sflag:s13] =	ssyncadd.s32 $0xFFFFFE70  }
0x71: {  	v2 =	vld [tilespmem:s24+$0xFFFFFFE0];
	_ =	sdelay $0x1  }
0x72: {  	s25 =	simm.s32 $0x11320  }
0x73: {  	v3 =	vld [tilespmem:s25+$0xFFFFFFE0];
	_ =	sdelay $0x1  }
0x74: {  	v2 =	vsub.s32 v2, v0  }
0x75: {  	vm0 =	vlt.u32 v2, $0x13C0  }
0x76: {  	s29 =	simm.s32 $0x117D0;
	v2 =	vnsel vm0, $0xFFFFFFFF, v2  }
0x77: {  	s30 =	simm.s32 $0x11640;
	[tilespmem:s29+$0xFFFFFFE0] =	vst v2;
	v2 =	vnsel vm0, $0xFFFFFFFF, v3  }
0x78: {  	s26 =	simm.s32 $0x11960;
	[tilespmem:s30+$0xFFFFFFE0] =	vst v2;
	v2 =	vsel vm0, $0x3F800000, v1  }
0x79: {  	[tilespmem:s26+$0xFFFFFFE0] =	vst v2  }
0x7a: {  	v2 =	vld [tilespmem:s24+$0xFFFFFFF0];
	_ =	sdelay $0x2  }
0x7b: {  	v3 =	vld [tilespmem:s25+$0xFFFFFFF0];
	_ =	sdelay $0x1  }
0x7c: {  	v2 =	vsub.s32 v2, v0  }
0x7d: {  	vm12 =	vlt.u32 v2, $0x13C0  }
0x7e: {  	v2 =	vnsel vm12, $0xFFFFFFFF, v2  }
0x7f: {  	[tilespmem:s29+$0xFFFFFFF0] =	vst v2;
	v2 =	vnsel vm12, $0xFFFFFFFF, v3  }
0x80: {  	[tilespmem:s30+$0xFFFFFFF0] =	vst v2;
	v2 =	vsel vm12, $0x3F800000, v1  }
0x81: {  	[tilespmem:s26+$0xFFFFFFF0] =	vst v2  }
0x82: {  	v2 =	vld [tilespmem:s24+$0x0];
	_ =	sdelay $0x2  }
0x83: {  	v3 =	vld [tilespmem:s25+$0x0];
	_ =	sdelay $0x1  }
0x84: {  	v2 =	vsub.s32 v2, v0  }
0x85: {  	vm13 =	vlt.u32 v2, $0x13C0  }
0x86: {  	v2 =	vnsel vm13, $0xFFFFFFFF, v2  }
0x87: {  	[tilespmem:s29+$0x0] =	vst v2;
	v2 =	vnsel vm13, $0xFFFFFFFF, v3  }
0x88: {  	[tilespmem:s30+$0x0] =	vst v2;
	v2 =	vsel vm13, $0x3F800000, v1  }
0x89: {  	[tilespmem:s26+$0x0] =	vst v2  }
0x8a: {  	v2 =	vld [tilespmem:s24+$0x10];
	_ =	sdelay $0x2  }
0x8b: {  	v3 =	vld [tilespmem:s25+$0x10];
	_ =	sdelay $0x1  }
0x8c: {  	v2 =	vsub.s32 v2, v0  }
0x8d: {  	vm14 =	vlt.u32 v2, $0x13C0  }
0x8e: {  	v2 =	vnsel vm14, $0xFFFFFFFF, v2  }
0x8f: {  	[tilespmem:s29+$0x10] =	vst v2;
	v2 =	vnsel vm14, $0xFFFFFFFF, v3  }
0x90: {  	[tilespmem:s30+$0x10] =	vst v2;
	v2 =	vsel vm14, $0x3F800000, v1  }
0x91: {  	[tilespmem:s26+$0x10] =	vst v2  }
0x92: {  	v2 =	vld [tilespmem:s24+$0x20];
	_ =	sdelay $0x2  }
0x93: {  	v3 =	vld [tilespmem:s25+$0x20];
	_ =	sdelay $0x1  }
0x94: {  	v2 =	vsub.s32 v2, v0  }
0x95: {  	vm15 =	vlt.u32 v2, $0x13C0  }
0x96: {  	v2 =	vnsel vm15, $0xFFFFFFFF, v2  }
0x97: {  	s28 =	simm.s32 $0x0;
	[tilespmem:s29+$0x20] =	vst v2;
	v2 =	vnsel vm15, $0xFFFFFFFF, v3  }
0x98: {  	s31 =	simm.s32 $0x119B0;
	s29 =	simm.s32 $0x11820;
	[tilespmem:s30+$0x20] =	vst v2;
	v2 =	vsel vm15, $0x3F800000, v1;
	s30 =	simm.s32 $0x11690  }
.LBB2_5:
0x99: {  	s28 =	sadd.s32 $0x5, s28;
	[tilespmem:s26+$0x20] =	vst v2;
	s24 =	sadd.s32 $0x50, s24;
	s25 =	sadd.s32 $0x50, s25  }
0x9a: {  	s26 =	smov.u32 s31;
	v2 =	vld [tilespmem:s24+$0xFFFFFFE0];
	p0 =	slt.u32 s28, $0x14;
	_ =	sdelay $0x2  }
0x9b: {  	v3 =	vld [tilespmem:s25+$0xFFFFFFE0];
	_ =	sdelay $0x1  }
0x9c: {  	v2 =	vsub.s32 v2, v0  }
0x9d: {  	vm0 =	vlt.u32 v2, $0x13C0  }
0x9e: {  	v2 =	vnsel vm0, $0xFFFFFFFF, v2  }
0x9f: {  	[tilespmem:s29+$0xFFFFFFE0] =	vst v2;
	v2 =	vnsel vm0, $0xFFFFFFFF, v3  }
0xa0: {  	[tilespmem:s30+$0xFFFFFFE0] =	vst v2;
	v2 =	vsel vm0, $0x3F800000, v1  }
0xa1: {  	[tilespmem:s31+$0xFFFFFFE0] =	vst v2  }
0xa2: {  	v2 =	vld [tilespmem:s24+$0xFFFFFFF0];
	_ =	sdelay $0x2  }
0xa3: {  	v3 =	vld [tilespmem:s25+$0xFFFFFFF0];
	_ =	sdelay $0x1  }
0xa4: {  	v2 =	vsub.s32 v2, v0  }
0xa5: {  	vm0 =	vlt.u32 v2, $0x13C0  }
0xa6: {  	v2 =	vnsel vm0, $0xFFFFFFFF, v2  }
0xa7: {  	[tilespmem:s29+$0xFFFFFFF0] =	vst v2;
	v2 =	vnsel vm0, $0xFFFFFFFF, v3  }
0xa8: {  	[tilespmem:s30+$0xFFFFFFF0] =	vst v2;
	v2 =	vsel vm0, $0x3F800000, v1  }
0xa9: {  	[tilespmem:s31+$0xFFFFFFF0] =	vst v2  }
0xaa: {  	v2 =	vld [tilespmem:s24+$0x0];
	_ =	sdelay $0x2  }
0xab: {  	v3 =	vld [tilespmem:s25+$0x0];
	_ =	sdelay $0x1  }
0xac: {  	v2 =	vsub.s32 v2, v0  }
0xad: {  	vm0 =	vlt.u32 v2, $0x13C0  }
0xae: {  	v2 =	vnsel vm0, $0xFFFFFFFF, v2  }
0xaf: {  	[tilespmem:s29+$0x0] =	vst v2;
	v2 =	vnsel vm0, $0xFFFFFFFF, v3  }
0xb0: {  	[tilespmem:s30+$0x0] =	vst v2;
	v2 =	vsel vm0, $0x3F800000, v1  }
0xb1: {  	[tilespmem:s31+$0x0] =	vst v2  }
0xb2: {  	v2 =	vld [tilespmem:s24+$0x10]  }
0xb3: {  	v3 =	vld [tilespmem:s25+$0x10];
	_ =	sdelay $0x3  }
0xb4: {  	v2 =	vsub.s32 v2, v0  }
0xb5: {  	vm0 =	vlt.u32 v2, $0x13C0  }
0xb6: {  	v2 =	vnsel vm0, $0xFFFFFFFF, v2  }
0xb7: {  	[tilespmem:s29+$0x10] =	vst v2;
	v2 =	vnsel vm0, $0xFFFFFFFF, v3  }
0xb8: {  	[tilespmem:s30+$0x10] =	vst v2;
	v2 =	vsel vm0, $0x3F800000, v1  }
0xb9: {  	[tilespmem:s31+$0x10] =	vst v2  }
0xba: {  	v2 =	vld [tilespmem:s24+$0x20]  }
0xbb: {  	v3 =	vld [tilespmem:s25+$0x20];
	_ =	sdelay $0x3  }
.Ltmp1:
0xbc: {  	v2 =	vsub.s32 v2, v0;
	(pc) =	sbr.rel @p0 .LBB2_5-.Ltmp1, $4  }
0xbd: {  	vm0 =	vlt.u32 v2, $0x13C0  }
0xbe: {  	v2 =	vnsel vm0, $0xFFFFFFFF, v2  }
0xbf: {  	[tilespmem:s29+$0x20] =	vst v2;
	v2 =	vnsel vm0, $0xFFFFFFFF, v3  }
0xc0: {  	s31 =	sadd.s32 $0x50, s31;
	s29 =	sadd.s32 $0x50, s29;
	[tilespmem:s30+$0x20] =	vst v2;
	v2 =	vsel vm0, $0x3F800000, v1;
	s30 =	sadd.s32 $0x50, s30  }
0xc1: {  	[tilespmem:s26+$0x20] =	vst v2;
	(ifvalue) =	ssetifvalue $0xFFFFFFFF  }
0xc2: {  	s24 =	simm.s32 $0x0;
	(ifvalue) =	ssetifvalue $0xFFFFFFFF  }
0xc3: {  	[tilespmem:s24], [sflag:$0x1] =	stream.indirect.gather [hbm4b:s4+s16], $0x50, s17, s16, $0x40b8;
	[tilespmem:$0x17D90] =	vst v63  }
0xc4: {  	_ = 	snop  }
0xc5: {  	[tilespmem:s18], [sflag:$0x2] =	stream.indirect.gather [hbm4b:s5+s16], $0x10, s15, s16, $0xb8;
	[tilespmem:$0x17D90] =	vst v63  }
0xc6: {  	_ =	swait.ge [sflag:s19], $0x7D00  }
0xc7: {  	[sflag:s19] =	ssyncset.done $0x0  }
0xc8: {  	[sflag:s19] =	ssyncadd.s32 $0xFFFF8300  }
0xc9: {  	_ =	swait.ge [sflag:s20], $0x1900  }
0xca: {  	[sflag:s20] =	ssyncset.done $0x0  }
0xcb: {  	s25 =	simm.s32 $0x11940;
	s26 =	simm.s32 $0x7D80;
	[sflag:s20] =	ssyncadd.s32 $0xFFFFE700  }
.LBB2_7:
0xcc: {  	s28 =	sshra.s32 s24, $0x2;
	v3 =	vld [tilespmem:s26+$0xFFFFFF80]  }
0xcd: {  	v2 =	vld [tilespmem:s28+$0x40];
	_ =	sdelay $0x4  }
0xce: {  	v2 =	vadd.f32 v3, v2;
	_ =	sdelay $0x1  }
0xcf: {  	v3 =	vmul.f32 $2.000000030e-01, v2;
	_ =	sdelay $0x1  }
0xd0: {  	v2 =	vmax.f32 v2, v3  }
0xd1: {  	v2 =	vmul.f32 $1.442695020e+00, v2;
	_ =	sdelay $0x1  }
0xd2: {  	(erf) = vpow2.f32 v2;
	_ =	sdelay $0x2  }
0xd3: {  	v2 =	vld [tilespmem:s25+$0x0];
	_ =	sdelay $0x4  }
0xd4: {  	v3 =	vbroadcast v2, $0x0  }
0xd5: {  	v5 =	vld [tilespmem:s28+$0x0];
	v4 =	vpop (erf)  }
0xd6: {  	v36 =	vld [tilespmem:s28+$0x10];
	v3 =	vmul.f32 v4, v3  }
0xd7: {  	v6 =	vld [tilespmem:s28+$0x20]  }
0xd8: {  	v8 =	vld [tilespmem:s28+$0x30];
	v7 =	vbroadcast v3, $0xC  }
0xd9: {  	v9 =	vbroadcast v3, $0xD  }
0xda: {  	v37 =	vbroadcast v3, $0xE;
	v5 =	vmul.f32 v7, v5  }
0xdb: {  	[tilespmem:s28+$0x9640] =	vst v3;
	v3 =	vbroadcast v3, $0xF;
	v4 =	vmul.f32 v9, v36  }
0xdc: {  	v38 =	vmul.f32 v37, v6;
	[tilespmem:s28+$0x9600] =	vst v5  }
0xdd: {  	v3 =	vmul.f32 v8, v3;
	[tilespmem:s28+$0x9610] =	vst v4  }
0xde: {  	[tilespmem:s28+$0x9620] =	vst v38  }
0xdf: {  	[tilespmem:s28+$0x9630] =	vst v3;
	v3 =	vld [tilespmem:s28+$0x90]  }
0xe0: {  	v4 =	vld [tilespmem:s26+$0xFFFFFF90];
	_ =	sdelay $0x4  }
0xe1: {  	v3 =	vadd.f32 v4, v3;
	_ =	sdelay $0x1  }
0xe2: {  	v4 =	vmul.f32 $2.000000030e-01, v3;
	_ =	sdelay $0x1  }
0xe3: {  	v3 =	vmax.f32 v3, v4  }
0xe4: {  	v3 =	vmul.f32 $1.442695020e+00, v3;
	_ =	sdelay $0x1  }
0xe5: {  	(erf) = vpow2.f32 v3;
	_ =	sdelay $0x7  }
0xe6: {  	v3 =	vbroadcast v2, $0x1  }
0xe7: {  	v40 =	vld [tilespmem:s28+$0x50];
	v39 =	vpop (erf)  }
0xe8: {  	v41 =	vld [tilespmem:s28+$0x60];
	v3 =	vmul.f32 v39, v3  }
0xe9: {  	v42 =	vld [tilespmem:s28+$0x70]  }
0xea: {  	v44 =	vld [tilespmem:s28+$0x80];
	v43 =	vbroadcast v3, $0xC  }
0xeb: {  	v45 =	vbroadcast v3, $0xD  }
0xec: {  	v46 =	vbroadcast v3, $0xE;
	v5 =	vmul.f32 v43, v40  }
0xed: {  	[tilespmem:s28+$0x9690] =	vst v3;
	v3 =	vbroadcast v3, $0xF;
	v4 =	vmul.f32 v45, v41  }
0xee: {  	v47 =	vmul.f32 v46, v42;
	[tilespmem:s28+$0x9650] =	vst v5  }
0xef: {  	v3 =	vmul.f32 v44, v3;
	[tilespmem:s28+$0x9660] =	vst v4  }
0xf0: {  	[tilespmem:s28+$0x9670] =	vst v47  }
0xf1: {  	[tilespmem:s28+$0x9680] =	vst v3;
	v3 =	vld [tilespmem:s28+$0xE0]  }
0xf2: {  	v4 =	vld [tilespmem:s26+$0xFFFFFFA0];
	_ =	sdelay $0x4  }
0xf3: {  	v3 =	vadd.f32 v4, v3;
	_ =	sdelay $0x1  }
0xf4: {  	v4 =	vmul.f32 $2.000000030e-01, v3;
	_ =	sdelay $0x1  }
0xf5: {  	v3 =	vmax.f32 v3, v4  }
0xf6: {  	v3 =	vmul.f32 $1.442695020e+00, v3;
	_ =	sdelay $0x1  }
0xf7: {  	(erf) = vpow2.f32 v3;
	_ =	sdelay $0x7  }
0xf8: {  	v3 =	vbroadcast v2, $0x2  }
0xf9: {  	v49 =	vld [tilespmem:s28+$0xA0];
	v48 =	vpop (erf)  }
0xfa: {  	v50 =	vld [tilespmem:s28+$0xB0];
	v3 =	vmul.f32 v48, v3  }
0xfb: {  	v51 =	vld [tilespmem:s28+$0xC0]  }
0xfc: {  	v53 =	vld [tilespmem:s28+$0xD0];
	v52 =	vbroadcast v3, $0xC  }
0xfd: {  	v54 =	vbroadcast v3, $0xD  }
0xfe: {  	v55 =	vbroadcast v3, $0xE;
	v5 =	vmul.f32 v52, v49  }
0xff: {  	[tilespmem:s28+$0x96E0] =	vst v3;
	v3 =	vbroadcast v3, $0xF;
	v4 =	vmul.f32 v54, v50  }
0x100: {  	v56 =	vmul.f32 v55, v51;
	[tilespmem:s28+$0x96A0] =	vst v5  }
0x101: {  	v3 =	vmul.f32 v53, v3;
	[tilespmem:s28+$0x96B0] =	vst v4  }
0x102: {  	[tilespmem:s28+$0x96C0] =	vst v56  }
0x103: {  	[tilespmem:s28+$0x96D0] =	vst v3;
	v3 =	vld [tilespmem:s28+$0x130]  }
0x104: {  	v4 =	vld [tilespmem:s26+$0xFFFFFFB0];
	_ =	sdelay $0x4  }
0x105: {  	v3 =	vadd.f32 v4, v3;
	_ =	sdelay $0x1  }
0x106: {  	v4 =	vmul.f32 $2.000000030e-01, v3;
	_ =	sdelay $0x1  }
0x107: {  	v3 =	vmax.f32 v3, v4  }
0x108: {  	v3 =	vmul.f32 $1.442695020e+00, v3;
	_ =	sdelay $0x1  }
0x109: {  	(erf) = vpow2.f32 v3;
	_ =	sdelay $0x7  }
0x10a: {  	v3 =	vbroadcast v2, $0x3  }
0x10b: {  	v58 =	vld [tilespmem:s28+$0xF0];
	v57 =	vpop (erf)  }
0x10c: {  	v59 =	vld [tilespmem:s28+$0x100];
	v3 =	vmul.f32 v57, v3  }
0x10d: {  	v60 =	vld [tilespmem:s28+$0x110]  }
0x10e: {  	v62 =	vld [tilespmem:s28+$0x120];
	v61 =	vbroadcast v3, $0xC  }
0x10f: {  	v63 =	vbroadcast v3, $0xD  }
0x110: {  	v10 =	vbroadcast v3, $0xE;
	v5 =	vmul.f32 v61, v58  }
0x111: {  	[tilespmem:s28+$0x9730] =	vst v3;
	v3 =	vbroadcast v3, $0xF;
	v4 =	vmul.f32 v63, v59  }
0x112: {  	v11 =	vmul.f32 v10, v60;
	[tilespmem:s28+$0x96F0] =	vst v5  }
0x113: {  	v3 =	vmul.f32 v62, v3;
	[tilespmem:s28+$0x9700] =	vst v4  }
0x114: {  	[tilespmem:s28+$0x9710] =	vst v11  }
0x115: {  	[tilespmem:s28+$0x9720] =	vst v3;
	v3 =	vld [tilespmem:s28+$0x180]  }
0x116: {  	v4 =	vld [tilespmem:s26+$0xFFFFFFC0];
	_ =	sdelay $0x4  }
0x117: {  	v3 =	vadd.f32 v4, v3;
	_ =	sdelay $0x1  }
0x118: {  	v4 =	vmul.f32 $2.000000030e-01, v3;
	_ =	sdelay $0x1  }
0x119: {  	v3 =	vmax.f32 v3, v4  }
0x11a: {  	v3 =	vmul.f32 $1.442695020e+00, v3;
	_ =	sdelay $0x1  }
0x11b: {  	(erf) = vpow2.f32 v3;
	_ =	sdelay $0x7  }
0x11c: {  	v3 =	vbroadcast v2, $0x4  }
0x11d: {  	v13 =	vld [tilespmem:s28+$0x140];
	v12 =	vpop (erf)  }
0x11e: {  	v14 =	vld [tilespmem:s28+$0x150];
	v3 =	vmul.f32 v12, v3  }
0x11f: {  	v15 =	vld [tilespmem:s28+$0x160]  }
0x120: {  	v17 =	vld [tilespmem:s28+$0x170];
	v16 =	vbroadcast v3, $0xC  }
0x121: {  	v18 =	vbroadcast v3, $0xD  }
0x122: {  	v19 =	vbroadcast v3, $0xE;
	v5 =	vmul.f32 v16, v13  }
0x123: {  	[tilespmem:s28+$0x9780] =	vst v3;
	v3 =	vbroadcast v3, $0xF;
	v4 =	vmul.f32 v18, v14  }
0x124: {  	v20 =	vmul.f32 v19, v15;
	[tilespmem:s28+$0x9740] =	vst v5  }
0x125: {  	v3 =	vmul.f32 v17, v3;
	[tilespmem:s28+$0x9750] =	vst v4  }
0x126: {  	[tilespmem:s28+$0x9760] =	vst v20  }
0x127: {  	[tilespmem:s28+$0x9770] =	vst v3;
	v3 =	vld [tilespmem:s28+$0x1D0]  }
0x128: {  	v4 =	vld [tilespmem:s26+$0xFFFFFFD0];
	_ =	sdelay $0x4  }
0x129: {  	v3 =	vadd.f32 v4, v3;
	_ =	sdelay $0x1  }
0x12a: {  	v4 =	vmul.f32 $2.000000030e-01, v3;
	_ =	sdelay $0x1  }
0x12b: {  	v3 =	vmax.f32 v3, v4  }
0x12c: {  	v3 =	vmul.f32 $1.442695020e+00, v3;
	_ =	sdelay $0x1  }
0x12d: {  	(erf) = vpow2.f32 v3;
	_ =	sdelay $0x7  }
0x12e: {  	v3 =	vbroadcast v2, $0x5  }
0x12f: {  	v22 =	vld [tilespmem:s28+$0x190];
	v21 =	vpop (erf)  }
0x130: {  	v23 =	vld [tilespmem:s28+$0x1A0];
	v3 =	vmul.f32 v21, v3  }
0x131: {  	v24 =	vld [tilespmem:s28+$0x1B0]  }
0x132: {  	v26 =	vld [tilespmem:s28+$0x1C0];
	v25 =	vbroadcast v3, $0xC  }
0x133: {  	v27 =	vbroadcast v3, $0xD  }
0x134: {  	v28 =	vbroadcast v3, $0xE;
	v5 =	vmul.f32 v25, v22  }
0x135: {  	[tilespmem:s28+$0x97D0] =	vst v3;
	v3 =	vbroadcast v3, $0xF;
	v4 =	vmul.f32 v27, v23  }
0x136: {  	v29 =	vmul.f32 v28, v24;
	[tilespmem:s28+$0x9790] =	vst v5  }
0x137: {  	v3 =	vmul.f32 v26, v3;
	[tilespmem:s28+$0x97A0] =	vst v4  }
0x138: {  	[tilespmem:s28+$0x97B0] =	vst v29  }
0x139: {  	[tilespmem:s28+$0x97C0] =	vst v3;
	v3 =	vld [tilespmem:s28+$0x220]  }
0x13a: {  	v4 =	vld [tilespmem:s26+$0xFFFFFFE0];
	_ =	sdelay $0x4  }
0x13b: {  	v3 =	vadd.f32 v4, v3;
	_ =	sdelay $0x1  }
0x13c: {  	v4 =	vmul.f32 $2.000000030e-01, v3;
	_ =	sdelay $0x1  }
0x13d: {  	v3 =	vmax.f32 v3, v4  }
0x13e: {  	v3 =	vmul.f32 $1.442695020e+00, v3;
	_ =	sdelay $0x1  }
0x13f: {  	(erf) = vpow2.f32 v3;
	_ =	sdelay $0x7  }
0x140: {  	v3 =	vbroadcast v2, $0x6  }
0x141: {  	v31 =	vld [tilespmem:s28+$0x1E0];
	v30 =	vpop (erf)  }
0x142: {  	v32 =	vld [tilespmem:s28+$0x1F0];
	v3 =	vmul.f32 v30, v3  }
0x143: {  	v33 =	vld [tilespmem:s28+$0x200]  }
0x144: {  	v35 =	vld [tilespmem:s28+$0x210];
	v34 =	vbroadcast v3, $0xC  }
0x145: {  	v36 =	vbroadcast v3, $0xD  }
0x146: {  	v37 =	vbroadcast v3, $0xE;
	v5 =	vmul.f32 v34, v31  }
0x147: {  	[tilespmem:s28+$0x9820] =	vst v3;
	v3 =	vbroadcast v3, $0xF;
	v4 =	vmul.f32 v36, v32  }
0x148: {  	v38 =	vmul.f32 v37, v33;
	[tilespmem:s28+$0x97E0] =	vst v5  }
0x149: {  	v3 =	vmul.f32 v35, v3;
	[tilespmem:s28+$0x97F0] =	vst v4  }
0x14a: {  	[tilespmem:s28+$0x9800] =	vst v38  }
0x14b: {  	[tilespmem:s28+$0x9810] =	vst v3;
	v3 =	vld [tilespmem:s28+$0x270]  }
0x14c: {  	v4 =	vld [tilespmem:s26+$0xFFFFFFF0];
	_ =	sdelay $0x4  }
0x14d: {  	v3 =	vadd.f32 v4, v3;
	_ =	sdelay $0x1  }
0x14e: {  	v4 =	vmul.f32 $2.000000030e-01, v3;
	_ =	sdelay $0x1  }
0x14f: {  	v3 =	vmax.f32 v3, v4  }
0x150: {  	v3 =	vmul.f32 $1.442695020e+00, v3;
	_ =	sdelay $0x1  }
0x151: {  	(erf) = vpow2.f32 v3;
	_ =	sdelay $0x7  }
0x152: {  	v3 =	vbroadcast v2, $0x7  }
0x153: {  	v40 =	vld [tilespmem:s28+$0x230];
	v39 =	vpop (erf)  }
0x154: {  	v41 =	vld [tilespmem:s28+$0x240];
	v3 =	vmul.f32 v39, v3  }
0x155: {  	v42 =	vld [tilespmem:s28+$0x250]  }
0x156: {  	v44 =	vld [tilespmem:s28+$0x260];
	v43 =	vbroadcast v3, $0xC  }
0x157: {  	v45 =	vbroadcast v3, $0xD  }
0x158: {  	v46 =	vbroadcast v3, $0xE;
	v5 =	vmul.f32 v43, v40  }
0x159: {  	[tilespmem:s28+$0x9870] =	vst v3;
	v3 =	vbroadcast v3, $0xF;
	v4 =	vmul.f32 v45, v41  }
0x15a: {  	v47 =	vmul.f32 v46, v42;
	[tilespmem:s28+$0x9830] =	vst v5  }
0x15b: {  	v3 =	vmul.f32 v44, v3;
	[tilespmem:s28+$0x9840] =	vst v4  }
0x15c: {  	[tilespmem:s28+$0x9850] =	vst v47  }
0x15d: {  	[tilespmem:s28+$0x9860] =	vst v3;
	v3 =	vld [tilespmem:s28+$0x2C0]  }
0x15e: {  	v4 =	vld [tilespmem:s26+$0x0];
	_ =	sdelay $0x4  }
0x15f: {  	v3 =	vadd.f32 v4, v3;
	_ =	sdelay $0x1  }
0x160: {  	v4 =	vmul.f32 $2.000000030e-01, v3;
	_ =	sdelay $0x1  }
0x161: {  	v3 =	vmax.f32 v3, v4  }
0x162: {  	v3 =	vmul.f32 $1.442695020e+00, v3;
	_ =	sdelay $0x1  }
0x163: {  	(erf) = vpow2.f32 v3;
	_ =	sdelay $0x7  }
0x164: {  	v3 =	vbroadcast v2, $0x8  }
0x165: {  	v49 =	vld [tilespmem:s28+$0x280];
	v48 =	vpop (erf)  }
0x166: {  	v50 =	vld [tilespmem:s28+$0x290];
	v3 =	vmul.f32 v48, v3  }
0x167: {  	v51 =	vld [tilespmem:s28+$0x2A0]  }
0x168: {  	v53 =	vld [tilespmem:s28+$0x2B0];
	v52 =	vbroadcast v3, $0xC  }
0x169: {  	v54 =	vbroadcast v3, $0xD  }
0x16a: {  	v55 =	vbroadcast v3, $0xE;
	v5 =	vmul.f32 v52, v49  }
0x16b: {  	[tilespmem:s28+$0x98C0] =	vst v3;
	v3 =	vbroadcast v3, $0xF;
	v4 =	vmul.f32 v54, v50  }
0x16c: {  	v56 =	vmul.f32 v55, v51;
	[tilespmem:s28+$0x9880] =	vst v5  }
0x16d: {  	v3 =	vmul.f32 v53, v3;
	[tilespmem:s28+$0x9890] =	vst v4  }
0x16e: {  	[tilespmem:s28+$0x98A0] =	vst v56  }
0x16f: {  	[tilespmem:s28+$0x98B0] =	vst v3;
	v3 =	vld [tilespmem:s28+$0x310]  }
0x170: {  	v4 =	vld [tilespmem:s26+$0x10];
	_ =	sdelay $0x4  }
0x171: {  	v3 =	vadd.f32 v4, v3;
	_ =	sdelay $0x1  }
0x172: {  	v4 =	vmul.f32 $2.000000030e-01, v3;
	_ =	sdelay $0x1  }
0x173: {  	v3 =	vmax.f32 v3, v4  }
0x174: {  	v3 =	vmul.f32 $1.442695020e+00, v3;
	_ =	sdelay $0x1  }
0x175: {  	(erf) = vpow2.f32 v3;
	_ =	sdelay $0x7  }
0x176: {  	v3 =	vbroadcast v2, $0x9  }
0x177: {  	v58 =	vld [tilespmem:s28+$0x2D0];
	v57 =	vpop (erf)  }
0x178: {  	v59 =	vld [tilespmem:s28+$0x2E0];
	v3 =	vmul.f32 v57, v3  }
0x179: {  	v60 =	vld [tilespmem:s28+$0x2F0]  }
0x17a: {  	v62 =	vld [tilespmem:s28+$0x300];
	v61 =	vbroadcast v3, $0xC  }
0x17b: {  	v63 =	vbroadcast v3, $0xD  }
0x17c: {  	v10 =	vbroadcast v3, $0xE;
	v5 =	vmul.f32 v61, v58  }
0x17d: {  	[tilespmem:s28+$0x9910] =	vst v3;
	v3 =	vbroadcast v3, $0xF;
	v4 =	vmul.f32 v63, v59  }
0x17e: {  	v11 =	vmul.f32 v10, v60;
	[tilespmem:s28+$0x98D0] =	vst v5  }
0x17f: {  	v3 =	vmul.f32 v62, v3;
	[tilespmem:s28+$0x98E0] =	vst v4  }
0x180: {  	[tilespmem:s28+$0x98F0] =	vst v11  }
0x181: {  	[tilespmem:s28+$0x9900] =	vst v3;
	v3 =	vld [tilespmem:s28+$0x360]  }
0x182: {  	v4 =	vld [tilespmem:s26+$0x20];
	_ =	sdelay $0x4  }
0x183: {  	v3 =	vadd.f32 v4, v3;
	_ =	sdelay $0x1  }
0x184: {  	v4 =	vmul.f32 $2.000000030e-01, v3;
	_ =	sdelay $0x1  }
0x185: {  	v3 =	vmax.f32 v3, v4  }
0x186: {  	v3 =	vmul.f32 $1.442695020e+00, v3;
	_ =	sdelay $0x1  }
0x187: {  	(erf) = vpow2.f32 v3;
	_ =	sdelay $0x7  }
0x188: {  	v3 =	vbroadcast v2, $0xA  }
0x189: {  	v13 =	vld [tilespmem:s28+$0x320];
	v12 =	vpop (erf)  }
0x18a: {  	v14 =	vld [tilespmem:s28+$0x330];
	v3 =	vmul.f32 v12, v3  }
0x18b: {  	v15 =	vld [tilespmem:s28+$0x340]  }
0x18c: {  	v17 =	vld [tilespmem:s28+$0x350];
	v16 =	vbroadcast v3, $0xC  }
0x18d: {  	v18 =	vbroadcast v3, $0xD  }
0x18e: {  	v19 =	vbroadcast v3, $0xE;
	v5 =	vmul.f32 v16, v13  }
0x18f: {  	[tilespmem:s28+$0x9960] =	vst v3;
	v3 =	vbroadcast v3, $0xF;
	v4 =	vmul.f32 v18, v14  }
0x190: {  	v20 =	vmul.f32 v19, v15;
	[tilespmem:s28+$0x9920] =	vst v5  }
0x191: {  	v3 =	vmul.f32 v17, v3;
	[tilespmem:s28+$0x9930] =	vst v4  }
0x192: {  	[tilespmem:s28+$0x9940] =	vst v20  }
0x193: {  	[tilespmem:s28+$0x9950] =	vst v3;
	v3 =	vld [tilespmem:s28+$0x3B0]  }
0x194: {  	v4 =	vld [tilespmem:s26+$0x30];
	_ =	sdelay $0x4  }
0x195: {  	v3 =	vadd.f32 v4, v3;
	_ =	sdelay $0x1  }
0x196: {  	v4 =	vmul.f32 $2.000000030e-01, v3;
	_ =	sdelay $0x1  }
0x197: {  	v3 =	vmax.f32 v3, v4  }
0x198: {  	v3 =	vmul.f32 $1.442695020e+00, v3;
	_ =	sdelay $0x1  }
0x199: {  	(erf) = vpow2.f32 v3;
	_ =	sdelay $0x7  }
0x19a: {  	v3 =	vbroadcast v2, $0xB  }
0x19b: {  	v22 =	vld [tilespmem:s28+$0x370];
	v21 =	vpop (erf)  }
0x19c: {  	v23 =	vld [tilespmem:s28+$0x380];
	v3 =	vmul.f32 v21, v3  }
0x19d: {  	v24 =	vld [tilespmem:s28+$0x390]  }
0x19e: {  	v26 =	vld [tilespmem:s28+$0x3A0];
	v25 =	vbroadcast v3, $0xC  }
0x19f: {  	v27 =	vbroadcast v3, $0xD  }
0x1a0: {  	v28 =	vbroadcast v3, $0xE;
	v5 =	vmul.f32 v25, v22  }
0x1a1: {  	[tilespmem:s28+$0x99B0] =	vst v3;
	v3 =	vbroadcast v3, $0xF;
	v4 =	vmul.f32 v27, v23  }
0x1a2: {  	v29 =	vmul.f32 v28, v24;
	[tilespmem:s28+$0x9970] =	vst v5  }
0x1a3: {  	v3 =	vmul.f32 v26, v3;
	[tilespmem:s28+$0x9980] =	vst v4  }
0x1a4: {  	[tilespmem:s28+$0x9990] =	vst v29  }
0x1a5: {  	[tilespmem:s28+$0x99A0] =	vst v3;
	v3 =	vld [tilespmem:s28+$0x400]  }
0x1a6: {  	v4 =	vld [tilespmem:s26+$0x40];
	_ =	sdelay $0x4  }
0x1a7: {  	v3 =	vadd.f32 v4, v3;
	_ =	sdelay $0x1  }
0x1a8: {  	v4 =	vmul.f32 $2.000000030e-01, v3;
	_ =	sdelay $0x1  }
0x1a9: {  	v3 =	vmax.f32 v3, v4  }
0x1aa: {  	v3 =	vmul.f32 $1.442695020e+00, v3;
	_ =	sdelay $0x1  }
0x1ab: {  	(erf) = vpow2.f32 v3;
	_ =	sdelay $0x7  }
0x1ac: {  	v3 =	vbroadcast v2, $0xC  }
0x1ad: {  	v31 =	vld [tilespmem:s28+$0x3C0];
	v30 =	vpop (erf)  }
0x1ae: {  	v32 =	vld [tilespmem:s28+$0x3D0];
	v3 =	vmul.f32 v30, v3  }
0x1af: {  	v33 =	vld [tilespmem:s28+$0x3E0]  }
0x1b0: {  	v35 =	vld [tilespmem:s28+$0x3F0];
	v34 =	vbroadcast v3, $0xC  }
0x1b1: {  	v36 =	vbroadcast v3, $0xD  }
0x1b2: {  	v37 =	vbroadcast v3, $0xE;
	v5 =	vmul.f32 v34, v31  }
0x1b3: {  	[tilespmem:s28+$0x9A00] =	vst v3;
	v3 =	vbroadcast v3, $0xF;
	v4 =	vmul.f32 v36, v32  }
0x1b4: {  	v38 =	vmul.f32 v37, v33;
	[tilespmem:s28+$0x99C0] =	vst v5  }
0x1b5: {  	v3 =	vmul.f32 v35, v3;
	[tilespmem:s28+$0x99D0] =	vst v4  }
0x1b6: {  	[tilespmem:s28+$0x99E0] =	vst v38  }
0x1b7: {  	[tilespmem:s28+$0x99F0] =	vst v3;
	v3 =	vld [tilespmem:s28+$0x450]  }
0x1b8: {  	v4 =	vld [tilespmem:s26+$0x50];
	_ =	sdelay $0x4  }
0x1b9: {  	v3 =	vadd.f32 v4, v3;
	_ =	sdelay $0x1  }
0x1ba: {  	v4 =	vmul.f32 $2.000000030e-01, v3;
	_ =	sdelay $0x1  }
0x1bb: {  	v3 =	vmax.f32 v3, v4  }
0x1bc: {  	v3 =	vmul.f32 $1.442695020e+00, v3;
	_ =	sdelay $0x1  }
0x1bd: {  	(erf) = vpow2.f32 v3;
	_ =	sdelay $0x7  }
0x1be: {  	v3 =	vbroadcast v2, $0xD  }
0x1bf: {  	v40 =	vld [tilespmem:s28+$0x410];
	v39 =	vpop (erf)  }
0x1c0: {  	v41 =	vld [tilespmem:s28+$0x420];
	v3 =	vmul.f32 v39, v3  }
0x1c1: {  	v42 =	vld [tilespmem:s28+$0x430]  }
0x1c2: {  	v44 =	vld [tilespmem:s28+$0x440];
	v43 =	vbroadcast v3, $0xC  }
0x1c3: {  	v45 =	vbroadcast v3, $0xD  }
0x1c4: {  	v46 =	vbroadcast v3, $0xE;
	v5 =	vmul.f32 v43, v40  }
0x1c5: {  	[tilespmem:s28+$0x9A50] =	vst v3;
	v3 =	vbroadcast v3, $0xF;
	v4 =	vmul.f32 v45, v41  }
0x1c6: {  	v47 =	vmul.f32 v46, v42;
	[tilespmem:s28+$0x9A10] =	vst v5  }
0x1c7: {  	v3 =	vmul.f32 v44, v3;
	[tilespmem:s28+$0x9A20] =	vst v4  }
0x1c8: {  	[tilespmem:s28+$0x9A30] =	vst v47  }
0x1c9: {  	[tilespmem:s28+$0x9A40] =	vst v3;
	v3 =	vld [tilespmem:s28+$0x4A0]  }
0x1ca: {  	v4 =	vld [tilespmem:s26+$0x60];
	_ =	sdelay $0x4  }
0x1cb: {  	v3 =	vadd.f32 v4, v3;
	_ =	sdelay $0x1  }
0x1cc: {  	v4 =	vmul.f32 $2.000000030e-01, v3;
	_ =	sdelay $0x1  }
0x1cd: {  	v3 =	vmax.f32 v3, v4  }
0x1ce: {  	v3 =	vmul.f32 $1.442695020e+00, v3;
	_ =	sdelay $0x1  }
0x1cf: {  	(erf) = vpow2.f32 v3;
	_ =	sdelay $0x7  }
0x1d0: {  	v3 =	vbroadcast v2, $0xE  }
0x1d1: {  	v49 =	vld [tilespmem:s28+$0x460];
	v48 =	vpop (erf)  }
0x1d2: {  	v50 =	vld [tilespmem:s28+$0x470];
	v3 =	vmul.f32 v48, v3  }
0x1d3: {  	v51 =	vld [tilespmem:s28+$0x480]  }
0x1d4: {  	v53 =	vld [tilespmem:s28+$0x490];
	v52 =	vbroadcast v3, $0xC  }
0x1d5: {  	v54 =	vbroadcast v3, $0xD  }
0x1d6: {  	v55 =	vbroadcast v3, $0xE;
	v5 =	vmul.f32 v52, v49  }
0x1d7: {  	[tilespmem:s28+$0x9AA0] =	vst v3;
	v3 =	vbroadcast v3, $0xF;
	v4 =	vmul.f32 v54, v50  }
0x1d8: {  	v56 =	vmul.f32 v55, v51;
	[tilespmem:s28+$0x9A60] =	vst v5  }
0x1d9: {  	v3 =	vmul.f32 v53, v3;
	[tilespmem:s28+$0x9A70] =	vst v4  }
0x1da: {  	[tilespmem:s28+$0x9A80] =	vst v56  }
0x1db: {  	[tilespmem:s28+$0x9A90] =	vst v3;
	v3 =	vld [tilespmem:s28+$0x4F0]  }
0x1dc: {  	v4 =	vld [tilespmem:s26+$0x70];
	_ =	sdelay $0x4  }
0x1dd: {  	v3 =	vadd.f32 v4, v3;
	_ =	sdelay $0x1  }
0x1de: {  	v4 =	vmul.f32 $2.000000030e-01, v3;
	_ =	sdelay $0x1  }
0x1df: {  	v3 =	vmax.f32 v3, v4  }
0x1e0: {  	v3 =	vmul.f32 $1.442695020e+00, v3;
	_ =	sdelay $0x1  }
0x1e1: {  	(erf) = vpow2.f32 v3;
	_ =	sdelay $0x7  }
0x1e2: {  	v2 =	vbroadcast v2, $0xF  }
0x1e3: {  	v57 =	vld [tilespmem:s28+$0x4B0];
	v3 =	vpop (erf)  }
0x1e4: {  	v58 =	vld [tilespmem:s28+$0x4D0];
	v2 =	vmul.f32 v3, v2  }
0x1e5: {  	v60 =	vld [tilespmem:s28+$0x4E0]  }
0x1e6: {  	v3 =	vld [tilespmem:s28+$0x4C0];
	v59 =	vbroadcast v2, $0xC  }
0x1e7: {  	v61 =	vbroadcast v2, $0xD;
	v62 =	vbroadcast v2, $0xE  }
0x1e8: {  	p0 =	sne.s32 s24, $0x1E000;
	[tilespmem:s28+$0x9AF0] =	vst v2;
	v2 =	vbroadcast v2, $0xF;
	v4 =	vmul.f32 v59, v57  }
.Ltmp2:
0x1e9: {  	v63 =	vmul.f32 v62, v58;
	(pc) =	sbr.rel @p0 .LBB2_7-.Ltmp2, $4  }
0x1ea: {  	v2 =	vmul.f32 v60, v2;
	[tilespmem:s28+$0x9AB0] =	vst v4  }
0x1eb: {  	v3 =	vmul.f32 v61, v3;
	[tilespmem:s28+$0x9AD0] =	vst v63  }
0x1ec: {  	[tilespmem:s28+$0x9AE0] =	vst v2  }
0x1ed: {  	s24 =	sadd.s32 $0x1400, s24;
	s25 =	sadd.s32 $0x10, s25;
	s26 =	sadd.s32 $0x100, s26;
	[tilespmem:s28+$0x9AC0] =	vst v3  }
0x1ee: {  	s23 =	sadd.s32 $0x1, s23  }
0x1ef: {  	p0 =	sne.s32 s23, $0x32  }
.Ltmp3:
0x1f0: {  	(ifvalue) =	ssetifvalue $0xFFFFFFFF;
	(pc) =	sbr.rel @p0 .LBB2_4-.Ltmp3, $4  }
0x1f1: {  	[spmem:s2] =	stream.indirect.scatter.add.f32 [tilespmem:s12], [sflag:$0x3], $0x50, s21, s16, $0x40b8;
	[tilespmem:$0x17D90] =	vst v63  }
0x1f2: {  	_ =	swait.ge [sflag:s13], $0x7D00  }
0x1f3: {  	[sflag:s13] =	ssyncset.done $0x0  }
0x1f4: {  	[sflag:s13] =	ssyncadd.s32 $0xFFFF8300  }
0x1f5: {  	[bflag:$0x0] =	sbarrier.arrive $0xFFFF  }
0x1f6: {  	[tilespmem:s12], [sflag:$0x3] =	stream.linear.gather [spmem:s9], $0x62C0, $0x38;
	[tilespmem:$0x17D90] =	vst v63  }
0x1f7: {  	s22 =	sadd.s32 $0x1, s22;
	_ =	swait.ge [sflag:s13], $0x62C0  }
0x1f8: {  	p0 =	sne.s32 s22, s11;
	[sflag:s13] =	ssyncset.done $0x0  }
.Ltmp4:
0x1f9: {  	[sflag:s13] =	ssyncadd.s32 $0xFFFF9D40;
	(pc) =	sbr.rel @p0 .LBB2_1-.Ltmp4, $4  }
0x1fa: {  	[hbm4b:s10+s3] =	stream.linear.scatter [tilespmem:s12], [sflag:$0x3], $0x62C0, $0x38;
	[tilespmem:$0x17D90] =	vst v63  }
0x1fb: {  	_ =	swait.ge [sflag:s13], $0x62C0  }
0x1fc: {  	[sflag:s13] =	ssyncset.done $0x0  }
0x1fd: {  	[sflag:s13] =	ssyncadd.s32 $0xFFFF9D40  }
0x1fe: {  	_ =	sfence.sel $0x180000  }
0x1ff: {  	[bflag:$0x0] =	sbarrier.arrive $0xFFFF  }
0x200: {  	p0 =	sne.s32 s1, $0x0;
	_ =	strace $0x9000004A  }
0x201: {  	s0 =	sadd.s32 @!p0 $0x100000, s0;
	[bflag:$0x2] =	sbarrier.arrive $0xFFFF  }
0x202: {  	[sflag:s0] =	ssyncadd.tile.s32 @!p0 $0x1;
	_ =	shalt  }
.Lfunc_end2:
_tile_overlayer_lowered:
.L_overlay_start_2:
0x203: {  	(tag) =	ssettag $0x2  }
0x204: {  	s0 =	rddreg [dreg:$0x0];
	s2 =	stileid.u32  }
0x205: {  	s1 =	rddreg [dreg:$0x1];
	p0 =	sne.s32 s2, $0x0  }
0x206: {  	s3 =	rddreg [dreg:$0x2];
	[bflag:$0x3] =	sbarrier.arrive $0xFFFF;
	s2 =	simm.s32 @!p0 $0x1C03  }
0x207: {  	[timem:s3], [sflag:s2] =	dma.local @!p0 [hbm:s0], s1  }
0x208: {  	s0 =	simm.s32 @!p0 $0x3  }
0x209: {  	_ =	swait.ge @!p0 [sflag:s0], s1  }
0x20a: {  	s1 =	ssub.s32 @!p0 $0x0, s1;
	[sflag:s0] =	ssyncset.done @!p0 $0x0  }
0x20b: {  	[sflag:s0] =	ssyncadd.s32 @!p0 s1  }
0x20c: {  	[bflag:$0x3] =	sbarrier.arrive $0xFFFF  }
0x20d: {  	_ =	shalt  }

// kernel: kernel.7.cloned.1.call-start
scs
__scs_entry_jumppad:
0x0: {  	(pc) =	sbr.rel $0x88, $3  }
0x1: {  	(tag) =	ssettag $0x0;
	lr =	simm.s32 $0x1  }
0x2: {  	[smem:$0x3F95] =	sst lr;
	_ =	strace $0xD0000000  }
0x3: {  	_ = 	snop  }
0x4: {  	_ = 	snop  }
0x5: {  	_ = 	snop  }
0x6: {  	_ = 	snop  }
0x7: {  	_ = 	snop  }
__scs_overlays_trampoline_lowered:
0x8: {  	[smem:$0x3FA4] =	sst s0  }
0x9: {  	[smem:$0x3FA5] =	sst s1  }
0xa: {  	[smem:$0x3FA6] =	sst s2  }
0xb: {  	[smem:$0x3FA7] =	sst s3  }
0xc: {  	[smem:$0x3FA8] =	sst s4  }
0xd: {  	[smem:$0x3FA9] =	sst s5  }
0xe: {  	[smem:$0x3FAA] =	sst s6  }
0xf: {  	[smem:$0x3FAB] =	sst s7  }
0x10: {  	[smem:$0x3FAC] =	sst s8  }
0x11: {  	[smem:$0x3FAD] =	sst s9;
	s0 =	simm.s32 @!p0 $0x0  }
0x12: {  	s1 =	sld [smem:$0x3F93];
	s0 =	simm.s32 @p0 $0x1  }
0x13: {  	[smem:$0x3FAE] =	sst s0;
	s0 =	simm.s32 @!p1 $0x0  }
0x14: {  	s2 =	sld [smem:$0x3F92];
	s0 =	simm.s32 @p1 $0x1  }
0x15: {  	[smem:$0x3FAF] =	sst s0;
	s0 =	simm.s32 @!p2 $0x0  }
0x16: {  	s3 =	sld [smem:$0x3FDB];
	s0 =	simm.s32 @p2 $0x1  }
0x17: {  	s4 =	simm.s32 $0x1BF5;
	[smem:$0x3FB1] =	sst s0  }
0x18: {  	s0 =	sld [smem:$0x3F94];
	_ =	swait.ge [sflag:s4], $0x0  }
0x19: {  	s7 =	sld [smem:$0x3F95]  }
0x1a: {  	s8 =	sadd.s32 $0xFFFFE003, lr  }
0x1b: {  	s9 =	sadd.s32 $0xFFFFFEF7, lr;
	s5 =	simm.s32 $0xFFFFFFFF;
	p2 =	slt.u32 s8, $0xFFFFF086  }
0x1c: {  	p1 =	slt.u32 s9, $0xF7A;
	s5 =	simm.s32 @!p2 $0x0  }
0x1d: {  	s5 =	simm.s32 @p1 $0x1;
	p0 =	seq.s32 s7, s2  }
0x1e: {  	s7 =	smul.u32 @!p0 $0xF7A, s2;
	p2 =	seq.s32 @!p0 s5, $0x0  }
0x1f: {  	s9 =	smul.u32 $0xF7A, s1;
	s8 =	simm.s32 @!p0 $0x1BF5;
	p2 =	por !p2, p0  }
0x20: {  	[sflag:s8] =	ssyncset.s32 @!p0 $0xFFFFF086;
	s6 =	sadd.s32 @!p0 s3, s7;
	s7 =	simm.s32 @!p0 $0x108  }
0x21: {  	s3 =	sadd.s32 s3, s9;
	s6 =	sadd.s32 @!p0 $0x88, s6;
	s7 =	simm.s32 @p2 $0x1082  }
0x22: {  	[simem:s7], [sflag:s8] =	dma.local @!p0 [hbm:s6], $0xF7A  }
0x23: {  	s9 =	sor.u32 $0xD0000000, s2;
	s6 =	simm.s32 $0x108;
	_ =	swait.ge @!p0 [sflag:s8], $0x0  }
0x24: {  	s3 =	sadd.s32 $0x88, s3;
	s6 =	simm.s32 @!p1 $0x1082;
	[sflag:s4] =	ssyncset.s32 $0xFFFFF086  }
0x25: {  	[simem:s6], [sflag:s4] =	dma.local [hbm:s3], $0xF7A  }
0x26: {  	[smem:$0x3F95] =	sst s1;
	(tag) =	ssettag s2;
	_ =	strace s9  }
0x27: {  	s1 =	sld [smem:$0x3FA5]  }
0x28: {  	s2 =	sld [smem:$0x3FA6]  }
0x29: {  	s4 =	sld [smem:$0x3FA8]  }
0x2a: {  	p0 =	seq.s32 s5, $0x0;
	s5 =	sld [smem:$0x3FA9]  }
0x2b: {  	s6 =	sld [smem:$0x3FAA]  }
0x2c: {  	s7 =	sld [smem:$0x3FAB]  }
0x2d: {  	s3 =	simm.s32 $0x108;
	s8 =	sld [smem:$0x3FAC]  }
0x2e: {  	s3 =	simm.s32 @!p0 $0x1082;
	s9 =	sld [smem:$0x3FAD]  }
0x2f: {  	lr =	sadd.s32 s0, s3;
	s0 =	sld [smem:$0x3FA4]  }
0x30: {  	s3 =	sld [smem:$0x3FA7]  }
0x31: {  	[smem:$0x3FB0] =	sst s10  }
0x32: {  	s10 =	sld [smem:$0x3FAE];
	_ =	sdelay $0x3  }
0x33: {  	p0 =	seq.s32 s10, $0x1;
	s10 =	sld [smem:$0x3FB0];
	_ =	sdelay $0x3  }
0x34: {  	[smem:$0x3FB0] =	sst s10  }
0x35: {  	s10 =	sld [smem:$0x3FAF];
	_ =	sdelay $0x3  }
0x36: {  	p1 =	seq.s32 s10, $0x1;
	s10 =	sld [smem:$0x3FB0];
	_ =	sdelay $0x3  }
0x37: {  	[smem:$0x3FB0] =	sst s10  }
0x38: {  	s10 =	sld [smem:$0x3FB1]  }
0x39: {  	_ = 	snop;
	(pc) =	sbr.ind lr, $3  }
0x3a: {  	_ = 	snop  }
0x3b: {  	_ = 	snop  }
0x3c: {  	p2 =	seq.s32 s10, $0x1;
	s10 =	sld [smem:$0x3FB0]  }
0x3d: {  	_ =	shalt  }
0x3e: {  	_ =	shalt  }
0x3f: {  	_ =	shalt  }
0x40: {  	_ =	shalt  }
0x41: {  	_ =	shalt  }
0x42: {  	_ =	shalt  }
0x43: {  	_ =	shalt  }
0x44: {  	_ =	shalt  }
0x45: {  	_ =	shalt  }
0x46: {  	_ =	shalt  }
0x47: {  	_ =	shalt  }
0x48: {  	_ =	shalt  }
0x49: {  	_ =	shalt  }
0x4a: {  	_ =	shalt  }
0x4b: {  	_ =	shalt  }
0x4c: {  	_ =	shalt  }
0x4d: {  	_ =	shalt  }
0x4e: {  	_ =	shalt  }
0x4f: {  	_ =	shalt  }
0x50: {  	_ =	shalt  }
0x51: {  	_ =	shalt  }
0x52: {  	_ =	shalt  }
0x53: {  	_ =	shalt  }
0x54: {  	_ =	shalt  }
0x55: {  	_ =	shalt  }
0x56: {  	_ =	shalt  }
0x57: {  	_ =	shalt  }
0x58: {  	_ =	shalt  }
0x59: {  	_ =	shalt  }
0x5a: {  	_ =	shalt  }
0x5b: {  	_ =	shalt  }
0x5c: {  	_ =	shalt  }
0x5d: {  	_ =	shalt  }
0x5e: {  	_ =	shalt  }
0x5f: {  	_ =	shalt  }
0x60: {  	_ =	shalt  }
0x61: {  	_ =	shalt  }
0x62: {  	_ =	shalt  }
0x63: {  	_ =	shalt  }
0x64: {  	_ =	shalt  }
0x65: {  	_ =	shalt  }
0x66: {  	_ =	shalt  }
0x67: {  	_ =	shalt  }
0x68: {  	_ =	shalt  }
0x69: {  	_ =	shalt  }
0x6a: {  	_ =	shalt  }
0x6b: {  	_ =	shalt  }
0x6c: {  	_ =	shalt  }
0x6d: {  	_ =	shalt  }
0x6e: {  	_ =	shalt  }
0x6f: {  	_ =	shalt  }
0x70: {  	_ =	shalt  }
0x71: {  	_ =	shalt  }
0x72: {  	_ =	shalt  }
0x73: {  	_ =	shalt  }
0x74: {  	_ =	shalt  }
0x75: {  	_ =	shalt  }
0x76: {  	_ =	shalt  }
0x77: {  	_ =	shalt  }
0x78: {  	_ =	shalt  }
0x79: {  	_ =	shalt  }
0x7a: {  	_ =	shalt  }
0x7b: {  	_ =	shalt  }
0x7c: {  	_ =	shalt  }
0x7d: {  	_ =	shalt  }
0x7e: {  	_ =	shalt  }
0x7f: {  	_ =	shalt  }
0x80: {  	_ =	shalt  }
0x81: {  	_ =	shalt  }
0x82: {  	_ =	shalt  }
0x83: {  	_ =	shalt  }
0x84: {  	_ =	shalt  }
0x85: {  	_ =	shalt  }
0x86: {  	_ =	shalt  }
0x87: {  	_ =	shalt  }
.Lfunc_end0:
.L_simem_size_0:
called_computation_lowered:
.L_overlay_start_0:
0x88: {  	s2 =	sld [smem:$0x3FD9]  }
0x89: {  	s3 =	sld [smem:$0x3FFE];
	_ =	sdelay $0x1  }
0x8a: {  	s1 =	srdreg.scid  }
0x8b: {  	s0 =	sand.u32 $0x1, s1  }
0x8c: {  	s16 =	sshll.u32 s0, $0xA;
	s2 =	sadd.s32 s3, s2  }
0x8d: {  	s2 =	sadd.s32 s2, s16  }
0x8e: {  	[smem:$0x3FBC] =	sst s2  }
0x8f: {  	_ = 	snop  }
0x90: {  	(tm) =	ssettm $0x1  }
0x91: {  	s17 =	sld [smem:$0x3FFB];
	_ =	sdelay $0x3  }
0x92: {  	_ =	strace s17  }
0x93: {  	s2 =	sld [smem:$0x3FFC];
	_ =	sdelay $0x3  }
0x94: {  	_ =	strace s2  }
0x95: {  	s2 =	sld [smem:$0x3FFD];
	_ =	sdelay $0x3  }
0x96: {  	_ =	strace s2  }
0x97: {  	_ =	strace $0x8FFFFFFF  }
0x98: {  	s18 =	sld [smem:$0x3FDB];
	_ =	sdelay $0x1  }
0x99: {  	s19 =	simm.s32 $_scs_section_size  }
0x9a: {  	s4 =	simm.s32 $_size__tile_overlayer_lowered;
	s5 =	simm.s32 $_tile_overlayer_lowered  }
0x9b: {  	s22 =	simm.s32 $0x1BFF;
	s21 =	sshll.u32 s5, $0x1;
	s2 =	sadd.s32 s19, s18  }
0x9c: {  	s6 =	simm.s32 $0x0;
	s20 =	sshll.u32 s4, $0x1;
	s4 =	sadd.s32 s21, s2  }
0x9d: {  	[timem:s6], [sflag:s22] =	dma.local [hbm:s4], s20  }
0x9e: {  	_ =	swait.ge [sflag:s22], s20  }
0x9f: {  	s3 =	ssub.s32 $0x0, s20;
	[sflag:s22] =	ssyncset.done $0x0  }
0xa0: {  	[sflag:s22] =	ssyncadd.s32 s3;
	_ =	sdelay $0x1  }
0xa1: {  	s23 =	simm.s32 $0x1B8B  }
0xa2: {  	_ =	swait.ge [sflag:s23], $0x1  }
0xa3: {  	[sflag:s23] =	ssyncset.done $0x0  }
0xa4: {  	s25 =	simm.s32 $0x1B8E;
	s24 =	sld [smem:$0x3FFE];
	[sflag:s23] =	ssyncadd.s32 $0xFFFFFFFF  }
0xa5: {  	s26 =	simm.s32 $execute0_lowered;
	[smem:$0x3FD2] =	sst s25  }
0xa6: {  	s4 =	sshll.u32 s26, $0x1;
	_ =	strace $0x80000046;
	[dreg:$0x1] =	wrdreg $0xFFFFFFFF  }
0xa7: {  	s28 =	simm.s32 $_size_execute0_lowered;
	s2 =	sadd.s32 s2, s4;
	[dreg:$0x0] =	wrdreg $0x0  }
0xa8: {  	s4 =	sshll.u32 s28, $0x1;
	[dreg:$0x2] =	wrdreg s2  }
0xa9: {  	[dreg:$0x3] =	wrdreg s4  }
0xaa: {  	[dreg:$0x4] =	wrdreg $0xC0  }
0xab: {  	_ =	task [dreg:s6], $0x5FFFF  }
0xac: {  	[dreg:$0x1] =	wrdreg $0xFFFFFFFF  }
0xad: {  	[dreg:$0x0] =	wrdreg $0x60  }
0xae: {  	[dreg:$0x2] =	wrdreg s24  }
0xaf: {  	[dreg:$0x3] =	wrdreg $0x11AD00  }
0xb0: {  	[dreg:$0x4] =	wrdreg $0x9  }
0xb1: {  	_ =	task.clear_ibuf [dreg:s6], $0x5FFFF;
	_ =	strace $0x90000046  }
0xb2: {  	s29 =	simm.s32 $0x9;
	_ =	strace $0x80000048  }
0xb3: {  	_ =	swait.ge [sflag:s29], $0x1  }
0xb4: {  	[sflag:s29] =	ssyncadd.s32 $0xFFFFFFFF  }
0xb5: {  	_ =	strace $0x90000048  }
0xb6: {  	_ =	sfence  }
0xb7: {  	s30 =	sld [smem:$0x0];
	_ =	sdelay $0x2  }
0xb8: {  	s31 =	sshll.u32 s1, $0xD;
	s1 =	sshrl.u32 s1, $0x2  }
0xb9: {  	s3 =	sand.u32 $0x4000, s31;
	s1 =	sadd.s32 s1, s30  }
0xba: {  	s0 =	sor.u32 s3, s0;
	s1 =	sshll.u32 s1, $0x11  }
0xbb: {  	s0 =	sor.u32 s1, s0  }
0xbc: {  	s0 =	sadd.s32 $0x8F2B, s0  }
0xbd: {  	[sflag:s0] =	ssyncadd.remote.s32 $0x1  }
0xbe: {  	_ =	sfence.sel $0xFFFF  }
0xbf: {  	[dreg:$0x0] =	wrdreg $0xFFFFFFFF;
	(pc) =	sbr.abs _section_cstart, $3  }
0xc0: {  	[dreg:$0x1] =	wrdreg $0xFFFFFFFF  }
0xc1: {  	_ =	task.clear_ibuf [dreg:s6], $0x2FFFF;
	_ =	strace $0x9FFFFFFF  }
0xc2: {  	(tm) =	ssettm $0x7FFFFFFF  }
0xc3: {  	_ =	shalt  }
tec
execute0_lowered:
.L_overlay_start_1:
0x0: {  	(tag) =	ssettag $0x1  }
0x1: {  	s8 =	rddreg [dreg:$0x0]  }
0x2: {  	s2 =	rddreg [dreg:$0x1]  }
0x3: {  	s0 =	rddreg [dreg:$0x2];
	s4 =	srdreg.scid  }
0x4: {  	s1 =	stileid.u32;
	s3 =	simm.s32 $0x0;
	s14 =	simm.s32 $0x11300  }
0x5: {  	s15 =	simm.s32 $0x11490;
	s16 =	simm.s32 $0x190;
	s17 =	simm.s32 $0x11620  }
0x6: {  	s18 =	simm.s32 $0x7D00;
	s19 =	simm.s32 $0x1;
	s21 =	simm.s32 $0x117B0  }
0x7: {  	s22 =	simm.s32 $0x0;
	s10 =	sand.u32 $0x1, s4;
	s9 =	smul.u32 $0x62C0, s1  }
0x8: {  	[smem:$0x7FF] =	sst s3;
	s4 =	sadd.s32 $0x1800, s8;
	s5 =	sadd.s32 $0x1A400, s8  }
0x9: {  	s6 =	sadd.s32 $0x29200, s8;
	s7 =	smul.u32 $0x62C00, s10;
	s12 =	ssub.s32 $0x2, s10  }
0xa: {  	_ =	strace $0x80000047;
	s20 =	smul.u32 $0x13C0, s10;
	s13 =	sshrl.u32 s12, $0x1  }
0xb: {  	s11 =	sadd.s32 s9, s7;
	s7 =	sadd.s32 $0x1F400, s8;
	s12 =	ssub.s32 s12, s13  }
0xc: {  	s9 =	sadd.s32 s9, s2;
	s13 =	simm.s32 $0x3;
	s11 =	sshrl.u32 s11, $0x3  }
0xd: {  	v0 =	vmov s20;
	s20 =	simm.s32 $0x2;
	s11 =	sadd.s32 s11, s8;
	s8 =	smul.u32 $0x4E20, s1  }
0xe: {  	v1 =	vimm.f32 $0.0e+00;
	s10 =	sadd.s32 $0x33000, s11;
	s11 =	smax.u32 s12, $0x1;
	s12 =	simm.s32 $0x9600  }
.LBB2_1:
0xf: {  	s24 =	simm.s32 $0x96A0  }
0x10: {  	s23 =	simm.s32 $0xA0;
	[tilespmem:s24+$0xFFFFFF60] =	vst v1  }
0x11: {  	[tilespmem:s23+$0xFFFFFF60] =	vst v1  }
0x12: {  	[tilespmem:s24+$0xFFFFFF70] =	vst v1  }
0x13: {  	[tilespmem:s23+$0xFFFFFF70] =	vst v1  }
0x14: {  	[tilespmem:s24+$0xFFFFFF80] =	vst v1  }
0x15: {  	[tilespmem:s23+$0xFFFFFF80] =	vst v1  }
0x16: {  	[tilespmem:s24+$0xFFFFFF90] =	vst v1  }
0x17: {  	[tilespmem:s23+$0xFFFFFF90] =	vst v1  }
0x18: {  	[tilespmem:s24+$0xFFFFFFA0] =	vst v1  }
0x19: {  	[tilespmem:s23+$0xFFFFFFA0] =	vst v1  }
0x1a: {  	[tilespmem:s24+$0xFFFFFFB0] =	vst v1  }
0x1b: {  	[tilespmem:s23+$0xFFFFFFB0] =	vst v1  }
0x1c: {  	[tilespmem:s24+$0xFFFFFFC0] =	vst v1  }
0x1d: {  	[tilespmem:s23+$0xFFFFFFC0] =	vst v1  }
0x1e: {  	[tilespmem:s24+$0xFFFFFFD0] =	vst v1  }
0x1f: {  	[tilespmem:s23+$0xFFFFFFD0] =	vst v1  }
0x20: {  	[tilespmem:s24+$0xFFFFFFE0] =	vst v1  }
0x21: {  	[tilespmem:s23+$0xFFFFFFE0] =	vst v1  }
0x22: {  	[tilespmem:s24+$0xFFFFFFF0] =	vst v1  }
0x23: {  	[tilespmem:s23+$0xFFFFFFF0] =	vst v1  }
0x24: {  	[tilespmem:s24+$0x0] =	vst v1  }
0x25: {  	[tilespmem:s23+$0x0] =	vst v1  }
0x26: {  	[tilespmem:s24+$0x10] =	vst v1  }
0x27: {  	[tilespmem:s23+$0x10] =	vst v1  }
0x28: {  	[tilespmem:s24+$0x20] =	vst v1  }
0x29: {  	[tilespmem:s23+$0x20] =	vst v1  }
0x2a: {  	[tilespmem:s24+$0x30] =	vst v1  }
0x2b: {  	[tilespmem:s23+$0x30] =	vst v1  }
0x2c: {  	[tilespmem:s24+$0x40] =	vst v1  }
0x2d: {  	[tilespmem:s23+$0x40] =	vst v1  }
0x2e: {  	[tilespmem:s24+$0x50] =	vst v1  }
0x2f: {  	[tilespmem:s23+$0x50] =	vst v1  }
0x30: {  	[tilespmem:s24+$0x60] =	vst v1  }
0x31: {  	[tilespmem:s23+$0x60] =	vst v1  }
0x32: {  	[tilespmem:s24+$0x70] =	vst v1  }
0x33: {  	[tilespmem:s23+$0x70] =	vst v1  }
0x34: {  	[tilespmem:s24+$0x80] =	vst v1  }
0x35: {  	[tilespmem:s23+$0x80] =	vst v1  }
0x36: {  	[tilespmem:s24+$0x90] =	vst v1  }
0x37: {  	s25 =	simm.s32 $0x97E0;
	s24 =	simm.s32 $0x0;
	[tilespmem:s23+$0x90] =	vst v1  }
.LBB2_2:
0x38: {  	[tilespmem:s25+$0xFFFFFF60] =	vst v1;
	s23 =	sadd.s32 $0x140, s23  }
0x39: {  	[tilespmem:s23+$0xFFFFFF60] =	vst v1  }
0x3a: {  	[tilespmem:s25+$0xFFFFFF70] =	vst v1  }
0x3b: {  	[tilespmem:s23+$0xFFFFFF70] =	vst v1  }
0x3c: {  	[tilespmem:s25+$0xFFFFFF80] =	vst v1  }
0x3d: {  	[tilespmem:s23+$0xFFFFFF80] =	vst v1  }
0x3e: {  	[tilespmem:s25+$0xFFFFFF90] =	vst v1  }
0x3f: {  	[tilespmem:s23+$0xFFFFFF90] =	vst v1  }
0x40: {  	[tilespmem:s25+$0xFFFFFFA0] =	vst v1  }
0x41: {  	[tilespmem:s23+$0xFFFFFFA0] =	vst v1  }
0x42: {  	[tilespmem:s25+$0xFFFFFFB0] =	vst v1  }
0x43: {  	[tilespmem:s23+$0xFFFFFFB0] =	vst v1  }
0x44: {  	[tilespmem:s25+$0xFFFFFFC0] =	vst v1  }
0x45: {  	[tilespmem:s23+$0xFFFFFFC0] =	vst v1  }
0x46: {  	[tilespmem:s25+$0xFFFFFFD0] =	vst v1  }
0x47: {  	[tilespmem:s23+$0xFFFFFFD0] =	vst v1  }
0x48: {  	[tilespmem:s25+$0xFFFFFFE0] =	vst v1  }
0x49: {  	[tilespmem:s23+$0xFFFFFFE0] =	vst v1  }
0x4a: {  	[tilespmem:s25+$0xFFFFFFF0] =	vst v1  }
0x4b: {  	[tilespmem:s23+$0xFFFFFFF0] =	vst v1  }
0x4c: {  	[tilespmem:s25+$0x0] =	vst v1  }
0x4d: {  	[tilespmem:s23+$0x0] =	vst v1  }
0x4e: {  	[tilespmem:s25+$0x10] =	vst v1  }
0x4f: {  	[tilespmem:s23+$0x10] =	vst v1  }
0x50: {  	[tilespmem:s25+$0x20] =	vst v1  }
0x51: {  	[tilespmem:s23+$0x20] =	vst v1  }
0x52: {  	[tilespmem:s25+$0x30] =	vst v1  }
0x53: {  	[tilespmem:s23+$0x30] =	vst v1  }
0x54: {  	[tilespmem:s25+$0x40] =	vst v1  }
0x55: {  	[tilespmem:s23+$0x40] =	vst v1  }
0x56: {  	[tilespmem:s25+$0x50] =	vst v1  }
0x57: {  	[tilespmem:s23+$0x50] =	vst v1  }
0x58: {  	[tilespmem:s25+$0x60] =	vst v1  }
0x59: {  	s24 =	sadd.s32 $0x4, s24;
	[tilespmem:s23+$0x60] =	vst v1  }
0x5a: {  	p0 =	slt.u32 s24, $0x18C;
	[tilespmem:s25+$0x70] =	vst v1  }
.Ltmp0:
0x5b: {  	[tilespmem:s23+$0x70] =	vst v1;
	(pc) =	sbr.rel @p0 .LBB2_2-.Ltmp0, $4  }
0x5c: {  	[tilespmem:s25+$0x80] =	vst v1  }
0x5d: {  	[tilespmem:s23+$0x80] =	vst v1  }
0x5e: {  	[tilespmem:s25+$0x90] =	vst v1  }
0x5f: {  	s25 =	sadd.s32 $0x140, s25;
	[tilespmem:s23+$0x90] =	vst v1  }
0x60: {  	[spmem:s9] =	stream.linear.scatter [tilespmem:s12], [sflag:$0x3], $0x62C0, $0x38;
	[tilespmem:$0x17D90] =	vst v63  }
0x61: {  	_ =	swait.ge [sflag:s13], $0x62C0  }
0x62: {  	[sflag:s13] =	ssyncset.done $0x0  }
0x63: {  	[sflag:s13] =	ssyncadd.s32 $0xFFFF9D40  }
0x64: {  	s23 =	simm.s32 $0x0;
	[bflag:$0x0] =	sbarrier.arrive $0xFFFF  }
.LBB2_4:
0x65: {  	s24 =	smul.u32 $0x190, s23;
	_ =	sdelay $0x1  }
0x66: {  	s24 =	sadd.s32 s8, s24  }
0x67: {  	s24 =	sshrl.u32 s24, $0x3  }
0x68: {  	s25 =	sadd.s32 s6, s24  }
0x69: {  	[tilespmem:s14], [sflag:$0x3] =	stream.linear.gather [hbm4b:s25+s3], $0x190, $0x38;
	[tilespmem:$0x17D90] =	vst v63  }
0x6a: {  	_ =	swait.ge [sflag:s13], $0x190  }
0x6b: {  	[sflag:s13] =	ssyncset.done $0x0  }
0x6c: {  	s24 =	sadd.s32 s7, s24;
	[sflag:s13] =	ssyncadd.s32 $0xFFFFFE70  }
0x6d: {  	[tilespmem:s15], [sflag:$0x3] =	stream.linear.gather [hbm4b:s24+s3], $0x190, $0x38;
	[tilespmem:$0x17D90] =	vst v63  }
0x6e: {  	_ =	swait.ge [sflag:s13], $0x190  }
0x6f: {  	[sflag:s13] =	ssyncset.done $0x0  }
0x70: {  	s24 =	simm.s32 $0x114B0;
	[sflag:s13] =	ssyncadd.s32 $0xFFFFFE70  }
0x71: {  	v2 =	vld [tilespmem:s24+$0xFFFFFFE0];
	_ =	sdelay $0x1  }
0x72: {  	s25 =	simm.s32 $0x11320  }
0x73: {  	v3 =	vld [tilespmem:s25+$0xFFFFFFE0];
	_ =	sdelay $0x1  }
0x74: {  	v2 =	vsub.s32 v2, v0  }
0x75: {  	vm0 =	vlt.u32 v2, $0x13C0  }
0x76: {  	s29 =	simm.s32 $0x117D0;
	v2 =	vnsel vm0, $0xFFFFFFFF, v2  }
0x77: {  	s30 =	simm.s32 $0x11640;
	[tilespmem:s29+$0xFFFFFFE0] =	vst v2;
	v2 =	vnsel vm0, $0xFFFFFFFF, v3  }
0x78: {  	s26 =	simm.s32 $0x11960;
	[tilespmem:s30+$0xFFFFFFE0] =	vst v2;
	v2 =	vsel vm0, $0x3F800000, v1  }
0x79: {  	[tilespmem:s26+$0xFFFFFFE0] =	vst v2  }
0x7a: {  	v2 =	vld [tilespmem:s24+$0xFFFFFFF0];
	_ =	sdelay $0x2  }
0x7b: {  	v3 =	vld [tilespmem:s25+$0xFFFFFFF0];
	_ =	sdelay $0x1  }
0x7c: {  	v2 =	vsub.s32 v2, v0  }
0x7d: {  	vm12 =	vlt.u32 v2, $0x13C0  }
0x7e: {  	v2 =	vnsel vm12, $0xFFFFFFFF, v2  }
0x7f: {  	[tilespmem:s29+$0xFFFFFFF0] =	vst v2;
	v2 =	vnsel vm12, $0xFFFFFFFF, v3  }
0x80: {  	[tilespmem:s30+$0xFFFFFFF0] =	vst v2;
	v2 =	vsel vm12, $0x3F800000, v1  }
0x81: {  	[tilespmem:s26+$0xFFFFFFF0] =	vst v2  }
0x82: {  	v2 =	vld [tilespmem:s24+$0x0];
	_ =	sdelay $0x2  }
0x83: {  	v3 =	vld [tilespmem:s25+$0x0];
	_ =	sdelay $0x1  }
0x84: {  	v2 =	vsub.s32 v2, v0  }
0x85: {  	vm13 =	vlt.u32 v2, $0x13C0  }
0x86: {  	v2 =	vnsel vm13, $0xFFFFFFFF, v2  }
0x87: {  	[tilespmem:s29+$0x0] =	vst v2;
	v2 =	vnsel vm13, $0xFFFFFFFF, v3  }
0x88: {  	[tilespmem:s30+$0x0] =	vst v2;
	v2 =	vsel vm13, $0x3F800000, v1  }
0x89: {  	[tilespmem:s26+$0x0] =	vst v2  }
0x8a: {  	v2 =	vld [tilespmem:s24+$0x10];
	_ =	sdelay $0x2  }
0x8b: {  	v3 =	vld [tilespmem:s25+$0x10];
	_ =	sdelay $0x1  }
0x8c: {  	v2 =	vsub.s32 v2, v0  }
0x8d: {  	vm14 =	vlt.u32 v2, $0x13C0  }
0x8e: {  	v2 =	vnsel vm14, $0xFFFFFFFF, v2  }
0x8f: {  	[tilespmem:s29+$0x10] =	vst v2;
	v2 =	vnsel vm14, $0xFFFFFFFF, v3  }
0x90: {  	[tilespmem:s30+$0x10] =	vst v2;
	v2 =	vsel vm14, $0x3F800000, v1  }
0x91: {  	[tilespmem:s26+$0x10] =	vst v2  }
0x92: {  	v2 =	vld [tilespmem:s24+$0x20];
	_ =	sdelay $0x2  }
0x93: {  	v3 =	vld [tilespmem:s25+$0x20];
	_ =	sdelay $0x1  }
0x94: {  	v2 =	vsub.s32 v2, v0  }
0x95: {  	vm15 =	vlt.u32 v2, $0x13C0  }
0x96: {  	v2 =	vnsel vm15, $0xFFFFFFFF, v2  }
0x97: {  	s28 =	simm.s32 $0x0;
	[tilespmem:s29+$0x20] =	vst v2;
	v2 =	vnsel vm15, $0xFFFFFFFF, v3  }
0x98: {  	s31 =	simm.s32 $0x119B0;
	s29 =	simm.s32 $0x11820;
	[tilespmem:s30+$0x20] =	vst v2;
	v2 =	vsel vm15, $0x3F800000, v1;
	s30 =	simm.s32 $0x11690  }
.LBB2_5:
0x99: {  	s28 =	sadd.s32 $0x5, s28;
	[tilespmem:s26+$0x20] =	vst v2;
	s24 =	sadd.s32 $0x50, s24;
	s25 =	sadd.s32 $0x50, s25  }
0x9a: {  	s26 =	smov.u32 s31;
	v2 =	vld [tilespmem:s24+$0xFFFFFFE0];
	p0 =	slt.u32 s28, $0x14;
	_ =	sdelay $0x2  }
0x9b: {  	v3 =	vld [tilespmem:s25+$0xFFFFFFE0];
	_ =	sdelay $0x1  }
0x9c: {  	v2 =	vsub.s32 v2, v0  }
0x9d: {  	vm0 =	vlt.u32 v2, $0x13C0  }
0x9e: {  	v2 =	vnsel vm0, $0xFFFFFFFF, v2  }
0x9f: {  	[tilespmem:s29+$0xFFFFFFE0] =	vst v2;
	v2 =	vnsel vm0, $0xFFFFFFFF, v3  }
0xa0: {  	[tilespmem:s30+$0xFFFFFFE0] =	vst v2;
	v2 =	vsel vm0, $0x3F800000, v1  }
0xa1: {  	[tilespmem:s31+$0xFFFFFFE0] =	vst v2  }
0xa2: {  	v2 =	vld [tilespmem:s24+$0xFFFFFFF0];
	_ =	sdelay $0x2  }
0xa3: {  	v3 =	vld [tilespmem:s25+$0xFFFFFFF0];
	_ =	sdelay $0x1  }
0xa4: {  	v2 =	vsub.s32 v2, v0  }
0xa5: {  	vm0 =	vlt.u32 v2, $0x13C0  }
0xa6: {  	v2 =	vnsel vm0, $0xFFFFFFFF, v2  }
0xa7: {  	[tilespmem:s29+$0xFFFFFFF0] =	vst v2;
	v2 =	vnsel vm0, $0xFFFFFFFF, v3  }
0xa8: {  	[tilespmem:s30+$0xFFFFFFF0] =	vst v2;
	v2 =	vsel vm0, $0x3F800000, v1  }
0xa9: {  	[tilespmem:s31+$0xFFFFFFF0] =	vst v2  }
0xaa: {  	v2 =	vld [tilespmem:s24+$0x0];
	_ =	sdelay $0x2  }
0xab: {  	v3 =	vld [tilespmem:s25+$0x0];
	_ =	sdelay $0x1  }
0xac: {  	v2 =	vsub.s32 v2, v0  }
0xad: {  	vm0 =	vlt.u32 v2, $0x13C0  }
0xae: {  	v2 =	vnsel vm0, $0xFFFFFFFF, v2  }
0xaf: {  	[tilespmem:s29+$0x0] =	vst v2;
	v2 =	vnsel vm0, $0xFFFFFFFF, v3  }
0xb0: {  	[tilespmem:s30+$0x0] =	vst v2;
	v2 =	vsel vm0, $0x3F800000, v1  }
0xb1: {  	[tilespmem:s31+$0x0] =	vst v2  }
0xb2: {  	v2 =	vld [tilespmem:s24+$0x10]  }
0xb3: {  	v3 =	vld [tilespmem:s25+$0x10];
	_ =	sdelay $0x3  }
0xb4: {  	v2 =	vsub.s32 v2, v0  }
0xb5: {  	vm0 =	vlt.u32 v2, $0x13C0  }
0xb6: {  	v2 =	vnsel vm0, $0xFFFFFFFF, v2  }
0xb7: {  	[tilespmem:s29+$0x10] =	vst v2;
	v2 =	vnsel vm0, $0xFFFFFFFF, v3  }
0xb8: {  	[tilespmem:s30+$0x10] =	vst v2;
	v2 =	vsel vm0, $0x3F800000, v1  }
0xb9: {  	[tilespmem:s31+$0x10] =	vst v2  }
0xba: {  	v2 =	vld [tilespmem:s24+$0x20]  }
0xbb: {  	v3 =	vld [tilespmem:s25+$0x20];
	_ =	sdelay $0x3  }
.Ltmp1:
0xbc: {  	v2 =	vsub.s32 v2, v0;
	(pc) =	sbr.rel @p0 .LBB2_5-.Ltmp1, $4  }
0xbd: {  	vm0 =	vlt.u32 v2, $0x13C0  }
0xbe: {  	v2 =	vnsel vm0, $0xFFFFFFFF, v2  }
0xbf: {  	[tilespmem:s29+$0x20] =	vst v2;
	v2 =	vnsel vm0, $0xFFFFFFFF, v3  }
0xc0: {  	s31 =	sadd.s32 $0x50, s31;
	s29 =	sadd.s32 $0x50, s29;
	[tilespmem:s30+$0x20] =	vst v2;
	v2 =	vsel vm0, $0x3F800000, v1;
	s30 =	sadd.s32 $0x50, s30  }
0xc1: {  	[tilespmem:s26+$0x20] =	vst v2;
	(ifvalue) =	ssetifvalue $0xFFFFFFFF  }
0xc2: {  	s24 =	simm.s32 $0x0;
	(ifvalue) =	ssetifvalue $0xFFFFFFFF  }
0xc3: {  	[tilespmem:s24], [sflag:$0x1] =	stream.indirect.gather [hbm4b:s4+s16], $0x50, s17, s16, $0x40b8;
	[tilespmem:$0x17D90] =	vst v63  }
0xc4: {  	_ = 	snop  }
0xc5: {  	[tilespmem:s18], [sflag:$0x2] =	stream.indirect.gather [hbm4b:s5+s16], $0x10, s15, s16, $0xb8;
	[tilespmem:$0x17D90] =	vst v63  }
0xc6: {  	_ =	swait.ge [sflag:s19], $0x7D00  }
0xc7: {  	[sflag:s19] =	ssyncset.done $0x0  }
0xc8: {  	[sflag:s19] =	ssyncadd.s32 $0xFFFF8300  }
0xc9: {  	_ =	swait.ge [sflag:s20], $0x1900  }
0xca: {  	[sflag:s20] =	ssyncset.done $0x0  }
0xcb: {  	s25 =	simm.s32 $0x11940;
	s26 =	simm.s32 $0x7D80;
	[sflag:s20] =	ssyncadd.s32 $0xFFFFE700  }
.LBB2_7:
0xcc: {  	s28 =	sshra.s32 s24, $0x2;
	v3 =	vld [tilespmem:s26+$0xFFFFFF80]  }
0xcd: {  	v2 =	vld [tilespmem:s28+$0x40];
	_ =	sdelay $0x4  }
0xce: {  	v2 =	vadd.f32 v3, v2;
	_ =	sdelay $0x1  }
0xcf: {  	v3 =	vmul.f32 $2.000000030e-01, v2;
	_ =	sdelay $0x1  }
0xd0: {  	v2 =	vmax.f32 v2, v3  }
0xd1: {  	v2 =	vmul.f32 $1.442695020e+00, v2;
	_ =	sdelay $0x1  }
0xd2: {  	(erf) = vpow2.f32 v2;
	_ =	sdelay $0x2  }
0xd3: {  	v2 =	vld [tilespmem:s25+$0x0];
	_ =	sdelay $0x4  }
0xd4: {  	v3 =	vbroadcast v2, $0x0  }
0xd5: {  	v5 =	vld [tilespmem:s28+$0x0];
	v4 =	vpop (erf)  }
0xd6: {  	v36 =	vld [tilespmem:s28+$0x10];
	v3 =	vmul.f32 v4, v3  }
0xd7: {  	v6 =	vld [tilespmem:s28+$0x20]  }
0xd8: {  	v8 =	vld [tilespmem:s28+$0x30];
	v7 =	vbroadcast v3, $0xC  }
0xd9: {  	v9 =	vbroadcast v3, $0xD  }
0xda: {  	v37 =	vbroadcast v3, $0xE;
	v5 =	vmul.f32 v7, v5  }
0xdb: {  	[tilespmem:s28+$0x9640] =	vst v3;
	v3 =	vbroadcast v3, $0xF;
	v4 =	vmul.f32 v9, v36  }
0xdc: {  	v38 =	vmul.f32 v37, v6;
	[tilespmem:s28+$0x9600] =	vst v5  }
0xdd: {  	v3 =	vmul.f32 v8, v3;
	[tilespmem:s28+$0x9610] =	vst v4  }
0xde: {  	[tilespmem:s28+$0x9620] =	vst v38  }
0xdf: {  	[tilespmem:s28+$0x9630] =	vst v3;
	v3 =	vld [tilespmem:s28+$0x90]  }
0xe0: {  	v4 =	vld [tilespmem:s26+$0xFFFFFF90];
	_ =	sdelay $0x4  }
0xe1: {  	v3 =	vadd.f32 v4, v3;
	_ =	sdelay $0x1  }
0xe2: {  	v4 =	vmul.f32 $2.000000030e-01, v3;
	_ =	sdelay $0x1  }
0xe3: {  	v3 =	vmax.f32 v3, v4  }
0xe4: {  	v3 =	vmul.f32 $1.442695020e+00, v3;
	_ =	sdelay $0x1  }
0xe5: {  	(erf) = vpow2.f32 v3;
	_ =	sdelay $0x7  }
0xe6: {  	v3 =	vbroadcast v2, $0x1  }
0xe7: {  	v40 =	vld [tilespmem:s28+$0x50];
	v39 =	vpop (erf)  }
0xe8: {  	v41 =	vld [tilespmem:s28+$0x60];
	v3 =	vmul.f32 v39, v3  }
0xe9: {  	v42 =	vld [tilespmem:s28+$0x70]  }
0xea: {  	v44 =	vld [tilespmem:s28+$0x80];
	v43 =	vbroadcast v3, $0xC  }
0xeb: {  	v45 =	vbroadcast v3, $0xD  }
0xec: {  	v46 =	vbroadcast v3, $0xE;
	v5 =	vmul.f32 v43, v40  }
0xed: {  	[tilespmem:s28+$0x9690] =	vst v3;
	v3 =	vbroadcast v3, $0xF;
	v4 =	vmul.f32 v45, v41  }
0xee: {  	v47 =	vmul.f32 v46, v42;
	[tilespmem:s28+$0x9650] =	vst v5  }
0xef: {  	v3 =	vmul.f32 v44, v3;
	[tilespmem:s28+$0x9660] =	vst v4  }
0xf0: {  	[tilespmem:s28+$0x9670] =	vst v47  }
0xf1: {  	[tilespmem:s28+$0x9680] =	vst v3;
	v3 =	vld [tilespmem:s28+$0xE0]  }
0xf2: {  	v4 =	vld [tilespmem:s26+$0xFFFFFFA0];
	_ =	sdelay $0x4  }
0xf3: {  	v3 =	vadd.f32 v4, v3;
	_ =	sdelay $0x1  }
0xf4: {  	v4 =	vmul.f32 $2.000000030e-01, v3;
	_ =	sdelay $0x1  }
0xf5: {  	v3 =	vmax.f32 v3, v4  }
0xf6: {  	v3 =	vmul.f32 $1.442695020e+00, v3;
	_ =	sdelay $0x1  }
0xf7: {  	(erf) = vpow2.f32 v3;
	_ =	sdelay $0x7  }
0xf8: {  	v3 =	vbroadcast v2, $0x2  }
0xf9: {  	v49 =	vld [tilespmem:s28+$0xA0];
	v48 =	vpop (erf)  }
0xfa: {  	v50 =	vld [tilespmem:s28+$0xB0];
	v3 =	vmul.f32 v48, v3  }
0xfb: {  	v51 =	vld [tilespmem:s28+$0xC0]  }
0xfc: {  	v53 =	vld [tilespmem:s28+$0xD0];
	v52 =	vbroadcast v3, $0xC  }
0xfd: {  	v54 =	vbroadcast v3, $0xD  }
0xfe: {  	v55 =	vbroadcast v3, $0xE;
	v5 =	vmul.f32 v52, v49  }
0xff: {  	[tilespmem:s28+$0x96E0] =	vst v3;
	v3 =	vbroadcast v3, $0xF;
	v4 =	vmul.f32 v54, v50  }
0x100: {  	v56 =	vmul.f32 v55, v51;
	[tilespmem:s28+$0x96A0] =	vst v5  }
0x101: {  	v3 =	vmul.f32 v53, v3;
	[tilespmem:s28+$0x96B0] =	vst v4  }
0x102: {  	[tilespmem:s28+$0x96C0] =	vst v56  }
0x103: {  	[tilespmem:s28+$0x96D0] =	vst v3;
	v3 =	vld [tilespmem:s28+$0x130]  }
0x104: {  	v4 =	vld [tilespmem:s26+$0xFFFFFFB0];
	_ =	sdelay $0x4  }
0x105: {  	v3 =	vadd.f32 v4, v3;
	_ =	sdelay $0x1  }
0x106: {  	v4 =	vmul.f32 $2.000000030e-01, v3;
	_ =	sdelay $0x1  }
0x107: {  	v3 =	vmax.f32 v3, v4  }
0x108: {  	v3 =	vmul.f32 $1.442695020e+00, v3;
	_ =	sdelay $0x1  }
0x109: {  	(erf) = vpow2.f32 v3;
	_ =	sdelay $0x7  }
0x10a: {  	v3 =	vbroadcast v2, $0x3  }
0x10b: {  	v58 =	vld [tilespmem:s28+$0xF0];
	v57 =	vpop (erf)  }
0x10c: {  	v59 =	vld [tilespmem:s28+$0x100];
	v3 =	vmul.f32 v57, v3  }
0x10d: {  	v60 =	vld [tilespmem:s28+$0x110]  }
0x10e: {  	v62 =	vld [tilespmem:s28+$0x120];
	v61 =	vbroadcast v3, $0xC  }
0x10f: {  	v63 =	vbroadcast v3, $0xD  }
0x110: {  	v10 =	vbroadcast v3, $0xE;
	v5 =	vmul.f32 v61, v58  }
0x111: {  	[tilespmem:s28+$0x9730] =	vst v3;
	v3 =	vbroadcast v3, $0xF;
	v4 =	vmul.f32 v63, v59  }
0x112: {  	v11 =	vmul.f32 v10, v60;
	[tilespmem:s28+$0x96F0] =	vst v5  }
0x113: {  	v3 =	vmul.f32 v62, v3;
	[tilespmem:s28+$0x9700] =	vst v4  }
0x114: {  	[tilespmem:s28+$0x9710] =	vst v11  }
0x115: {  	[tilespmem:s28+$0x9720] =	vst v3;
	v3 =	vld [tilespmem:s28+$0x180]  }
0x116: {  	v4 =	vld [tilespmem:s26+$0xFFFFFFC0];
	_ =	sdelay $0x4  }
0x117: {  	v3 =	vadd.f32 v4, v3;
	_ =	sdelay $0x1  }
0x118: {  	v4 =	vmul.f32 $2.000000030e-01, v3;
	_ =	sdelay $0x1  }
0x119: {  	v3 =	vmax.f32 v3, v4  }
0x11a: {  	v3 =	vmul.f32 $1.442695020e+00, v3;
	_ =	sdelay $0x1  }
0x11b: {  	(erf) = vpow2.f32 v3;
	_ =	sdelay $0x7  }
0x11c: {  	v3 =	vbroadcast v2, $0x4  }
0x11d: {  	v13 =	vld [tilespmem:s28+$0x140];
	v12 =	vpop (erf)  }
0x11e: {  	v14 =	vld [tilespmem:s28+$0x150];
	v3 =	vmul.f32 v12, v3  }
0x11f: {  	v15 =	vld [tilespmem:s28+$0x160]  }
0x120: {  	v17 =	vld [tilespmem:s28+$0x170];
	v16 =	vbroadcast v3, $0xC  }
0x121: {  	v18 =	vbroadcast v3, $0xD  }
0x122: {  	v19 =	vbroadcast v3, $0xE;
	v5 =	vmul.f32 v16, v13  }
0x123: {  	[tilespmem:s28+$0x9780] =	vst v3;
	v3 =	vbroadcast v3, $0xF;
	v4 =	vmul.f32 v18, v14  }
0x124: {  	v20 =	vmul.f32 v19, v15;
	[tilespmem:s28+$0x9740] =	vst v5  }
0x125: {  	v3 =	vmul.f32 v17, v3;
	[tilespmem:s28+$0x9750] =	vst v4  }
0x126: {  	[tilespmem:s28+$0x9760] =	vst v20  }
0x127: {  	[tilespmem:s28+$0x9770] =	vst v3;
	v3 =	vld [tilespmem:s28+$0x1D0]  }
0x128: {  	v4 =	vld [tilespmem:s26+$0xFFFFFFD0];
	_ =	sdelay $0x4  }
0x129: {  	v3 =	vadd.f32 v4, v3;
	_ =	sdelay $0x1  }
0x12a: {  	v4 =	vmul.f32 $2.000000030e-01, v3;
	_ =	sdelay $0x1  }
0x12b: {  	v3 =	vmax.f32 v3, v4  }
0x12c: {  	v3 =	vmul.f32 $1.442695020e+00, v3;
	_ =	sdelay $0x1  }
0x12d: {  	(erf) = vpow2.f32 v3;
	_ =	sdelay $0x7  }
0x12e: {  	v3 =	vbroadcast v2, $0x5  }
0x12f: {  	v22 =	vld [tilespmem:s28+$0x190];
	v21 =	vpop (erf)  }
0x130: {  	v23 =	vld [tilespmem:s28+$0x1A0];
	v3 =	vmul.f32 v21, v3  }
0x131: {  	v24 =	vld [tilespmem:s28+$0x1B0]  }
0x132: {  	v26 =	vld [tilespmem:s28+$0x1C0];
	v25 =	vbroadcast v3, $0xC  }
0x133: {  	v27 =	vbroadcast v3, $0xD  }
0x134: {  	v28 =	vbroadcast v3, $0xE;
	v5 =	vmul.f32 v25, v22  }
0x135: {  	[tilespmem:s28+$0x97D0] =	vst v3;
	v3 =	vbroadcast v3, $0xF;
	v4 =	vmul.f32 v27, v23  }
0x136: {  	v29 =	vmul.f32 v28, v24;
	[tilespmem:s28+$0x9790] =	vst v5  }
0x137: {  	v3 =	vmul.f32 v26, v3;
	[tilespmem:s28+$0x97A0] =	vst v4  }
0x138: {  	[tilespmem:s28+$0x97B0] =	vst v29  }
0x139: {  	[tilespmem:s28+$0x97C0] =	vst v3;
	v3 =	vld [tilespmem:s28+$0x220]  }
0x13a: {  	v4 =	vld [tilespmem:s26+$0xFFFFFFE0];
	_ =	sdelay $0x4  }
0x13b: {  	v3 =	vadd.f32 v4, v3;
	_ =	sdelay $0x1  }
0x13c: {  	v4 =	vmul.f32 $2.000000030e-01, v3;
	_ =	sdelay $0x1  }
0x13d: {  	v3 =	vmax.f32 v3, v4  }
0x13e: {  	v3 =	vmul.f32 $1.442695020e+00, v3;
	_ =	sdelay $0x1  }
0x13f: {  	(erf) = vpow2.f32 v3;
	_ =	sdelay $0x7  }
0x140: {  	v3 =	vbroadcast v2, $0x6  }
0x141: {  	v31 =	vld [tilespmem:s28+$0x1E0];
	v30 =	vpop (erf)  }
0x142: {  	v32 =	vld [tilespmem:s28+$0x1F0];
	v3 =	vmul.f32 v30, v3  }
0x143: {  	v33 =	vld [tilespmem:s28+$0x200]  }
0x144: {  	v35 =	vld [tilespmem:s28+$0x210];
	v34 =	vbroadcast v3, $0xC  }
0x145: {  	v36 =	vbroadcast v3, $0xD  }
0x146: {  	v37 =	vbroadcast v3, $0xE;
	v5 =	vmul.f32 v34, v31  }
0x147: {  	[tilespmem:s28+$0x9820] =	vst v3;
	v3 =	vbroadcast v3, $0xF;
	v4 =	vmul.f32 v36, v32  }
0x148: {  	v38 =	vmul.f32 v37, v33;
	[tilespmem:s28+$0x97E0] =	vst v5  }
0x149: {  	v3 =	vmul.f32 v35, v3;
	[tilespmem:s28+$0x97F0] =	vst v4  }
0x14a: {  	[tilespmem:s28+$0x9800] =	vst v38  }
0x14b: {  	[tilespmem:s28+$0x9810] =	vst v3;
	v3 =	vld [tilespmem:s28+$0x270]  }
0x14c: {  	v4 =	vld [tilespmem:s26+$0xFFFFFFF0];
	_ =	sdelay $0x4  }
0x14d: {  	v3 =	vadd.f32 v4, v3;
	_ =	sdelay $0x1  }
0x14e: {  	v4 =	vmul.f32 $2.000000030e-01, v3;
	_ =	sdelay $0x1  }
0x14f: {  	v3 =	vmax.f32 v3, v4  }
0x150: {  	v3 =	vmul.f32 $1.442695020e+00, v3;
	_ =	sdelay $0x1  }
0x151: {  	(erf) = vpow2.f32 v3;
	_ =	sdelay $0x7  }
0x152: {  	v3 =	vbroadcast v2, $0x7  }
0x153: {  	v40 =	vld [tilespmem:s28+$0x230];
	v39 =	vpop (erf)  }
0x154: {  	v41 =	vld [tilespmem:s28+$0x240];
	v3 =	vmul.f32 v39, v3  }
0x155: {  	v42 =	vld [tilespmem:s28+$0x250]  }
0x156: {  	v44 =	vld [tilespmem:s28+$0x260];
	v43 =	vbroadcast v3, $0xC  }
0x157: {  	v45 =	vbroadcast v3, $0xD  }
0x158: {  	v46 =	vbroadcast v3, $0xE;
	v5 =	vmul.f32 v43, v40  }
0x159: {  	[tilespmem:s28+$0x9870] =	vst v3;
	v3 =	vbroadcast v3, $0xF;
	v4 =	vmul.f32 v45, v41  }
0x15a: {  	v47 =	vmul.f32 v46, v42;
	[tilespmem:s28+$0x9830] =	vst v5  }
0x15b: {  	v3 =	vmul.f32 v44, v3;
	[tilespmem:s28+$0x9840] =	vst v4  }
0x15c: {  	[tilespmem:s28+$0x9850] =	vst v47  }
0x15d: {  	[tilespmem:s28+$0x9860] =	vst v3;
	v3 =	vld [tilespmem:s28+$0x2C0]  }
0x15e: {  	v4 =	vld [tilespmem:s26+$0x0];
	_ =	sdelay $0x4  }
0x15f: {  	v3 =	vadd.f32 v4, v3;
	_ =	sdelay $0x1  }
0x160: {  	v4 =	vmul.f32 $2.000000030e-01, v3;
	_ =	sdelay $0x1  }
0x161: {  	v3 =	vmax.f32 v3, v4  }
0x162: {  	v3 =	vmul.f32 $1.442695020e+00, v3;
	_ =	sdelay $0x1  }
0x163: {  	(erf) = vpow2.f32 v3;
	_ =	sdelay $0x7  }
0x164: {  	v3 =	vbroadcast v2, $0x8  }
0x165: {  	v49 =	vld [tilespmem:s28+$0x280];
	v48 =	vpop (erf)  }
0x166: {  	v50 =	vld [tilespmem:s28+$0x290];
	v3 =	vmul.f32 v48, v3  }
0x167: {  	v51 =	vld [tilespmem:s28+$0x2A0]  }
0x168: {  	v53 =	vld [tilespmem:s28+$0x2B0];
	v52 =	vbroadcast v3, $0xC  }
0x169: {  	v54 =	vbroadcast v3, $0xD  }
0x16a: {  	v55 =	vbroadcast v3, $0xE;
	v5 =	vmul.f32 v52, v49  }
0x16b: {  	[tilespmem:s28+$0x98C0] =	vst v3;
	v3 =	vbroadcast v3, $0xF;
	v4 =	vmul.f32 v54, v50  }
0x16c: {  	v56 =	vmul.f32 v55, v51;
	[tilespmem:s28+$0x9880] =	vst v5  }
0x16d: {  	v3 =	vmul.f32 v53, v3;
	[tilespmem:s28+$0x9890] =	vst v4  }
0x16e: {  	[tilespmem:s28+$0x98A0] =	vst v56  }
0x16f: {  	[tilespmem:s28+$0x98B0] =	vst v3;
	v3 =	vld [tilespmem:s28+$0x310]  }
0x170: {  	v4 =	vld [tilespmem:s26+$0x10];
	_ =	sdelay $0x4  }
0x171: {  	v3 =	vadd.f32 v4, v3;
	_ =	sdelay $0x1  }
0x172: {  	v4 =	vmul.f32 $2.000000030e-01, v3;
	_ =	sdelay $0x1  }
0x173: {  	v3 =	vmax.f32 v3, v4  }
0x174: {  	v3 =	vmul.f32 $1.442695020e+00, v3;
	_ =	sdelay $0x1  }
0x175: {  	(erf) = vpow2.f32 v3;
	_ =	sdelay $0x7  }
0x176: {  	v3 =	vbroadcast v2, $0x9  }
0x177: {  	v58 =	vld [tilespmem:s28+$0x2D0];
	v57 =	vpop (erf)  }
0x178: {  	v59 =	vld [tilespmem:s28+$0x2E0];
	v3 =	vmul.f32 v57, v3  }
0x179: {  	v60 =	vld [tilespmem:s28+$0x2F0]  }
0x17a: {  	v62 =	vld [tilespmem:s28+$0x300];
	v61 =	vbroadcast v3, $0xC  }
0x17b: {  	v63 =	vbroadcast v3, $0xD  }
0x17c: {  	v10 =	vbroadcast v3, $0xE;
	v5 =	vmul.f32 v61, v58  }
0x17d: {  	[tilespmem:s28+$0x9910] =	vst v3;
	v3 =	vbroadcast v3, $0xF;
	v4 =	vmul.f32 v63, v59  }
0x17e: {  	v11 =	vmul.f32 v10, v60;
	[tilespmem:s28+$0x98D0] =	vst v5  }
0x17f: {  	v3 =	vmul.f32 v62, v3;
	[tilespmem:s28+$0x98E0] =	vst v4  }
0x180: {  	[tilespmem:s28+$0x98F0] =	vst v11  }
0x181: {  	[tilespmem:s28+$0x9900] =	vst v3;
	v3 =	vld [tilespmem:s28+$0x360]  }
0x182: {  	v4 =	vld [tilespmem:s26+$0x20];
	_ =	sdelay $0x4  }
0x183: {  	v3 =	vadd.f32 v4, v3;
	_ =	sdelay $0x1  }
0x184: {  	v4 =	vmul.f32 $2.000000030e-01, v3;
	_ =	sdelay $0x1  }
0x185: {  	v3 =	vmax.f32 v3, v4  }
0x186: {  	v3 =	vmul.f32 $1.442695020e+00, v3;
	_ =	sdelay $0x1  }
0x187: {  	(erf) = vpow2.f32 v3;
	_ =	sdelay $0x7  }
0x188: {  	v3 =	vbroadcast v2, $0xA  }
0x189: {  	v13 =	vld [tilespmem:s28+$0x320];
	v12 =	vpop (erf)  }
0x18a: {  	v14 =	vld [tilespmem:s28+$0x330];
	v3 =	vmul.f32 v12, v3  }
0x18b: {  	v15 =	vld [tilespmem:s28+$0x340]  }
0x18c: {  	v17 =	vld [tilespmem:s28+$0x350];
	v16 =	vbroadcast v3, $0xC  }
0x18d: {  	v18 =	vbroadcast v3, $0xD  }
0x18e: {  	v19 =	vbroadcast v3, $0xE;
	v5 =	vmul.f32 v16, v13  }
0x18f: {  	[tilespmem:s28+$0x9960] =	vst v3;
	v3 =	vbroadcast v3, $0xF;
	v4 =	vmul.f32 v18, v14  }
0x190: {  	v20 =	vmul.f32 v19, v15;
	[tilespmem:s28+$0x9920] =	vst v5  }
0x191: {  	v3 =	vmul.f32 v17, v3;
	[tilespmem:s28+$0x9930] =	vst v4  }
0x192: {  	[tilespmem:s28+$0x9940] =	vst v20  }
0x193: {  	[tilespmem:s28+$0x9950] =	vst v3;
	v3 =	vld [tilespmem:s28+$0x3B0]  }
0x194: {  	v4 =	vld [tilespmem:s26+$0x30];
	_ =	sdelay $0x4  }
0x195: {  	v3 =	vadd.f32 v4, v3;
	_ =	sdelay $0x1  }
0x196: {  	v4 =	vmul.f32 $2.000000030e-01, v3;
	_ =	sdelay $0x1  }
0x197: {  	v3 =	vmax.f32 v3, v4  }
0x198: {  	v3 =	vmul.f32 $1.442695020e+00, v3;
	_ =	sdelay $0x1  }
0x199: {  	(erf) = vpow2.f32 v3;
	_ =	sdelay $0x7  }
0x19a: {  	v3 =	vbroadcast v2, $0xB  }
0x19b: {  	v22 =	vld [tilespmem:s28+$0x370];
	v21 =	vpop (erf)  }
0x19c: {  	v23 =	vld [tilespmem:s28+$0x380];
	v3 =	vmul.f32 v21, v3  }
0x19d: {  	v24 =	vld [tilespmem:s28+$0x390]  }
0x19e: {  	v26 =	vld [tilespmem:s28+$0x3A0];
	v25 =	vbroadcast v3, $0xC  }
0x19f: {  	v27 =	vbroadcast v3, $0xD  }
0x1a0: {  	v28 =	vbroadcast v3, $0xE;
	v5 =	vmul.f32 v25, v22  }
0x1a1: {  	[tilespmem:s28+$0x99B0] =	vst v3;
	v3 =	vbroadcast v3, $0xF;
	v4 =	vmul.f32 v27, v23  }
0x1a2: {  	v29 =	vmul.f32 v28, v24;
	[tilespmem:s28+$0x9970] =	vst v5  }
0x1a3: {  	v3 =	vmul.f32 v26, v3;
	[tilespmem:s28+$0x9980] =	vst v4  }
0x1a4: {  	[tilespmem:s28+$0x9990] =	vst v29  }
0x1a5: {  	[tilespmem:s28+$0x99A0] =	vst v3;
	v3 =	vld [tilespmem:s28+$0x400]  }
0x1a6: {  	v4 =	vld [tilespmem:s26+$0x40];
	_ =	sdelay $0x4  }
0x1a7: {  	v3 =	vadd.f32 v4, v3;
	_ =	sdelay $0x1  }
0x1a8: {  	v4 =	vmul.f32 $2.000000030e-01, v3;
	_ =	sdelay $0x1  }
0x1a9: {  	v3 =	vmax.f32 v3, v4  }
0x1aa: {  	v3 =	vmul.f32 $1.442695020e+00, v3;
	_ =	sdelay $0x1  }
0x1ab: {  	(erf) = vpow2.f32 v3;
	_ =	sdelay $0x7  }
0x1ac: {  	v3 =	vbroadcast v2, $0xC  }
0x1ad: {  	v31 =	vld [tilespmem:s28+$0x3C0];
	v30 =	vpop (erf)  }
0x1ae: {  	v32 =	vld [tilespmem:s28+$0x3D0];
	v3 =	vmul.f32 v30, v3  }
0x1af: {  	v33 =	vld [tilespmem:s28+$0x3E0]  }
0x1b0: {  	v35 =	vld [tilespmem:s28+$0x3F0];
	v34 =	vbroadcast v3, $0xC  }
0x1b1: {  	v36 =	vbroadcast v3, $0xD  }
0x1b2: {  	v37 =	vbroadcast v3, $0xE;
	v5 =	vmul.f32 v34, v31  }
0x1b3: {  	[tilespmem:s28+$0x9A00] =	vst v3;
	v3 =	vbroadcast v3, $0xF;
	v4 =	vmul.f32 v36, v32  }
0x1b4: {  	v38 =	vmul.f32 v37, v33;
	[tilespmem:s28+$0x99C0] =	vst v5  }
0x1b5: {  	v3 =	vmul.f32 v35, v3;
	[tilespmem:s28+$0x99D0] =	vst v4  }
0x1b6: {  	[tilespmem:s28+$0x99E0] =	vst v38  }
0x1b7: {  	[tilespmem:s28+$0x99F0] =	vst v3;
	v3 =	vld [tilespmem:s28+$0x450]  }
0x1b8: {  	v4 =	vld [tilespmem:s26+$0x50];
	_ =	sdelay $0x4  }
0x1b9: {  	v3 =	vadd.f32 v4, v3;
	_ =	sdelay $0x1  }
0x1ba: {  	v4 =	vmul.f32 $2.000000030e-01, v3;
	_ =	sdelay $0x1  }
0x1bb: {  	v3 =	vmax.f32 v3, v4  }
0x1bc: {  	v3 =	vmul.f32 $1.442695020e+00, v3;
	_ =	sdelay $0x1  }
0x1bd: {  	(erf) = vpow2.f32 v3;
	_ =	sdelay $0x7  }
0x1be: {  	v3 =	vbroadcast v2, $0xD  }
0x1bf: {  	v40 =	vld [tilespmem:s28+$0x410];
	v39 =	vpop (erf)  }
0x1c0: {  	v41 =	vld [tilespmem:s28+$0x420];
	v3 =	vmul.f32 v39, v3  }
0x1c1: {  	v42 =	vld [tilespmem:s28+$0x430]  }
0x1c2: {  	v44 =	vld [tilespmem:s28+$0x440];
	v43 =	vbroadcast v3, $0xC  }
0x1c3: {  	v45 =	vbroadcast v3, $0xD  }
0x1c4: {  	v46 =	vbroadcast v3, $0xE;
	v5 =	vmul.f32 v43, v40  }
0x1c5: {  	[tilespmem:s28+$0x9A50] =	vst v3;
	v3 =	vbroadcast v3, $0xF;
	v4 =	vmul.f32 v45, v41  }
0x1c6: {  	v47 =	vmul.f32 v46, v42;
	[tilespmem:s28+$0x9A10] =	vst v5  }
0x1c7: {  	v3 =	vmul.f32 v44, v3;
	[tilespmem:s28+$0x9A20] =	vst v4  }
0x1c8: {  	[tilespmem:s28+$0x9A30] =	vst v47  }
0x1c9: {  	[tilespmem:s28+$0x9A40] =	vst v3;
	v3 =	vld [tilespmem:s28+$0x4A0]  }
0x1ca: {  	v4 =	vld [tilespmem:s26+$0x60];
	_ =	sdelay $0x4  }
0x1cb: {  	v3 =	vadd.f32 v4, v3;
	_ =	sdelay $0x1  }
0x1cc: {  	v4 =	vmul.f32 $2.000000030e-01, v3;
	_ =	sdelay $0x1  }
0x1cd: {  	v3 =	vmax.f32 v3, v4  }
0x1ce: {  	v3 =	vmul.f32 $1.442695020e+00, v3;
	_ =	sdelay $0x1  }
0x1cf: {  	(erf) = vpow2.f32 v3;
	_ =	sdelay $0x7  }
0x1d0: {  	v3 =	vbroadcast v2, $0xE  }
0x1d1: {  	v49 =	vld [tilespmem:s28+$0x460];
	v48 =	vpop (erf)  }
0x1d2: {  	v50 =	vld [tilespmem:s28+$0x470];
	v3 =	vmul.f32 v48, v3  }
0x1d3: {  	v51 =	vld [tilespmem:s28+$0x480]  }
0x1d4: {  	v53 =	vld [tilespmem:s28+$0x490];
	v52 =	vbroadcast v3, $0xC  }
0x1d5: {  	v54 =	vbroadcast v3, $0xD  }
0x1d6: {  	v55 =	vbroadcast v3, $0xE;
	v5 =	vmul.f32 v52, v49  }
0x1d7: {  	[tilespmem:s28+$0x9AA0] =	vst v3;
	v3 =	vbroadcast v3, $0xF;
	v4 =	vmul.f32 v54, v50  }
0x1d8: {  	v56 =	vmul.f32 v55, v51;
	[tilespmem:s28+$0x9A60] =	vst v5  }
0x1d9: {  	v3 =	vmul.f32 v53, v3;
	[tilespmem:s28+$0x9A70] =	vst v4  }
0x1da: {  	[tilespmem:s28+$0x9A80] =	vst v56  }
0x1db: {  	[tilespmem:s28+$0x9A90] =	vst v3;
	v3 =	vld [tilespmem:s28+$0x4F0]  }
0x1dc: {  	v4 =	vld [tilespmem:s26+$0x70];
	_ =	sdelay $0x4  }
0x1dd: {  	v3 =	vadd.f32 v4, v3;
	_ =	sdelay $0x1  }
0x1de: {  	v4 =	vmul.f32 $2.000000030e-01, v3;
	_ =	sdelay $0x1  }
0x1df: {  	v3 =	vmax.f32 v3, v4  }
0x1e0: {  	v3 =	vmul.f32 $1.442695020e+00, v3;
	_ =	sdelay $0x1  }
0x1e1: {  	(erf) = vpow2.f32 v3;
	_ =	sdelay $0x7  }
0x1e2: {  	v2 =	vbroadcast v2, $0xF  }
0x1e3: {  	v57 =	vld [tilespmem:s28+$0x4B0];
	v3 =	vpop (erf)  }
0x1e4: {  	v58 =	vld [tilespmem:s28+$0x4D0];
	v2 =	vmul.f32 v3, v2  }
0x1e5: {  	v60 =	vld [tilespmem:s28+$0x4E0]  }
0x1e6: {  	v3 =	vld [tilespmem:s28+$0x4C0];
	v59 =	vbroadcast v2, $0xC  }
0x1e7: {  	v61 =	vbroadcast v2, $0xD;
	v62 =	vbroadcast v2, $0xE  }
0x1e8: {  	p0 =	sne.s32 s24, $0x1E000;
	[tilespmem:s28+$0x9AF0] =	vst v2;
	v2 =	vbroadcast v2, $0xF;
	v4 =	vmul.f32 v59, v57  }
.Ltmp2:
0x1e9: {  	v63 =	vmul.f32 v62, v58;
	(pc) =	sbr.rel @p0 .LBB2_7-.Ltmp2, $4  }
0x1ea: {  	v2 =	vmul.f32 v60, v2;
	[tilespmem:s28+$0x9AB0] =	vst v4  }
0x1eb: {  	v3 =	vmul.f32 v61, v3;
	[tilespmem:s28+$0x9AD0] =	vst v63  }
0x1ec: {  	[tilespmem:s28+$0x9AE0] =	vst v2  }
0x1ed: {  	s24 =	sadd.s32 $0x1400, s24;
	s25 =	sadd.s32 $0x10, s25;
	s26 =	sadd.s32 $0x100, s26;
	[tilespmem:s28+$0x9AC0] =	vst v3  }
0x1ee: {  	s23 =	sadd.s32 $0x1, s23  }
0x1ef: {  	p0 =	sne.s32 s23, $0x32  }
.Ltmp3:
0x1f0: {  	(ifvalue) =	ssetifvalue $0xFFFFFFFF;
	(pc) =	sbr.rel @p0 .LBB2_4-.Ltmp3, $4  }
0x1f1: {  	[spmem:s2] =	stream.indirect.scatter.add.f32 [tilespmem:s12], [sflag:$0x3], $0x50, s21, s16, $0x40b8;
	[tilespmem:$0x17D90] =	vst v63  }
0x1f2: {  	_ =	swait.ge [sflag:s13], $0x7D00  }
0x1f3: {  	[sflag:s13] =	ssyncset.done $0x0  }
0x1f4: {  	[sflag:s13] =	ssyncadd.s32 $0xFFFF8300  }
0x1f5: {  	[bflag:$0x0] =	sbarrier.arrive $0xFFFF  }
0x1f6: {  	[tilespmem:s12], [sflag:$0x3] =	stream.linear.gather [spmem:s9], $0x62C0, $0x38;
	[tilespmem:$0x17D90] =	vst v63  }
0x1f7: {  	s22 =	sadd.s32 $0x1, s22;
	_ =	swait.ge [sflag:s13], $0x62C0  }
0x1f8: {  	p0 =	sne.s32 s22, s11;
	[sflag:s13] =	ssyncset.done $0x0  }
.Ltmp4:
0x1f9: {  	[sflag:s13] =	ssyncadd.s32 $0xFFFF9D40;
	(pc) =	sbr.rel @p0 .LBB2_1-.Ltmp4, $4  }
0x1fa: {  	[hbm4b:s10+s3] =	stream.linear.scatter [tilespmem:s12], [sflag:$0x3], $0x62C0, $0x38;
	[tilespmem:$0x17D90] =	vst v63  }
0x1fb: {  	_ =	swait.ge [sflag:s13], $0x62C0  }
0x1fc: {  	[sflag:s13] =	ssyncset.done $0x0  }
0x1fd: {  	[sflag:s13] =	ssyncadd.s32 $0xFFFF9D40  }
0x1fe: {  	_ =	sfence.sel $0x180000  }
0x1ff: {  	[bflag:$0x0] =	sbarrier.arrive $0xFFFF  }
0x200: {  	p0 =	sne.s32 s1, $0x0;
	_ =	strace $0x90000047  }
0x201: {  	s0 =	sadd.s32 @!p0 $0x100000, s0;
	[bflag:$0x2] =	sbarrier.arrive $0xFFFF  }
0x202: {  	[sflag:s0] =	ssyncadd.tile.s32 @!p0 $0x1;
	_ =	shalt  }
.Lfunc_end2:
_tile_overlayer_lowered:
.L_overlay_start_2:
0x203: {  	(tag) =	ssettag $0x2  }
0x204: {  	s0 =	rddreg [dreg:$0x0];
	s2 =	stileid.u32  }
0x205: {  	s1 =	rddreg [dreg:$0x1];
	p0 =	sne.s32 s2, $0x0  }
0x206: {  	s3 =	rddreg [dreg:$0x2];
	[bflag:$0x3] =	sbarrier.arrive $0xFFFF;
	s2 =	simm.s32 @!p0 $0x1C03  }
0x207: {  	[timem:s3], [sflag:s2] =	dma.local @!p0 [hbm:s0], s1  }
0x208: {  	s0 =	simm.s32 @!p0 $0x3  }
0x209: {  	_ =	swait.ge @!p0 [sflag:s0], s1  }
0x20a: {  	s1 =	ssub.s32 @!p0 $0x0, s1;
	[sflag:s0] =	ssyncset.done @!p0 $0x0  }
0x20b: {  	[sflag:s0] =	ssyncadd.s32 @!p0 s1  }
0x20c: {  	[bflag:$0x3] =	sbarrier.arrive $0xFFFF  }
0x20d: {  	_ =	shalt  }

</sc_bundles>
